<compile_context>
chip_gen: v7x
topology: tpu7x:2x2x1
jax: 0.10.2.dev20260603
libtpu: 0.0.44.dev20260713+nightly
codegen_flags: <defaults>
</compile_context>

<pallas_src>
import functools

import jax
import jax.numpy as jnp
from jax import lax
from jax.experimental import pallas as pl
from jax.experimental.pallas import tpu as pltpu
from jax.experimental.pallas import tpu_sc as plsc

N_NODES_ = 1000000
B = 16384
K = 20
D = 32
W = 128
SLOTS = K + 1

NC = 2
NS = 16
NW = NC * NS
BPW = B // NW
CB = 8
NCHUNK = BPW // CB
ROWS_PER_CHUNK = CB * K
GATHER = 128
NEG_GATHERS = ((0, 128), (128, 32))
NG_POS = BPW // GATHER


def _sc_dots(v_i, v_j, ns_flat, w_cat):
    mesh = plsc.VectorSubcoreMesh(core_axis_name="c", subcore_axis_name="s")

    @functools.partial(
        pl.kernel,
        mesh=mesh,
        out_type=jax.ShapeDtypeStruct((B * SLOTS,), jnp.float32),
        scratch_types=[
            pltpu.VMEM((BPW,), jnp.int32),
            pltpu.VMEM((BPW,), jnp.int32),
            pltpu.VMEM((BPW * K,), jnp.int32),
            pltpu.VMEM((BPW, 2 * D), jnp.float32),
            pltpu.VMEM((ROWS_PER_CHUNK, W), jnp.float32),
            pltpu.VMEM((ROWS_PER_CHUNK, W), jnp.float32),
            pltpu.VMEM((BPW * SLOTS,), jnp.float32),
            pltpu.SemaphoreType.DMA,
            pltpu.SemaphoreType.DMA,
        ],
        compiler_params=pltpu.CompilerParams(needs_layout_passes=False),
    )
    def k(vi_hbm, vj_hbm, ns_hbm, wc_hbm, out_hbm,
          vi_idx, vj_idx, ns_idx, vivj, negbuf0, negbuf1, dots, sem0, sem1):
        wid = lax.axis_index("s") * NC + lax.axis_index("c")
        base = wid * BPW
        bufs = (negbuf0, negbuf1)
        sems = (sem0, sem1)

        zeros = jnp.zeros((16,), jnp.float32)

        def z_body(i, carry):
            dots[pl.ds(i * 16, 16)] = zeros
            return carry

        lax.fori_loop(0, BPW * SLOTS // 16, z_body, 0)

        pltpu.sync_copy(vi_hbm.at[pl.ds(base, BPW)], vi_idx)
        pltpu.sync_copy(vj_hbm.at[pl.ds(base, BPW)], vj_idx)
        pltpu.sync_copy(ns_hbm.at[pl.ds(base * K, BPW * K)], ns_idx)

        def neg_copies(c, buf, sem):
            return [
                pltpu.make_async_copy(
                    wc_hbm.at[ns_idx.at[pl.ds(c * ROWS_PER_CHUNK + off, sz)]],
                    buf.at[pl.ds(off, sz)], sem)
                for off, sz in NEG_GATHERS
            ]

        stage = negbuf0.at[pl.ds(0, GATHER)]

        def pos_body(g, carry):
            sl = pl.ds(g * GATHER, GATHER)
            pltpu.async_copy(wc_hbm.at[vi_idx.at[sl]], stage, sem0).wait()

            def ci_body(r, carry2):
                gb = g * GATHER + r
                vivj[gb, pl.ds(0, 16)] = negbuf0[r, pl.ds(0, 16)]
                vivj[gb, pl.ds(16, 16)] = negbuf0[r, pl.ds(16, 16)]
                return carry2

            lax.fori_loop(0, GATHER, ci_body, carry)
            pltpu.async_copy(wc_hbm.at[vj_idx.at[sl]], stage, sem0).wait()

            def cj_body(r, carry2):
                gb = g * GATHER + r
                vivj[gb, pl.ds(32, 16)] = negbuf0[r, pl.ds(32, 16)]
                vivj[gb, pl.ds(48, 16)] = negbuf0[r, pl.ds(48, 16)]
                return carry2

            return lax.fori_loop(0, GATHER, cj_body, carry)

        lax.fori_loop(0, NG_POS, pos_body, 0)

        for cp in neg_copies(0, negbuf0, sem0):
            cp.start()

        def compute_chunk(c, buf):
            def b_body(bl, carry2):
                gb = c * CB + bl
                obase = gb * SLOTS
                a0 = vivj[gb, pl.ds(0, 16)]
                a1 = vivj[gb, pl.ds(16, 16)]
                h0 = vivj[gb, pl.ds(32, 16)]
                h1 = vivj[gb, pl.ds(48, 16)]
                p = a0 * h0 + a1 * h1
                plsc.addupdate_scatter(
                    dots, [jnp.full((16,), obase, jnp.int32)], p)
                for kk in range(K):
                    j = bl * K + kk
                    n0 = buf[j, pl.ds(32, 16)]
                    n1 = buf[j, pl.ds(48, 16)]
                    p = a0 * n0 + a1 * n1
                    plsc.addupdate_scatter(
                        dots, [jnp.full((16,), obase + 1 + kk, jnp.int32)], -p)
                return carry2

            lax.fori_loop(0, CB, b_body, 0)

        def pair_body(i, carry):
            for par in (0, 1):
                c = i * 2 + par
                nxt = (par + 1) % 2

                @pl.when(c + 1 < NCHUNK)
                def _():
                    for cp in neg_copies(c + 1, bufs[nxt], sems[nxt]):
                        cp.start()

                for cp in neg_copies(c, bufs[par], sems[par]):
                    cp.wait()
                compute_chunk(c, bufs[par])
            return carry

        lax.fori_loop(0, NCHUNK // 2, pair_body, 0)

        pltpu.sync_copy(dots, out_hbm.at[pl.ds(base * SLOTS, BPW * SLOTS)])

    return k(v_i, v_j, ns_flat, w_cat)


def _tc_loss(dots):
    x = dots.reshape(B * SLOTS // 128, 128)

    def body(x_ref, o_ref):
        v = x_ref[...]
        o_ref[0, 0] = -jnp.sum(jax.nn.log_sigmoid(v)) / B

    out = pl.pallas_call(
        body,
        out_shape=jax.ShapeDtypeStruct((1, 1), jnp.float32),
        out_specs=pl.BlockSpec(memory_space=pltpu.SMEM),
    )(x)
    return out[0, 0]


def kernel(v_i, v_j, negsamples, order, W_node, W_ctx):
    v_i = v_i.astype(jnp.int32)
    v_j = v_j.astype(jnp.int32)
    ns_flat = negsamples.reshape(-1).astype(jnp.int32)
    zpad = jnp.zeros((N_NODES_, W - 2 * D), jnp.float32)

    def br1(wn, wc):
        return _sc_dots(v_i, v_j, ns_flat,
                        jnp.concatenate([wn, wn, zpad], axis=1))

    def br2(wn, wc):
        return _sc_dots(v_i, v_j, ns_flat,
                        jnp.concatenate([wn, wc, zpad], axis=1))

    dots = lax.cond(order == 1, br1, br2, W_node, W_ctx)
    return _tc_loss(dots)

# --- scband reference (transcript-rebuilt; emitter-appended) ---
"""Pipeline reference for scband-line-27101243638329 (READ-ONLY COPY).

The authoritative reference and input builder live on the scoring server;
editing this copy changes nothing except your own understanding.
"""

import jax, jax.numpy as jnp
import numpy as np

N_NODES = 1000000
EMBED_DIM = 32
BATCH = 16384
N_NEG = 20


def setup_inputs(seed: int = 0) -> dict:
    key = jax.random.key(seed)
    k1, k2, k3, k4, k5 = jax.random.split(key, 5)
    v_i = jax.random.randint(k1, (BATCH,), 0, N_NODES)
    v_j = jax.random.randint(k2, (BATCH,), 0, N_NODES)
    negsamples = jax.random.randint(k3, (BATCH, N_NEG), 0, N_NODES)
    initrange = 2.0
    W_node = jax.random.uniform(k4, (N_NODES, EMBED_DIM), minval=-initrange, maxval=initrange, dtype=jnp.float32) / EMBED_DIM
    W_ctx = jax.random.uniform(k5, (N_NODES, EMBED_DIM), minval=-initrange, maxval=initrange, dtype=jnp.float32) / EMBED_DIM
    return {"v_i": v_i, "v_j": v_j, "negsamples": negsamples, "order": 2, "W_node": W_node, "W_ctx": W_ctx}


def reference(v_i, v_j, negsamples, order, W_node, W_ctx):
    # Embedding gathers (SparseCore-friendly)
    vi = jnp.take(W_node, v_i, axis=0)  # [B, D]
    W_sel = jnp.where(order == 1, W_node, W_ctx)
    vj = jnp.take(W_sel, v_j, axis=0)            # [B, D]
    neg = -jnp.take(W_sel, negsamples, axis=0)   # [B, K, D]
    mul_positive = vi * vj
    positive_batch = jax.nn.log_sigmoid(jnp.sum(mul_positive, axis=1))  # [B]
    mul_negative = vi[:, None, :] * neg                                  # [B, K, D]
    negative_batch = jnp.sum(jax.nn.log_sigmoid(jnp.sum(mul_negative, axis=2)), axis=1)  # [B]
    loss = positive_batch + negative_batch
    return -jnp.mean(loss)

if __name__ == "__main__":
    import jax
    _d = setup_inputs()
    print(jax.jit(kernel)(*tuple(_d.values())))

</pallas_src>

<mosaic_0001>
#map = affine_map<(d0, d1) -> (0)>
#map1 = affine_map<(d0, d1) -> (0, 0)>
module attributes {stable_mosaic.version = 14 : i64} {
  func.func @k(%arg0: i32, %arg1: i32, %arg2: memref<16384xi32, #tpu.memory_space<hbm>>, %arg3: memref<16384xi32, #tpu.memory_space<hbm>>, %arg4: memref<327680xi32, #tpu.memory_space<hbm>>, %arg5: memref<1000000x128xf32, #tpu.memory_space<hbm>>, %arg6: memref<344064xf32, #tpu.memory_space<hbm>>, %arg7: memref<512xi32, #tpu.memory_space<vmem>>, %arg8: memref<512xi32, #tpu.memory_space<vmem>>, %arg9: memref<10240xi32, #tpu.memory_space<vmem>>, %arg10: memref<512x64xf32, #tpu.memory_space<vmem>>, %arg11: memref<160x128xf32, #tpu.memory_space<vmem>>, %arg12: memref<160x128xf32, #tpu.memory_space<vmem>>, %arg13: memref<10752xf32, #tpu.memory_space<vmem>>, %arg14: memref<!tpu.dma_semaphore, #tpu.memory_space<semaphore_mem>>, %arg15: memref<!tpu.dma_semaphore, #tpu.memory_space<semaphore_mem>>) attributes {dimension_semantics = [#tpu.dimension_semantics<core_parallel>, #tpu.dimension_semantics<subcore_parallel>], iteration_bounds = array<i64: 2, 16>, scalar_prefetch = 0 : i64, scratch_operands = 9 : i64, tpu.core_type = #tpu.core_type<sc_vector_subcore>, window_params = [{transform_indices = #map}, {transform_indices = #map}, {transform_indices = #map}, {transform_indices = #map1}, {transform_indices = #map}]} {
    %mul3A = arith.constant 2 : i32
    %mul3A_0 = arith.muli %arg1, %mul3A : i32
    %add3A = arith.addi %mul3A_0, %arg0 : i32
    %mul3A_1 = arith.constant 512 : i32
    %mul3A_2 = arith.muli %add3A, %mul3A_1 : i32
    %broadcast_in_dim3A = arith.constant 0.000000e+00 : f32
    %broadcast_in_dim3A_3 = vector.broadcast %broadcast_in_dim3A : f32 to vector<16xf32>
    %scan3A = arith.constant 0 : i32
    %scan3A_4 = arith.constant 0 : i32
    %scan3A_5 = arith.constant 672 : i32
    %scan3A_6 = arith.addi %scan3A_4, %scan3A_5 : i32
    %scan3A_7 = arith.constant 1 : i32
    scf.for %scan3A_40 = %scan3A_4 to %scan3A_6 step %scan3A_7  : i32 {
      %mul3A_41 = arith.constant 16 : i32
      %mul3A_42 = arith.muli %scan3A_40, %mul3A_41 : i32
      %swap3A = arith.index_cast %mul3A_42 : i32 to index
      %swap3A_43 = tpu.vector_load %arg13[%swap3A] {strides = array<i32>} : memref<10752xf32, #tpu.memory_space<vmem>>, vector<16xf32>,
      tpu.vector_store %arg13[%swap3A], %broadcast_in_dim3A_3 {strides = array<i32>} : memref<10752xf32, #tpu.memory_space<vmem>>, vector<16xf32>,
    }
    %scan3A_8 = arith.constant 672 : i32
    "tpu.region"() ({
      %run_scoped3A = tpu.sem_alloc : memref<!tpu.dma_semaphore, #tpu.memory_space<semaphore_mem>>
      %dma_start3A_40 = tpu.memref_slice %arg2[%mul3A_2] : memref<16384xi32, #tpu.memory_space<hbm>> -> memref<512xi32, #tpu.memory_space<hbm>>
      %dma_start3A_41 = tpu.memref_slice %arg2[%mul3A_2] : memref<16384xi32, #tpu.memory_space<hbm>> -> memref<512xi32, #tpu.memory_space<hbm>>
      tpu.enqueue_dma source(%dma_start3A_41 : memref<512xi32, #tpu.memory_space<hbm>>) target(%arg7 : memref<512xi32, #tpu.memory_space<vmem>>) target_semaphore(%run_scoped3A : memref<!tpu.dma_semaphore, #tpu.memory_space<semaphore_mem>>)
      %dma_wait3A = tpu.memref_slice %arg2[%mul3A_2] : memref<16384xi32, #tpu.memory_space<hbm>> -> memref<512xi32, #tpu.memory_space<hbm>>
      %dma_wait3A_42 = tpu.memref_slice %arg2[%mul3A_2] : memref<16384xi32, #tpu.memory_space<hbm>> -> memref<512xi32, #tpu.memory_space<hbm>>
      tpu.wait_dma2 semaphore(%run_scoped3A : memref<!tpu.dma_semaphore, #tpu.memory_space<semaphore_mem>>) src(%dma_wait3A_42 : memref<512xi32, #tpu.memory_space<hbm>>) dst(%arg7 : memref<512xi32, #tpu.memory_space<vmem>>)
      tpu.yield
    }) : () -> ()
    "tpu.region"() ({
      %run_scoped3A = tpu.sem_alloc : memref<!tpu.dma_semaphore, #tpu.memory_space<semaphore_mem>>
      %dma_start3A_40 = tpu.memref_slice %arg3[%mul3A_2] : memref<16384xi32, #tpu.memory_space<hbm>> -> memref<512xi32, #tpu.memory_space<hbm>>
      %dma_start3A_41 = tpu.memref_slice %arg3[%mul3A_2] : memref<16384xi32, #tpu.memory_space<hbm>> -> memref<512xi32, #tpu.memory_space<hbm>>
      tpu.enqueue_dma source(%dma_start3A_41 : memref<512xi32, #tpu.memory_space<hbm>>) target(%arg8 : memref<512xi32, #tpu.memory_space<vmem>>) target_semaphore(%run_scoped3A : memref<!tpu.dma_semaphore, #tpu.memory_space<semaphore_mem>>)
      %dma_wait3A = tpu.memref_slice %arg3[%mul3A_2] : memref<16384xi32, #tpu.memory_space<hbm>> -> memref<512xi32, #tpu.memory_space<hbm>>
      %dma_wait3A_42 = tpu.memref_slice %arg3[%mul3A_2] : memref<16384xi32, #tpu.memory_space<hbm>> -> memref<512xi32, #tpu.memory_space<hbm>>
      tpu.wait_dma2 semaphore(%run_scoped3A : memref<!tpu.dma_semaphore, #tpu.memory_space<semaphore_mem>>) src(%dma_wait3A_42 : memref<512xi32, #tpu.memory_space<hbm>>) dst(%arg8 : memref<512xi32, #tpu.memory_space<vmem>>)
      tpu.yield
    }) : () -> ()
    %mul3A_9 = arith.constant 20 : i32
    %mul3A_10 = arith.muli %mul3A_2, %mul3A_9 : i32
    "tpu.region"() ({
      %run_scoped3A = tpu.sem_alloc : memref<!tpu.dma_semaphore, #tpu.memory_space<semaphore_mem>>
      %dma_start3A_40 = tpu.memref_slice %arg4[%mul3A_10] : memref<327680xi32, #tpu.memory_space<hbm>> -> memref<10240xi32, #tpu.memory_space<hbm>>
      %dma_start3A_41 = tpu.memref_slice %arg4[%mul3A_10] : memref<327680xi32, #tpu.memory_space<hbm>> -> memref<10240xi32, #tpu.memory_space<hbm>>
      tpu.enqueue_dma source(%dma_start3A_41 : memref<10240xi32, #tpu.memory_space<hbm>>) target(%arg9 : memref<10240xi32, #tpu.memory_space<vmem>>) target_semaphore(%run_scoped3A : memref<!tpu.dma_semaphore, #tpu.memory_space<semaphore_mem>>)
      %dma_wait3A = tpu.memref_slice %arg4[%mul3A_10] : memref<327680xi32, #tpu.memory_space<hbm>> -> memref<10240xi32, #tpu.memory_space<hbm>>
      %dma_wait3A_42 = tpu.memref_slice %arg4[%mul3A_10] : memref<327680xi32, #tpu.memory_space<hbm>> -> memref<10240xi32, #tpu.memory_space<hbm>>
      tpu.wait_dma2 semaphore(%run_scoped3A : memref<!tpu.dma_semaphore, #tpu.memory_space<semaphore_mem>>) src(%dma_wait3A_42 : memref<10240xi32, #tpu.memory_space<hbm>>) dst(%arg9 : memref<10240xi32, #tpu.memory_space<vmem>>)
      tpu.yield
    }) : () -> ()
    %scan3A_11 = arith.constant 0 : i32
    %scan3A_12 = arith.constant 0 : i32
    %scan3A_13 = arith.constant 4 : i32
    %scan3A_14 = arith.addi %scan3A_12, %scan3A_13 : i32
    %scan3A_15 = arith.constant 1 : i32
    scf.for %scan3A_40 = %scan3A_12 to %scan3A_14 step %scan3A_15  : i32 {
      %mul3A_41 = arith.constant 128 : i32
      %mul3A_42 = arith.muli %scan3A_40, %mul3A_41 : i32
      %dma_start3A_43 = arith.constant 0 : i32
      %dma_start3A_44 = arith.constant 0 : i32
      %dma_start3A_45 = tpu.memref_slice %arg11[%dma_start3A_43, %dma_start3A_44] : memref<160x128xf32, #tpu.memory_space<vmem>> -> memref<128x128xf32, #tpu.memory_space<vmem>>
      %dma_start3A_46 = tpu.memref_slice %arg7[%mul3A_42] : memref<512xi32, #tpu.memory_space<vmem>> -> memref<128xi32, #tpu.memory_space<vmem>>
      %dma_start3A_47 = arith.constant 0 : i32
      %dma_start3A_48 = arith.constant 0 : i32
      %dma_start3A_49 = tpu.memref_slice %arg5[%dma_start3A_47, %dma_start3A_48] : memref<1000000x128xf32, #tpu.memory_space<hbm>> -> memref<1000000x128xf32, #tpu.memory_space<hbm>>
      tpu.enqueue_indirect_dma source(%dma_start3A_49 : memref<1000000x128xf32, #tpu.memory_space<hbm>>) target(%dma_start3A_45 : memref<128x128xf32, #tpu.memory_space<vmem>>) offsets(%dma_start3A_46 : memref<128xi32, #tpu.memory_space<vmem>>) semaphore(%arg14 : memref<!tpu.dma_semaphore, #tpu.memory_space<semaphore_mem>>)
      %dma_wait3A = arith.constant 0 : i32
      %dma_wait3A_50 = arith.constant 0 : i32
      %dma_wait3A_51 = tpu.memref_slice %arg11[%dma_wait3A, %dma_wait3A_50] : memref<160x128xf32, #tpu.memory_space<vmem>> -> memref<128x128xf32, #tpu.memory_space<vmem>>
      %dma_wait3A_52 = tpu.memref_slice %arg7[%mul3A_42] : memref<512xi32, #tpu.memory_space<vmem>> -> memref<128xi32, #tpu.memory_space<vmem>>
      %dma_wait3A_53 = arith.constant 0 : i32
      %dma_wait3A_54 = arith.constant 0 : i32
      %dma_wait3A_55 = tpu.memref_slice %arg5[%dma_wait3A_53, %dma_wait3A_54] : memref<1000000x128xf32, #tpu.memory_space<hbm>> -> memref<1000000x128xf32, #tpu.memory_space<hbm>>
      tpu.wait_indirect_dma semaphore(%arg14 : memref<!tpu.dma_semaphore, #tpu.memory_space<semaphore_mem>>) src(%dma_wait3A_55 : memref<1000000x128xf32, #tpu.memory_space<hbm>>) dst(%dma_wait3A_51 : memref<128x128xf32, #tpu.memory_space<vmem>>)
      %scan3A_56 = arith.constant 0 : i32
      %scan3A_57 = arith.constant 128 : i32
      %scan3A_58 = arith.addi %scan3A_56, %scan3A_57 : i32
      %scan3A_59 = arith.constant 1 : i32
      scf.for %scan3A_80 = %scan3A_56 to %scan3A_58 step %scan3A_59  : i32 {
        %mul3A_81 = arith.constant 128 : i32
        %mul3A_82 = arith.muli %scan3A_40, %mul3A_81 : i32
        %add3A_83 = arith.addi %mul3A_82, %scan3A_80 : i32
        %get3A = arith.index_cast %scan3A_80 : i32 to index
        %get3A_84 = arith.constant 0 : index
        %get3A_85 = tpu.vector_load %arg11[%get3A, %get3A_84] {strides = array<i32>} : memref<160x128xf32, #tpu.memory_space<vmem>>, vector<16xf32>,
        %swap3A = arith.index_cast %add3A_83 : i32 to index
        %swap3A_86 = arith.constant 0 : index
        %swap3A_87 = tpu.vector_load %arg10[%swap3A, %swap3A_86] {strides = array<i32>} : memref<512x64xf32, #tpu.memory_space<vmem>>, vector<16xf32>,
        tpu.vector_store %arg10[%swap3A, %swap3A_86], %get3A_85 {strides = array<i32>} : memref<512x64xf32, #tpu.memory_space<vmem>>, vector<16xf32>,
        %get3A_88 = arith.index_cast %scan3A_80 : i32 to index
        %get3A_89 = arith.constant 16 : index
        %get3A_90 = tpu.vector_load %arg11[%get3A_88, %get3A_89] {strides = array<i32>} : memref<160x128xf32, #tpu.memory_space<vmem>>, vector<16xf32>,
        %swap3A_91 = arith.index_cast %add3A_83 : i32 to index
        %swap3A_92 = arith.constant 16 : index
        %swap3A_93 = tpu.vector_load %arg10[%swap3A_91, %swap3A_92] {strides = array<i32>} : memref<512x64xf32, #tpu.memory_space<vmem>>, vector<16xf32>,
        tpu.vector_store %arg10[%swap3A_91, %swap3A_92], %get3A_90 {strides = array<i32>} : memref<512x64xf32, #tpu.memory_space<vmem>>, vector<16xf32>,
      }
      %scan3A_60 = arith.constant 128 : i32
      %dma_start3A_61 = arith.constant 0 : i32
      %dma_start3A_62 = arith.constant 0 : i32
      %dma_start3A_63 = tpu.memref_slice %arg11[%dma_start3A_61, %dma_start3A_62] : memref<160x128xf32, #tpu.memory_space<vmem>> -> memref<128x128xf32, #tpu.memory_space<vmem>>
      %dma_start3A_64 = tpu.memref_slice %arg8[%mul3A_42] : memref<512xi32, #tpu.memory_space<vmem>> -> memref<128xi32, #tpu.memory_space<vmem>>
      %dma_start3A_65 = arith.constant 0 : i32
      %dma_start3A_66 = arith.constant 0 : i32
      %dma_start3A_67 = tpu.memref_slice %arg5[%dma_start3A_65, %dma_start3A_66] : memref<1000000x128xf32, #tpu.memory_space<hbm>> -> memref<1000000x128xf32, #tpu.memory_space<hbm>>
      tpu.enqueue_indirect_dma source(%dma_start3A_67 : memref<1000000x128xf32, #tpu.memory_space<hbm>>) target(%dma_start3A_63 : memref<128x128xf32, #tpu.memory_space<vmem>>) offsets(%dma_start3A_64 : memref<128xi32, #tpu.memory_space<vmem>>) semaphore(%arg14 : memref<!tpu.dma_semaphore, #tpu.memory_space<semaphore_mem>>)
      %dma_wait3A_68 = arith.constant 0 : i32
      %dma_wait3A_69 = arith.constant 0 : i32
      %dma_wait3A_70 = tpu.memref_slice %arg11[%dma_wait3A_68, %dma_wait3A_69] : memref<160x128xf32, #tpu.memory_space<vmem>> -> memref<128x128xf32, #tpu.memory_space<vmem>>
      %dma_wait3A_71 = tpu.memref_slice %arg8[%mul3A_42] : memref<512xi32, #tpu.memory_space<vmem>> -> memref<128xi32, #tpu.memory_space<vmem>>
      %dma_wait3A_72 = arith.constant 0 : i32
      %dma_wait3A_73 = arith.constant 0 : i32
      %dma_wait3A_74 = tpu.memref_slice %arg5[%dma_wait3A_72, %dma_wait3A_73] : memref<1000000x128xf32, #tpu.memory_space<hbm>> -> memref<1000000x128xf32, #tpu.memory_space<hbm>>
      tpu.wait_indirect_dma semaphore(%arg14 : memref<!tpu.dma_semaphore, #tpu.memory_space<semaphore_mem>>) src(%dma_wait3A_74 : memref<1000000x128xf32, #tpu.memory_space<hbm>>) dst(%dma_wait3A_70 : memref<128x128xf32, #tpu.memory_space<vmem>>)
      %scan3A_75 = arith.constant 0 : i32
      %scan3A_76 = arith.constant 128 : i32
      %scan3A_77 = arith.addi %scan3A_75, %scan3A_76 : i32
      %scan3A_78 = arith.constant 1 : i32
      scf.for %scan3A_80 = %scan3A_75 to %scan3A_77 step %scan3A_78  : i32 {
        %mul3A_81 = arith.constant 128 : i32
        %mul3A_82 = arith.muli %scan3A_40, %mul3A_81 : i32
        %add3A_83 = arith.addi %mul3A_82, %scan3A_80 : i32
        %get3A = arith.index_cast %scan3A_80 : i32 to index
        %get3A_84 = arith.constant 32 : index
        %get3A_85 = tpu.vector_load %arg11[%get3A, %get3A_84] {strides = array<i32>} : memref<160x128xf32, #tpu.memory_space<vmem>>, vector<16xf32>,
        %swap3A = arith.index_cast %add3A_83 : i32 to index
        %swap3A_86 = arith.constant 32 : index
        %swap3A_87 = tpu.vector_load %arg10[%swap3A, %swap3A_86] {strides = array<i32>} : memref<512x64xf32, #tpu.memory_space<vmem>>, vector<16xf32>,
        tpu.vector_store %arg10[%swap3A, %swap3A_86], %get3A_85 {strides = array<i32>} : memref<512x64xf32, #tpu.memory_space<vmem>>, vector<16xf32>,
        %get3A_88 = arith.index_cast %scan3A_80 : i32 to index
        %get3A_89 = arith.constant 48 : index
        %get3A_90 = tpu.vector_load %arg11[%get3A_88, %get3A_89] {strides = array<i32>} : memref<160x128xf32, #tpu.memory_space<vmem>>, vector<16xf32>,
        %swap3A_91 = arith.index_cast %add3A_83 : i32 to index
        %swap3A_92 = arith.constant 48 : index
        %swap3A_93 = tpu.vector_load %arg10[%swap3A_91, %swap3A_92] {strides = array<i32>} : memref<512x64xf32, #tpu.memory_space<vmem>>, vector<16xf32>,
        tpu.vector_store %arg10[%swap3A_91, %swap3A_92], %get3A_90 {strides = array<i32>} : memref<512x64xf32, #tpu.memory_space<vmem>>, vector<16xf32>,
      }
      %scan3A_79 = arith.constant 128 : i32
    }
    %scan3A_16 = arith.constant 4 : i32
    %dma_start3A = arith.constant 0 : i32
    %dma_start3A_17 = arith.constant 0 : i32
    %dma_start3A_18 = tpu.memref_slice %arg11[%dma_start3A, %dma_start3A_17] : memref<160x128xf32, #tpu.memory_space<vmem>> -> memref<128x128xf32, #tpu.memory_space<vmem>>
    %dma_start3A_19 = arith.constant 0 : i32
    %dma_start3A_20 = tpu.memref_slice %arg9[%dma_start3A_19] : memref<10240xi32, #tpu.memory_space<vmem>> -> memref<128xi32, #tpu.memory_space<vmem>>
    %dma_start3A_21 = arith.constant 0 : i32
    %dma_start3A_22 = arith.constant 0 : i32
    %dma_start3A_23 = tpu.memref_slice %arg5[%dma_start3A_21, %dma_start3A_22] : memref<1000000x128xf32, #tpu.memory_space<hbm>> -> memref<1000000x128xf32, #tpu.memory_space<hbm>>
    tpu.enqueue_indirect_dma source(%dma_start3A_23 : memref<1000000x128xf32, #tpu.memory_space<hbm>>) target(%dma_start3A_18 : memref<128x128xf32, #tpu.memory_space<vmem>>) offsets(%dma_start3A_20 : memref<128xi32, #tpu.memory_space<vmem>>) semaphore(%arg14 : memref<!tpu.dma_semaphore, #tpu.memory_space<semaphore_mem>>)
    %dma_start3A_24 = arith.constant 128 : i32
    %dma_start3A_25 = arith.constant 0 : i32
    %dma_start3A_26 = tpu.memref_slice %arg11[%dma_start3A_24, %dma_start3A_25] : memref<160x128xf32, #tpu.memory_space<vmem>> -> memref<32x128xf32, #tpu.memory_space<vmem>>
    %dma_start3A_27 = arith.constant 128 : i32
    %dma_start3A_28 = tpu.memref_slice %arg9[%dma_start3A_27] : memref<10240xi32, #tpu.memory_space<vmem>> -> memref<32xi32, #tpu.memory_space<vmem>>
    %dma_start3A_29 = arith.constant 0 : i32
    %dma_start3A_30 = arith.constant 0 : i32
    %dma_start3A_31 = tpu.memref_slice %arg5[%dma_start3A_29, %dma_start3A_30] : memref<1000000x128xf32, #tpu.memory_space<hbm>> -> memref<1000000x128xf32, #tpu.memory_space<hbm>>
    tpu.enqueue_indirect_dma source(%dma_start3A_31 : memref<1000000x128xf32, #tpu.memory_space<hbm>>) target(%dma_start3A_26 : memref<32x128xf32, #tpu.memory_space<vmem>>) offsets(%dma_start3A_28 : memref<32xi32, #tpu.memory_space<vmem>>) semaphore(%arg14 : memref<!tpu.dma_semaphore, #tpu.memory_space<semaphore_mem>>)
    %scan3A_32 = arith.constant 0 : i32
    %scan3A_33 = arith.constant 0 : i32
    %scan3A_34 = arith.constant 32 : i32
    %scan3A_35 = arith.addi %scan3A_33, %scan3A_34 : i32
    %scan3A_36 = arith.constant 1 : i32
    scf.for %scan3A_40 = %scan3A_33 to %scan3A_35 step %scan3A_36  : i32 {
      %mul3A_41 = arith.constant 2 : i32
      %mul3A_42 = arith.muli %scan3A_40, %mul3A_41 : i32
      %add3A_43 = arith.constant 0 : i32
      %add3A_44 = arith.addi %mul3A_42, %add3A_43 : i32
      %add3A_45 = arith.constant 1 : i32
      %add3A_46 = arith.addi %add3A_44, %add3A_45 : i32
      %lt3A = arith.constant 64 : i32
      %lt3A_47 = arith.cmpi slt, %add3A_46, %lt3A : i32
      %convert_element_type3A = arith.extui %lt3A_47 : i1 to i32
      %cond3A = arith.constant 0 : i32
      %cond3A_48 = arith.cmpi ne, %convert_element_type3A, %cond3A : i32
      scf.if %cond3A_48 {
        %add3A_115 = arith.constant 1 : i32
        %add3A_116 = arith.addi %add3A_44, %add3A_115 : i32
        %mul3A_117 = arith.constant 160 : i32
        %mul3A_118 = arith.muli %add3A_116, %mul3A_117 : i32
        %add3A_119 = arith.constant 0 : i32
        %add3A_120 = arith.addi %mul3A_118, %add3A_119 : i32
        %mul3A_121 = arith.constant 160 : i32
        %mul3A_122 = arith.muli %add3A_116, %mul3A_121 : i32
        %add3A_123 = arith.constant 128 : i32
        %add3A_124 = arith.addi %mul3A_122, %add3A_123 : i32
        %dma_start3A_125 = arith.constant 0 : i32
        %dma_start3A_126 = arith.constant 0 : i32
        %dma_start3A_127 = tpu.memref_slice %arg12[%dma_start3A_125, %dma_start3A_126] : memref<160x128xf32, #tpu.memory_space<vmem>> -> memref<128x128xf32, #tpu.memory_space<vmem>>
        %dma_start3A_128 = tpu.memref_slice %arg9[%add3A_120] : memref<10240xi32, #tpu.memory_space<vmem>> -> memref<128xi32, #tpu.memory_space<vmem>>
        %dma_start3A_129 = arith.constant 0 : i32
        %dma_start3A_130 = arith.constant 0 : i32
        %dma_start3A_131 = tpu.memref_slice %arg5[%dma_start3A_129, %dma_start3A_130] : memref<1000000x128xf32, #tpu.memory_space<hbm>> -> memref<1000000x128xf32, #tpu.memory_space<hbm>>
        tpu.enqueue_indirect_dma source(%dma_start3A_131 : memref<1000000x128xf32, #tpu.memory_space<hbm>>) target(%dma_start3A_127 : memref<128x128xf32, #tpu.memory_space<vmem>>) offsets(%dma_start3A_128 : memref<128xi32, #tpu.memory_space<vmem>>) semaphore(%arg15 : memref<!tpu.dma_semaphore, #tpu.memory_space<semaphore_mem>>)
        %dma_start3A_132 = arith.constant 128 : i32
        %dma_start3A_133 = arith.constant 0 : i32
        %dma_start3A_134 = tpu.memref_slice %arg12[%dma_start3A_132, %dma_start3A_133] : memref<160x128xf32, #tpu.memory_space<vmem>> -> memref<32x128xf32, #tpu.memory_space<vmem>>
        %dma_start3A_135 = tpu.memref_slice %arg9[%add3A_124] : memref<10240xi32, #tpu.memory_space<vmem>> -> memref<32xi32, #tpu.memory_space<vmem>>
        %dma_start3A_136 = arith.constant 0 : i32
        %dma_start3A_137 = arith.constant 0 : i32
        %dma_start3A_138 = tpu.memref_slice %arg5[%dma_start3A_136, %dma_start3A_137] : memref<1000000x128xf32, #tpu.memory_space<hbm>> -> memref<1000000x128xf32, #tpu.memory_space<hbm>>
        tpu.enqueue_indirect_dma source(%dma_start3A_138 : memref<1000000x128xf32, #tpu.memory_space<hbm>>) target(%dma_start3A_134 : memref<32x128xf32, #tpu.memory_space<vmem>>) offsets(%dma_start3A_135 : memref<32xi32, #tpu.memory_space<vmem>>) semaphore(%arg15 : memref<!tpu.dma_semaphore, #tpu.memory_space<semaphore_mem>>)
      } else {
      }
      %mul3A_49 = arith.constant 160 : i32
      %mul3A_50 = arith.muli %add3A_44, %mul3A_49 : i32
      %add3A_51 = arith.constant 0 : i32
      %add3A_52 = arith.addi %mul3A_50, %add3A_51 : i32
      %mul3A_53 = arith.constant 160 : i32
      %mul3A_54 = arith.muli %add3A_44, %mul3A_53 : i32
      %add3A_55 = arith.constant 128 : i32
      %add3A_56 = arith.addi %mul3A_54, %add3A_55 : i32
      %dma_wait3A = arith.constant 0 : i32
      %dma_wait3A_57 = arith.constant 0 : i32
      %dma_wait3A_58 = tpu.memref_slice %arg11[%dma_wait3A, %dma_wait3A_57] : memref<160x128xf32, #tpu.memory_space<vmem>> -> memref<128x128xf32, #tpu.memory_space<vmem>>
      %dma_wait3A_59 = tpu.memref_slice %arg9[%add3A_52] : memref<10240xi32, #tpu.memory_space<vmem>> -> memref<128xi32, #tpu.memory_space<vmem>>
      %dma_wait3A_60 = arith.constant 0 : i32
      %dma_wait3A_61 = arith.constant 0 : i32
      %dma_wait3A_62 = tpu.memref_slice %arg5[%dma_wait3A_60, %dma_wait3A_61] : memref<1000000x128xf32, #tpu.memory_space<hbm>> -> memref<1000000x128xf32, #tpu.memory_space<hbm>>
      tpu.wait_indirect_dma semaphore(%arg14 : memref<!tpu.dma_semaphore, #tpu.memory_space<semaphore_mem>>) src(%dma_wait3A_62 : memref<1000000x128xf32, #tpu.memory_space<hbm>>) dst(%dma_wait3A_58 : memref<128x128xf32, #tpu.memory_space<vmem>>)
      %dma_wait3A_63 = arith.constant 128 : i32
      %dma_wait3A_64 = arith.constant 0 : i32
      %dma_wait3A_65 = tpu.memref_slice %arg11[%dma_wait3A_63, %dma_wait3A_64] : memref<160x128xf32, #tpu.memory_space<vmem>> -> memref<32x128xf32, #tpu.memory_space<vmem>>
      %dma_wait3A_66 = tpu.memref_slice %arg9[%add3A_56] : memref<10240xi32, #tpu.memory_space<vmem>> -> memref<32xi32, #tpu.memory_space<vmem>>
      %dma_wait3A_67 = arith.constant 0 : i32
      %dma_wait3A_68 = arith.constant 0 : i32
      %dma_wait3A_69 = tpu.memref_slice %arg5[%dma_wait3A_67, %dma_wait3A_68] : memref<1000000x128xf32, #tpu.memory_space<hbm>> -> memref<1000000x128xf32, #tpu.memory_space<hbm>>
      tpu.wait_indirect_dma semaphore(%arg14 : memref<!tpu.dma_semaphore, #tpu.memory_space<semaphore_mem>>) src(%dma_wait3A_69 : memref<1000000x128xf32, #tpu.memory_space<hbm>>) dst(%dma_wait3A_65 : memref<32x128xf32, #tpu.memory_space<vmem>>)
      %scan3A_70 = arith.constant 0 : i32
      %scan3A_71 = arith.constant 0 : i32
      %scan3A_72 = arith.constant 8 : i32
      %scan3A_73 = arith.addi %scan3A_71, %scan3A_72 : i32
      %scan3A_74 = arith.constant 1 : i32
      scf.for %scan3A_115 = %scan3A_71 to %scan3A_73 step %scan3A_74  : i32 {
        %mul3A_116 = arith.constant 8 : i32
        %mul3A_117 = arith.muli %add3A_44, %mul3A_116 : i32
        %add3A_118 = arith.addi %mul3A_117, %scan3A_115 : i32
        %mul3A_119 = arith.constant 21 : i32
        %mul3A_120 = arith.muli %add3A_118, %mul3A_119 : i32
        %get3A = arith.index_cast %add3A_118 : i32 to index
        %get3A_121 = arith.constant 0 : index
        %get3A_122 = tpu.vector_load %arg10[%get3A, %get3A_121] {strides = array<i32>} : memref<512x64xf32, #tpu.memory_space<vmem>>, vector<16xf32>,
        %get3A_123 = arith.index_cast %add3A_118 : i32 to index
        %get3A_124 = arith.constant 16 : index
        %get3A_125 = tpu.vector_load %arg10[%get3A_123, %get3A_124] {strides = array<i32>} : memref<512x64xf32, #tpu.memory_space<vmem>>, vector<16xf32>,
        %get3A_126 = arith.index_cast %add3A_118 : i32 to index
        %get3A_127 = arith.constant 32 : index
        %get3A_128 = tpu.vector_load %arg10[%get3A_126, %get3A_127] {strides = array<i32>} : memref<512x64xf32, #tpu.memory_space<vmem>>, vector<16xf32>,
        %get3A_129 = arith.index_cast %add3A_118 : i32 to index
        %get3A_130 = arith.constant 48 : index
        %get3A_131 = tpu.vector_load %arg10[%get3A_129, %get3A_130] {strides = array<i32>} : memref<512x64xf32, #tpu.memory_space<vmem>>, vector<16xf32>,
        %mul3A_132 = arith.mulf %get3A_122, %get3A_128 : vector<16xf32>
        %mul3A_133 = arith.mulf %get3A_125, %get3A_131 : vector<16xf32>
        %add3A_134 = arith.addf %mul3A_132, %mul3A_133 : vector<16xf32>
        %broadcast_in_dim3A_135 = vector.broadcast %mul3A_120 : i32 to vector<16xi32>
        tpu.vector_store_idx %arg13[%broadcast_in_dim3A_135], %add3A_134 {add = true} : memref<10752xf32, #tpu.memory_space<vmem>>[vector<16xi32>], vector<16xf32>,
        %mul3A_136 = arith.constant 20 : i32
        %mul3A_137 = arith.muli %scan3A_115, %mul3A_136 : i32
        %add3A_138 = arith.constant 0 : i32
        %add3A_139 = arith.addi %mul3A_137, %add3A_138 : i32
        %get3A_140 = arith.index_cast %add3A_139 : i32 to index
        %get3A_141 = arith.constant 32 : index
        %get3A_142 = tpu.vector_load %arg11[%get3A_140, %get3A_141] {strides = array<i32>} : memref<160x128xf32, #tpu.memory_space<vmem>>, vector<16xf32>,
        %get3A_143 = arith.index_cast %add3A_139 : i32 to index
        %get3A_144 = arith.constant 48 : index
        %get3A_145 = tpu.vector_load %arg11[%get3A_143, %get3A_144] {strides = array<i32>} : memref<160x128xf32, #tpu.memory_space<vmem>>, vector<16xf32>,
        %mul3A_146 = arith.mulf %get3A_122, %get3A_142 : vector<16xf32>
        %mul3A_147 = arith.mulf %get3A_125, %get3A_145 : vector<16xf32>
        %add3A_148 = arith.addf %mul3A_146, %mul3A_147 : vector<16xf32>
        %add3A_149 = arith.constant 1 : i32
        %add3A_150 = arith.addi %mul3A_120, %add3A_149 : i32
        %add3A_151 = arith.constant 0 : i32
        %add3A_152 = arith.addi %add3A_150, %add3A_151 : i32
        %broadcast_in_dim3A_153 = vector.broadcast %add3A_152 : i32 to vector<16xi32>
        %neg3A = arith.constant 0.000000e+00 : f32
        %neg3A_154 = vector.broadcast %neg3A : f32 to vector<16xf32>
        %neg3A_155 = arith.subf %neg3A_154, %add3A_148 : vector<16xf32>
        tpu.vector_store_idx %arg13[%broadcast_in_dim3A_153], %neg3A_155 {add = true} : memref<10752xf32, #tpu.memory_space<vmem>>[vector<16xi32>], vector<16xf32>,
        %mul3A_156 = arith.constant 20 : i32
        %mul3A_157 = arith.muli %scan3A_115, %mul3A_156 : i32
        %add3A_158 = arith.constant 1 : i32
        %add3A_159 = arith.addi %mul3A_157, %add3A_158 : i32
        %get3A_160 = arith.index_cast %add3A_159 : i32 to index
        %get3A_161 = arith.constant 32 : index
        %get3A_162 = tpu.vector_load %arg11[%get3A_160, %get3A_161] {strides = array<i32>} : memref<160x128xf32, #tpu.memory_space<vmem>>, vector<16xf32>,
        %get3A_163 = arith.index_cast %add3A_159 : i32 to index
        %get3A_164 = arith.constant 48 : index
        %get3A_165 = tpu.vector_load %arg11[%get3A_163, %get3A_164] {strides = array<i32>} : memref<160x128xf32, #tpu.memory_space<vmem>>, vector<16xf32>,
        %mul3A_166 = arith.mulf %get3A_122, %get3A_162 : vector<16xf32>
        %mul3A_167 = arith.mulf %get3A_125, %get3A_165 : vector<16xf32>
        %add3A_168 = arith.addf %mul3A_166, %mul3A_167 : vector<16xf32>
        %add3A_169 = arith.constant 1 : i32
        %add3A_170 = arith.addi %mul3A_120, %add3A_169 : i32
        %add3A_171 = arith.constant 1 : i32
        %add3A_172 = arith.addi %add3A_170, %add3A_171 : i32
        %broadcast_in_dim3A_173 = vector.broadcast %add3A_172 : i32 to vector<16xi32>
        %neg3A_174 = arith.constant 0.000000e+00 : f32
        %neg3A_175 = vector.broadcast %neg3A_174 : f32 to vector<16xf32>
        %neg3A_176 = arith.subf %neg3A_175, %add3A_168 : vector<16xf32>
        tpu.vector_store_idx %arg13[%broadcast_in_dim3A_173], %neg3A_176 {add = true} : memref<10752xf32, #tpu.memory_space<vmem>>[vector<16xi32>], vector<16xf32>,
        %mul3A_177 = arith.constant 20 : i32
        %mul3A_178 = arith.muli %scan3A_115, %mul3A_177 : i32
        %add3A_179 = arith.constant 2 : i32
        %add3A_180 = arith.addi %mul3A_178, %add3A_179 : i32
        %get3A_181 = arith.index_cast %add3A_180 : i32 to index
        %get3A_182 = arith.constant 32 : index
        %get3A_183 = tpu.vector_load %arg11[%get3A_181, %get3A_182] {strides = array<i32>} : memref<160x128xf32, #tpu.memory_space<vmem>>, vector<16xf32>,
        %get3A_184 = arith.index_cast %add3A_180 : i32 to index
        %get3A_185 = arith.constant 48 : index
        %get3A_186 = tpu.vector_load %arg11[%get3A_184, %get3A_185] {strides = array<i32>} : memref<160x128xf32, #tpu.memory_space<vmem>>, vector<16xf32>,
        %mul3A_187 = arith.mulf %get3A_122, %get3A_183 : vector<16xf32>
        %mul3A_188 = arith.mulf %get3A_125, %get3A_186 : vector<16xf32>
        %add3A_189 = arith.addf %mul3A_187, %mul3A_188 : vector<16xf32>
        %add3A_190 = arith.constant 1 : i32
        %add3A_191 = arith.addi %mul3A_120, %add3A_190 : i32
        %add3A_192 = arith.constant 2 : i32
        %add3A_193 = arith.addi %add3A_191, %add3A_192 : i32
        %broadcast_in_dim3A_194 = vector.broadcast %add3A_193 : i32 to vector<16xi32>
        %neg3A_195 = arith.constant 0.000000e+00 : f32
        %neg3A_196 = vector.broadcast %neg3A_195 : f32 to vector<16xf32>
        %neg3A_197 = arith.subf %neg3A_196, %add3A_189 : vector<16xf32>
        tpu.vector_store_idx %arg13[%broadcast_in_dim3A_194], %neg3A_197 {add = true} : memref<10752xf32, #tpu.memory_space<vmem>>[vector<16xi32>], vector<16xf32>,
        %mul3A_198 = arith.constant 20 : i32
        %mul3A_199 = arith.muli %scan3A_115, %mul3A_198 : i32
        %add3A_200 = arith.constant 3 : i32
        %add3A_201 = arith.addi %mul3A_199, %add3A_200 : i32
        %get3A_202 = arith.index_cast %add3A_201 : i32 to index
        %get3A_203 = arith.constant 32 : index
        %get3A_204 = tpu.vector_load %arg11[%get3A_202, %get3A_203] {strides = array<i32>} : memref<160x128xf32, #tpu.memory_space<vmem>>, vector<16xf32>,
        %get3A_205 = arith.index_cast %add3A_201 : i32 to index
        %get3A_206 = arith.constant 48 : index
        %get3A_207 = tpu.vector_load %arg11[%get3A_205, %get3A_206] {strides = array<i32>} : memref<160x128xf32, #tpu.memory_space<vmem>>, vector<16xf32>,
        %mul3A_208 = arith.mulf %get3A_122, %get3A_204 : vector<16xf32>
        %mul3A_209 = arith.mulf %get3A_125, %get3A_207 : vector<16xf32>
        %add3A_210 = arith.addf %mul3A_208, %mul3A_209 : vector<16xf32>
        %add3A_211 = arith.constant 1 : i32
        %add3A_212 = arith.addi %mul3A_120, %add3A_211 : i32
        %add3A_213 = arith.constant 3 : i32
        %add3A_214 = arith.addi %add3A_212, %add3A_213 : i32
        %broadcast_in_dim3A_215 = vector.broadcast %add3A_214 : i32 to vector<16xi32>
        %neg3A_216 = arith.constant 0.000000e+00 : f32
        %neg3A_217 = vector.broadcast %neg3A_216 : f32 to vector<16xf32>
        %neg3A_218 = arith.subf %neg3A_217, %add3A_210 : vector<16xf32>
        tpu.vector_store_idx %arg13[%broadcast_in_dim3A_215], %neg3A_218 {add = true} : memref<10752xf32, #tpu.memory_space<vmem>>[vector<16xi32>], vector<16xf32>,
        %mul3A_219 = arith.constant 20 : i32
        %mul3A_220 = arith.muli %scan3A_115, %mul3A_219 : i32
        %add3A_221 = arith.constant 4 : i32
        %add3A_222 = arith.addi %mul3A_220, %add3A_221 : i32
        %get3A_223 = arith.index_cast %add3A_222 : i32 to index
        %get3A_224 = arith.constant 32 : index
        %get3A_225 = tpu.vector_load %arg11[%get3A_223, %get3A_224] {strides = array<i32>} : memref<160x128xf32, #tpu.memory_space<vmem>>, vector<16xf32>,
        %get3A_226 = arith.index_cast %add3A_222 : i32 to index
        %get3A_227 = arith.constant 48 : index
        %get3A_228 = tpu.vector_load %arg11[%get3A_226, %get3A_227] {strides = array<i32>} : memref<160x128xf32, #tpu.memory_space<vmem>>, vector<16xf32>,
        %mul3A_229 = arith.mulf %get3A_122, %get3A_225 : vector<16xf32>
        %mul3A_230 = arith.mulf %get3A_125, %get3A_228 : vector<16xf32>
        %add3A_231 = arith.addf %mul3A_229, %mul3A_230 : vector<16xf32>
        %add3A_232 = arith.constant 1 : i32
        %add3A_233 = arith.addi %mul3A_120, %add3A_232 : i32
        %add3A_234 = arith.constant 4 : i32
        %add3A_235 = arith.addi %add3A_233, %add3A_234 : i32
        %broadcast_in_dim3A_236 = vector.broadcast %add3A_235 : i32 to vector<16xi32>
        %neg3A_237 = arith.constant 0.000000e+00 : f32
        %neg3A_238 = vector.broadcast %neg3A_237 : f32 to vector<16xf32>
        %neg3A_239 = arith.subf %neg3A_238, %add3A_231 : vector<16xf32>
        tpu.vector_store_idx %arg13[%broadcast_in_dim3A_236], %neg3A_239 {add = true} : memref<10752xf32, #tpu.memory_space<vmem>>[vector<16xi32>], vector<16xf32>,
        %mul3A_240 = arith.constant 20 : i32
        %mul3A_241 = arith.muli %scan3A_115, %mul3A_240 : i32
        %add3A_242 = arith.constant 5 : i32
        %add3A_243 = arith.addi %mul3A_241, %add3A_242 : i32
        %get3A_244 = arith.index_cast %add3A_243 : i32 to index
        %get3A_245 = arith.constant 32 : index
        %get3A_246 = tpu.vector_load %arg11[%get3A_244, %get3A_245] {strides = array<i32>} : memref<160x128xf32, #tpu.memory_space<vmem>>, vector<16xf32>,
        %get3A_247 = arith.index_cast %add3A_243 : i32 to index
        %get3A_248 = arith.constant 48 : index
        %get3A_249 = tpu.vector_load %arg11[%get3A_247, %get3A_248] {strides = array<i32>} : memref<160x128xf32, #tpu.memory_space<vmem>>, vector<16xf32>,
        %mul3A_250 = arith.mulf %get3A_122, %get3A_246 : vector<16xf32>
        %mul3A_251 = arith.mulf %get3A_125, %get3A_249 : vector<16xf32>
        %add3A_252 = arith.addf %mul3A_250, %mul3A_251 : vector<16xf32>
        %add3A_253 = arith.constant 1 : i32
        %add3A_254 = arith.addi %mul3A_120, %add3A_253 : i32
        %add3A_255 = arith.constant 5 : i32
        %add3A_256 = arith.addi %add3A_254, %add3A_255 : i32
        %broadcast_in_dim3A_257 = vector.broadcast %add3A_256 : i32 to vector<16xi32>
        %neg3A_258 = arith.constant 0.000000e+00 : f32
        %neg3A_259 = vector.broadcast %neg3A_258 : f32 to vector<16xf32>
        %neg3A_260 = arith.subf %neg3A_259, %add3A_252 : vector<16xf32>
        tpu.vector_store_idx %arg13[%broadcast_in_dim3A_257], %neg3A_260 {add = true} : memref<10752xf32, #tpu.memory_space<vmem>>[vector<16xi32>], vector<16xf32>,
        %mul3A_261 = arith.constant 20 : i32
        %mul3A_262 = arith.muli %scan3A_115, %mul3A_261 : i32
        %add3A_263 = arith.constant 6 : i32
        %add3A_264 = arith.addi %mul3A_262, %add3A_263 : i32
        %get3A_265 = arith.index_cast %add3A_264 : i32 to index
        %get3A_266 = arith.constant 32 : index
        %get3A_267 = tpu.vector_load %arg11[%get3A_265, %get3A_266] {strides = array<i32>} : memref<160x128xf32, #tpu.memory_space<vmem>>, vector<16xf32>,
        %get3A_268 = arith.index_cast %add3A_264 : i32 to index
        %get3A_269 = arith.constant 48 : index
        %get3A_270 = tpu.vector_load %arg11[%get3A_268, %get3A_269] {strides = array<i32>} : memref<160x128xf32, #tpu.memory_space<vmem>>, vector<16xf32>,
        %mul3A_271 = arith.mulf %get3A_122, %get3A_267 : vector<16xf32>
        %mul3A_272 = arith.mulf %get3A_125, %get3A_270 : vector<16xf32>
        %add3A_273 = arith.addf %mul3A_271, %mul3A_272 : vector<16xf32>
        %add3A_274 = arith.constant 1 : i32
        %add3A_275 = arith.addi %mul3A_120, %add3A_274 : i32
        %add3A_276 = arith.constant 6 : i32
        %add3A_277 = arith.addi %add3A_275, %add3A_276 : i32
        %broadcast_in_dim3A_278 = vector.broadcast %add3A_277 : i32 to vector<16xi32>
        %neg3A_279 = arith.constant 0.000000e+00 : f32
        %neg3A_280 = vector.broadcast %neg3A_279 : f32 to vector<16xf32>
        %neg3A_281 = arith.subf %neg3A_280, %add3A_273 : vector<16xf32>
        tpu.vector_store_idx %arg13[%broadcast_in_dim3A_278], %neg3A_281 {add = true} : memref<10752xf32, #tpu.memory_space<vmem>>[vector<16xi32>], vector<16xf32>,
        %mul3A_282 = arith.constant 20 : i32
        %mul3A_283 = arith.muli %scan3A_115, %mul3A_282 : i32
        %add3A_284 = arith.constant 7 : i32
        %add3A_285 = arith.addi %mul3A_283, %add3A_284 : i32
        %get3A_286 = arith.index_cast %add3A_285 : i32 to index
        %get3A_287 = arith.constant 32 : index
        %get3A_288 = tpu.vector_load %arg11[%get3A_286, %get3A_287] {strides = array<i32>} : memref<160x128xf32, #tpu.memory_space<vmem>>, vector<16xf32>,
        %get3A_289 = arith.index_cast %add3A_285 : i32 to index
        %get3A_290 = arith.constant 48 : index
        %get3A_291 = tpu.vector_load %arg11[%get3A_289, %get3A_290] {strides = array<i32>} : memref<160x128xf32, #tpu.memory_space<vmem>>, vector<16xf32>,
        %mul3A_292 = arith.mulf %get3A_122, %get3A_288 : vector<16xf32>
        %mul3A_293 = arith.mulf %get3A_125, %get3A_291 : vector<16xf32>
        %add3A_294 = arith.addf %mul3A_292, %mul3A_293 : vector<16xf32>
        %add3A_295 = arith.constant 1 : i32
        %add3A_296 = arith.addi %mul3A_120, %add3A_295 : i32
        %add3A_297 = arith.constant 7 : i32
        %add3A_298 = arith.addi %add3A_296, %add3A_297 : i32
        %broadcast_in_dim3A_299 = vector.broadcast %add3A_298 : i32 to vector<16xi32>
        %neg3A_300 = arith.constant 0.000000e+00 : f32
        %neg3A_301 = vector.broadcast %neg3A_300 : f32 to vector<16xf32>
        %neg3A_302 = arith.subf %neg3A_301, %add3A_294 : vector<16xf32>
        tpu.vector_store_idx %arg13[%broadcast_in_dim3A_299], %neg3A_302 {add = true} : memref<10752xf32, #tpu.memory_space<vmem>>[vector<16xi32>], vector<16xf32>,
        %mul3A_303 = arith.constant 20 : i32
        %mul3A_304 = arith.muli %scan3A_115, %mul3A_303 : i32
        %add3A_305 = arith.constant 8 : i32
        %add3A_306 = arith.addi %mul3A_304, %add3A_305 : i32
        %get3A_307 = arith.index_cast %add3A_306 : i32 to index
        %get3A_308 = arith.constant 32 : index
        %get3A_309 = tpu.vector_load %arg11[%get3A_307, %get3A_308] {strides = array<i32>} : memref<160x128xf32, #tpu.memory_space<vmem>>, vector<16xf32>,
        %get3A_310 = arith.index_cast %add3A_306 : i32 to index
        %get3A_311 = arith.constant 48 : index
        %get3A_312 = tpu.vector_load %arg11[%get3A_310, %get3A_311] {strides = array<i32>} : memref<160x128xf32, #tpu.memory_space<vmem>>, vector<16xf32>,
        %mul3A_313 = arith.mulf %get3A_122, %get3A_309 : vector<16xf32>
        %mul3A_314 = arith.mulf %get3A_125, %get3A_312 : vector<16xf32>
        %add3A_315 = arith.addf %mul3A_313, %mul3A_314 : vector<16xf32>
        %add3A_316 = arith.constant 1 : i32
        %add3A_317 = arith.addi %mul3A_120, %add3A_316 : i32
        %add3A_318 = arith.constant 8 : i32
        %add3A_319 = arith.addi %add3A_317, %add3A_318 : i32
        %broadcast_in_dim3A_320 = vector.broadcast %add3A_319 : i32 to vector<16xi32>
        %neg3A_321 = arith.constant 0.000000e+00 : f32
        %neg3A_322 = vector.broadcast %neg3A_321 : f32 to vector<16xf32>
        %neg3A_323 = arith.subf %neg3A_322, %add3A_315 : vector<16xf32>
        tpu.vector_store_idx %arg13[%broadcast_in_dim3A_320], %neg3A_323 {add = true} : memref<10752xf32, #tpu.memory_space<vmem>>[vector<16xi32>], vector<16xf32>,
        %mul3A_324 = arith.constant 20 : i32
        %mul3A_325 = arith.muli %scan3A_115, %mul3A_324 : i32
        %add3A_326 = arith.constant 9 : i32
        %add3A_327 = arith.addi %mul3A_325, %add3A_326 : i32
        %get3A_328 = arith.index_cast %add3A_327 : i32 to index
        %get3A_329 = arith.constant 32 : index
        %get3A_330 = tpu.vector_load %arg11[%get3A_328, %get3A_329] {strides = array<i32>} : memref<160x128xf32, #tpu.memory_space<vmem>>, vector<16xf32>,
        %get3A_331 = arith.index_cast %add3A_327 : i32 to index
        %get3A_332 = arith.constant 48 : index
        %get3A_333 = tpu.vector_load %arg11[%get3A_331, %get3A_332] {strides = array<i32>} : memref<160x128xf32, #tpu.memory_space<vmem>>, vector<16xf32>,
        %mul3A_334 = arith.mulf %get3A_122, %get3A_330 : vector<16xf32>
        %mul3A_335 = arith.mulf %get3A_125, %get3A_333 : vector<16xf32>
        %add3A_336 = arith.addf %mul3A_334, %mul3A_335 : vector<16xf32>
        %add3A_337 = arith.constant 1 : i32
        %add3A_338 = arith.addi %mul3A_120, %add3A_337 : i32
        %add3A_339 = arith.constant 9 : i32
        %add3A_340 = arith.addi %add3A_338, %add3A_339 : i32
        %broadcast_in_dim3A_341 = vector.broadcast %add3A_340 : i32 to vector<16xi32>
        %neg3A_342 = arith.constant 0.000000e+00 : f32
        %neg3A_343 = vector.broadcast %neg3A_342 : f32 to vector<16xf32>
        %neg3A_344 = arith.subf %neg3A_343, %add3A_336 : vector<16xf32>
        tpu.vector_store_idx %arg13[%broadcast_in_dim3A_341], %neg3A_344 {add = true} : memref<10752xf32, #tpu.memory_space<vmem>>[vector<16xi32>], vector<16xf32>,
        %mul3A_345 = arith.constant 20 : i32
        %mul3A_346 = arith.muli %scan3A_115, %mul3A_345 : i32
        %add3A_347 = arith.constant 10 : i32
        %add3A_348 = arith.addi %mul3A_346, %add3A_347 : i32
        %get3A_349 = arith.index_cast %add3A_348 : i32 to index
        %get3A_350 = arith.constant 32 : index
        %get3A_351 = tpu.vector_load %arg11[%get3A_349, %get3A_350] {strides = array<i32>} : memref<160x128xf32, #tpu.memory_space<vmem>>, vector<16xf32>,
        %get3A_352 = arith.index_cast %add3A_348 : i32 to index
        %get3A_353 = arith.constant 48 : index
        %get3A_354 = tpu.vector_load %arg11[%get3A_352, %get3A_353] {strides = array<i32>} : memref<160x128xf32, #tpu.memory_space<vmem>>, vector<16xf32>,
        %mul3A_355 = arith.mulf %get3A_122, %get3A_351 : vector<16xf32>
        %mul3A_356 = arith.mulf %get3A_125, %get3A_354 : vector<16xf32>
        %add3A_357 = arith.addf %mul3A_355, %mul3A_356 : vector<16xf32>
        %add3A_358 = arith.constant 1 : i32
        %add3A_359 = arith.addi %mul3A_120, %add3A_358 : i32
        %add3A_360 = arith.constant 10 : i32
        %add3A_361 = arith.addi %add3A_359, %add3A_360 : i32
        %broadcast_in_dim3A_362 = vector.broadcast %add3A_361 : i32 to vector<16xi32>
        %neg3A_363 = arith.constant 0.000000e+00 : f32
        %neg3A_364 = vector.broadcast %neg3A_363 : f32 to vector<16xf32>
        %neg3A_365 = arith.subf %neg3A_364, %add3A_357 : vector<16xf32>
        tpu.vector_store_idx %arg13[%broadcast_in_dim3A_362], %neg3A_365 {add = true} : memref<10752xf32, #tpu.memory_space<vmem>>[vector<16xi32>], vector<16xf32>,
        %mul3A_366 = arith.constant 20 : i32
        %mul3A_367 = arith.muli %scan3A_115, %mul3A_366 : i32
        %add3A_368 = arith.constant 11 : i32
        %add3A_369 = arith.addi %mul3A_367, %add3A_368 : i32
        %get3A_370 = arith.index_cast %add3A_369 : i32 to index
        %get3A_371 = arith.constant 32 : index
        %get3A_372 = tpu.vector_load %arg11[%get3A_370, %get3A_371] {strides = array<i32>} : memref<160x128xf32, #tpu.memory_space<vmem>>, vector<16xf32>,
        %get3A_373 = arith.index_cast %add3A_369 : i32 to index
        %get3A_374 = arith.constant 48 : index
        %get3A_375 = tpu.vector_load %arg11[%get3A_373, %get3A_374] {strides = array<i32>} : memref<160x128xf32, #tpu.memory_space<vmem>>, vector<16xf32>,
        %mul3A_376 = arith.mulf %get3A_122, %get3A_372 : vector<16xf32>
        %mul3A_377 = arith.mulf %get3A_125, %get3A_375 : vector<16xf32>
        %add3A_378 = arith.addf %mul3A_376, %mul3A_377 : vector<16xf32>
        %add3A_379 = arith.constant 1 : i32
        %add3A_380 = arith.addi %mul3A_120, %add3A_379 : i32
        %add3A_381 = arith.constant 11 : i32
        %add3A_382 = arith.addi %add3A_380, %add3A_381 : i32
        %broadcast_in_dim3A_383 = vector.broadcast %add3A_382 : i32 to vector<16xi32>
        %neg3A_384 = arith.constant 0.000000e+00 : f32
        %neg3A_385 = vector.broadcast %neg3A_384 : f32 to vector<16xf32>
        %neg3A_386 = arith.subf %neg3A_385, %add3A_378 : vector<16xf32>
        tpu.vector_store_idx %arg13[%broadcast_in_dim3A_383], %neg3A_386 {add = true} : memref<10752xf32, #tpu.memory_space<vmem>>[vector<16xi32>], vector<16xf32>,
        %mul3A_387 = arith.constant 20 : i32
        %mul3A_388 = arith.muli %scan3A_115, %mul3A_387 : i32
        %add3A_389 = arith.constant 12 : i32
        %add3A_390 = arith.addi %mul3A_388, %add3A_389 : i32
        %get3A_391 = arith.index_cast %add3A_390 : i32 to index
        %get3A_392 = arith.constant 32 : index
        %get3A_393 = tpu.vector_load %arg11[%get3A_391, %get3A_392] {strides = array<i32>} : memref<160x128xf32, #tpu.memory_space<vmem>>, vector<16xf32>,
        %get3A_394 = arith.index_cast %add3A_390 : i32 to index
        %get3A_395 = arith.constant 48 : index
        %get3A_396 = tpu.vector_load %arg11[%get3A_394, %get3A_395] {strides = array<i32>} : memref<160x128xf32, #tpu.memory_space<vmem>>, vector<16xf32>,
        %mul3A_397 = arith.mulf %get3A_122, %get3A_393 : vector<16xf32>
        %mul3A_398 = arith.mulf %get3A_125, %get3A_396 : vector<16xf32>
        %add3A_399 = arith.addf %mul3A_397, %mul3A_398 : vector<16xf32>
        %add3A_400 = arith.constant 1 : i32
        %add3A_401 = arith.addi %mul3A_120, %add3A_400 : i32
        %add3A_402 = arith.constant 12 : i32
        %add3A_403 = arith.addi %add3A_401, %add3A_402 : i32
        %broadcast_in_dim3A_404 = vector.broadcast %add3A_403 : i32 to vector<16xi32>
        %neg3A_405 = arith.constant 0.000000e+00 : f32
        %neg3A_406 = vector.broadcast %neg3A_405 : f32 to vector<16xf32>
        %neg3A_407 = arith.subf %neg3A_406, %add3A_399 : vector<16xf32>
        tpu.vector_store_idx %arg13[%broadcast_in_dim3A_404], %neg3A_407 {add = true} : memref<10752xf32, #tpu.memory_space<vmem>>[vector<16xi32>], vector<16xf32>,
        %mul3A_408 = arith.constant 20 : i32
        %mul3A_409 = arith.muli %scan3A_115, %mul3A_408 : i32
        %add3A_410 = arith.constant 13 : i32
        %add3A_411 = arith.addi %mul3A_409, %add3A_410 : i32
        %get3A_412 = arith.index_cast %add3A_411 : i32 to index
        %get3A_413 = arith.constant 32 : index
        %get3A_414 = tpu.vector_load %arg11[%get3A_412, %get3A_413] {strides = array<i32>} : memref<160x128xf32, #tpu.memory_space<vmem>>, vector<16xf32>,
        %get3A_415 = arith.index_cast %add3A_411 : i32 to index
        %get3A_416 = arith.constant 48 : index
        %get3A_417 = tpu.vector_load %arg11[%get3A_415, %get3A_416] {strides = array<i32>} : memref<160x128xf32, #tpu.memory_space<vmem>>, vector<16xf32>,
        %mul3A_418 = arith.mulf %get3A_122, %get3A_414 : vector<16xf32>
        %mul3A_419 = arith.mulf %get3A_125, %get3A_417 : vector<16xf32>
        %add3A_420 = arith.addf %mul3A_418, %mul3A_419 : vector<16xf32>
        %add3A_421 = arith.constant 1 : i32
        %add3A_422 = arith.addi %mul3A_120, %add3A_421 : i32
        %add3A_423 = arith.constant 13 : i32
        %add3A_424 = arith.addi %add3A_422, %add3A_423 : i32
        %broadcast_in_dim3A_425 = vector.broadcast %add3A_424 : i32 to vector<16xi32>
        %neg3A_426 = arith.constant 0.000000e+00 : f32
        %neg3A_427 = vector.broadcast %neg3A_426 : f32 to vector<16xf32>
        %neg3A_428 = arith.subf %neg3A_427, %add3A_420 : vector<16xf32>
        tpu.vector_store_idx %arg13[%broadcast_in_dim3A_425], %neg3A_428 {add = true} : memref<10752xf32, #tpu.memory_space<vmem>>[vector<16xi32>], vector<16xf32>,
        %mul3A_429 = arith.constant 20 : i32
        %mul3A_430 = arith.muli %scan3A_115, %mul3A_429 : i32
        %add3A_431 = arith.constant 14 : i32
        %add3A_432 = arith.addi %mul3A_430, %add3A_431 : i32
        %get3A_433 = arith.index_cast %add3A_432 : i32 to index
        %get3A_434 = arith.constant 32 : index
        %get3A_435 = tpu.vector_load %arg11[%get3A_433, %get3A_434] {strides = array<i32>} : memref<160x128xf32, #tpu.memory_space<vmem>>, vector<16xf32>,
        %get3A_436 = arith.index_cast %add3A_432 : i32 to index
        %get3A_437 = arith.constant 48 : index
        %get3A_438 = tpu.vector_load %arg11[%get3A_436, %get3A_437] {strides = array<i32>} : memref<160x128xf32, #tpu.memory_space<vmem>>, vector<16xf32>,
        %mul3A_439 = arith.mulf %get3A_122, %get3A_435 : vector<16xf32>
        %mul3A_440 = arith.mulf %get3A_125, %get3A_438 : vector<16xf32>
        %add3A_441 = arith.addf %mul3A_439, %mul3A_440 : vector<16xf32>
        %add3A_442 = arith.constant 1 : i32
        %add3A_443 = arith.addi %mul3A_120, %add3A_442 : i32
        %add3A_444 = arith.constant 14 : i32
        %add3A_445 = arith.addi %add3A_443, %add3A_444 : i32
        %broadcast_in_dim3A_446 = vector.broadcast %add3A_445 : i32 to vector<16xi32>
        %neg3A_447 = arith.constant 0.000000e+00 : f32
        %neg3A_448 = vector.broadcast %neg3A_447 : f32 to vector<16xf32>
        %neg3A_449 = arith.subf %neg3A_448, %add3A_441 : vector<16xf32>
        tpu.vector_store_idx %arg13[%broadcast_in_dim3A_446], %neg3A_449 {add = true} : memref<10752xf32, #tpu.memory_space<vmem>>[vector<16xi32>], vector<16xf32>,
        %mul3A_450 = arith.constant 20 : i32
        %mul3A_451 = arith.muli %scan3A_115, %mul3A_450 : i32
        %add3A_452 = arith.constant 15 : i32
        %add3A_453 = arith.addi %mul3A_451, %add3A_452 : i32
        %get3A_454 = arith.index_cast %add3A_453 : i32 to index
        %get3A_455 = arith.constant 32 : index
        %get3A_456 = tpu.vector_load %arg11[%get3A_454, %get3A_455] {strides = array<i32>} : memref<160x128xf32, #tpu.memory_space<vmem>>, vector<16xf32>,
        %get3A_457 = arith.index_cast %add3A_453 : i32 to index
        %get3A_458 = arith.constant 48 : index
        %get3A_459 = tpu.vector_load %arg11[%get3A_457, %get3A_458] {strides = array<i32>} : memref<160x128xf32, #tpu.memory_space<vmem>>, vector<16xf32>,
        %mul3A_460 = arith.mulf %get3A_122, %get3A_456 : vector<16xf32>
        %mul3A_461 = arith.mulf %get3A_125, %get3A_459 : vector<16xf32>
        %add3A_462 = arith.addf %mul3A_460, %mul3A_461 : vector<16xf32>
        %add3A_463 = arith.constant 1 : i32
        %add3A_464 = arith.addi %mul3A_120, %add3A_463 : i32
        %add3A_465 = arith.constant 15 : i32
        %add3A_466 = arith.addi %add3A_464, %add3A_465 : i32
        %broadcast_in_dim3A_467 = vector.broadcast %add3A_466 : i32 to vector<16xi32>
        %neg3A_468 = arith.constant 0.000000e+00 : f32
        %neg3A_469 = vector.broadcast %neg3A_468 : f32 to vector<16xf32>
        %neg3A_470 = arith.subf %neg3A_469, %add3A_462 : vector<16xf32>
        tpu.vector_store_idx %arg13[%broadcast_in_dim3A_467], %neg3A_470 {add = true} : memref<10752xf32, #tpu.memory_space<vmem>>[vector<16xi32>], vector<16xf32>,
        %mul3A_471 = arith.constant 20 : i32
        %mul3A_472 = arith.muli %scan3A_115, %mul3A_471 : i32
        %add3A_473 = arith.constant 16 : i32
        %add3A_474 = arith.addi %mul3A_472, %add3A_473 : i32
        %get3A_475 = arith.index_cast %add3A_474 : i32 to index
        %get3A_476 = arith.constant 32 : index
        %get3A_477 = tpu.vector_load %arg11[%get3A_475, %get3A_476] {strides = array<i32>} : memref<160x128xf32, #tpu.memory_space<vmem>>, vector<16xf32>,
        %get3A_478 = arith.index_cast %add3A_474 : i32 to index
        %get3A_479 = arith.constant 48 : index
        %get3A_480 = tpu.vector_load %arg11[%get3A_478, %get3A_479] {strides = array<i32>} : memref<160x128xf32, #tpu.memory_space<vmem>>, vector<16xf32>,
        %mul3A_481 = arith.mulf %get3A_122, %get3A_477 : vector<16xf32>
        %mul3A_482 = arith.mulf %get3A_125, %get3A_480 : vector<16xf32>
        %add3A_483 = arith.addf %mul3A_481, %mul3A_482 : vector<16xf32>
        %add3A_484 = arith.constant 1 : i32
        %add3A_485 = arith.addi %mul3A_120, %add3A_484 : i32
        %add3A_486 = arith.constant 16 : i32
        %add3A_487 = arith.addi %add3A_485, %add3A_486 : i32
        %broadcast_in_dim3A_488 = vector.broadcast %add3A_487 : i32 to vector<16xi32>
        %neg3A_489 = arith.constant 0.000000e+00 : f32
        %neg3A_490 = vector.broadcast %neg3A_489 : f32 to vector<16xf32>
        %neg3A_491 = arith.subf %neg3A_490, %add3A_483 : vector<16xf32>
        tpu.vector_store_idx %arg13[%broadcast_in_dim3A_488], %neg3A_491 {add = true} : memref<10752xf32, #tpu.memory_space<vmem>>[vector<16xi32>], vector<16xf32>,
        %mul3A_492 = arith.constant 20 : i32
        %mul3A_493 = arith.muli %scan3A_115, %mul3A_492 : i32
        %add3A_494 = arith.constant 17 : i32
        %add3A_495 = arith.addi %mul3A_493, %add3A_494 : i32
        %get3A_496 = arith.index_cast %add3A_495 : i32 to index
        %get3A_497 = arith.constant 32 : index
        %get3A_498 = tpu.vector_load %arg11[%get3A_496, %get3A_497] {strides = array<i32>} : memref<160x128xf32, #tpu.memory_space<vmem>>, vector<16xf32>,
        %get3A_499 = arith.index_cast %add3A_495 : i32 to index
        %get3A_500 = arith.constant 48 : index
        %get3A_501 = tpu.vector_load %arg11[%get3A_499, %get3A_500] {strides = array<i32>} : memref<160x128xf32, #tpu.memory_space<vmem>>, vector<16xf32>,
        %mul3A_502 = arith.mulf %get3A_122, %get3A_498 : vector<16xf32>
        %mul3A_503 = arith.mulf %get3A_125, %get3A_501 : vector<16xf32>
        %add3A_504 = arith.addf %mul3A_502, %mul3A_503 : vector<16xf32>
        %add3A_505 = arith.constant 1 : i32
        %add3A_506 = arith.addi %mul3A_120, %add3A_505 : i32
        %add3A_507 = arith.constant 17 : i32
        %add3A_508 = arith.addi %add3A_506, %add3A_507 : i32
        %broadcast_in_dim3A_509 = vector.broadcast %add3A_508 : i32 to vector<16xi32>
        %neg3A_510 = arith.constant 0.000000e+00 : f32
        %neg3A_511 = vector.broadcast %neg3A_510 : f32 to vector<16xf32>
        %neg3A_512 = arith.subf %neg3A_511, %add3A_504 : vector<16xf32>
        tpu.vector_store_idx %arg13[%broadcast_in_dim3A_509], %neg3A_512 {add = true} : memref<10752xf32, #tpu.memory_space<vmem>>[vector<16xi32>], vector<16xf32>,
        %mul3A_513 = arith.constant 20 : i32
        %mul3A_514 = arith.muli %scan3A_115, %mul3A_513 : i32
        %add3A_515 = arith.constant 18 : i32
        %add3A_516 = arith.addi %mul3A_514, %add3A_515 : i32
        %get3A_517 = arith.index_cast %add3A_516 : i32 to index
        %get3A_518 = arith.constant 32 : index
        %get3A_519 = tpu.vector_load %arg11[%get3A_517, %get3A_518] {strides = array<i32>} : memref<160x128xf32, #tpu.memory_space<vmem>>, vector<16xf32>,
        %get3A_520 = arith.index_cast %add3A_516 : i32 to index
        %get3A_521 = arith.constant 48 : index
        %get3A_522 = tpu.vector_load %arg11[%get3A_520, %get3A_521] {strides = array<i32>} : memref<160x128xf32, #tpu.memory_space<vmem>>, vector<16xf32>,
        %mul3A_523 = arith.mulf %get3A_122, %get3A_519 : vector<16xf32>
        %mul3A_524 = arith.mulf %get3A_125, %get3A_522 : vector<16xf32>
        %add3A_525 = arith.addf %mul3A_523, %mul3A_524 : vector<16xf32>
        %add3A_526 = arith.constant 1 : i32
        %add3A_527 = arith.addi %mul3A_120, %add3A_526 : i32
        %add3A_528 = arith.constant 18 : i32
        %add3A_529 = arith.addi %add3A_527, %add3A_528 : i32
        %broadcast_in_dim3A_530 = vector.broadcast %add3A_529 : i32 to vector<16xi32>
        %neg3A_531 = arith.constant 0.000000e+00 : f32
        %neg3A_532 = vector.broadcast %neg3A_531 : f32 to vector<16xf32>
        %neg3A_533 = arith.subf %neg3A_532, %add3A_525 : vector<16xf32>
        tpu.vector_store_idx %arg13[%broadcast_in_dim3A_530], %neg3A_533 {add = true} : memref<10752xf32, #tpu.memory_space<vmem>>[vector<16xi32>], vector<16xf32>,
        %mul3A_534 = arith.constant 20 : i32
        %mul3A_535 = arith.muli %scan3A_115, %mul3A_534 : i32
        %add3A_536 = arith.constant 19 : i32
        %add3A_537 = arith.addi %mul3A_535, %add3A_536 : i32
        %get3A_538 = arith.index_cast %add3A_537 : i32 to index
        %get3A_539 = arith.constant 32 : index
        %get3A_540 = tpu.vector_load %arg11[%get3A_538, %get3A_539] {strides = array<i32>} : memref<160x128xf32, #tpu.memory_space<vmem>>, vector<16xf32>,
        %get3A_541 = arith.index_cast %add3A_537 : i32 to index
        %get3A_542 = arith.constant 48 : index
        %get3A_543 = tpu.vector_load %arg11[%get3A_541, %get3A_542] {strides = array<i32>} : memref<160x128xf32, #tpu.memory_space<vmem>>, vector<16xf32>,
        %mul3A_544 = arith.mulf %get3A_122, %get3A_540 : vector<16xf32>
        %mul3A_545 = arith.mulf %get3A_125, %get3A_543 : vector<16xf32>
        %add3A_546 = arith.addf %mul3A_544, %mul3A_545 : vector<16xf32>
        %add3A_547 = arith.constant 1 : i32
        %add3A_548 = arith.addi %mul3A_120, %add3A_547 : i32
        %add3A_549 = arith.constant 19 : i32
        %add3A_550 = arith.addi %add3A_548, %add3A_549 : i32
        %broadcast_in_dim3A_551 = vector.broadcast %add3A_550 : i32 to vector<16xi32>
        %neg3A_552 = arith.constant 0.000000e+00 : f32
        %neg3A_553 = vector.broadcast %neg3A_552 : f32 to vector<16xf32>
        %neg3A_554 = arith.subf %neg3A_553, %add3A_546 : vector<16xf32>
        tpu.vector_store_idx %arg13[%broadcast_in_dim3A_551], %neg3A_554 {add = true} : memref<10752xf32, #tpu.memory_space<vmem>>[vector<16xi32>], vector<16xf32>,
      }
      %scan3A_75 = arith.constant 8 : i32
      %mul3A_76 = arith.constant 2 : i32
      %mul3A_77 = arith.muli %scan3A_40, %mul3A_76 : i32
      %add3A_78 = arith.constant 1 : i32
      %add3A_79 = arith.addi %mul3A_77, %add3A_78 : i32
      %add3A_80 = arith.constant 1 : i32
      %add3A_81 = arith.addi %add3A_79, %add3A_80 : i32
      %lt3A_82 = arith.constant 64 : i32
      %lt3A_83 = arith.cmpi slt, %add3A_81, %lt3A_82 : i32
      %convert_element_type3A_84 = arith.extui %lt3A_83 : i1 to i32
      %cond3A_85 = arith.constant 0 : i32
      %cond3A_86 = arith.cmpi ne, %convert_element_type3A_84, %cond3A_85 : i32
      scf.if %cond3A_86 {
        %add3A_115 = arith.constant 1 : i32
        %add3A_116 = arith.addi %add3A_79, %add3A_115 : i32
        %mul3A_117 = arith.constant 160 : i32
        %mul3A_118 = arith.muli %add3A_116, %mul3A_117 : i32
        %add3A_119 = arith.constant 0 : i32
        %add3A_120 = arith.addi %mul3A_118, %add3A_119 : i32
        %mul3A_121 = arith.constant 160 : i32
        %mul3A_122 = arith.muli %add3A_116, %mul3A_121 : i32
        %add3A_123 = arith.constant 128 : i32
        %add3A_124 = arith.addi %mul3A_122, %add3A_123 : i32
        %dma_start3A_125 = arith.constant 0 : i32
        %dma_start3A_126 = arith.constant 0 : i32
        %dma_start3A_127 = tpu.memref_slice %arg11[%dma_start3A_125, %dma_start3A_126] : memref<160x128xf32, #tpu.memory_space<vmem>> -> memref<128x128xf32, #tpu.memory_space<vmem>>
        %dma_start3A_128 = tpu.memref_slice %arg9[%add3A_120] : memref<10240xi32, #tpu.memory_space<vmem>> -> memref<128xi32, #tpu.memory_space<vmem>>
        %dma_start3A_129 = arith.constant 0 : i32
        %dma_start3A_130 = arith.constant 0 : i32
        %dma_start3A_131 = tpu.memref_slice %arg5[%dma_start3A_129, %dma_start3A_130] : memref<1000000x128xf32, #tpu.memory_space<hbm>> -> memref<1000000x128xf32, #tpu.memory_space<hbm>>
        tpu.enqueue_indirect_dma source(%dma_start3A_131 : memref<1000000x128xf32, #tpu.memory_space<hbm>>) target(%dma_start3A_127 : memref<128x128xf32, #tpu.memory_space<vmem>>) offsets(%dma_start3A_128 : memref<128xi32, #tpu.memory_space<vmem>>) semaphore(%arg14 : memref<!tpu.dma_semaphore, #tpu.memory_space<semaphore_mem>>)
        %dma_start3A_132 = arith.constant 128 : i32
        %dma_start3A_133 = arith.constant 0 : i32
        %dma_start3A_134 = tpu.memref_slice %arg11[%dma_start3A_132, %dma_start3A_133] : memref<160x128xf32, #tpu.memory_space<vmem>> -> memref<32x128xf32, #tpu.memory_space<vmem>>
        %dma_start3A_135 = tpu.memref_slice %arg9[%add3A_124] : memref<10240xi32, #tpu.memory_space<vmem>> -> memref<32xi32, #tpu.memory_space<vmem>>
        %dma_start3A_136 = arith.constant 0 : i32
        %dma_start3A_137 = arith.constant 0 : i32
        %dma_start3A_138 = tpu.memref_slice %arg5[%dma_start3A_136, %dma_start3A_137] : memref<1000000x128xf32, #tpu.memory_space<hbm>> -> memref<1000000x128xf32, #tpu.memory_space<hbm>>
        tpu.enqueue_indirect_dma source(%dma_start3A_138 : memref<1000000x128xf32, #tpu.memory_space<hbm>>) target(%dma_start3A_134 : memref<32x128xf32, #tpu.memory_space<vmem>>) offsets(%dma_start3A_135 : memref<32xi32, #tpu.memory_space<vmem>>) semaphore(%arg14 : memref<!tpu.dma_semaphore, #tpu.memory_space<semaphore_mem>>)
      } else {
      }
      %mul3A_87 = arith.constant 160 : i32
      %mul3A_88 = arith.muli %add3A_79, %mul3A_87 : i32
      %add3A_89 = arith.constant 0 : i32
      %add3A_90 = arith.addi %mul3A_88, %add3A_89 : i32
      %mul3A_91 = arith.constant 160 : i32
      %mul3A_92 = arith.muli %add3A_79, %mul3A_91 : i32
      %add3A_93 = arith.constant 128 : i32
      %add3A_94 = arith.addi %mul3A_92, %add3A_93 : i32
      %dma_wait3A_95 = arith.constant 0 : i32
      %dma_wait3A_96 = arith.constant 0 : i32
      %dma_wait3A_97 = tpu.memref_slice %arg12[%dma_wait3A_95, %dma_wait3A_96] : memref<160x128xf32, #tpu.memory_space<vmem>> -> memref<128x128xf32, #tpu.memory_space<vmem>>
      %dma_wait3A_98 = tpu.memref_slice %arg9[%add3A_90] : memref<10240xi32, #tpu.memory_space<vmem>> -> memref<128xi32, #tpu.memory_space<vmem>>
      %dma_wait3A_99 = arith.constant 0 : i32
      %dma_wait3A_100 = arith.constant 0 : i32
      %dma_wait3A_101 = tpu.memref_slice %arg5[%dma_wait3A_99, %dma_wait3A_100] : memref<1000000x128xf32, #tpu.memory_space<hbm>> -> memref<1000000x128xf32, #tpu.memory_space<hbm>>
      tpu.wait_indirect_dma semaphore(%arg15 : memref<!tpu.dma_semaphore, #tpu.memory_space<semaphore_mem>>) src(%dma_wait3A_101 : memref<1000000x128xf32, #tpu.memory_space<hbm>>) dst(%dma_wait3A_97 : memref<128x128xf32, #tpu.memory_space<vmem>>)
      %dma_wait3A_102 = arith.constant 128 : i32
      %dma_wait3A_103 = arith.constant 0 : i32
      %dma_wait3A_104 = tpu.memref_slice %arg12[%dma_wait3A_102, %dma_wait3A_103] : memref<160x128xf32, #tpu.memory_space<vmem>> -> memref<32x128xf32, #tpu.memory_space<vmem>>
      %dma_wait3A_105 = tpu.memref_slice %arg9[%add3A_94] : memref<10240xi32, #tpu.memory_space<vmem>> -> memref<32xi32, #tpu.memory_space<vmem>>
      %dma_wait3A_106 = arith.constant 0 : i32
      %dma_wait3A_107 = arith.constant 0 : i32
      %dma_wait3A_108 = tpu.memref_slice %arg5[%dma_wait3A_106, %dma_wait3A_107] : memref<1000000x128xf32, #tpu.memory_space<hbm>> -> memref<1000000x128xf32, #tpu.memory_space<hbm>>
      tpu.wait_indirect_dma semaphore(%arg15 : memref<!tpu.dma_semaphore, #tpu.memory_space<semaphore_mem>>) src(%dma_wait3A_108 : memref<1000000x128xf32, #tpu.memory_space<hbm>>) dst(%dma_wait3A_104 : memref<32x128xf32, #tpu.memory_space<vmem>>)
      %scan3A_109 = arith.constant 0 : i32
      %scan3A_110 = arith.constant 0 : i32
      %scan3A_111 = arith.constant 8 : i32
      %scan3A_112 = arith.addi %scan3A_110, %scan3A_111 : i32
      %scan3A_113 = arith.constant 1 : i32
      scf.for %scan3A_115 = %scan3A_110 to %scan3A_112 step %scan3A_113  : i32 {
        %mul3A_116 = arith.constant 8 : i32
        %mul3A_117 = arith.muli %add3A_79, %mul3A_116 : i32
        %add3A_118 = arith.addi %mul3A_117, %scan3A_115 : i32
        %mul3A_119 = arith.constant 21 : i32
        %mul3A_120 = arith.muli %add3A_118, %mul3A_119 : i32
        %get3A = arith.index_cast %add3A_118 : i32 to index
        %get3A_121 = arith.constant 0 : index
        %get3A_122 = tpu.vector_load %arg10[%get3A, %get3A_121] {strides = array<i32>} : memref<512x64xf32, #tpu.memory_space<vmem>>, vector<16xf32>,
        %get3A_123 = arith.index_cast %add3A_118 : i32 to index
        %get3A_124 = arith.constant 16 : index
        %get3A_125 = tpu.vector_load %arg10[%get3A_123, %get3A_124] {strides = array<i32>} : memref<512x64xf32, #tpu.memory_space<vmem>>, vector<16xf32>,
        %get3A_126 = arith.index_cast %add3A_118 : i32 to index
        %get3A_127 = arith.constant 32 : index
        %get3A_128 = tpu.vector_load %arg10[%get3A_126, %get3A_127] {strides = array<i32>} : memref<512x64xf32, #tpu.memory_space<vmem>>, vector<16xf32>,
        %get3A_129 = arith.index_cast %add3A_118 : i32 to index
        %get3A_130 = arith.constant 48 : index
        %get3A_131 = tpu.vector_load %arg10[%get3A_129, %get3A_130] {strides = array<i32>} : memref<512x64xf32, #tpu.memory_space<vmem>>, vector<16xf32>,
        %mul3A_132 = arith.mulf %get3A_122, %get3A_128 : vector<16xf32>
        %mul3A_133 = arith.mulf %get3A_125, %get3A_131 : vector<16xf32>
        %add3A_134 = arith.addf %mul3A_132, %mul3A_133 : vector<16xf32>
        %broadcast_in_dim3A_135 = vector.broadcast %mul3A_120 : i32 to vector<16xi32>
        tpu.vector_store_idx %arg13[%broadcast_in_dim3A_135], %add3A_134 {add = true} : memref<10752xf32, #tpu.memory_space<vmem>>[vector<16xi32>], vector<16xf32>,
        %mul3A_136 = arith.constant 20 : i32
        %mul3A_137 = arith.muli %scan3A_115, %mul3A_136 : i32
        %add3A_138 = arith.constant 0 : i32
        %add3A_139 = arith.addi %mul3A_137, %add3A_138 : i32
        %get3A_140 = arith.index_cast %add3A_139 : i32 to index
        %get3A_141 = arith.constant 32 : index
        %get3A_142 = tpu.vector_load %arg12[%get3A_140, %get3A_141] {strides = array<i32>} : memref<160x128xf32, #tpu.memory_space<vmem>>, vector<16xf32>,
        %get3A_143 = arith.index_cast %add3A_139 : i32 to index
        %get3A_144 = arith.constant 48 : index
        %get3A_145 = tpu.vector_load %arg12[%get3A_143, %get3A_144] {strides = array<i32>} : memref<160x128xf32, #tpu.memory_space<vmem>>, vector<16xf32>,
        %mul3A_146 = arith.mulf %get3A_122, %get3A_142 : vector<16xf32>
        %mul3A_147 = arith.mulf %get3A_125, %get3A_145 : vector<16xf32>
        %add3A_148 = arith.addf %mul3A_146, %mul3A_147 : vector<16xf32>
        %add3A_149 = arith.constant 1 : i32
        %add3A_150 = arith.addi %mul3A_120, %add3A_149 : i32
        %add3A_151 = arith.constant 0 : i32
        %add3A_152 = arith.addi %add3A_150, %add3A_151 : i32
        %broadcast_in_dim3A_153 = vector.broadcast %add3A_152 : i32 to vector<16xi32>
        %neg3A = arith.constant 0.000000e+00 : f32
        %neg3A_154 = vector.broadcast %neg3A : f32 to vector<16xf32>
        %neg3A_155 = arith.subf %neg3A_154, %add3A_148 : vector<16xf32>
        tpu.vector_store_idx %arg13[%broadcast_in_dim3A_153], %neg3A_155 {add = true} : memref<10752xf32, #tpu.memory_space<vmem>>[vector<16xi32>], vector<16xf32>,
        %mul3A_156 = arith.constant 20 : i32
        %mul3A_157 = arith.muli %scan3A_115, %mul3A_156 : i32
        %add3A_158 = arith.constant 1 : i32
        %add3A_159 = arith.addi %mul3A_157, %add3A_158 : i32
        %get3A_160 = arith.index_cast %add3A_159 : i32 to index
        %get3A_161 = arith.constant 32 : index
        %get3A_162 = tpu.vector_load %arg12[%get3A_160, %get3A_161] {strides = array<i32>} : memref<160x128xf32, #tpu.memory_space<vmem>>, vector<16xf32>,
        %get3A_163 = arith.index_cast %add3A_159 : i32 to index
        %get3A_164 = arith.constant 48 : index
        %get3A_165 = tpu.vector_load %arg12[%get3A_163, %get3A_164] {strides = array<i32>} : memref<160x128xf32, #tpu.memory_space<vmem>>, vector<16xf32>,
        %mul3A_166 = arith.mulf %get3A_122, %get3A_162 : vector<16xf32>
        %mul3A_167 = arith.mulf %get3A_125, %get3A_165 : vector<16xf32>
        %add3A_168 = arith.addf %mul3A_166, %mul3A_167 : vector<16xf32>
        %add3A_169 = arith.constant 1 : i32
        %add3A_170 = arith.addi %mul3A_120, %add3A_169 : i32
        %add3A_171 = arith.constant 1 : i32
        %add3A_172 = arith.addi %add3A_170, %add3A_171 : i32
        %broadcast_in_dim3A_173 = vector.broadcast %add3A_172 : i32 to vector<16xi32>
        %neg3A_174 = arith.constant 0.000000e+00 : f32
        %neg3A_175 = vector.broadcast %neg3A_174 : f32 to vector<16xf32>
        %neg3A_176 = arith.subf %neg3A_175, %add3A_168 : vector<16xf32>
        tpu.vector_store_idx %arg13[%broadcast_in_dim3A_173], %neg3A_176 {add = true} : memref<10752xf32, #tpu.memory_space<vmem>>[vector<16xi32>], vector<16xf32>,
        %mul3A_177 = arith.constant 20 : i32
        %mul3A_178 = arith.muli %scan3A_115, %mul3A_177 : i32
        %add3A_179 = arith.constant 2 : i32
        %add3A_180 = arith.addi %mul3A_178, %add3A_179 : i32
        %get3A_181 = arith.index_cast %add3A_180 : i32 to index
        %get3A_182 = arith.constant 32 : index
        %get3A_183 = tpu.vector_load %arg12[%get3A_181, %get3A_182] {strides = array<i32>} : memref<160x128xf32, #tpu.memory_space<vmem>>, vector<16xf32>,
        %get3A_184 = arith.index_cast %add3A_180 : i32 to index
        %get3A_185 = arith.constant 48 : index
        %get3A_186 = tpu.vector_load %arg12[%get3A_184, %get3A_185] {strides = array<i32>} : memref<160x128xf32, #tpu.memory_space<vmem>>, vector<16xf32>,
        %mul3A_187 = arith.mulf %get3A_122, %get3A_183 : vector<16xf32>
        %mul3A_188 = arith.mulf %get3A_125, %get3A_186 : vector<16xf32>
        %add3A_189 = arith.addf %mul3A_187, %mul3A_188 : vector<16xf32>
        %add3A_190 = arith.constant 1 : i32
        %add3A_191 = arith.addi %mul3A_120, %add3A_190 : i32
        %add3A_192 = arith.constant 2 : i32
        %add3A_193 = arith.addi %add3A_191, %add3A_192 : i32
        %broadcast_in_dim3A_194 = vector.broadcast %add3A_193 : i32 to vector<16xi32>
        %neg3A_195 = arith.constant 0.000000e+00 : f32
        %neg3A_196 = vector.broadcast %neg3A_195 : f32 to vector<16xf32>
        %neg3A_197 = arith.subf %neg3A_196, %add3A_189 : vector<16xf32>
        tpu.vector_store_idx %arg13[%broadcast_in_dim3A_194], %neg3A_197 {add = true} : memref<10752xf32, #tpu.memory_space<vmem>>[vector<16xi32>], vector<16xf32>,
        %mul3A_198 = arith.constant 20 : i32
        %mul3A_199 = arith.muli %scan3A_115, %mul3A_198 : i32
        %add3A_200 = arith.constant 3 : i32
        %add3A_201 = arith.addi %mul3A_199, %add3A_200 : i32
        %get3A_202 = arith.index_cast %add3A_201 : i32 to index
        %get3A_203 = arith.constant 32 : index
        %get3A_204 = tpu.vector_load %arg12[%get3A_202, %get3A_203] {strides = array<i32>} : memref<160x128xf32, #tpu.memory_space<vmem>>, vector<16xf32>,
        %get3A_205 = arith.index_cast %add3A_201 : i32 to index
        %get3A_206 = arith.constant 48 : index
        %get3A_207 = tpu.vector_load %arg12[%get3A_205, %get3A_206] {strides = array<i32>} : memref<160x128xf32, #tpu.memory_space<vmem>>, vector<16xf32>,
        %mul3A_208 = arith.mulf %get3A_122, %get3A_204 : vector<16xf32>
        %mul3A_209 = arith.mulf %get3A_125, %get3A_207 : vector<16xf32>
        %add3A_210 = arith.addf %mul3A_208, %mul3A_209 : vector<16xf32>
        %add3A_211 = arith.constant 1 : i32
        %add3A_212 = arith.addi %mul3A_120, %add3A_211 : i32
        %add3A_213 = arith.constant 3 : i32
        %add3A_214 = arith.addi %add3A_212, %add3A_213 : i32
        %broadcast_in_dim3A_215 = vector.broadcast %add3A_214 : i32 to vector<16xi32>
        %neg3A_216 = arith.constant 0.000000e+00 : f32
        %neg3A_217 = vector.broadcast %neg3A_216 : f32 to vector<16xf32>
        %neg3A_218 = arith.subf %neg3A_217, %add3A_210 : vector<16xf32>
        tpu.vector_store_idx %arg13[%broadcast_in_dim3A_215], %neg3A_218 {add = true} : memref<10752xf32, #tpu.memory_space<vmem>>[vector<16xi32>], vector<16xf32>,
        %mul3A_219 = arith.constant 20 : i32
        %mul3A_220 = arith.muli %scan3A_115, %mul3A_219 : i32
        %add3A_221 = arith.constant 4 : i32
        %add3A_222 = arith.addi %mul3A_220, %add3A_221 : i32
        %get3A_223 = arith.index_cast %add3A_222 : i32 to index
        %get3A_224 = arith.constant 32 : index
        %get3A_225 = tpu.vector_load %arg12[%get3A_223, %get3A_224] {strides = array<i32>} : memref<160x128xf32, #tpu.memory_space<vmem>>, vector<16xf32>,
        %get3A_226 = arith.index_cast %add3A_222 : i32 to index
        %get3A_227 = arith.constant 48 : index
        %get3A_228 = tpu.vector_load %arg12[%get3A_226, %get3A_227] {strides = array<i32>} : memref<160x128xf32, #tpu.memory_space<vmem>>, vector<16xf32>,
        %mul3A_229 = arith.mulf %get3A_122, %get3A_225 : vector<16xf32>
        %mul3A_230 = arith.mulf %get3A_125, %get3A_228 : vector<16xf32>
        %add3A_231 = arith.addf %mul3A_229, %mul3A_230 : vector<16xf32>
        %add3A_232 = arith.constant 1 : i32
        %add3A_233 = arith.addi %mul3A_120, %add3A_232 : i32
        %add3A_234 = arith.constant 4 : i32
        %add3A_235 = arith.addi %add3A_233, %add3A_234 : i32
        %broadcast_in_dim3A_236 = vector.broadcast %add3A_235 : i32 to vector<16xi32>
        %neg3A_237 = arith.constant 0.000000e+00 : f32
        %neg3A_238 = vector.broadcast %neg3A_237 : f32 to vector<16xf32>
        %neg3A_239 = arith.subf %neg3A_238, %add3A_231 : vector<16xf32>
        tpu.vector_store_idx %arg13[%broadcast_in_dim3A_236], %neg3A_239 {add = true} : memref<10752xf32, #tpu.memory_space<vmem>>[vector<16xi32>], vector<16xf32>,
        %mul3A_240 = arith.constant 20 : i32
        %mul3A_241 = arith.muli %scan3A_115, %mul3A_240 : i32
        %add3A_242 = arith.constant 5 : i32
        %add3A_243 = arith.addi %mul3A_241, %add3A_242 : i32
        %get3A_244 = arith.index_cast %add3A_243 : i32 to index
        %get3A_245 = arith.constant 32 : index
        %get3A_246 = tpu.vector_load %arg12[%get3A_244, %get3A_245] {strides = array<i32>} : memref<160x128xf32, #tpu.memory_space<vmem>>, vector<16xf32>,
        %get3A_247 = arith.index_cast %add3A_243 : i32 to index
        %get3A_248 = arith.constant 48 : index
        %get3A_249 = tpu.vector_load %arg12[%get3A_247, %get3A_248] {strides = array<i32>} : memref<160x128xf32, #tpu.memory_space<vmem>>, vector<16xf32>,
        %mul3A_250 = arith.mulf %get3A_122, %get3A_246 : vector<16xf32>
        %mul3A_251 = arith.mulf %get3A_125, %get3A_249 : vector<16xf32>
        %add3A_252 = arith.addf %mul3A_250, %mul3A_251 : vector<16xf32>
        %add3A_253 = arith.constant 1 : i32
        %add3A_254 = arith.addi %mul3A_120, %add3A_253 : i32
        %add3A_255 = arith.constant 5 : i32
        %add3A_256 = arith.addi %add3A_254, %add3A_255 : i32
        %broadcast_in_dim3A_257 = vector.broadcast %add3A_256 : i32 to vector<16xi32>
        %neg3A_258 = arith.constant 0.000000e+00 : f32
        %neg3A_259 = vector.broadcast %neg3A_258 : f32 to vector<16xf32>
        %neg3A_260 = arith.subf %neg3A_259, %add3A_252 : vector<16xf32>
        tpu.vector_store_idx %arg13[%broadcast_in_dim3A_257], %neg3A_260 {add = true} : memref<10752xf32, #tpu.memory_space<vmem>>[vector<16xi32>], vector<16xf32>,
        %mul3A_261 = arith.constant 20 : i32
        %mul3A_262 = arith.muli %scan3A_115, %mul3A_261 : i32
        %add3A_263 = arith.constant 6 : i32
        %add3A_264 = arith.addi %mul3A_262, %add3A_263 : i32
        %get3A_265 = arith.index_cast %add3A_264 : i32 to index
        %get3A_266 = arith.constant 32 : index
        %get3A_267 = tpu.vector_load %arg12[%get3A_265, %get3A_266] {strides = array<i32>} : memref<160x128xf32, #tpu.memory_space<vmem>>, vector<16xf32>,
        %get3A_268 = arith.index_cast %add3A_264 : i32 to index
        %get3A_269 = arith.constant 48 : index
        %get3A_270 = tpu.vector_load %arg12[%get3A_268, %get3A_269] {strides = array<i32>} : memref<160x128xf32, #tpu.memory_space<vmem>>, vector<16xf32>,
        %mul3A_271 = arith.mulf %get3A_122, %get3A_267 : vector<16xf32>
        %mul3A_272 = arith.mulf %get3A_125, %get3A_270 : vector<16xf32>
        %add3A_273 = arith.addf %mul3A_271, %mul3A_272 : vector<16xf32>
        %add3A_274 = arith.constant 1 : i32
        %add3A_275 = arith.addi %mul3A_120, %add3A_274 : i32
        %add3A_276 = arith.constant 6 : i32
        %add3A_277 = arith.addi %add3A_275, %add3A_276 : i32
        %broadcast_in_dim3A_278 = vector.broadcast %add3A_277 : i32 to vector<16xi32>
        %neg3A_279 = arith.constant 0.000000e+00 : f32
        %neg3A_280 = vector.broadcast %neg3A_279 : f32 to vector<16xf32>
        %neg3A_281 = arith.subf %neg3A_280, %add3A_273 : vector<16xf32>
        tpu.vector_store_idx %arg13[%broadcast_in_dim3A_278], %neg3A_281 {add = true} : memref<10752xf32, #tpu.memory_space<vmem>>[vector<16xi32>], vector<16xf32>,
        %mul3A_282 = arith.constant 20 : i32
        %mul3A_283 = arith.muli %scan3A_115, %mul3A_282 : i32
        %add3A_284 = arith.constant 7 : i32
        %add3A_285 = arith.addi %mul3A_283, %add3A_284 : i32
        %get3A_286 = arith.index_cast %add3A_285 : i32 to index
        %get3A_287 = arith.constant 32 : index
        %get3A_288 = tpu.vector_load %arg12[%get3A_286, %get3A_287] {strides = array<i32>} : memref<160x128xf32, #tpu.memory_space<vmem>>, vector<16xf32>,
        %get3A_289 = arith.index_cast %add3A_285 : i32 to index
        %get3A_290 = arith.constant 48 : index
        %get3A_291 = tpu.vector_load %arg12[%get3A_289, %get3A_290] {strides = array<i32>} : memref<160x128xf32, #tpu.memory_space<vmem>>, vector<16xf32>,
        %mul3A_292 = arith.mulf %get3A_122, %get3A_288 : vector<16xf32>
        %mul3A_293 = arith.mulf %get3A_125, %get3A_291 : vector<16xf32>
        %add3A_294 = arith.addf %mul3A_292, %mul3A_293 : vector<16xf32>
        %add3A_295 = arith.constant 1 : i32
        %add3A_296 = arith.addi %mul3A_120, %add3A_295 : i32
        %add3A_297 = arith.constant 7 : i32
        %add3A_298 = arith.addi %add3A_296, %add3A_297 : i32
        %broadcast_in_dim3A_299 = vector.broadcast %add3A_298 : i32 to vector<16xi32>
        %neg3A_300 = arith.constant 0.000000e+00 : f32
        %neg3A_301 = vector.broadcast %neg3A_300 : f32 to vector<16xf32>
        %neg3A_302 = arith.subf %neg3A_301, %add3A_294 : vector<16xf32>
        tpu.vector_store_idx %arg13[%broadcast_in_dim3A_299], %neg3A_302 {add = true} : memref<10752xf32, #tpu.memory_space<vmem>>[vector<16xi32>], vector<16xf32>,
        %mul3A_303 = arith.constant 20 : i32
        %mul3A_304 = arith.muli %scan3A_115, %mul3A_303 : i32
        %add3A_305 = arith.constant 8 : i32
        %add3A_306 = arith.addi %mul3A_304, %add3A_305 : i32
        %get3A_307 = arith.index_cast %add3A_306 : i32 to index
        %get3A_308 = arith.constant 32 : index
        %get3A_309 = tpu.vector_load %arg12[%get3A_307, %get3A_308] {strides = array<i32>} : memref<160x128xf32, #tpu.memory_space<vmem>>, vector<16xf32>,
        %get3A_310 = arith.index_cast %add3A_306 : i32 to index
        %get3A_311 = arith.constant 48 : index
        %get3A_312 = tpu.vector_load %arg12[%get3A_310, %get3A_311] {strides = array<i32>} : memref<160x128xf32, #tpu.memory_space<vmem>>, vector<16xf32>,
        %mul3A_313 = arith.mulf %get3A_122, %get3A_309 : vector<16xf32>
        %mul3A_314 = arith.mulf %get3A_125, %get3A_312 : vector<16xf32>
        %add3A_315 = arith.addf %mul3A_313, %mul3A_314 : vector<16xf32>
        %add3A_316 = arith.constant 1 : i32
        %add3A_317 = arith.addi %mul3A_120, %add3A_316 : i32
        %add3A_318 = arith.constant 8 : i32
        %add3A_319 = arith.addi %add3A_317, %add3A_318 : i32
        %broadcast_in_dim3A_320 = vector.broadcast %add3A_319 : i32 to vector<16xi32>
        %neg3A_321 = arith.constant 0.000000e+00 : f32
        %neg3A_322 = vector.broadcast %neg3A_321 : f32 to vector<16xf32>
        %neg3A_323 = arith.subf %neg3A_322, %add3A_315 : vector<16xf32>
        tpu.vector_store_idx %arg13[%broadcast_in_dim3A_320], %neg3A_323 {add = true} : memref<10752xf32, #tpu.memory_space<vmem>>[vector<16xi32>], vector<16xf32>,
        %mul3A_324 = arith.constant 20 : i32
        %mul3A_325 = arith.muli %scan3A_115, %mul3A_324 : i32
        %add3A_326 = arith.constant 9 : i32
        %add3A_327 = arith.addi %mul3A_325, %add3A_326 : i32
        %get3A_328 = arith.index_cast %add3A_327 : i32 to index
        %get3A_329 = arith.constant 32 : index
        %get3A_330 = tpu.vector_load %arg12[%get3A_328, %get3A_329] {strides = array<i32>} : memref<160x128xf32, #tpu.memory_space<vmem>>, vector<16xf32>,
        %get3A_331 = arith.index_cast %add3A_327 : i32 to index
        %get3A_332 = arith.constant 48 : index
        %get3A_333 = tpu.vector_load %arg12[%get3A_331, %get3A_332] {strides = array<i32>} : memref<160x128xf32, #tpu.memory_space<vmem>>, vector<16xf32>,
        %mul3A_334 = arith.mulf %get3A_122, %get3A_330 : vector<16xf32>
        %mul3A_335 = arith.mulf %get3A_125, %get3A_333 : vector<16xf32>
        %add3A_336 = arith.addf %mul3A_334, %mul3A_335 : vector<16xf32>
        %add3A_337 = arith.constant 1 : i32
        %add3A_338 = arith.addi %mul3A_120, %add3A_337 : i32
        %add3A_339 = arith.constant 9 : i32
        %add3A_340 = arith.addi %add3A_338, %add3A_339 : i32
        %broadcast_in_dim3A_341 = vector.broadcast %add3A_340 : i32 to vector<16xi32>
        %neg3A_342 = arith.constant 0.000000e+00 : f32
        %neg3A_343 = vector.broadcast %neg3A_342 : f32 to vector<16xf32>
        %neg3A_344 = arith.subf %neg3A_343, %add3A_336 : vector<16xf32>
        tpu.vector_store_idx %arg13[%broadcast_in_dim3A_341], %neg3A_344 {add = true} : memref<10752xf32, #tpu.memory_space<vmem>>[vector<16xi32>], vector<16xf32>,
        %mul3A_345 = arith.constant 20 : i32
        %mul3A_346 = arith.muli %scan3A_115, %mul3A_345 : i32
        %add3A_347 = arith.constant 10 : i32
        %add3A_348 = arith.addi %mul3A_346, %add3A_347 : i32
        %get3A_349 = arith.index_cast %add3A_348 : i32 to index
        %get3A_350 = arith.constant 32 : index
        %get3A_351 = tpu.vector_load %arg12[%get3A_349, %get3A_350] {strides = array<i32>} : memref<160x128xf32, #tpu.memory_space<vmem>>, vector<16xf32>,
        %get3A_352 = arith.index_cast %add3A_348 : i32 to index
        %get3A_353 = arith.constant 48 : index
        %get3A_354 = tpu.vector_load %arg12[%get3A_352, %get3A_353] {strides = array<i32>} : memref<160x128xf32, #tpu.memory_space<vmem>>, vector<16xf32>,
        %mul3A_355 = arith.mulf %get3A_122, %get3A_351 : vector<16xf32>
        %mul3A_356 = arith.mulf %get3A_125, %get3A_354 : vector<16xf32>
        %add3A_357 = arith.addf %mul3A_355, %mul3A_356 : vector<16xf32>
        %add3A_358 = arith.constant 1 : i32
        %add3A_359 = arith.addi %mul3A_120, %add3A_358 : i32
        %add3A_360 = arith.constant 10 : i32
        %add3A_361 = arith.addi %add3A_359, %add3A_360 : i32
        %broadcast_in_dim3A_362 = vector.broadcast %add3A_361 : i32 to vector<16xi32>
        %neg3A_363 = arith.constant 0.000000e+00 : f32
        %neg3A_364 = vector.broadcast %neg3A_363 : f32 to vector<16xf32>
        %neg3A_365 = arith.subf %neg3A_364, %add3A_357 : vector<16xf32>
        tpu.vector_store_idx %arg13[%broadcast_in_dim3A_362], %neg3A_365 {add = true} : memref<10752xf32, #tpu.memory_space<vmem>>[vector<16xi32>], vector<16xf32>,
        %mul3A_366 = arith.constant 20 : i32
        %mul3A_367 = arith.muli %scan3A_115, %mul3A_366 : i32
        %add3A_368 = arith.constant 11 : i32
        %add3A_369 = arith.addi %mul3A_367, %add3A_368 : i32
        %get3A_370 = arith.index_cast %add3A_369 : i32 to index
        %get3A_371 = arith.constant 32 : index
        %get3A_372 = tpu.vector_load %arg12[%get3A_370, %get3A_371] {strides = array<i32>} : memref<160x128xf32, #tpu.memory_space<vmem>>, vector<16xf32>,
        %get3A_373 = arith.index_cast %add3A_369 : i32 to index
        %get3A_374 = arith.constant 48 : index
        %get3A_375 = tpu.vector_load %arg12[%get3A_373, %get3A_374] {strides = array<i32>} : memref<160x128xf32, #tpu.memory_space<vmem>>, vector<16xf32>,
        %mul3A_376 = arith.mulf %get3A_122, %get3A_372 : vector<16xf32>
        %mul3A_377 = arith.mulf %get3A_125, %get3A_375 : vector<16xf32>
        %add3A_378 = arith.addf %mul3A_376, %mul3A_377 : vector<16xf32>
        %add3A_379 = arith.constant 1 : i32
        %add3A_380 = arith.addi %mul3A_120, %add3A_379 : i32
        %add3A_381 = arith.constant 11 : i32
        %add3A_382 = arith.addi %add3A_380, %add3A_381 : i32
        %broadcast_in_dim3A_383 = vector.broadcast %add3A_382 : i32 to vector<16xi32>
        %neg3A_384 = arith.constant 0.000000e+00 : f32
        %neg3A_385 = vector.broadcast %neg3A_384 : f32 to vector<16xf32>
        %neg3A_386 = arith.subf %neg3A_385, %add3A_378 : vector<16xf32>
        tpu.vector_store_idx %arg13[%broadcast_in_dim3A_383], %neg3A_386 {add = true} : memref<10752xf32, #tpu.memory_space<vmem>>[vector<16xi32>], vector<16xf32>,
        %mul3A_387 = arith.constant 20 : i32
        %mul3A_388 = arith.muli %scan3A_115, %mul3A_387 : i32
        %add3A_389 = arith.constant 12 : i32
        %add3A_390 = arith.addi %mul3A_388, %add3A_389 : i32
        %get3A_391 = arith.index_cast %add3A_390 : i32 to index
        %get3A_392 = arith.constant 32 : index
        %get3A_393 = tpu.vector_load %arg12[%get3A_391, %get3A_392] {strides = array<i32>} : memref<160x128xf32, #tpu.memory_space<vmem>>, vector<16xf32>,
        %get3A_394 = arith.index_cast %add3A_390 : i32 to index
        %get3A_395 = arith.constant 48 : index
        %get3A_396 = tpu.vector_load %arg12[%get3A_394, %get3A_395] {strides = array<i32>} : memref<160x128xf32, #tpu.memory_space<vmem>>, vector<16xf32>,
        %mul3A_397 = arith.mulf %get3A_122, %get3A_393 : vector<16xf32>
        %mul3A_398 = arith.mulf %get3A_125, %get3A_396 : vector<16xf32>
        %add3A_399 = arith.addf %mul3A_397, %mul3A_398 : vector<16xf32>
        %add3A_400 = arith.constant 1 : i32
        %add3A_401 = arith.addi %mul3A_120, %add3A_400 : i32
        %add3A_402 = arith.constant 12 : i32
        %add3A_403 = arith.addi %add3A_401, %add3A_402 : i32
        %broadcast_in_dim3A_404 = vector.broadcast %add3A_403 : i32 to vector<16xi32>
        %neg3A_405 = arith.constant 0.000000e+00 : f32
        %neg3A_406 = vector.broadcast %neg3A_405 : f32 to vector<16xf32>
        %neg3A_407 = arith.subf %neg3A_406, %add3A_399 : vector<16xf32>
        tpu.vector_store_idx %arg13[%broadcast_in_dim3A_404], %neg3A_407 {add = true} : memref<10752xf32, #tpu.memory_space<vmem>>[vector<16xi32>], vector<16xf32>,
        %mul3A_408 = arith.constant 20 : i32
        %mul3A_409 = arith.muli %scan3A_115, %mul3A_408 : i32
        %add3A_410 = arith.constant 13 : i32
        %add3A_411 = arith.addi %mul3A_409, %add3A_410 : i32
        %get3A_412 = arith.index_cast %add3A_411 : i32 to index
        %get3A_413 = arith.constant 32 : index
        %get3A_414 = tpu.vector_load %arg12[%get3A_412, %get3A_413] {strides = array<i32>} : memref<160x128xf32, #tpu.memory_space<vmem>>, vector<16xf32>,
        %get3A_415 = arith.index_cast %add3A_411 : i32 to index
        %get3A_416 = arith.constant 48 : index
        %get3A_417 = tpu.vector_load %arg12[%get3A_415, %get3A_416] {strides = array<i32>} : memref<160x128xf32, #tpu.memory_space<vmem>>, vector<16xf32>,
        %mul3A_418 = arith.mulf %get3A_122, %get3A_414 : vector<16xf32>
        %mul3A_419 = arith.mulf %get3A_125, %get3A_417 : vector<16xf32>
        %add3A_420 = arith.addf %mul3A_418, %mul3A_419 : vector<16xf32>
        %add3A_421 = arith.constant 1 : i32
        %add3A_422 = arith.addi %mul3A_120, %add3A_421 : i32
        %add3A_423 = arith.constant 13 : i32
        %add3A_424 = arith.addi %add3A_422, %add3A_423 : i32
        %broadcast_in_dim3A_425 = vector.broadcast %add3A_424 : i32 to vector<16xi32>
        %neg3A_426 = arith.constant 0.000000e+00 : f32
        %neg3A_427 = vector.broadcast %neg3A_426 : f32 to vector<16xf32>
        %neg3A_428 = arith.subf %neg3A_427, %add3A_420 : vector<16xf32>
        tpu.vector_store_idx %arg13[%broadcast_in_dim3A_425], %neg3A_428 {add = true} : memref<10752xf32, #tpu.memory_space<vmem>>[vector<16xi32>], vector<16xf32>,
        %mul3A_429 = arith.constant 20 : i32
        %mul3A_430 = arith.muli %scan3A_115, %mul3A_429 : i32
        %add3A_431 = arith.constant 14 : i32
        %add3A_432 = arith.addi %mul3A_430, %add3A_431 : i32
        %get3A_433 = arith.index_cast %add3A_432 : i32 to index
        %get3A_434 = arith.constant 32 : index
        %get3A_435 = tpu.vector_load %arg12[%get3A_433, %get3A_434] {strides = array<i32>} : memref<160x128xf32, #tpu.memory_space<vmem>>, vector<16xf32>,
        %get3A_436 = arith.index_cast %add3A_432 : i32 to index
        %get3A_437 = arith.constant 48 : index
        %get3A_438 = tpu.vector_load %arg12[%get3A_436, %get3A_437] {strides = array<i32>} : memref<160x128xf32, #tpu.memory_space<vmem>>, vector<16xf32>,
        %mul3A_439 = arith.mulf %get3A_122, %get3A_435 : vector<16xf32>
        %mul3A_440 = arith.mulf %get3A_125, %get3A_438 : vector<16xf32>
        %add3A_441 = arith.addf %mul3A_439, %mul3A_440 : vector<16xf32>
        %add3A_442 = arith.constant 1 : i32
        %add3A_443 = arith.addi %mul3A_120, %add3A_442 : i32
        %add3A_444 = arith.constant 14 : i32
        %add3A_445 = arith.addi %add3A_443, %add3A_444 : i32
        %broadcast_in_dim3A_446 = vector.broadcast %add3A_445 : i32 to vector<16xi32>
        %neg3A_447 = arith.constant 0.000000e+00 : f32
        %neg3A_448 = vector.broadcast %neg3A_447 : f32 to vector<16xf32>
        %neg3A_449 = arith.subf %neg3A_448, %add3A_441 : vector<16xf32>
        tpu.vector_store_idx %arg13[%broadcast_in_dim3A_446], %neg3A_449 {add = true} : memref<10752xf32, #tpu.memory_space<vmem>>[vector<16xi32>], vector<16xf32>,
        %mul3A_450 = arith.constant 20 : i32
        %mul3A_451 = arith.muli %scan3A_115, %mul3A_450 : i32
        %add3A_452 = arith.constant 15 : i32
        %add3A_453 = arith.addi %mul3A_451, %add3A_452 : i32
        %get3A_454 = arith.index_cast %add3A_453 : i32 to index
        %get3A_455 = arith.constant 32 : index
        %get3A_456 = tpu.vector_load %arg12[%get3A_454, %get3A_455] {strides = array<i32>} : memref<160x128xf32, #tpu.memory_space<vmem>>, vector<16xf32>,
        %get3A_457 = arith.index_cast %add3A_453 : i32 to index
        %get3A_458 = arith.constant 48 : index
        %get3A_459 = tpu.vector_load %arg12[%get3A_457, %get3A_458] {strides = array<i32>} : memref<160x128xf32, #tpu.memory_space<vmem>>, vector<16xf32>,
        %mul3A_460 = arith.mulf %get3A_122, %get3A_456 : vector<16xf32>
        %mul3A_461 = arith.mulf %get3A_125, %get3A_459 : vector<16xf32>
        %add3A_462 = arith.addf %mul3A_460, %mul3A_461 : vector<16xf32>
        %add3A_463 = arith.constant 1 : i32
        %add3A_464 = arith.addi %mul3A_120, %add3A_463 : i32
        %add3A_465 = arith.constant 15 : i32
        %add3A_466 = arith.addi %add3A_464, %add3A_465 : i32
        %broadcast_in_dim3A_467 = vector.broadcast %add3A_466 : i32 to vector<16xi32>
        %neg3A_468 = arith.constant 0.000000e+00 : f32
        %neg3A_469 = vector.broadcast %neg3A_468 : f32 to vector<16xf32>
        %neg3A_470 = arith.subf %neg3A_469, %add3A_462 : vector<16xf32>
        tpu.vector_store_idx %arg13[%broadcast_in_dim3A_467], %neg3A_470 {add = true} : memref<10752xf32, #tpu.memory_space<vmem>>[vector<16xi32>], vector<16xf32>,
        %mul3A_471 = arith.constant 20 : i32
        %mul3A_472 = arith.muli %scan3A_115, %mul3A_471 : i32
        %add3A_473 = arith.constant 16 : i32
        %add3A_474 = arith.addi %mul3A_472, %add3A_473 : i32
        %get3A_475 = arith.index_cast %add3A_474 : i32 to index
        %get3A_476 = arith.constant 32 : index
        %get3A_477 = tpu.vector_load %arg12[%get3A_475, %get3A_476] {strides = array<i32>} : memref<160x128xf32, #tpu.memory_space<vmem>>, vector<16xf32>,
        %get3A_478 = arith.index_cast %add3A_474 : i32 to index
        %get3A_479 = arith.constant 48 : index
        %get3A_480 = tpu.vector_load %arg12[%get3A_478, %get3A_479] {strides = array<i32>} : memref<160x128xf32, #tpu.memory_space<vmem>>, vector<16xf32>,
        %mul3A_481 = arith.mulf %get3A_122, %get3A_477 : vector<16xf32>
        %mul3A_482 = arith.mulf %get3A_125, %get3A_480 : vector<16xf32>
        %add3A_483 = arith.addf %mul3A_481, %mul3A_482 : vector<16xf32>
        %add3A_484 = arith.constant 1 : i32
        %add3A_485 = arith.addi %mul3A_120, %add3A_484 : i32
        %add3A_486 = arith.constant 16 : i32
        %add3A_487 = arith.addi %add3A_485, %add3A_486 : i32
        %broadcast_in_dim3A_488 = vector.broadcast %add3A_487 : i32 to vector<16xi32>
        %neg3A_489 = arith.constant 0.000000e+00 : f32
        %neg3A_490 = vector.broadcast %neg3A_489 : f32 to vector<16xf32>
        %neg3A_491 = arith.subf %neg3A_490, %add3A_483 : vector<16xf32>
        tpu.vector_store_idx %arg13[%broadcast_in_dim3A_488], %neg3A_491 {add = true} : memref<10752xf32, #tpu.memory_space<vmem>>[vector<16xi32>], vector<16xf32>,
        %mul3A_492 = arith.constant 20 : i32
        %mul3A_493 = arith.muli %scan3A_115, %mul3A_492 : i32
        %add3A_494 = arith.constant 17 : i32
        %add3A_495 = arith.addi %mul3A_493, %add3A_494 : i32
        %get3A_496 = arith.index_cast %add3A_495 : i32 to index
        %get3A_497 = arith.constant 32 : index
        %get3A_498 = tpu.vector_load %arg12[%get3A_496, %get3A_497] {strides = array<i32>} : memref<160x128xf32, #tpu.memory_space<vmem>>, vector<16xf32>,
        %get3A_499 = arith.index_cast %add3A_495 : i32 to index
        %get3A_500 = arith.constant 48 : index
        %get3A_501 = tpu.vector_load %arg12[%get3A_499, %get3A_500] {strides = array<i32>} : memref<160x128xf32, #tpu.memory_space<vmem>>, vector<16xf32>,
        %mul3A_502 = arith.mulf %get3A_122, %get3A_498 : vector<16xf32>
        %mul3A_503 = arith.mulf %get3A_125, %get3A_501 : vector<16xf32>
        %add3A_504 = arith.addf %mul3A_502, %mul3A_503 : vector<16xf32>
        %add3A_505 = arith.constant 1 : i32
        %add3A_506 = arith.addi %mul3A_120, %add3A_505 : i32
        %add3A_507 = arith.constant 17 : i32
        %add3A_508 = arith.addi %add3A_506, %add3A_507 : i32
        %broadcast_in_dim3A_509 = vector.broadcast %add3A_508 : i32 to vector<16xi32>
        %neg3A_510 = arith.constant 0.000000e+00 : f32
        %neg3A_511 = vector.broadcast %neg3A_510 : f32 to vector<16xf32>
        %neg3A_512 = arith.subf %neg3A_511, %add3A_504 : vector<16xf32>
        tpu.vector_store_idx %arg13[%broadcast_in_dim3A_509], %neg3A_512 {add = true} : memref<10752xf32, #tpu.memory_space<vmem>>[vector<16xi32>], vector<16xf32>,
        %mul3A_513 = arith.constant 20 : i32
        %mul3A_514 = arith.muli %scan3A_115, %mul3A_513 : i32
        %add3A_515 = arith.constant 18 : i32
        %add3A_516 = arith.addi %mul3A_514, %add3A_515 : i32
        %get3A_517 = arith.index_cast %add3A_516 : i32 to index
        %get3A_518 = arith.constant 32 : index
        %get3A_519 = tpu.vector_load %arg12[%get3A_517, %get3A_518] {strides = array<i32>} : memref<160x128xf32, #tpu.memory_space<vmem>>, vector<16xf32>,
        %get3A_520 = arith.index_cast %add3A_516 : i32 to index
        %get3A_521 = arith.constant 48 : index
        %get3A_522 = tpu.vector_load %arg12[%get3A_520, %get3A_521] {strides = array<i32>} : memref<160x128xf32, #tpu.memory_space<vmem>>, vector<16xf32>,
        %mul3A_523 = arith.mulf %get3A_122, %get3A_519 : vector<16xf32>
        %mul3A_524 = arith.mulf %get3A_125, %get3A_522 : vector<16xf32>
        %add3A_525 = arith.addf %mul3A_523, %mul3A_524 : vector<16xf32>
        %add3A_526 = arith.constant 1 : i32
        %add3A_527 = arith.addi %mul3A_120, %add3A_526 : i32
        %add3A_528 = arith.constant 18 : i32
        %add3A_529 = arith.addi %add3A_527, %add3A_528 : i32
        %broadcast_in_dim3A_530 = vector.broadcast %add3A_529 : i32 to vector<16xi32>
        %neg3A_531 = arith.constant 0.000000e+00 : f32
        %neg3A_532 = vector.broadcast %neg3A_531 : f32 to vector<16xf32>
        %neg3A_533 = arith.subf %neg3A_532, %add3A_525 : vector<16xf32>
        tpu.vector_store_idx %arg13[%broadcast_in_dim3A_530], %neg3A_533 {add = true} : memref<10752xf32, #tpu.memory_space<vmem>>[vector<16xi32>], vector<16xf32>,
        %mul3A_534 = arith.constant 20 : i32
        %mul3A_535 = arith.muli %scan3A_115, %mul3A_534 : i32
        %add3A_536 = arith.constant 19 : i32
        %add3A_537 = arith.addi %mul3A_535, %add3A_536 : i32
        %get3A_538 = arith.index_cast %add3A_537 : i32 to index
        %get3A_539 = arith.constant 32 : index
        %get3A_540 = tpu.vector_load %arg12[%get3A_538, %get3A_539] {strides = array<i32>} : memref<160x128xf32, #tpu.memory_space<vmem>>, vector<16xf32>,
        %get3A_541 = arith.index_cast %add3A_537 : i32 to index
        %get3A_542 = arith.constant 48 : index
        %get3A_543 = tpu.vector_load %arg12[%get3A_541, %get3A_542] {strides = array<i32>} : memref<160x128xf32, #tpu.memory_space<vmem>>, vector<16xf32>,
        %mul3A_544 = arith.mulf %get3A_122, %get3A_540 : vector<16xf32>
        %mul3A_545 = arith.mulf %get3A_125, %get3A_543 : vector<16xf32>
        %add3A_546 = arith.addf %mul3A_544, %mul3A_545 : vector<16xf32>
        %add3A_547 = arith.constant 1 : i32
        %add3A_548 = arith.addi %mul3A_120, %add3A_547 : i32
        %add3A_549 = arith.constant 19 : i32
        %add3A_550 = arith.addi %add3A_548, %add3A_549 : i32
        %broadcast_in_dim3A_551 = vector.broadcast %add3A_550 : i32 to vector<16xi32>
        %neg3A_552 = arith.constant 0.000000e+00 : f32
        %neg3A_553 = vector.broadcast %neg3A_552 : f32 to vector<16xf32>
        %neg3A_554 = arith.subf %neg3A_553, %add3A_546 : vector<16xf32>
        tpu.vector_store_idx %arg13[%broadcast_in_dim3A_551], %neg3A_554 {add = true} : memref<10752xf32, #tpu.memory_space<vmem>>[vector<16xi32>], vector<16xf32>,
      }
      %scan3A_114 = arith.constant 8 : i32
    }
    %scan3A_37 = arith.constant 32 : i32
    %mul3A_38 = arith.constant 21 : i32
    %mul3A_39 = arith.muli %mul3A_2, %mul3A_38 : i32
    "tpu.region"() ({
      %run_scoped3A = tpu.sem_alloc : memref<!tpu.dma_semaphore, #tpu.memory_space<semaphore_mem>>
      %dma_start3A_40 = tpu.memref_slice %arg6[%mul3A_39] : memref<344064xf32, #tpu.memory_space<hbm>> -> memref<10752xf32, #tpu.memory_space<hbm>>
      %dma_start3A_41 = tpu.memref_slice %arg6[%mul3A_39] : memref<344064xf32, #tpu.memory_space<hbm>> -> memref<10752xf32, #tpu.memory_space<hbm>>
      tpu.enqueue_dma source(%arg13 : memref<10752xf32, #tpu.memory_space<vmem>>) target(%dma_start3A_41 : memref<10752xf32, #tpu.memory_space<hbm>>) target_semaphore(%run_scoped3A : memref<!tpu.dma_semaphore, #tpu.memory_space<semaphore_mem>>)
      %dma_wait3A = tpu.memref_slice %arg6[%mul3A_39] : memref<344064xf32, #tpu.memory_space<hbm>> -> memref<10752xf32, #tpu.memory_space<hbm>>
      %dma_wait3A_42 = tpu.memref_slice %arg6[%mul3A_39] : memref<344064xf32, #tpu.memory_space<hbm>> -> memref<10752xf32, #tpu.memory_space<hbm>>
      tpu.wait_dma2 semaphore(%run_scoped3A : memref<!tpu.dma_semaphore, #tpu.memory_space<semaphore_mem>>) src(%arg13 : memref<10752xf32, #tpu.memory_space<vmem>>) dst(%dma_wait3A_42 : memref<10752xf32, #tpu.memory_space<hbm>>)
      tpu.yield
    }) : () -> ()
    return
  }
}

#map = affine_map<(d0, d1) -> (0)>
#map1 = affine_map<(d0, d1) -> (0, 0)>
module attributes {stable_mosaic.version = 14 : i64} {
  func.func @k(%arg0: i32, %arg1: i32, %arg2: memref<16384xi32, #tpu.memory_space<hbm>>, %arg3: memref<16384xi32, #tpu.memory_space<hbm>>, %arg4: memref<327680xi32, #tpu.memory_space<hbm>>, %arg5: memref<1000000x128xf32, #tpu.memory_space<hbm>>, %arg6: memref<344064xf32, #tpu.memory_space<hbm>>, %arg7: memref<512xi32, #tpu.memory_space<vmem>>, %arg8: memref<512xi32, #tpu.memory_space<vmem>>, %arg9: memref<10240xi32, #tpu.memory_space<vmem>>, %arg10: memref<512x64xf32, #tpu.memory_space<vmem>>, %arg11: memref<160x128xf32, #tpu.memory_space<vmem>>, %arg12: memref<160x128xf32, #tpu.memory_space<vmem>>, %arg13: memref<10752xf32, #tpu.memory_space<vmem>>, %arg14: memref<!tpu.dma_semaphore, #tpu.memory_space<semaphore_mem>>, %arg15: memref<!tpu.dma_semaphore, #tpu.memory_space<semaphore_mem>>) attributes {dimension_semantics = [#tpu.dimension_semantics<core_parallel>, #tpu.dimension_semantics<subcore_parallel>], iteration_bounds = array<i64: 2, 16>, scalar_prefetch = 0 : i64, scratch_operands = 9 : i64, tpu.core_type = #tpu.core_type<sc_vector_subcore>, window_params = [{transform_indices = #map}, {transform_indices = #map}, {transform_indices = #map}, {transform_indices = #map1}, {transform_indices = #map}]} {
    %mul3A = arith.constant 2 : i32
    %mul3A_0 = arith.muli %arg1, %mul3A : i32
    %add3A = arith.addi %mul3A_0, %arg0 : i32
    %mul3A_1 = arith.constant 512 : i32
    %mul3A_2 = arith.muli %add3A, %mul3A_1 : i32
    %broadcast_in_dim3A = arith.constant 0.000000e+00 : f32
    %broadcast_in_dim3A_3 = vector.broadcast %broadcast_in_dim3A : f32 to vector<16xf32>
    %scan3A = arith.constant 0 : i32
    %scan3A_4 = arith.constant 0 : i32
    %scan3A_5 = arith.constant 672 : i32
    %scan3A_6 = arith.addi %scan3A_4, %scan3A_5 : i32
    %scan3A_7 = arith.constant 1 : i32
    scf.for %scan3A_40 = %scan3A_4 to %scan3A_6 step %scan3A_7  : i32 {
      %mul3A_41 = arith.constant 16 : i32
      %mul3A_42 = arith.muli %scan3A_40, %mul3A_41 : i32
      %swap3A = arith.index_cast %mul3A_42 : i32 to index
      %swap3A_43 = tpu.vector_load %arg13[%swap3A] {strides = array<i32>} : memref<10752xf32, #tpu.memory_space<vmem>>, vector<16xf32>,
      tpu.vector_store %arg13[%swap3A], %broadcast_in_dim3A_3 {strides = array<i32>} : memref<10752xf32, #tpu.memory_space<vmem>>, vector<16xf32>,
    }
    %scan3A_8 = arith.constant 672 : i32
    "tpu.region"() ({
      %run_scoped3A = tpu.sem_alloc : memref<!tpu.dma_semaphore, #tpu.memory_space<semaphore_mem>>
      %dma_start3A_40 = tpu.memref_slice %arg2[%mul3A_2] : memref<16384xi32, #tpu.memory_space<hbm>> -> memref<512xi32, #tpu.memory_space<hbm>>
      %dma_start3A_41 = tpu.memref_slice %arg2[%mul3A_2] : memref<16384xi32, #tpu.memory_space<hbm>> -> memref<512xi32, #tpu.memory_space<hbm>>
      tpu.enqueue_dma source(%dma_start3A_41 : memref<512xi32, #tpu.memory_space<hbm>>) target(%arg7 : memref<512xi32, #tpu.memory_space<vmem>>) target_semaphore(%run_scoped3A : memref<!tpu.dma_semaphore, #tpu.memory_space<semaphore_mem>>)
      %dma_wait3A = tpu.memref_slice %arg2[%mul3A_2] : memref<16384xi32, #tpu.memory_space<hbm>> -> memref<512xi32, #tpu.memory_space<hbm>>
      %dma_wait3A_42 = tpu.memref_slice %arg2[%mul3A_2] : memref<16384xi32, #tpu.memory_space<hbm>> -> memref<512xi32, #tpu.memory_space<hbm>>
      tpu.wait_dma2 semaphore(%run_scoped3A : memref<!tpu.dma_semaphore, #tpu.memory_space<semaphore_mem>>) src(%dma_wait3A_42 : memref<512xi32, #tpu.memory_space<hbm>>) dst(%arg7 : memref<512xi32, #tpu.memory_space<vmem>>)
      tpu.yield
    }) : () -> ()
    "tpu.region"() ({
      %run_scoped3A = tpu.sem_alloc : memref<!tpu.dma_semaphore, #tpu.memory_space<semaphore_mem>>
      %dma_start3A_40 = tpu.memref_slice %arg3[%mul3A_2] : memref<16384xi32, #tpu.memory_space<hbm>> -> memref<512xi32, #tpu.memory_space<hbm>>
      %dma_start3A_41 = tpu.memref_slice %arg3[%mul3A_2] : memref<16384xi32, #tpu.memory_space<hbm>> -> memref<512xi32, #tpu.memory_space<hbm>>
      tpu.enqueue_dma source(%dma_start3A_41 : memref<512xi32, #tpu.memory_space<hbm>>) target(%arg8 : memref<512xi32, #tpu.memory_space<vmem>>) target_semaphore(%run_scoped3A : memref<!tpu.dma_semaphore, #tpu.memory_space<semaphore_mem>>)
      %dma_wait3A = tpu.memref_slice %arg3[%mul3A_2] : memref<16384xi32, #tpu.memory_space<hbm>> -> memref<512xi32, #tpu.memory_space<hbm>>
      %dma_wait3A_42 = tpu.memref_slice %arg3[%mul3A_2] : memref<16384xi32, #tpu.memory_space<hbm>> -> memref<512xi32, #tpu.memory_space<hbm>>
      tpu.wait_dma2 semaphore(%run_scoped3A : memref<!tpu.dma_semaphore, #tpu.memory_space<semaphore_mem>>) src(%dma_wait3A_42 : memref<512xi32, #tpu.memory_space<hbm>>) dst(%arg8 : memref<512xi32, #tpu.memory_space<vmem>>)
      tpu.yield
    }) : () -> ()
    %mul3A_9 = arith.constant 20 : i32
    %mul3A_10 = arith.muli %mul3A_2, %mul3A_9 : i32
    "tpu.region"() ({
      %run_scoped3A = tpu.sem_alloc : memref<!tpu.dma_semaphore, #tpu.memory_space<semaphore_mem>>
      %dma_start3A_40 = tpu.memref_slice %arg4[%mul3A_10] : memref<327680xi32, #tpu.memory_space<hbm>> -> memref<10240xi32, #tpu.memory_space<hbm>>
      %dma_start3A_41 = tpu.memref_slice %arg4[%mul3A_10] : memref<327680xi32, #tpu.memory_space<hbm>> -> memref<10240xi32, #tpu.memory_space<hbm>>
      tpu.enqueue_dma source(%dma_start3A_41 : memref<10240xi32, #tpu.memory_space<hbm>>) target(%arg9 : memref<10240xi32, #tpu.memory_space<vmem>>) target_semaphore(%run_scoped3A : memref<!tpu.dma_semaphore, #tpu.memory_space<semaphore_mem>>)
      %dma_wait3A = tpu.memref_slice %arg4[%mul3A_10] : memref<327680xi32, #tpu.memory_space<hbm>> -> memref<10240xi32, #tpu.memory_space<hbm>>
      %dma_wait3A_42 = tpu.memref_slice %arg4[%mul3A_10] : memref<327680xi32, #tpu.memory_space<hbm>> -> memref<10240xi32, #tpu.memory_space<hbm>>
      tpu.wait_dma2 semaphore(%run_scoped3A : memref<!tpu.dma_semaphore, #tpu.memory_space<semaphore_mem>>) src(%dma_wait3A_42 : memref<10240xi32, #tpu.memory_space<hbm>>) dst(%arg9 : memref<10240xi32, #tpu.memory_space<vmem>>)
      tpu.yield
    }) : () -> ()
    %scan3A_11 = arith.constant 0 : i32
    %scan3A_12 = arith.constant 0 : i32
    %scan3A_13 = arith.constant 4 : i32
    %scan3A_14 = arith.addi %scan3A_12, %scan3A_13 : i32
    %scan3A_15 = arith.constant 1 : i32
    scf.for %scan3A_40 = %scan3A_12 to %scan3A_14 step %scan3A_15  : i32 {
      %mul3A_41 = arith.constant 128 : i32
      %mul3A_42 = arith.muli %scan3A_40, %mul3A_41 : i32
      %dma_start3A_43 = arith.constant 0 : i32
      %dma_start3A_44 = arith.constant 0 : i32
      %dma_start3A_45 = tpu.memref_slice %arg11[%dma_start3A_43, %dma_start3A_44] : memref<160x128xf32, #tpu.memory_space<vmem>> -> memref<128x128xf32, #tpu.memory_space<vmem>>
      %dma_start3A_46 = tpu.memref_slice %arg7[%mul3A_42] : memref<512xi32, #tpu.memory_space<vmem>> -> memref<128xi32, #tpu.memory_space<vmem>>
      %dma_start3A_47 = arith.constant 0 : i32
      %dma_start3A_48 = arith.constant 0 : i32
      %dma_start3A_49 = tpu.memref_slice %arg5[%dma_start3A_47, %dma_start3A_48] : memref<1000000x128xf32, #tpu.memory_space<hbm>> -> memref<1000000x128xf32, #tpu.memory_space<hbm>>
      tpu.enqueue_indirect_dma source(%dma_start3A_49 : memref<1000000x128xf32, #tpu.memory_space<hbm>>) target(%dma_start3A_45 : memref<128x128xf32, #tpu.memory_space<vmem>>) offsets(%dma_start3A_46 : memref<128xi32, #tpu.memory_space<vmem>>) semaphore(%arg14 : memref<!tpu.dma_semaphore, #tpu.memory_space<semaphore_mem>>)
      %dma_wait3A = arith.constant 0 : i32
      %dma_wait3A_50 = arith.constant 0 : i32
      %dma_wait3A_51 = tpu.memref_slice %arg11[%dma_wait3A, %dma_wait3A_50] : memref<160x128xf32, #tpu.memory_space<vmem>> -> memref<128x128xf32, #tpu.memory_space<vmem>>
      %dma_wait3A_52 = tpu.memref_slice %arg7[%mul3A_42] : memref<512xi32, #tpu.memory_space<vmem>> -> memref<128xi32, #tpu.memory_space<vmem>>
      %dma_wait3A_53 = arith.constant 0 : i32
      %dma_wait3A_54 = arith.constant 0 : i32
      %dma_wait3A_55 = tpu.memref_slice %arg5[%dma_wait3A_53, %dma_wait3A_54] : memref<1000000x128xf32, #tpu.memory_space<hbm>> -> memref<1000000x128xf32, #tpu.memory_space<hbm>>
      tpu.wait_indirect_dma semaphore(%arg14 : memref<!tpu.dma_semaphore, #tpu.memory_space<semaphore_mem>>) src(%dma_wait3A_55 : memref<1000000x128xf32, #tpu.memory_space<hbm>>) dst(%dma_wait3A_51 : memref<128x128xf32, #tpu.memory_space<vmem>>)
      %scan3A_56 = arith.constant 0 : i32
      %scan3A_57 = arith.constant 128 : i32
      %scan3A_58 = arith.addi %scan3A_56, %scan3A_57 : i32
      %scan3A_59 = arith.constant 1 : i32
      scf.for %scan3A_80 = %scan3A_56 to %scan3A_58 step %scan3A_59  : i32 {
        %mul3A_81 = arith.constant 128 : i32
        %mul3A_82 = arith.muli %scan3A_40, %mul3A_81 : i32
        %add3A_83 = arith.addi %mul3A_82, %scan3A_80 : i32
        %get3A = arith.index_cast %scan3A_80 : i32 to index
        %get3A_84 = arith.constant 0 : index
        %get3A_85 = tpu.vector_load %arg11[%get3A, %get3A_84] {strides = array<i32>} : memref<160x128xf32, #tpu.memory_space<vmem>>, vector<16xf32>,
        %swap3A = arith.index_cast %add3A_83 : i32 to index
        %swap3A_86 = arith.constant 0 : index
        %swap3A_87 = tpu.vector_load %arg10[%swap3A, %swap3A_86] {strides = array<i32>} : memref<512x64xf32, #tpu.memory_space<vmem>>, vector<16xf32>,
        tpu.vector_store %arg10[%swap3A, %swap3A_86], %get3A_85 {strides = array<i32>} : memref<512x64xf32, #tpu.memory_space<vmem>>, vector<16xf32>,
        %get3A_88 = arith.index_cast %scan3A_80 : i32 to index
        %get3A_89 = arith.constant 16 : index
        %get3A_90 = tpu.vector_load %arg11[%get3A_88, %get3A_89] {strides = array<i32>} : memref<160x128xf32, #tpu.memory_space<vmem>>, vector<16xf32>,
        %swap3A_91 = arith.index_cast %add3A_83 : i32 to index
        %swap3A_92 = arith.constant 16 : index
        %swap3A_93 = tpu.vector_load %arg10[%swap3A_91, %swap3A_92] {strides = array<i32>} : memref<512x64xf32, #tpu.memory_space<vmem>>, vector<16xf32>,
        tpu.vector_store %arg10[%swap3A_91, %swap3A_92], %get3A_90 {strides = array<i32>} : memref<512x64xf32, #tpu.memory_space<vmem>>, vector<16xf32>,
      }
      %scan3A_60 = arith.constant 128 : i32
      %dma_start3A_61 = arith.constant 0 : i32
      %dma_start3A_62 = arith.constant 0 : i32
      %dma_start3A_63 = tpu.memref_slice %arg11[%dma_start3A_61, %dma_start3A_62] : memref<160x128xf32, #tpu.memory_space<vmem>> -> memref<128x128xf32, #tpu.memory_space<vmem>>
      %dma_start3A_64 = tpu.memref_slice %arg8[%mul3A_42] : memref<512xi32, #tpu.memory_space<vmem>> -> memref<128xi32, #tpu.memory_space<vmem>>
      %dma_start3A_65 = arith.constant 0 : i32
      %dma_start3A_66 = arith.constant 0 : i32
      %dma_start3A_67 = tpu.memref_slice %arg5[%dma_start3A_65, %dma_start3A_66] : memref<1000000x128xf32, #tpu.memory_space<hbm>> -> memref<1000000x128xf32, #tpu.memory_space<hbm>>
      tpu.enqueue_indirect_dma source(%dma_start3A_67 : memref<1000000x128xf32, #tpu.memory_space<hbm>>) target(%dma_start3A_63 : memref<128x128xf32, #tpu.memory_space<vmem>>) offsets(%dma_start3A_64 : memref<128xi32, #tpu.memory_space<vmem>>) semaphore(%arg14 : memref<!tpu.dma_semaphore, #tpu.memory_space<semaphore_mem>>)
      %dma_wait3A_68 = arith.constant 0 : i32
      %dma_wait3A_69 = arith.constant 0 : i32
      %dma_wait3A_70 = tpu.memref_slice %arg11[%dma_wait3A_68, %dma_wait3A_69] : memref<160x128xf32, #tpu.memory_space<vmem>> -> memref<128x128xf32, #tpu.memory_space<vmem>>
      %dma_wait3A_71 = tpu.memref_slice %arg8[%mul3A_42] : memref<512xi32, #tpu.memory_space<vmem>> -> memref<128xi32, #tpu.memory_space<vmem>>
      %dma_wait3A_72 = arith.constant 0 : i32
      %dma_wait3A_73 = arith.constant 0 : i32
      %dma_wait3A_74 = tpu.memref_slice %arg5[%dma_wait3A_72, %dma_wait3A_73] : memref<1000000x128xf32, #tpu.memory_space<hbm>> -> memref<1000000x128xf32, #tpu.memory_space<hbm>>
      tpu.wait_indirect_dma semaphore(%arg14 : memref<!tpu.dma_semaphore, #tpu.memory_space<semaphore_mem>>) src(%dma_wait3A_74 : memref<1000000x128xf32, #tpu.memory_space<hbm>>) dst(%dma_wait3A_70 : memref<128x128xf32, #tpu.memory_space<vmem>>)
      %scan3A_75 = arith.constant 0 : i32
      %scan3A_76 = arith.constant 128 : i32
      %scan3A_77 = arith.addi %scan3A_75, %scan3A_76 : i32
      %scan3A_78 = arith.constant 1 : i32
      scf.for %scan3A_80 = %scan3A_75 to %scan3A_77 step %scan3A_78  : i32 {
        %mul3A_81 = arith.constant 128 : i32
        %mul3A_82 = arith.muli %scan3A_40, %mul3A_81 : i32
        %add3A_83 = arith.addi %mul3A_82, %scan3A_80 : i32
        %get3A = arith.index_cast %scan3A_80 : i32 to index
        %get3A_84 = arith.constant 32 : index
        %get3A_85 = tpu.vector_load %arg11[%get3A, %get3A_84] {strides = array<i32>} : memref<160x128xf32, #tpu.memory_space<vmem>>, vector<16xf32>,
        %swap3A = arith.index_cast %add3A_83 : i32 to index
        %swap3A_86 = arith.constant 32 : index
        %swap3A_87 = tpu.vector_load %arg10[%swap3A, %swap3A_86] {strides = array<i32>} : memref<512x64xf32, #tpu.memory_space<vmem>>, vector<16xf32>,
        tpu.vector_store %arg10[%swap3A, %swap3A_86], %get3A_85 {strides = array<i32>} : memref<512x64xf32, #tpu.memory_space<vmem>>, vector<16xf32>,
        %get3A_88 = arith.index_cast %scan3A_80 : i32 to index
        %get3A_89 = arith.constant 48 : index
        %get3A_90 = tpu.vector_load %arg11[%get3A_88, %get3A_89] {strides = array<i32>} : memref<160x128xf32, #tpu.memory_space<vmem>>, vector<16xf32>,
        %swap3A_91 = arith.index_cast %add3A_83 : i32 to index
        %swap3A_92 = arith.constant 48 : index
        %swap3A_93 = tpu.vector_load %arg10[%swap3A_91, %swap3A_92] {strides = array<i32>} : memref<512x64xf32, #tpu.memory_space<vmem>>, vector<16xf32>,
        tpu.vector_store %arg10[%swap3A_91, %swap3A_92], %get3A_90 {strides = array<i32>} : memref<512x64xf32, #tpu.memory_space<vmem>>, vector<16xf32>,
      }
      %scan3A_79 = arith.constant 128 : i32
    }
    %scan3A_16 = arith.constant 4 : i32
    %dma_start3A = arith.constant 0 : i32
    %dma_start3A_17 = arith.constant 0 : i32
    %dma_start3A_18 = tpu.memref_slice %arg11[%dma_start3A, %dma_start3A_17] : memref<160x128xf32, #tpu.memory_space<vmem>> -> memref<128x128xf32, #tpu.memory_space<vmem>>
    %dma_start3A_19 = arith.constant 0 : i32
    %dma_start3A_20 = tpu.memref_slice %arg9[%dma_start3A_19] : memref<10240xi32, #tpu.memory_space<vmem>> -> memref<128xi32, #tpu.memory_space<vmem>>
    %dma_start3A_21 = arith.constant 0 : i32
    %dma_start3A_22 = arith.constant 0 : i32
    %dma_start3A_23 = tpu.memref_slice %arg5[%dma_start3A_21, %dma_start3A_22] : memref<1000000x128xf32, #tpu.memory_space<hbm>> -> memref<1000000x128xf32, #tpu.memory_space<hbm>>
    tpu.enqueue_indirect_dma source(%dma_start3A_23 : memref<1000000x128xf32, #tpu.memory_space<hbm>>) target(%dma_start3A_18 : memref<128x128xf32, #tpu.memory_space<vmem>>) offsets(%dma_start3A_20 : memref<128xi32, #tpu.memory_space<vmem>>) semaphore(%arg14 : memref<!tpu.dma_semaphore, #tpu.memory_space<semaphore_mem>>)
    %dma_start3A_24 = arith.constant 128 : i32
    %dma_start3A_25 = arith.constant 0 : i32
    %dma_start3A_26 = tpu.memref_slice %arg11[%dma_start3A_24, %dma_start3A_25] : memref<160x128xf32, #tpu.memory_space<vmem>> -> memref<32x128xf32, #tpu.memory_space<vmem>>
    %dma_start3A_27 = arith.constant 128 : i32
    %dma_start3A_28 = tpu.memref_slice %arg9[%dma_start3A_27] : memref<10240xi32, #tpu.memory_space<vmem>> -> memref<32xi32, #tpu.memory_space<vmem>>
    %dma_start3A_29 = arith.constant 0 : i32
    %dma_start3A_30 = arith.constant 0 : i32
    %dma_start3A_31 = tpu.memref_slice %arg5[%dma_start3A_29, %dma_start3A_30] : memref<1000000x128xf32, #tpu.memory_space<hbm>> -> memref<1000000x128xf32, #tpu.memory_space<hbm>>
    tpu.enqueue_indirect_dma source(%dma_start3A_31 : memref<1000000x128xf32, #tpu.memory_space<hbm>>) target(%dma_start3A_26 : memref<32x128xf32, #tpu.memory_space<vmem>>) offsets(%dma_start3A_28 : memref<32xi32, #tpu.memory_space<vmem>>) semaphore(%arg14 : memref<!tpu.dma_semaphore, #tpu.memory_space<semaphore_mem>>)
    %scan3A_32 = arith.constant 0 : i32
    %scan3A_33 = arith.constant 0 : i32
    %scan3A_34 = arith.constant 32 : i32
    %scan3A_35 = arith.addi %scan3A_33, %scan3A_34 : i32
    %scan3A_36 = arith.constant 1 : i32
    scf.for %scan3A_40 = %scan3A_33 to %scan3A_35 step %scan3A_36  : i32 {
      %mul3A_41 = arith.constant 2 : i32
      %mul3A_42 = arith.muli %scan3A_40, %mul3A_41 : i32
      %add3A_43 = arith.constant 0 : i32
      %add3A_44 = arith.addi %mul3A_42, %add3A_43 : i32
      %add3A_45 = arith.constant 1 : i32
      %add3A_46 = arith.addi %add3A_44, %add3A_45 : i32
      %lt3A = arith.constant 64 : i32
      %lt3A_47 = arith.cmpi slt, %add3A_46, %lt3A : i32
      %convert_element_type3A = arith.extui %lt3A_47 : i1 to i32
      %cond3A = arith.constant 0 : i32
      %cond3A_48 = arith.cmpi ne, %convert_element_type3A, %cond3A : i32
      scf.if %cond3A_48 {
        %add3A_115 = arith.constant 1 : i32
        %add3A_116 = arith.addi %add3A_44, %add3A_115 : i32
        %mul3A_117 = arith.constant 160 : i32
        %mul3A_118 = arith.muli %add3A_116, %mul3A_117 : i32
        %add3A_119 = arith.constant 0 : i32
        %add3A_120 = arith.addi %mul3A_118, %add3A_119 : i32
        %mul3A_121 = arith.constant 160 : i32
        %mul3A_122 = arith.muli %add3A_116, %mul3A_121 : i32
        %add3A_123 = arith.constant 128 : i32
        %add3A_124 = arith.addi %mul3A_122, %add3A_123 : i32
        %dma_start3A_125 = arith.constant 0 : i32
        %dma_start3A_126 = arith.constant 0 : i32
        %dma_start3A_127 = tpu.memref_slice %arg12[%dma_start3A_125, %dma_start3A_126] : memref<160x128xf32, #tpu.memory_space<vmem>> -> memref<128x128xf32, #tpu.memory_space<vmem>>
        %dma_start3A_128 = tpu.memref_slice %arg9[%add3A_120] : memref<10240xi32, #tpu.memory_space<vmem>> -> memref<128xi32, #tpu.memory_space<vmem>>
        %dma_start3A_129 = arith.constant 0 : i32
        %dma_start3A_130 = arith.constant 0 : i32
        %dma_start3A_131 = tpu.memref_slice %arg5[%dma_start3A_129, %dma_start3A_130] : memref<1000000x128xf32, #tpu.memory_space<hbm>> -> memref<1000000x128xf32, #tpu.memory_space<hbm>>
        tpu.enqueue_indirect_dma source(%dma_start3A_131 : memref<1000000x128xf32, #tpu.memory_space<hbm>>) target(%dma_start3A_127 : memref<128x128xf32, #tpu.memory_space<vmem>>) offsets(%dma_start3A_128 : memref<128xi32, #tpu.memory_space<vmem>>) semaphore(%arg15 : memref<!tpu.dma_semaphore, #tpu.memory_space<semaphore_mem>>)
        %dma_start3A_132 = arith.constant 128 : i32
        %dma_start3A_133 = arith.constant 0 : i32
        %dma_start3A_134 = tpu.memref_slice %arg12[%dma_start3A_132, %dma_start3A_133] : memref<160x128xf32, #tpu.memory_space<vmem>> -> memref<32x128xf32, #tpu.memory_space<vmem>>
        %dma_start3A_135 = tpu.memref_slice %arg9[%add3A_124] : memref<10240xi32, #tpu.memory_space<vmem>> -> memref<32xi32, #tpu.memory_space<vmem>>
        %dma_start3A_136 = arith.constant 0 : i32
        %dma_start3A_137 = arith.constant 0 : i32
        %dma_start3A_138 = tpu.memref_slice %arg5[%dma_start3A_136, %dma_start3A_137] : memref<1000000x128xf32, #tpu.memory_space<hbm>> -> memref<1000000x128xf32, #tpu.memory_space<hbm>>
        tpu.enqueue_indirect_dma source(%dma_start3A_138 : memref<1000000x128xf32, #tpu.memory_space<hbm>>) target(%dma_start3A_134 : memref<32x128xf32, #tpu.memory_space<vmem>>) offsets(%dma_start3A_135 : memref<32xi32, #tpu.memory_space<vmem>>) semaphore(%arg15 : memref<!tpu.dma_semaphore, #tpu.memory_space<semaphore_mem>>)
      } else {
      }
      %mul3A_49 = arith.constant 160 : i32
      %mul3A_50 = arith.muli %add3A_44, %mul3A_49 : i32
      %add3A_51 = arith.constant 0 : i32
      %add3A_52 = arith.addi %mul3A_50, %add3A_51 : i32
      %mul3A_53 = arith.constant 160 : i32
      %mul3A_54 = arith.muli %add3A_44, %mul3A_53 : i32
      %add3A_55 = arith.constant 128 : i32
      %add3A_56 = arith.addi %mul3A_54, %add3A_55 : i32
      %dma_wait3A = arith.constant 0 : i32
      %dma_wait3A_57 = arith.constant 0 : i32
      %dma_wait3A_58 = tpu.memref_slice %arg11[%dma_wait3A, %dma_wait3A_57] : memref<160x128xf32, #tpu.memory_space<vmem>> -> memref<128x128xf32, #tpu.memory_space<vmem>>
      %dma_wait3A_59 = tpu.memref_slice %arg9[%add3A_52] : memref<10240xi32, #tpu.memory_space<vmem>> -> memref<128xi32, #tpu.memory_space<vmem>>
      %dma_wait3A_60 = arith.constant 0 : i32
      %dma_wait3A_61 = arith.constant 0 : i32
      %dma_wait3A_62 = tpu.memref_slice %arg5[%dma_wait3A_60, %dma_wait3A_61] : memref<1000000x128xf32, #tpu.memory_space<hbm>> -> memref<1000000x128xf32, #tpu.memory_space<hbm>>
      tpu.wait_indirect_dma semaphore(%arg14 : memref<!tpu.dma_semaphore, #tpu.memory_space<semaphore_mem>>) src(%dma_wait3A_62 : memref<1000000x128xf32, #tpu.memory_space<hbm>>) dst(%dma_wait3A_58 : memref<128x128xf32, #tpu.memory_space<vmem>>)
      %dma_wait3A_63 = arith.constant 128 : i32
      %dma_wait3A_64 = arith.constant 0 : i32
      %dma_wait3A_65 = tpu.memref_slice %arg11[%dma_wait3A_63, %dma_wait3A_64] : memref<160x128xf32, #tpu.memory_space<vmem>> -> memref<32x128xf32, #tpu.memory_space<vmem>>
      %dma_wait3A_66 = tpu.memref_slice %arg9[%add3A_56] : memref<10240xi32, #tpu.memory_space<vmem>> -> memref<32xi32, #tpu.memory_space<vmem>>
      %dma_wait3A_67 = arith.constant 0 : i32
      %dma_wait3A_68 = arith.constant 0 : i32
      %dma_wait3A_69 = tpu.memref_slice %arg5[%dma_wait3A_67, %dma_wait3A_68] : memref<1000000x128xf32, #tpu.memory_space<hbm>> -> memref<1000000x128xf32, #tpu.memory_space<hbm>>
      tpu.wait_indirect_dma semaphore(%arg14 : memref<!tpu.dma_semaphore, #tpu.memory_space<semaphore_mem>>) src(%dma_wait3A_69 : memref<1000000x128xf32, #tpu.memory_space<hbm>>) dst(%dma_wait3A_65 : memref<32x128xf32, #tpu.memory_space<vmem>>)
      %scan3A_70 = arith.constant 0 : i32
      %scan3A_71 = arith.constant 0 : i32
      %scan3A_72 = arith.constant 8 : i32
      %scan3A_73 = arith.addi %scan3A_71, %scan3A_72 : i32
      %scan3A_74 = arith.constant 1 : i32
      scf.for %scan3A_115 = %scan3A_71 to %scan3A_73 step %scan3A_74  : i32 {
        %mul3A_116 = arith.constant 8 : i32
        %mul3A_117 = arith.muli %add3A_44, %mul3A_116 : i32
        %add3A_118 = arith.addi %mul3A_117, %scan3A_115 : i32
        %mul3A_119 = arith.constant 21 : i32
        %mul3A_120 = arith.muli %add3A_118, %mul3A_119 : i32
        %get3A = arith.index_cast %add3A_118 : i32 to index
        %get3A_121 = arith.constant 0 : index
        %get3A_122 = tpu.vector_load %arg10[%get3A, %get3A_121] {strides = array<i32>} : memref<512x64xf32, #tpu.memory_space<vmem>>, vector<16xf32>,
        %get3A_123 = arith.index_cast %add3A_118 : i32 to index
        %get3A_124 = arith.constant 16 : index
        %get3A_125 = tpu.vector_load %arg10[%get3A_123, %get3A_124] {strides = array<i32>} : memref<512x64xf32, #tpu.memory_space<vmem>>, vector<16xf32>,
        %get3A_126 = arith.index_cast %add3A_118 : i32 to index
        %get3A_127 = arith.constant 32 : index
        %get3A_128 = tpu.vector_load %arg10[%get3A_126, %get3A_127] {strides = array<i32>} : memref<512x64xf32, #tpu.memory_space<vmem>>, vector<16xf32>,
        %get3A_129 = arith.index_cast %add3A_118 : i32 to index
        %get3A_130 = arith.constant 48 : index
        %get3A_131 = tpu.vector_load %arg10[%get3A_129, %get3A_130] {strides = array<i32>} : memref<512x64xf32, #tpu.memory_space<vmem>>, vector<16xf32>,
        %mul3A_132 = arith.mulf %get3A_122, %get3A_128 : vector<16xf32>
        %mul3A_133 = arith.mulf %get3A_125, %get3A_131 : vector<16xf32>
        %add3A_134 = arith.addf %mul3A_132, %mul3A_133 : vector<16xf32>
        %broadcast_in_dim3A_135 = vector.broadcast %mul3A_120 : i32 to vector<16xi32>
        tpu.vector_store_idx %arg13[%broadcast_in_dim3A_135], %add3A_134 {add = true} : memref<10752xf32, #tpu.memory_space<vmem>>[vector<16xi32>], vector<16xf32>,
        %mul3A_136 = arith.constant 20 : i32
        %mul3A_137 = arith.muli %scan3A_115, %mul3A_136 : i32
        %add3A_138 = arith.constant 0 : i32
        %add3A_139 = arith.addi %mul3A_137, %add3A_138 : i32
        %get3A_140 = arith.index_cast %add3A_139 : i32 to index
        %get3A_141 = arith.constant 32 : index
        %get3A_142 = tpu.vector_load %arg11[%get3A_140, %get3A_141] {strides = array<i32>} : memref<160x128xf32, #tpu.memory_space<vmem>>, vector<16xf32>,
        %get3A_143 = arith.index_cast %add3A_139 : i32 to index
        %get3A_144 = arith.constant 48 : index
        %get3A_145 = tpu.vector_load %arg11[%get3A_143, %get3A_144] {strides = array<i32>} : memref<160x128xf32, #tpu.memory_space<vmem>>, vector<16xf32>,
        %mul3A_146 = arith.mulf %get3A_122, %get3A_142 : vector<16xf32>
        %mul3A_147 = arith.mulf %get3A_125, %get3A_145 : vector<16xf32>
        %add3A_148 = arith.addf %mul3A_146, %mul3A_147 : vector<16xf32>
        %add3A_149 = arith.constant 1 : i32
        %add3A_150 = arith.addi %mul3A_120, %add3A_149 : i32
        %add3A_151 = arith.constant 0 : i32
        %add3A_152 = arith.addi %add3A_150, %add3A_151 : i32
        %broadcast_in_dim3A_153 = vector.broadcast %add3A_152 : i32 to vector<16xi32>
        %neg3A = arith.constant 0.000000e+00 : f32
        %neg3A_154 = vector.broadcast %neg3A : f32 to vector<16xf32>
        %neg3A_155 = arith.subf %neg3A_154, %add3A_148 : vector<16xf32>
        tpu.vector_store_idx %arg13[%broadcast_in_dim3A_153], %neg3A_155 {add = true} : memref<10752xf32, #tpu.memory_space<vmem>>[vector<16xi32>], vector<16xf32>,
        %mul3A_156 = arith.constant 20 : i32
        %mul3A_157 = arith.muli %scan3A_115, %mul3A_156 : i32
        %add3A_158 = arith.constant 1 : i32
        %add3A_159 = arith.addi %mul3A_157, %add3A_158 : i32
        %get3A_160 = arith.index_cast %add3A_159 : i32 to index
        %get3A_161 = arith.constant 32 : index
        %get3A_162 = tpu.vector_load %arg11[%get3A_160, %get3A_161] {strides = array<i32>} : memref<160x128xf32, #tpu.memory_space<vmem>>, vector<16xf32>,
        %get3A_163 = arith.index_cast %add3A_159 : i32 to index
        %get3A_164 = arith.constant 48 : index
        %get3A_165 = tpu.vector_load %arg11[%get3A_163, %get3A_164] {strides = array<i32>} : memref<160x128xf32, #tpu.memory_space<vmem>>, vector<16xf32>,
        %mul3A_166 = arith.mulf %get3A_122, %get3A_162 : vector<16xf32>
        %mul3A_167 = arith.mulf %get3A_125, %get3A_165 : vector<16xf32>
        %add3A_168 = arith.addf %mul3A_166, %mul3A_167 : vector<16xf32>
        %add3A_169 = arith.constant 1 : i32
        %add3A_170 = arith.addi %mul3A_120, %add3A_169 : i32
        %add3A_171 = arith.constant 1 : i32
        %add3A_172 = arith.addi %add3A_170, %add3A_171 : i32
        %broadcast_in_dim3A_173 = vector.broadcast %add3A_172 : i32 to vector<16xi32>
        %neg3A_174 = arith.constant 0.000000e+00 : f32
        %neg3A_175 = vector.broadcast %neg3A_174 : f32 to vector<16xf32>
        %neg3A_176 = arith.subf %neg3A_175, %add3A_168 : vector<16xf32>
        tpu.vector_store_idx %arg13[%broadcast_in_dim3A_173], %neg3A_176 {add = true} : memref<10752xf32, #tpu.memory_space<vmem>>[vector<16xi32>], vector<16xf32>,
        %mul3A_177 = arith.constant 20 : i32
        %mul3A_178 = arith.muli %scan3A_115, %mul3A_177 : i32
        %add3A_179 = arith.constant 2 : i32
        %add3A_180 = arith.addi %mul3A_178, %add3A_179 : i32
        %get3A_181 = arith.index_cast %add3A_180 : i32 to index
        %get3A_182 = arith.constant 32 : index
        %get3A_183 = tpu.vector_load %arg11[%get3A_181, %get3A_182] {strides = array<i32>} : memref<160x128xf32, #tpu.memory_space<vmem>>, vector<16xf32>,
        %get3A_184 = arith.index_cast %add3A_180 : i32 to index
        %get3A_185 = arith.constant 48 : index
        %get3A_186 = tpu.vector_load %arg11[%get3A_184, %get3A_185] {strides = array<i32>} : memref<160x128xf32, #tpu.memory_space<vmem>>, vector<16xf32>,
        %mul3A_187 = arith.mulf %get3A_122, %get3A_183 : vector<16xf32>
        %mul3A_188 = arith.mulf %get3A_125, %get3A_186 : vector<16xf32>
        %add3A_189 = arith.addf %mul3A_187, %mul3A_188 : vector<16xf32>
        %add3A_190 = arith.constant 1 : i32
        %add3A_191 = arith.addi %mul3A_120, %add3A_190 : i32
        %add3A_192 = arith.constant 2 : i32
        %add3A_193 = arith.addi %add3A_191, %add3A_192 : i32
        %broadcast_in_dim3A_194 = vector.broadcast %add3A_193 : i32 to vector<16xi32>
        %neg3A_195 = arith.constant 0.000000e+00 : f32
        %neg3A_196 = vector.broadcast %neg3A_195 : f32 to vector<16xf32>
        %neg3A_197 = arith.subf %neg3A_196, %add3A_189 : vector<16xf32>
        tpu.vector_store_idx %arg13[%broadcast_in_dim3A_194], %neg3A_197 {add = true} : memref<10752xf32, #tpu.memory_space<vmem>>[vector<16xi32>], vector<16xf32>,
        %mul3A_198 = arith.constant 20 : i32
        %mul3A_199 = arith.muli %scan3A_115, %mul3A_198 : i32
        %add3A_200 = arith.constant 3 : i32
        %add3A_201 = arith.addi %mul3A_199, %add3A_200 : i32
        %get3A_202 = arith.index_cast %add3A_201 : i32 to index
        %get3A_203 = arith.constant 32 : index
        %get3A_204 = tpu.vector_load %arg11[%get3A_202, %get3A_203] {strides = array<i32>} : memref<160x128xf32, #tpu.memory_space<vmem>>, vector<16xf32>,
        %get3A_205 = arith.index_cast %add3A_201 : i32 to index
        %get3A_206 = arith.constant 48 : index
        %get3A_207 = tpu.vector_load %arg11[%get3A_205, %get3A_206] {strides = array<i32>} : memref<160x128xf32, #tpu.memory_space<vmem>>, vector<16xf32>,
        %mul3A_208 = arith.mulf %get3A_122, %get3A_204 : vector<16xf32>
        %mul3A_209 = arith.mulf %get3A_125, %get3A_207 : vector<16xf32>
        %add3A_210 = arith.addf %mul3A_208, %mul3A_209 : vector<16xf32>
        %add3A_211 = arith.constant 1 : i32
        %add3A_212 = arith.addi %mul3A_120, %add3A_211 : i32
        %add3A_213 = arith.constant 3 : i32
        %add3A_214 = arith.addi %add3A_212, %add3A_213 : i32
        %broadcast_in_dim3A_215 = vector.broadcast %add3A_214 : i32 to vector<16xi32>
        %neg3A_216 = arith.constant 0.000000e+00 : f32
        %neg3A_217 = vector.broadcast %neg3A_216 : f32 to vector<16xf32>
        %neg3A_218 = arith.subf %neg3A_217, %add3A_210 : vector<16xf32>
        tpu.vector_store_idx %arg13[%broadcast_in_dim3A_215], %neg3A_218 {add = true} : memref<10752xf32, #tpu.memory_space<vmem>>[vector<16xi32>], vector<16xf32>,
        %mul3A_219 = arith.constant 20 : i32
        %mul3A_220 = arith.muli %scan3A_115, %mul3A_219 : i32
        %add3A_221 = arith.constant 4 : i32
        %add3A_222 = arith.addi %mul3A_220, %add3A_221 : i32
        %get3A_223 = arith.index_cast %add3A_222 : i32 to index
        %get3A_224 = arith.constant 32 : index
        %get3A_225 = tpu.vector_load %arg11[%get3A_223, %get3A_224] {strides = array<i32>} : memref<160x128xf32, #tpu.memory_space<vmem>>, vector<16xf32>,
        %get3A_226 = arith.index_cast %add3A_222 : i32 to index
        %get3A_227 = arith.constant 48 : index
        %get3A_228 = tpu.vector_load %arg11[%get3A_226, %get3A_227] {strides = array<i32>} : memref<160x128xf32, #tpu.memory_space<vmem>>, vector<16xf32>,
        %mul3A_229 = arith.mulf %get3A_122, %get3A_225 : vector<16xf32>
        %mul3A_230 = arith.mulf %get3A_125, %get3A_228 : vector<16xf32>
        %add3A_231 = arith.addf %mul3A_229, %mul3A_230 : vector<16xf32>
        %add3A_232 = arith.constant 1 : i32
        %add3A_233 = arith.addi %mul3A_120, %add3A_232 : i32
        %add3A_234 = arith.constant 4 : i32
        %add3A_235 = arith.addi %add3A_233, %add3A_234 : i32
        %broadcast_in_dim3A_236 = vector.broadcast %add3A_235 : i32 to vector<16xi32>
        %neg3A_237 = arith.constant 0.000000e+00 : f32
        %neg3A_238 = vector.broadcast %neg3A_237 : f32 to vector<16xf32>
        %neg3A_239 = arith.subf %neg3A_238, %add3A_231 : vector<16xf32>
        tpu.vector_store_idx %arg13[%broadcast_in_dim3A_236], %neg3A_239 {add = true} : memref<10752xf32, #tpu.memory_space<vmem>>[vector<16xi32>], vector<16xf32>,
        %mul3A_240 = arith.constant 20 : i32
        %mul3A_241 = arith.muli %scan3A_115, %mul3A_240 : i32
        %add3A_242 = arith.constant 5 : i32
        %add3A_243 = arith.addi %mul3A_241, %add3A_242 : i32
        %get3A_244 = arith.index_cast %add3A_243 : i32 to index
        %get3A_245 = arith.constant 32 : index
        %get3A_246 = tpu.vector_load %arg11[%get3A_244, %get3A_245] {strides = array<i32>} : memref<160x128xf32, #tpu.memory_space<vmem>>, vector<16xf32>,
        %get3A_247 = arith.index_cast %add3A_243 : i32 to index
        %get3A_248 = arith.constant 48 : index
        %get3A_249 = tpu.vector_load %arg11[%get3A_247, %get3A_248] {strides = array<i32>} : memref<160x128xf32, #tpu.memory_space<vmem>>, vector<16xf32>,
        %mul3A_250 = arith.mulf %get3A_122, %get3A_246 : vector<16xf32>
        %mul3A_251 = arith.mulf %get3A_125, %get3A_249 : vector<16xf32>
        %add3A_252 = arith.addf %mul3A_250, %mul3A_251 : vector<16xf32>
        %add3A_253 = arith.constant 1 : i32
        %add3A_254 = arith.addi %mul3A_120, %add3A_253 : i32
        %add3A_255 = arith.constant 5 : i32
        %add3A_256 = arith.addi %add3A_254, %add3A_255 : i32
        %broadcast_in_dim3A_257 = vector.broadcast %add3A_256 : i32 to vector<16xi32>
        %neg3A_258 = arith.constant 0.000000e+00 : f32
        %neg3A_259 = vector.broadcast %neg3A_258 : f32 to vector<16xf32>
        %neg3A_260 = arith.subf %neg3A_259, %add3A_252 : vector<16xf32>
        tpu.vector_store_idx %arg13[%broadcast_in_dim3A_257], %neg3A_260 {add = true} : memref<10752xf32, #tpu.memory_space<vmem>>[vector<16xi32>], vector<16xf32>,
        %mul3A_261 = arith.constant 20 : i32
        %mul3A_262 = arith.muli %scan3A_115, %mul3A_261 : i32
        %add3A_263 = arith.constant 6 : i32
        %add3A_264 = arith.addi %mul3A_262, %add3A_263 : i32
        %get3A_265 = arith.index_cast %add3A_264 : i32 to index
        %get3A_266 = arith.constant 32 : index
        %get3A_267 = tpu.vector_load %arg11[%get3A_265, %get3A_266] {strides = array<i32>} : memref<160x128xf32, #tpu.memory_space<vmem>>, vector<16xf32>,
        %get3A_268 = arith.index_cast %add3A_264 : i32 to index
        %get3A_269 = arith.constant 48 : index
        %get3A_270 = tpu.vector_load %arg11[%get3A_268, %get3A_269] {strides = array<i32>} : memref<160x128xf32, #tpu.memory_space<vmem>>, vector<16xf32>,
        %mul3A_271 = arith.mulf %get3A_122, %get3A_267 : vector<16xf32>
        %mul3A_272 = arith.mulf %get3A_125, %get3A_270 : vector<16xf32>
        %add3A_273 = arith.addf %mul3A_271, %mul3A_272 : vector<16xf32>
        %add3A_274 = arith.constant 1 : i32
        %add3A_275 = arith.addi %mul3A_120, %add3A_274 : i32
        %add3A_276 = arith.constant 6 : i32
        %add3A_277 = arith.addi %add3A_275, %add3A_276 : i32
        %broadcast_in_dim3A_278 = vector.broadcast %add3A_277 : i32 to vector<16xi32>
        %neg3A_279 = arith.constant 0.000000e+00 : f32
        %neg3A_280 = vector.broadcast %neg3A_279 : f32 to vector<16xf32>
        %neg3A_281 = arith.subf %neg3A_280, %add3A_273 : vector<16xf32>
        tpu.vector_store_idx %arg13[%broadcast_in_dim3A_278], %neg3A_281 {add = true} : memref<10752xf32, #tpu.memory_space<vmem>>[vector<16xi32>], vector<16xf32>,
        %mul3A_282 = arith.constant 20 : i32
        %mul3A_283 = arith.muli %scan3A_115, %mul3A_282 : i32
        %add3A_284 = arith.constant 7 : i32
        %add3A_285 = arith.addi %mul3A_283, %add3A_284 : i32
        %get3A_286 = arith.index_cast %add3A_285 : i32 to index
        %get3A_287 = arith.constant 32 : index
        %get3A_288 = tpu.vector_load %arg11[%get3A_286, %get3A_287] {strides = array<i32>} : memref<160x128xf32, #tpu.memory_space<vmem>>, vector<16xf32>,
        %get3A_289 = arith.index_cast %add3A_285 : i32 to index
        %get3A_290 = arith.constant 48 : index
        %get3A_291 = tpu.vector_load %arg11[%get3A_289, %get3A_290] {strides = array<i32>} : memref<160x128xf32, #tpu.memory_space<vmem>>, vector<16xf32>,
        %mul3A_292 = arith.mulf %get3A_122, %get3A_288 : vector<16xf32>
        %mul3A_293 = arith.mulf %get3A_125, %get3A_291 : vector<16xf32>
        %add3A_294 = arith.addf %mul3A_292, %mul3A_293 : vector<16xf32>
        %add3A_295 = arith.constant 1 : i32
        %add3A_296 = arith.addi %mul3A_120, %add3A_295 : i32
        %add3A_297 = arith.constant 7 : i32
        %add3A_298 = arith.addi %add3A_296, %add3A_297 : i32
        %broadcast_in_dim3A_299 = vector.broadcast %add3A_298 : i32 to vector<16xi32>
        %neg3A_300 = arith.constant 0.000000e+00 : f32
        %neg3A_301 = vector.broadcast %neg3A_300 : f32 to vector<16xf32>
        %neg3A_302 = arith.subf %neg3A_301, %add3A_294 : vector<16xf32>
        tpu.vector_store_idx %arg13[%broadcast_in_dim3A_299], %neg3A_302 {add = true} : memref<10752xf32, #tpu.memory_space<vmem>>[vector<16xi32>], vector<16xf32>,
        %mul3A_303 = arith.constant 20 : i32
        %mul3A_304 = arith.muli %scan3A_115, %mul3A_303 : i32
        %add3A_305 = arith.constant 8 : i32
        %add3A_306 = arith.addi %mul3A_304, %add3A_305 : i32
        %get3A_307 = arith.index_cast %add3A_306 : i32 to index
        %get3A_308 = arith.constant 32 : index
        %get3A_309 = tpu.vector_load %arg11[%get3A_307, %get3A_308] {strides = array<i32>} : memref<160x128xf32, #tpu.memory_space<vmem>>, vector<16xf32>,
        %get3A_310 = arith.index_cast %add3A_306 : i32 to index
        %get3A_311 = arith.constant 48 : index
        %get3A_312 = tpu.vector_load %arg11[%get3A_310, %get3A_311] {strides = array<i32>} : memref<160x128xf32, #tpu.memory_space<vmem>>, vector<16xf32>,
        %mul3A_313 = arith.mulf %get3A_122, %get3A_309 : vector<16xf32>
        %mul3A_314 = arith.mulf %get3A_125, %get3A_312 : vector<16xf32>
        %add3A_315 = arith.addf %mul3A_313, %mul3A_314 : vector<16xf32>
        %add3A_316 = arith.constant 1 : i32
        %add3A_317 = arith.addi %mul3A_120, %add3A_316 : i32
        %add3A_318 = arith.constant 8 : i32
        %add3A_319 = arith.addi %add3A_317, %add3A_318 : i32
        %broadcast_in_dim3A_320 = vector.broadcast %add3A_319 : i32 to vector<16xi32>
        %neg3A_321 = arith.constant 0.000000e+00 : f32
        %neg3A_322 = vector.broadcast %neg3A_321 : f32 to vector<16xf32>
        %neg3A_323 = arith.subf %neg3A_322, %add3A_315 : vector<16xf32>
        tpu.vector_store_idx %arg13[%broadcast_in_dim3A_320], %neg3A_323 {add = true} : memref<10752xf32, #tpu.memory_space<vmem>>[vector<16xi32>], vector<16xf32>,
        %mul3A_324 = arith.constant 20 : i32
        %mul3A_325 = arith.muli %scan3A_115, %mul3A_324 : i32
        %add3A_326 = arith.constant 9 : i32
        %add3A_327 = arith.addi %mul3A_325, %add3A_326 : i32
        %get3A_328 = arith.index_cast %add3A_327 : i32 to index
        %get3A_329 = arith.constant 32 : index
        %get3A_330 = tpu.vector_load %arg11[%get3A_328, %get3A_329] {strides = array<i32>} : memref<160x128xf32, #tpu.memory_space<vmem>>, vector<16xf32>,
        %get3A_331 = arith.index_cast %add3A_327 : i32 to index
        %get3A_332 = arith.constant 48 : index
        %get3A_333 = tpu.vector_load %arg11[%get3A_331, %get3A_332] {strides = array<i32>} : memref<160x128xf32, #tpu.memory_space<vmem>>, vector<16xf32>,
        %mul3A_334 = arith.mulf %get3A_122, %get3A_330 : vector<16xf32>
        %mul3A_335 = arith.mulf %get3A_125, %get3A_333 : vector<16xf32>
        %add3A_336 = arith.addf %mul3A_334, %mul3A_335 : vector<16xf32>
        %add3A_337 = arith.constant 1 : i32
        %add3A_338 = arith.addi %mul3A_120, %add3A_337 : i32
        %add3A_339 = arith.constant 9 : i32
        %add3A_340 = arith.addi %add3A_338, %add3A_339 : i32
        %broadcast_in_dim3A_341 = vector.broadcast %add3A_340 : i32 to vector<16xi32>
        %neg3A_342 = arith.constant 0.000000e+00 : f32
        %neg3A_343 = vector.broadcast %neg3A_342 : f32 to vector<16xf32>
        %neg3A_344 = arith.subf %neg3A_343, %add3A_336 : vector<16xf32>
        tpu.vector_store_idx %arg13[%broadcast_in_dim3A_341], %neg3A_344 {add = true} : memref<10752xf32, #tpu.memory_space<vmem>>[vector<16xi32>], vector<16xf32>,
        %mul3A_345 = arith.constant 20 : i32
        %mul3A_346 = arith.muli %scan3A_115, %mul3A_345 : i32
        %add3A_347 = arith.constant 10 : i32
        %add3A_348 = arith.addi %mul3A_346, %add3A_347 : i32
        %get3A_349 = arith.index_cast %add3A_348 : i32 to index
        %get3A_350 = arith.constant 32 : index
        %get3A_351 = tpu.vector_load %arg11[%get3A_349, %get3A_350] {strides = array<i32>} : memref<160x128xf32, #tpu.memory_space<vmem>>, vector<16xf32>,
        %get3A_352 = arith.index_cast %add3A_348 : i32 to index
        %get3A_353 = arith.constant 48 : index
        %get3A_354 = tpu.vector_load %arg11[%get3A_352, %get3A_353] {strides = array<i32>} : memref<160x128xf32, #tpu.memory_space<vmem>>, vector<16xf32>,
        %mul3A_355 = arith.mulf %get3A_122, %get3A_351 : vector<16xf32>
        %mul3A_356 = arith.mulf %get3A_125, %get3A_354 : vector<16xf32>
        %add3A_357 = arith.addf %mul3A_355, %mul3A_356 : vector<16xf32>
        %add3A_358 = arith.constant 1 : i32
        %add3A_359 = arith.addi %mul3A_120, %add3A_358 : i32
        %add3A_360 = arith.constant 10 : i32
        %add3A_361 = arith.addi %add3A_359, %add3A_360 : i32
        %broadcast_in_dim3A_362 = vector.broadcast %add3A_361 : i32 to vector<16xi32>
        %neg3A_363 = arith.constant 0.000000e+00 : f32
        %neg3A_364 = vector.broadcast %neg3A_363 : f32 to vector<16xf32>
        %neg3A_365 = arith.subf %neg3A_364, %add3A_357 : vector<16xf32>
        tpu.vector_store_idx %arg13[%broadcast_in_dim3A_362], %neg3A_365 {add = true} : memref<10752xf32, #tpu.memory_space<vmem>>[vector<16xi32>], vector<16xf32>,
        %mul3A_366 = arith.constant 20 : i32
        %mul3A_367 = arith.muli %scan3A_115, %mul3A_366 : i32
        %add3A_368 = arith.constant 11 : i32
        %add3A_369 = arith.addi %mul3A_367, %add3A_368 : i32
        %get3A_370 = arith.index_cast %add3A_369 : i32 to index
        %get3A_371 = arith.constant 32 : index
        %get3A_372 = tpu.vector_load %arg11[%get3A_370, %get3A_371] {strides = array<i32>} : memref<160x128xf32, #tpu.memory_space<vmem>>, vector<16xf32>,
        %get3A_373 = arith.index_cast %add3A_369 : i32 to index
        %get3A_374 = arith.constant 48 : index
        %get3A_375 = tpu.vector_load %arg11[%get3A_373, %get3A_374] {strides = array<i32>} : memref<160x128xf32, #tpu.memory_space<vmem>>, vector<16xf32>,
        %mul3A_376 = arith.mulf %get3A_122, %get3A_372 : vector<16xf32>
        %mul3A_377 = arith.mulf %get3A_125, %get3A_375 : vector<16xf32>
        %add3A_378 = arith.addf %mul3A_376, %mul3A_377 : vector<16xf32>
        %add3A_379 = arith.constant 1 : i32
        %add3A_380 = arith.addi %mul3A_120, %add3A_379 : i32
        %add3A_381 = arith.constant 11 : i32
        %add3A_382 = arith.addi %add3A_380, %add3A_381 : i32
        %broadcast_in_dim3A_383 = vector.broadcast %add3A_382 : i32 to vector<16xi32>
        %neg3A_384 = arith.constant 0.000000e+00 : f32
        %neg3A_385 = vector.broadcast %neg3A_384 : f32 to vector<16xf32>
        %neg3A_386 = arith.subf %neg3A_385, %add3A_378 : vector<16xf32>
        tpu.vector_store_idx %arg13[%broadcast_in_dim3A_383], %neg3A_386 {add = true} : memref<10752xf32, #tpu.memory_space<vmem>>[vector<16xi32>], vector<16xf32>,
        %mul3A_387 = arith.constant 20 : i32
        %mul3A_388 = arith.muli %scan3A_115, %mul3A_387 : i32
        %add3A_389 = arith.constant 12 : i32
        %add3A_390 = arith.addi %mul3A_388, %add3A_389 : i32
        %get3A_391 = arith.index_cast %add3A_390 : i32 to index
        %get3A_392 = arith.constant 32 : index
        %get3A_393 = tpu.vector_load %arg11[%get3A_391, %get3A_392] {strides = array<i32>} : memref<160x128xf32, #tpu.memory_space<vmem>>, vector<16xf32>,
        %get3A_394 = arith.index_cast %add3A_390 : i32 to index
        %get3A_395 = arith.constant 48 : index
        %get3A_396 = tpu.vector_load %arg11[%get3A_394, %get3A_395] {strides = array<i32>} : memref<160x128xf32, #tpu.memory_space<vmem>>, vector<16xf32>,
        %mul3A_397 = arith.mulf %get3A_122, %get3A_393 : vector<16xf32>
        %mul3A_398 = arith.mulf %get3A_125, %get3A_396 : vector<16xf32>
        %add3A_399 = arith.addf %mul3A_397, %mul3A_398 : vector<16xf32>
        %add3A_400 = arith.constant 1 : i32
        %add3A_401 = arith.addi %mul3A_120, %add3A_400 : i32
        %add3A_402 = arith.constant 12 : i32
        %add3A_403 = arith.addi %add3A_401, %add3A_402 : i32
        %broadcast_in_dim3A_404 = vector.broadcast %add3A_403 : i32 to vector<16xi32>
        %neg3A_405 = arith.constant 0.000000e+00 : f32
        %neg3A_406 = vector.broadcast %neg3A_405 : f32 to vector<16xf32>
        %neg3A_407 = arith.subf %neg3A_406, %add3A_399 : vector<16xf32>
        tpu.vector_store_idx %arg13[%broadcast_in_dim3A_404], %neg3A_407 {add = true} : memref<10752xf32, #tpu.memory_space<vmem>>[vector<16xi32>], vector<16xf32>,
        %mul3A_408 = arith.constant 20 : i32
        %mul3A_409 = arith.muli %scan3A_115, %mul3A_408 : i32
        %add3A_410 = arith.constant 13 : i32
        %add3A_411 = arith.addi %mul3A_409, %add3A_410 : i32
        %get3A_412 = arith.index_cast %add3A_411 : i32 to index
        %get3A_413 = arith.constant 32 : index
        %get3A_414 = tpu.vector_load %arg11[%get3A_412, %get3A_413] {strides = array<i32>} : memref<160x128xf32, #tpu.memory_space<vmem>>, vector<16xf32>,
        %get3A_415 = arith.index_cast %add3A_411 : i32 to index
        %get3A_416 = arith.constant 48 : index
        %get3A_417 = tpu.vector_load %arg11[%get3A_415, %get3A_416] {strides = array<i32>} : memref<160x128xf32, #tpu.memory_space<vmem>>, vector<16xf32>,
        %mul3A_418 = arith.mulf %get3A_122, %get3A_414 : vector<16xf32>
        %mul3A_419 = arith.mulf %get3A_125, %get3A_417 : vector<16xf32>
        %add3A_420 = arith.addf %mul3A_418, %mul3A_419 : vector<16xf32>
        %add3A_421 = arith.constant 1 : i32
        %add3A_422 = arith.addi %mul3A_120, %add3A_421 : i32
        %add3A_423 = arith.constant 13 : i32
        %add3A_424 = arith.addi %add3A_422, %add3A_423 : i32
        %broadcast_in_dim3A_425 = vector.broadcast %add3A_424 : i32 to vector<16xi32>
        %neg3A_426 = arith.constant 0.000000e+00 : f32
        %neg3A_427 = vector.broadcast %neg3A_426 : f32 to vector<16xf32>
        %neg3A_428 = arith.subf %neg3A_427, %add3A_420 : vector<16xf32>
        tpu.vector_store_idx %arg13[%broadcast_in_dim3A_425], %neg3A_428 {add = true} : memref<10752xf32, #tpu.memory_space<vmem>>[vector<16xi32>], vector<16xf32>,
        %mul3A_429 = arith.constant 20 : i32
        %mul3A_430 = arith.muli %scan3A_115, %mul3A_429 : i32
        %add3A_431 = arith.constant 14 : i32
        %add3A_432 = arith.addi %mul3A_430, %add3A_431 : i32
        %get3A_433 = arith.index_cast %add3A_432 : i32 to index
        %get3A_434 = arith.constant 32 : index
        %get3A_435 = tpu.vector_load %arg11[%get3A_433, %get3A_434] {strides = array<i32>} : memref<160x128xf32, #tpu.memory_space<vmem>>, vector<16xf32>,
        %get3A_436 = arith.index_cast %add3A_432 : i32 to index
        %get3A_437 = arith.constant 48 : index
        %get3A_438 = tpu.vector_load %arg11[%get3A_436, %get3A_437] {strides = array<i32>} : memref<160x128xf32, #tpu.memory_space<vmem>>, vector<16xf32>,
        %mul3A_439 = arith.mulf %get3A_122, %get3A_435 : vector<16xf32>
        %mul3A_440 = arith.mulf %get3A_125, %get3A_438 : vector<16xf32>
        %add3A_441 = arith.addf %mul3A_439, %mul3A_440 : vector<16xf32>
        %add3A_442 = arith.constant 1 : i32
        %add3A_443 = arith.addi %mul3A_120, %add3A_442 : i32
        %add3A_444 = arith.constant 14 : i32
        %add3A_445 = arith.addi %add3A_443, %add3A_444 : i32
        %broadcast_in_dim3A_446 = vector.broadcast %add3A_445 : i32 to vector<16xi32>
        %neg3A_447 = arith.constant 0.000000e+00 : f32
        %neg3A_448 = vector.broadcast %neg3A_447 : f32 to vector<16xf32>
        %neg3A_449 = arith.subf %neg3A_448, %add3A_441 : vector<16xf32>
        tpu.vector_store_idx %arg13[%broadcast_in_dim3A_446], %neg3A_449 {add = true} : memref<10752xf32, #tpu.memory_space<vmem>>[vector<16xi32>], vector<16xf32>,
        %mul3A_450 = arith.constant 20 : i32
        %mul3A_451 = arith.muli %scan3A_115, %mul3A_450 : i32
        %add3A_452 = arith.constant 15 : i32
        %add3A_453 = arith.addi %mul3A_451, %add3A_452 : i32
        %get3A_454 = arith.index_cast %add3A_453 : i32 to index
        %get3A_455 = arith.constant 32 : index
        %get3A_456 = tpu.vector_load %arg11[%get3A_454, %get3A_455] {strides = array<i32>} : memref<160x128xf32, #tpu.memory_space<vmem>>, vector<16xf32>,
        %get3A_457 = arith.index_cast %add3A_453 : i32 to index
        %get3A_458 = arith.constant 48 : index
        %get3A_459 = tpu.vector_load %arg11[%get3A_457, %get3A_458] {strides = array<i32>} : memref<160x128xf32, #tpu.memory_space<vmem>>, vector<16xf32>,
        %mul3A_460 = arith.mulf %get3A_122, %get3A_456 : vector<16xf32>
        %mul3A_461 = arith.mulf %get3A_125, %get3A_459 : vector<16xf32>
        %add3A_462 = arith.addf %mul3A_460, %mul3A_461 : vector<16xf32>
        %add3A_463 = arith.constant 1 : i32
        %add3A_464 = arith.addi %mul3A_120, %add3A_463 : i32
        %add3A_465 = arith.constant 15 : i32
        %add3A_466 = arith.addi %add3A_464, %add3A_465 : i32
        %broadcast_in_dim3A_467 = vector.broadcast %add3A_466 : i32 to vector<16xi32>
        %neg3A_468 = arith.constant 0.000000e+00 : f32
        %neg3A_469 = vector.broadcast %neg3A_468 : f32 to vector<16xf32>
        %neg3A_470 = arith.subf %neg3A_469, %add3A_462 : vector<16xf32>
        tpu.vector_store_idx %arg13[%broadcast_in_dim3A_467], %neg3A_470 {add = true} : memref<10752xf32, #tpu.memory_space<vmem>>[vector<16xi32>], vector<16xf32>,
        %mul3A_471 = arith.constant 20 : i32
        %mul3A_472 = arith.muli %scan3A_115, %mul3A_471 : i32
        %add3A_473 = arith.constant 16 : i32
        %add3A_474 = arith.addi %mul3A_472, %add3A_473 : i32
        %get3A_475 = arith.index_cast %add3A_474 : i32 to index
        %get3A_476 = arith.constant 32 : index
        %get3A_477 = tpu.vector_load %arg11[%get3A_475, %get3A_476] {strides = array<i32>} : memref<160x128xf32, #tpu.memory_space<vmem>>, vector<16xf32>,
        %get3A_478 = arith.index_cast %add3A_474 : i32 to index
        %get3A_479 = arith.constant 48 : index
        %get3A_480 = tpu.vector_load %arg11[%get3A_478, %get3A_479] {strides = array<i32>} : memref<160x128xf32, #tpu.memory_space<vmem>>, vector<16xf32>,
        %mul3A_481 = arith.mulf %get3A_122, %get3A_477 : vector<16xf32>
        %mul3A_482 = arith.mulf %get3A_125, %get3A_480 : vector<16xf32>
        %add3A_483 = arith.addf %mul3A_481, %mul3A_482 : vector<16xf32>
        %add3A_484 = arith.constant 1 : i32
        %add3A_485 = arith.addi %mul3A_120, %add3A_484 : i32
        %add3A_486 = arith.constant 16 : i32
        %add3A_487 = arith.addi %add3A_485, %add3A_486 : i32
        %broadcast_in_dim3A_488 = vector.broadcast %add3A_487 : i32 to vector<16xi32>
        %neg3A_489 = arith.constant 0.000000e+00 : f32
        %neg3A_490 = vector.broadcast %neg3A_489 : f32 to vector<16xf32>
        %neg3A_491 = arith.subf %neg3A_490, %add3A_483 : vector<16xf32>
        tpu.vector_store_idx %arg13[%broadcast_in_dim3A_488], %neg3A_491 {add = true} : memref<10752xf32, #tpu.memory_space<vmem>>[vector<16xi32>], vector<16xf32>,
        %mul3A_492 = arith.constant 20 : i32
        %mul3A_493 = arith.muli %scan3A_115, %mul3A_492 : i32
        %add3A_494 = arith.constant 17 : i32
        %add3A_495 = arith.addi %mul3A_493, %add3A_494 : i32
        %get3A_496 = arith.index_cast %add3A_495 : i32 to index
        %get3A_497 = arith.constant 32 : index
        %get3A_498 = tpu.vector_load %arg11[%get3A_496, %get3A_497] {strides = array<i32>} : memref<160x128xf32, #tpu.memory_space<vmem>>, vector<16xf32>,
        %get3A_499 = arith.index_cast %add3A_495 : i32 to index
        %get3A_500 = arith.constant 48 : index
        %get3A_501 = tpu.vector_load %arg11[%get3A_499, %get3A_500] {strides = array<i32>} : memref<160x128xf32, #tpu.memory_space<vmem>>, vector<16xf32>,
        %mul3A_502 = arith.mulf %get3A_122, %get3A_498 : vector<16xf32>
        %mul3A_503 = arith.mulf %get3A_125, %get3A_501 : vector<16xf32>
        %add3A_504 = arith.addf %mul3A_502, %mul3A_503 : vector<16xf32>
        %add3A_505 = arith.constant 1 : i32
        %add3A_506 = arith.addi %mul3A_120, %add3A_505 : i32
        %add3A_507 = arith.constant 17 : i32
        %add3A_508 = arith.addi %add3A_506, %add3A_507 : i32
        %broadcast_in_dim3A_509 = vector.broadcast %add3A_508 : i32 to vector<16xi32>
        %neg3A_510 = arith.constant 0.000000e+00 : f32
        %neg3A_511 = vector.broadcast %neg3A_510 : f32 to vector<16xf32>
        %neg3A_512 = arith.subf %neg3A_511, %add3A_504 : vector<16xf32>
        tpu.vector_store_idx %arg13[%broadcast_in_dim3A_509], %neg3A_512 {add = true} : memref<10752xf32, #tpu.memory_space<vmem>>[vector<16xi32>], vector<16xf32>,
        %mul3A_513 = arith.constant 20 : i32
        %mul3A_514 = arith.muli %scan3A_115, %mul3A_513 : i32
        %add3A_515 = arith.constant 18 : i32
        %add3A_516 = arith.addi %mul3A_514, %add3A_515 : i32
        %get3A_517 = arith.index_cast %add3A_516 : i32 to index
        %get3A_518 = arith.constant 32 : index
        %get3A_519 = tpu.vector_load %arg11[%get3A_517, %get3A_518] {strides = array<i32>} : memref<160x128xf32, #tpu.memory_space<vmem>>, vector<16xf32>,
        %get3A_520 = arith.index_cast %add3A_516 : i32 to index
        %get3A_521 = arith.constant 48 : index
        %get3A_522 = tpu.vector_load %arg11[%get3A_520, %get3A_521] {strides = array<i32>} : memref<160x128xf32, #tpu.memory_space<vmem>>, vector<16xf32>,
        %mul3A_523 = arith.mulf %get3A_122, %get3A_519 : vector<16xf32>
        %mul3A_524 = arith.mulf %get3A_125, %get3A_522 : vector<16xf32>
        %add3A_525 = arith.addf %mul3A_523, %mul3A_524 : vector<16xf32>
        %add3A_526 = arith.constant 1 : i32
        %add3A_527 = arith.addi %mul3A_120, %add3A_526 : i32
        %add3A_528 = arith.constant 18 : i32
        %add3A_529 = arith.addi %add3A_527, %add3A_528 : i32
        %broadcast_in_dim3A_530 = vector.broadcast %add3A_529 : i32 to vector<16xi32>
        %neg3A_531 = arith.constant 0.000000e+00 : f32
        %neg3A_532 = vector.broadcast %neg3A_531 : f32 to vector<16xf32>
        %neg3A_533 = arith.subf %neg3A_532, %add3A_525 : vector<16xf32>
        tpu.vector_store_idx %arg13[%broadcast_in_dim3A_530], %neg3A_533 {add = true} : memref<10752xf32, #tpu.memory_space<vmem>>[vector<16xi32>], vector<16xf32>,
        %mul3A_534 = arith.constant 20 : i32
        %mul3A_535 = arith.muli %scan3A_115, %mul3A_534 : i32
        %add3A_536 = arith.constant 19 : i32
        %add3A_537 = arith.addi %mul3A_535, %add3A_536 : i32
        %get3A_538 = arith.index_cast %add3A_537 : i32 to index
        %get3A_539 = arith.constant 32 : index
        %get3A_540 = tpu.vector_load %arg11[%get3A_538, %get3A_539] {strides = array<i32>} : memref<160x128xf32, #tpu.memory_space<vmem>>, vector<16xf32>,
        %get3A_541 = arith.index_cast %add3A_537 : i32 to index
        %get3A_542 = arith.constant 48 : index
        %get3A_543 = tpu.vector_load %arg11[%get3A_541, %get3A_542] {strides = array<i32>} : memref<160x128xf32, #tpu.memory_space<vmem>>, vector<16xf32>,
        %mul3A_544 = arith.mulf %get3A_122, %get3A_540 : vector<16xf32>
        %mul3A_545 = arith.mulf %get3A_125, %get3A_543 : vector<16xf32>
        %add3A_546 = arith.addf %mul3A_544, %mul3A_545 : vector<16xf32>
        %add3A_547 = arith.constant 1 : i32
        %add3A_548 = arith.addi %mul3A_120, %add3A_547 : i32
        %add3A_549 = arith.constant 19 : i32
        %add3A_550 = arith.addi %add3A_548, %add3A_549 : i32
        %broadcast_in_dim3A_551 = vector.broadcast %add3A_550 : i32 to vector<16xi32>
        %neg3A_552 = arith.constant 0.000000e+00 : f32
        %neg3A_553 = vector.broadcast %neg3A_552 : f32 to vector<16xf32>
        %neg3A_554 = arith.subf %neg3A_553, %add3A_546 : vector<16xf32>
        tpu.vector_store_idx %arg13[%broadcast_in_dim3A_551], %neg3A_554 {add = true} : memref<10752xf32, #tpu.memory_space<vmem>>[vector<16xi32>], vector<16xf32>,
      }
      %scan3A_75 = arith.constant 8 : i32
      %mul3A_76 = arith.constant 2 : i32
      %mul3A_77 = arith.muli %scan3A_40, %mul3A_76 : i32
      %add3A_78 = arith.constant 1 : i32
      %add3A_79 = arith.addi %mul3A_77, %add3A_78 : i32
      %add3A_80 = arith.constant 1 : i32
      %add3A_81 = arith.addi %add3A_79, %add3A_80 : i32
      %lt3A_82 = arith.constant 64 : i32
      %lt3A_83 = arith.cmpi slt, %add3A_81, %lt3A_82 : i32
      %convert_element_type3A_84 = arith.extui %lt3A_83 : i1 to i32
      %cond3A_85 = arith.constant 0 : i32
      %cond3A_86 = arith.cmpi ne, %convert_element_type3A_84, %cond3A_85 : i32
      scf.if %cond3A_86 {
        %add3A_115 = arith.constant 1 : i32
        %add3A_116 = arith.addi %add3A_79, %add3A_115 : i32
        %mul3A_117 = arith.constant 160 : i32
        %mul3A_118 = arith.muli %add3A_116, %mul3A_117 : i32
        %add3A_119 = arith.constant 0 : i32
        %add3A_120 = arith.addi %mul3A_118, %add3A_119 : i32
        %mul3A_121 = arith.constant 160 : i32
        %mul3A_122 = arith.muli %add3A_116, %mul3A_121 : i32
        %add3A_123 = arith.constant 128 : i32
        %add3A_124 = arith.addi %mul3A_122, %add3A_123 : i32
        %dma_start3A_125 = arith.constant 0 : i32
        %dma_start3A_126 = arith.constant 0 : i32
        %dma_start3A_127 = tpu.memref_slice %arg11[%dma_start3A_125, %dma_start3A_126] : memref<160x128xf32, #tpu.memory_space<vmem>> -> memref<128x128xf32, #tpu.memory_space<vmem>>
        %dma_start3A_128 = tpu.memref_slice %arg9[%add3A_120] : memref<10240xi32, #tpu.memory_space<vmem>> -> memref<128xi32, #tpu.memory_space<vmem>>
        %dma_start3A_129 = arith.constant 0 : i32
        %dma_start3A_130 = arith.constant 0 : i32
        %dma_start3A_131 = tpu.memref_slice %arg5[%dma_start3A_129, %dma_start3A_130] : memref<1000000x128xf32, #tpu.memory_space<hbm>> -> memref<1000000x128xf32, #tpu.memory_space<hbm>>
        tpu.enqueue_indirect_dma source(%dma_start3A_131 : memref<1000000x128xf32, #tpu.memory_space<hbm>>) target(%dma_start3A_127 : memref<128x128xf32, #tpu.memory_space<vmem>>) offsets(%dma_start3A_128 : memref<128xi32, #tpu.memory_space<vmem>>) semaphore(%arg14 : memref<!tpu.dma_semaphore, #tpu.memory_space<semaphore_mem>>)
        %dma_start3A_132 = arith.constant 128 : i32
        %dma_start3A_133 = arith.constant 0 : i32
        %dma_start3A_134 = tpu.memref_slice %arg11[%dma_start3A_132, %dma_start3A_133] : memref<160x128xf32, #tpu.memory_space<vmem>> -> memref<32x128xf32, #tpu.memory_space<vmem>>
        %dma_start3A_135 = tpu.memref_slice %arg9[%add3A_124] : memref<10240xi32, #tpu.memory_space<vmem>> -> memref<32xi32, #tpu.memory_space<vmem>>
        %dma_start3A_136 = arith.constant 0 : i32
        %dma_start3A_137 = arith.constant 0 : i32
        %dma_start3A_138 = tpu.memref_slice %arg5[%dma_start3A_136, %dma_start3A_137] : memref<1000000x128xf32, #tpu.memory_space<hbm>> -> memref<1000000x128xf32, #tpu.memory_space<hbm>>
        tpu.enqueue_indirect_dma source(%dma_start3A_138 : memref<1000000x128xf32, #tpu.memory_space<hbm>>) target(%dma_start3A_134 : memref<32x128xf32, #tpu.memory_space<vmem>>) offsets(%dma_start3A_135 : memref<32xi32, #tpu.memory_space<vmem>>) semaphore(%arg14 : memref<!tpu.dma_semaphore, #tpu.memory_space<semaphore_mem>>)
      } else {
      }
      %mul3A_87 = arith.constant 160 : i32
      %mul3A_88 = arith.muli %add3A_79, %mul3A_87 : i32
      %add3A_89 = arith.constant 0 : i32
      %add3A_90 = arith.addi %mul3A_88, %add3A_89 : i32
      %mul3A_91 = arith.constant 160 : i32
      %mul3A_92 = arith.muli %add3A_79, %mul3A_91 : i32
      %add3A_93 = arith.constant 128 : i32
      %add3A_94 = arith.addi %mul3A_92, %add3A_93 : i32
      %dma_wait3A_95 = arith.constant 0 : i32
      %dma_wait3A_96 = arith.constant 0 : i32
      %dma_wait3A_97 = tpu.memref_slice %arg12[%dma_wait3A_95, %dma_wait3A_96] : memref<160x128xf32, #tpu.memory_space<vmem>> -> memref<128x128xf32, #tpu.memory_space<vmem>>
      %dma_wait3A_98 = tpu.memref_slice %arg9[%add3A_90] : memref<10240xi32, #tpu.memory_space<vmem>> -> memref<128xi32, #tpu.memory_space<vmem>>
      %dma_wait3A_99 = arith.constant 0 : i32
      %dma_wait3A_100 = arith.constant 0 : i32
      %dma_wait3A_101 = tpu.memref_slice %arg5[%dma_wait3A_99, %dma_wait3A_100] : memref<1000000x128xf32, #tpu.memory_space<hbm>> -> memref<1000000x128xf32, #tpu.memory_space<hbm>>
      tpu.wait_indirect_dma semaphore(%arg15 : memref<!tpu.dma_semaphore, #tpu.memory_space<semaphore_mem>>) src(%dma_wait3A_101 : memref<1000000x128xf32, #tpu.memory_space<hbm>>) dst(%dma_wait3A_97 : memref<128x128xf32, #tpu.memory_space<vmem>>)
      %dma_wait3A_102 = arith.constant 128 : i32
      %dma_wait3A_103 = arith.constant 0 : i32
      %dma_wait3A_104 = tpu.memref_slice %arg12[%dma_wait3A_102, %dma_wait3A_103] : memref<160x128xf32, #tpu.memory_space<vmem>> -> memref<32x128xf32, #tpu.memory_space<vmem>>
      %dma_wait3A_105 = tpu.memref_slice %arg9[%add3A_94] : memref<10240xi32, #tpu.memory_space<vmem>> -> memref<32xi32, #tpu.memory_space<vmem>>
      %dma_wait3A_106 = arith.constant 0 : i32
      %dma_wait3A_107 = arith.constant 0 : i32
      %dma_wait3A_108 = tpu.memref_slice %arg5[%dma_wait3A_106, %dma_wait3A_107] : memref<1000000x128xf32, #tpu.memory_space<hbm>> -> memref<1000000x128xf32, #tpu.memory_space<hbm>>
      tpu.wait_indirect_dma semaphore(%arg15 : memref<!tpu.dma_semaphore, #tpu.memory_space<semaphore_mem>>) src(%dma_wait3A_108 : memref<1000000x128xf32, #tpu.memory_space<hbm>>) dst(%dma_wait3A_104 : memref<32x128xf32, #tpu.memory_space<vmem>>)
      %scan3A_109 = arith.constant 0 : i32
      %scan3A_110 = arith.constant 0 : i32
      %scan3A_111 = arith.constant 8 : i32
      %scan3A_112 = arith.addi %scan3A_110, %scan3A_111 : i32
      %scan3A_113 = arith.constant 1 : i32
      scf.for %scan3A_115 = %scan3A_110 to %scan3A_112 step %scan3A_113  : i32 {
        %mul3A_116 = arith.constant 8 : i32
        %mul3A_117 = arith.muli %add3A_79, %mul3A_116 : i32
        %add3A_118 = arith.addi %mul3A_117, %scan3A_115 : i32
        %mul3A_119 = arith.constant 21 : i32
        %mul3A_120 = arith.muli %add3A_118, %mul3A_119 : i32
        %get3A = arith.index_cast %add3A_118 : i32 to index
        %get3A_121 = arith.constant 0 : index
        %get3A_122 = tpu.vector_load %arg10[%get3A, %get3A_121] {strides = array<i32>} : memref<512x64xf32, #tpu.memory_space<vmem>>, vector<16xf32>,
        %get3A_123 = arith.index_cast %add3A_118 : i32 to index
        %get3A_124 = arith.constant 16 : index
        %get3A_125 = tpu.vector_load %arg10[%get3A_123, %get3A_124] {strides = array<i32>} : memref<512x64xf32, #tpu.memory_space<vmem>>, vector<16xf32>,
        %get3A_126 = arith.index_cast %add3A_118 : i32 to index
        %get3A_127 = arith.constant 32 : index
        %get3A_128 = tpu.vector_load %arg10[%get3A_126, %get3A_127] {strides = array<i32>} : memref<512x64xf32, #tpu.memory_space<vmem>>, vector<16xf32>,
        %get3A_129 = arith.index_cast %add3A_118 : i32 to index
        %get3A_130 = arith.constant 48 : index
        %get3A_131 = tpu.vector_load %arg10[%get3A_129, %get3A_130] {strides = array<i32>} : memref<512x64xf32, #tpu.memory_space<vmem>>, vector<16xf32>,
        %mul3A_132 = arith.mulf %get3A_122, %get3A_128 : vector<16xf32>
        %mul3A_133 = arith.mulf %get3A_125, %get3A_131 : vector<16xf32>
        %add3A_134 = arith.addf %mul3A_132, %mul3A_133 : vector<16xf32>
        %broadcast_in_dim3A_135 = vector.broadcast %mul3A_120 : i32 to vector<16xi32>
        tpu.vector_store_idx %arg13[%broadcast_in_dim3A_135], %add3A_134 {add = true} : memref<10752xf32, #tpu.memory_space<vmem>>[vector<16xi32>], vector<16xf32>,
        %mul3A_136 = arith.constant 20 : i32
        %mul3A_137 = arith.muli %scan3A_115, %mul3A_136 : i32
        %add3A_138 = arith.constant 0 : i32
        %add3A_139 = arith.addi %mul3A_137, %add3A_138 : i32
        %get3A_140 = arith.index_cast %add3A_139 : i32 to index
        %get3A_141 = arith.constant 32 : index
        %get3A_142 = tpu.vector_load %arg12[%get3A_140, %get3A_141] {strides = array<i32>} : memref<160x128xf32, #tpu.memory_space<vmem>>, vector<16xf32>,
        %get3A_143 = arith.index_cast %add3A_139 : i32 to index
        %get3A_144 = arith.constant 48 : index
        %get3A_145 = tpu.vector_load %arg12[%get3A_143, %get3A_144] {strides = array<i32>} : memref<160x128xf32, #tpu.memory_space<vmem>>, vector<16xf32>,
        %mul3A_146 = arith.mulf %get3A_122, %get3A_142 : vector<16xf32>
        %mul3A_147 = arith.mulf %get3A_125, %get3A_145 : vector<16xf32>
        %add3A_148 = arith.addf %mul3A_146, %mul3A_147 : vector<16xf32>
        %add3A_149 = arith.constant 1 : i32
        %add3A_150 = arith.addi %mul3A_120, %add3A_149 : i32
        %add3A_151 = arith.constant 0 : i32
        %add3A_152 = arith.addi %add3A_150, %add3A_151 : i32
        %broadcast_in_dim3A_153 = vector.broadcast %add3A_152 : i32 to vector<16xi32>
        %neg3A = arith.constant 0.000000e+00 : f32
        %neg3A_154 = vector.broadcast %neg3A : f32 to vector<16xf32>
        %neg3A_155 = arith.subf %neg3A_154, %add3A_148 : vector<16xf32>
        tpu.vector_store_idx %arg13[%broadcast_in_dim3A_153], %neg3A_155 {add = true} : memref<10752xf32, #tpu.memory_space<vmem>>[vector<16xi32>], vector<16xf32>,
        %mul3A_156 = arith.constant 20 : i32
        %mul3A_157 = arith.muli %scan3A_115, %mul3A_156 : i32
        %add3A_158 = arith.constant 1 : i32
        %add3A_159 = arith.addi %mul3A_157, %add3A_158 : i32
        %get3A_160 = arith.index_cast %add3A_159 : i32 to index
        %get3A_161 = arith.constant 32 : index
        %get3A_162 = tpu.vector_load %arg12[%get3A_160, %get3A_161] {strides = array<i32>} : memref<160x128xf32, #tpu.memory_space<vmem>>, vector<16xf32>,
        %get3A_163 = arith.index_cast %add3A_159 : i32 to index
        %get3A_164 = arith.constant 48 : index
        %get3A_165 = tpu.vector_load %arg12[%get3A_163, %get3A_164] {strides = array<i32>} : memref<160x128xf32, #tpu.memory_space<vmem>>, vector<16xf32>,
        %mul3A_166 = arith.mulf %get3A_122, %get3A_162 : vector<16xf32>
        %mul3A_167 = arith.mulf %get3A_125, %get3A_165 : vector<16xf32>
        %add3A_168 = arith.addf %mul3A_166, %mul3A_167 : vector<16xf32>
        %add3A_169 = arith.constant 1 : i32
        %add3A_170 = arith.addi %mul3A_120, %add3A_169 : i32
        %add3A_171 = arith.constant 1 : i32
        %add3A_172 = arith.addi %add3A_170, %add3A_171 : i32
        %broadcast_in_dim3A_173 = vector.broadcast %add3A_172 : i32 to vector<16xi32>
        %neg3A_174 = arith.constant 0.000000e+00 : f32
        %neg3A_175 = vector.broadcast %neg3A_174 : f32 to vector<16xf32>
        %neg3A_176 = arith.subf %neg3A_175, %add3A_168 : vector<16xf32>
        tpu.vector_store_idx %arg13[%broadcast_in_dim3A_173], %neg3A_176 {add = true} : memref<10752xf32, #tpu.memory_space<vmem>>[vector<16xi32>], vector<16xf32>,
        %mul3A_177 = arith.constant 20 : i32
        %mul3A_178 = arith.muli %scan3A_115, %mul3A_177 : i32
        %add3A_179 = arith.constant 2 : i32
        %add3A_180 = arith.addi %mul3A_178, %add3A_179 : i32
        %get3A_181 = arith.index_cast %add3A_180 : i32 to index
        %get3A_182 = arith.constant 32 : index
        %get3A_183 = tpu.vector_load %arg12[%get3A_181, %get3A_182] {strides = array<i32>} : memref<160x128xf32, #tpu.memory_space<vmem>>, vector<16xf32>,
        %get3A_184 = arith.index_cast %add3A_180 : i32 to index
        %get3A_185 = arith.constant 48 : index
        %get3A_186 = tpu.vector_load %arg12[%get3A_184, %get3A_185] {strides = array<i32>} : memref<160x128xf32, #tpu.memory_space<vmem>>, vector<16xf32>,
        %mul3A_187 = arith.mulf %get3A_122, %get3A_183 : vector<16xf32>
        %mul3A_188 = arith.mulf %get3A_125, %get3A_186 : vector<16xf32>
        %add3A_189 = arith.addf %mul3A_187, %mul3A_188 : vector<16xf32>
        %add3A_190 = arith.constant 1 : i32
        %add3A_191 = arith.addi %mul3A_120, %add3A_190 : i32
        %add3A_192 = arith.constant 2 : i32
        %add3A_193 = arith.addi %add3A_191, %add3A_192 : i32
        %broadcast_in_dim3A_194 = vector.broadcast %add3A_193 : i32 to vector<16xi32>
        %neg3A_195 = arith.constant 0.000000e+00 : f32
        %neg3A_196 = vector.broadcast %neg3A_195 : f32 to vector<16xf32>
        %neg3A_197 = arith.subf %neg3A_196, %add3A_189 : vector<16xf32>
        tpu.vector_store_idx %arg13[%broadcast_in_dim3A_194], %neg3A_197 {add = true} : memref<10752xf32, #tpu.memory_space<vmem>>[vector<16xi32>], vector<16xf32>,
        %mul3A_198 = arith.constant 20 : i32
        %mul3A_199 = arith.muli %scan3A_115, %mul3A_198 : i32
        %add3A_200 = arith.constant 3 : i32
        %add3A_201 = arith.addi %mul3A_199, %add3A_200 : i32
        %get3A_202 = arith.index_cast %add3A_201 : i32 to index
        %get3A_203 = arith.constant 32 : index
        %get3A_204 = tpu.vector_load %arg12[%get3A_202, %get3A_203] {strides = array<i32>} : memref<160x128xf32, #tpu.memory_space<vmem>>, vector<16xf32>,
        %get3A_205 = arith.index_cast %add3A_201 : i32 to index
        %get3A_206 = arith.constant 48 : index
        %get3A_207 = tpu.vector_load %arg12[%get3A_205, %get3A_206] {strides = array<i32>} : memref<160x128xf32, #tpu.memory_space<vmem>>, vector<16xf32>,
        %mul3A_208 = arith.mulf %get3A_122, %get3A_204 : vector<16xf32>
        %mul3A_209 = arith.mulf %get3A_125, %get3A_207 : vector<16xf32>
        %add3A_210 = arith.addf %mul3A_208, %mul3A_209 : vector<16xf32>
        %add3A_211 = arith.constant 1 : i32
        %add3A_212 = arith.addi %mul3A_120, %add3A_211 : i32
        %add3A_213 = arith.constant 3 : i32
        %add3A_214 = arith.addi %add3A_212, %add3A_213 : i32
        %broadcast_in_dim3A_215 = vector.broadcast %add3A_214 : i32 to vector<16xi32>
        %neg3A_216 = arith.constant 0.000000e+00 : f32
        %neg3A_217 = vector.broadcast %neg3A_216 : f32 to vector<16xf32>
        %neg3A_218 = arith.subf %neg3A_217, %add3A_210 : vector<16xf32>
        tpu.vector_store_idx %arg13[%broadcast_in_dim3A_215], %neg3A_218 {add = true} : memref<10752xf32, #tpu.memory_space<vmem>>[vector<16xi32>], vector<16xf32>,
        %mul3A_219 = arith.constant 20 : i32
        %mul3A_220 = arith.muli %scan3A_115, %mul3A_219 : i32
        %add3A_221 = arith.constant 4 : i32
        %add3A_222 = arith.addi %mul3A_220, %add3A_221 : i32
        %get3A_223 = arith.index_cast %add3A_222 : i32 to index
        %get3A_224 = arith.constant 32 : index
        %get3A_225 = tpu.vector_load %arg12[%get3A_223, %get3A_224] {strides = array<i32>} : memref<160x128xf32, #tpu.memory_space<vmem>>, vector<16xf32>,
        %get3A_226 = arith.index_cast %add3A_222 : i32 to index
        %get3A_227 = arith.constant 48 : index
        %get3A_228 = tpu.vector_load %arg12[%get3A_226, %get3A_227] {strides = array<i32>} : memref<160x128xf32, #tpu.memory_space<vmem>>, vector<16xf32>,
        %mul3A_229 = arith.mulf %get3A_122, %get3A_225 : vector<16xf32>
        %mul3A_230 = arith.mulf %get3A_125, %get3A_228 : vector<16xf32>
        %add3A_231 = arith.addf %mul3A_229, %mul3A_230 : vector<16xf32>
        %add3A_232 = arith.constant 1 : i32
        %add3A_233 = arith.addi %mul3A_120, %add3A_232 : i32
        %add3A_234 = arith.constant 4 : i32
        %add3A_235 = arith.addi %add3A_233, %add3A_234 : i32
        %broadcast_in_dim3A_236 = vector.broadcast %add3A_235 : i32 to vector<16xi32>
        %neg3A_237 = arith.constant 0.000000e+00 : f32
        %neg3A_238 = vector.broadcast %neg3A_237 : f32 to vector<16xf32>
        %neg3A_239 = arith.subf %neg3A_238, %add3A_231 : vector<16xf32>
        tpu.vector_store_idx %arg13[%broadcast_in_dim3A_236], %neg3A_239 {add = true} : memref<10752xf32, #tpu.memory_space<vmem>>[vector<16xi32>], vector<16xf32>,
        %mul3A_240 = arith.constant 20 : i32
        %mul3A_241 = arith.muli %scan3A_115, %mul3A_240 : i32
        %add3A_242 = arith.constant 5 : i32
        %add3A_243 = arith.addi %mul3A_241, %add3A_242 : i32
        %get3A_244 = arith.index_cast %add3A_243 : i32 to index
        %get3A_245 = arith.constant 32 : index
        %get3A_246 = tpu.vector_load %arg12[%get3A_244, %get3A_245] {strides = array<i32>} : memref<160x128xf32, #tpu.memory_space<vmem>>, vector<16xf32>,
        %get3A_247 = arith.index_cast %add3A_243 : i32 to index
        %get3A_248 = arith.constant 48 : index
        %get3A_249 = tpu.vector_load %arg12[%get3A_247, %get3A_248] {strides = array<i32>} : memref<160x128xf32, #tpu.memory_space<vmem>>, vector<16xf32>,
        %mul3A_250 = arith.mulf %get3A_122, %get3A_246 : vector<16xf32>
        %mul3A_251 = arith.mulf %get3A_125, %get3A_249 : vector<16xf32>
        %add3A_252 = arith.addf %mul3A_250, %mul3A_251 : vector<16xf32>
        %add3A_253 = arith.constant 1 : i32
        %add3A_254 = arith.addi %mul3A_120, %add3A_253 : i32
        %add3A_255 = arith.constant 5 : i32
        %add3A_256 = arith.addi %add3A_254, %add3A_255 : i32
        %broadcast_in_dim3A_257 = vector.broadcast %add3A_256 : i32 to vector<16xi32>
        %neg3A_258 = arith.constant 0.000000e+00 : f32
        %neg3A_259 = vector.broadcast %neg3A_258 : f32 to vector<16xf32>
        %neg3A_260 = arith.subf %neg3A_259, %add3A_252 : vector<16xf32>
        tpu.vector_store_idx %arg13[%broadcast_in_dim3A_257], %neg3A_260 {add = true} : memref<10752xf32, #tpu.memory_space<vmem>>[vector<16xi32>], vector<16xf32>,
        %mul3A_261 = arith.constant 20 : i32
        %mul3A_262 = arith.muli %scan3A_115, %mul3A_261 : i32
        %add3A_263 = arith.constant 6 : i32
        %add3A_264 = arith.addi %mul3A_262, %add3A_263 : i32
        %get3A_265 = arith.index_cast %add3A_264 : i32 to index
        %get3A_266 = arith.constant 32 : index
        %get3A_267 = tpu.vector_load %arg12[%get3A_265, %get3A_266] {strides = array<i32>} : memref<160x128xf32, #tpu.memory_space<vmem>>, vector<16xf32>,
        %get3A_268 = arith.index_cast %add3A_264 : i32 to index
        %get3A_269 = arith.constant 48 : index
        %get3A_270 = tpu.vector_load %arg12[%get3A_268, %get3A_269] {strides = array<i32>} : memref<160x128xf32, #tpu.memory_space<vmem>>, vector<16xf32>,
        %mul3A_271 = arith.mulf %get3A_122, %get3A_267 : vector<16xf32>
        %mul3A_272 = arith.mulf %get3A_125, %get3A_270 : vector<16xf32>
        %add3A_273 = arith.addf %mul3A_271, %mul3A_272 : vector<16xf32>
        %add3A_274 = arith.constant 1 : i32
        %add3A_275 = arith.addi %mul3A_120, %add3A_274 : i32
        %add3A_276 = arith.constant 6 : i32
        %add3A_277 = arith.addi %add3A_275, %add3A_276 : i32
        %broadcast_in_dim3A_278 = vector.broadcast %add3A_277 : i32 to vector<16xi32>
        %neg3A_279 = arith.constant 0.000000e+00 : f32
        %neg3A_280 = vector.broadcast %neg3A_279 : f32 to vector<16xf32>
        %neg3A_281 = arith.subf %neg3A_280, %add3A_273 : vector<16xf32>
        tpu.vector_store_idx %arg13[%broadcast_in_dim3A_278], %neg3A_281 {add = true} : memref<10752xf32, #tpu.memory_space<vmem>>[vector<16xi32>], vector<16xf32>,
        %mul3A_282 = arith.constant 20 : i32
        %mul3A_283 = arith.muli %scan3A_115, %mul3A_282 : i32
        %add3A_284 = arith.constant 7 : i32
        %add3A_285 = arith.addi %mul3A_283, %add3A_284 : i32
        %get3A_286 = arith.index_cast %add3A_285 : i32 to index
        %get3A_287 = arith.constant 32 : index
        %get3A_288 = tpu.vector_load %arg12[%get3A_286, %get3A_287] {strides = array<i32>} : memref<160x128xf32, #tpu.memory_space<vmem>>, vector<16xf32>,
        %get3A_289 = arith.index_cast %add3A_285 : i32 to index
        %get3A_290 = arith.constant 48 : index
        %get3A_291 = tpu.vector_load %arg12[%get3A_289, %get3A_290] {strides = array<i32>} : memref<160x128xf32, #tpu.memory_space<vmem>>, vector<16xf32>,
        %mul3A_292 = arith.mulf %get3A_122, %get3A_288 : vector<16xf32>
        %mul3A_293 = arith.mulf %get3A_125, %get3A_291 : vector<16xf32>
        %add3A_294 = arith.addf %mul3A_292, %mul3A_293 : vector<16xf32>
        %add3A_295 = arith.constant 1 : i32
        %add3A_296 = arith.addi %mul3A_120, %add3A_295 : i32
        %add3A_297 = arith.constant 7 : i32
        %add3A_298 = arith.addi %add3A_296, %add3A_297 : i32
        %broadcast_in_dim3A_299 = vector.broadcast %add3A_298 : i32 to vector<16xi32>
        %neg3A_300 = arith.constant 0.000000e+00 : f32
        %neg3A_301 = vector.broadcast %neg3A_300 : f32 to vector<16xf32>
        %neg3A_302 = arith.subf %neg3A_301, %add3A_294 : vector<16xf32>
        tpu.vector_store_idx %arg13[%broadcast_in_dim3A_299], %neg3A_302 {add = true} : memref<10752xf32, #tpu.memory_space<vmem>>[vector<16xi32>], vector<16xf32>,
        %mul3A_303 = arith.constant 20 : i32
        %mul3A_304 = arith.muli %scan3A_115, %mul3A_303 : i32
        %add3A_305 = arith.constant 8 : i32
        %add3A_306 = arith.addi %mul3A_304, %add3A_305 : i32
        %get3A_307 = arith.index_cast %add3A_306 : i32 to index
        %get3A_308 = arith.constant 32 : index
        %get3A_309 = tpu.vector_load %arg12[%get3A_307, %get3A_308] {strides = array<i32>} : memref<160x128xf32, #tpu.memory_space<vmem>>, vector<16xf32>,
        %get3A_310 = arith.index_cast %add3A_306 : i32 to index
        %get3A_311 = arith.constant 48 : index
        %get3A_312 = tpu.vector_load %arg12[%get3A_310, %get3A_311] {strides = array<i32>} : memref<160x128xf32, #tpu.memory_space<vmem>>, vector<16xf32>,
        %mul3A_313 = arith.mulf %get3A_122, %get3A_309 : vector<16xf32>
        %mul3A_314 = arith.mulf %get3A_125, %get3A_312 : vector<16xf32>
        %add3A_315 = arith.addf %mul3A_313, %mul3A_314 : vector<16xf32>
        %add3A_316 = arith.constant 1 : i32
        %add3A_317 = arith.addi %mul3A_120, %add3A_316 : i32
        %add3A_318 = arith.constant 8 : i32
        %add3A_319 = arith.addi %add3A_317, %add3A_318 : i32
        %broadcast_in_dim3A_320 = vector.broadcast %add3A_319 : i32 to vector<16xi32>
        %neg3A_321 = arith.constant 0.000000e+00 : f32
        %neg3A_322 = vector.broadcast %neg3A_321 : f32 to vector<16xf32>
        %neg3A_323 = arith.subf %neg3A_322, %add3A_315 : vector<16xf32>
        tpu.vector_store_idx %arg13[%broadcast_in_dim3A_320], %neg3A_323 {add = true} : memref<10752xf32, #tpu.memory_space<vmem>>[vector<16xi32>], vector<16xf32>,
        %mul3A_324 = arith.constant 20 : i32
        %mul3A_325 = arith.muli %scan3A_115, %mul3A_324 : i32
        %add3A_326 = arith.constant 9 : i32
        %add3A_327 = arith.addi %mul3A_325, %add3A_326 : i32
        %get3A_328 = arith.index_cast %add3A_327 : i32 to index
        %get3A_329 = arith.constant 32 : index
        %get3A_330 = tpu.vector_load %arg12[%get3A_328, %get3A_329] {strides = array<i32>} : memref<160x128xf32, #tpu.memory_space<vmem>>, vector<16xf32>,
        %get3A_331 = arith.index_cast %add3A_327 : i32 to index
        %get3A_332 = arith.constant 48 : index
        %get3A_333 = tpu.vector_load %arg12[%get3A_331, %get3A_332] {strides = array<i32>} : memref<160x128xf32, #tpu.memory_space<vmem>>, vector<16xf32>,
        %mul3A_334 = arith.mulf %get3A_122, %get3A_330 : vector<16xf32>
        %mul3A_335 = arith.mulf %get3A_125, %get3A_333 : vector<16xf32>
        %add3A_336 = arith.addf %mul3A_334, %mul3A_335 : vector<16xf32>
        %add3A_337 = arith.constant 1 : i32
        %add3A_338 = arith.addi %mul3A_120, %add3A_337 : i32
        %add3A_339 = arith.constant 9 : i32
        %add3A_340 = arith.addi %add3A_338, %add3A_339 : i32
        %broadcast_in_dim3A_341 = vector.broadcast %add3A_340 : i32 to vector<16xi32>
        %neg3A_342 = arith.constant 0.000000e+00 : f32
        %neg3A_343 = vector.broadcast %neg3A_342 : f32 to vector<16xf32>
        %neg3A_344 = arith.subf %neg3A_343, %add3A_336 : vector<16xf32>
        tpu.vector_store_idx %arg13[%broadcast_in_dim3A_341], %neg3A_344 {add = true} : memref<10752xf32, #tpu.memory_space<vmem>>[vector<16xi32>], vector<16xf32>,
        %mul3A_345 = arith.constant 20 : i32
        %mul3A_346 = arith.muli %scan3A_115, %mul3A_345 : i32
        %add3A_347 = arith.constant 10 : i32
        %add3A_348 = arith.addi %mul3A_346, %add3A_347 : i32
        %get3A_349 = arith.index_cast %add3A_348 : i32 to index
        %get3A_350 = arith.constant 32 : index
        %get3A_351 = tpu.vector_load %arg12[%get3A_349, %get3A_350] {strides = array<i32>} : memref<160x128xf32, #tpu.memory_space<vmem>>, vector<16xf32>,
        %get3A_352 = arith.index_cast %add3A_348 : i32 to index
        %get3A_353 = arith.constant 48 : index
        %get3A_354 = tpu.vector_load %arg12[%get3A_352, %get3A_353] {strides = array<i32>} : memref<160x128xf32, #tpu.memory_space<vmem>>, vector<16xf32>,
        %mul3A_355 = arith.mulf %get3A_122, %get3A_351 : vector<16xf32>
        %mul3A_356 = arith.mulf %get3A_125, %get3A_354 : vector<16xf32>
        %add3A_357 = arith.addf %mul3A_355, %mul3A_356 : vector<16xf32>
        %add3A_358 = arith.constant 1 : i32
        %add3A_359 = arith.addi %mul3A_120, %add3A_358 : i32
        %add3A_360 = arith.constant 10 : i32
        %add3A_361 = arith.addi %add3A_359, %add3A_360 : i32
        %broadcast_in_dim3A_362 = vector.broadcast %add3A_361 : i32 to vector<16xi32>
        %neg3A_363 = arith.constant 0.000000e+00 : f32
        %neg3A_364 = vector.broadcast %neg3A_363 : f32 to vector<16xf32>
        %neg3A_365 = arith.subf %neg3A_364, %add3A_357 : vector<16xf32>
        tpu.vector_store_idx %arg13[%broadcast_in_dim3A_362], %neg3A_365 {add = true} : memref<10752xf32, #tpu.memory_space<vmem>>[vector<16xi32>], vector<16xf32>,
        %mul3A_366 = arith.constant 20 : i32
        %mul3A_367 = arith.muli %scan3A_115, %mul3A_366 : i32
        %add3A_368 = arith.constant 11 : i32
        %add3A_369 = arith.addi %mul3A_367, %add3A_368 : i32
        %get3A_370 = arith.index_cast %add3A_369 : i32 to index
        %get3A_371 = arith.constant 32 : index
        %get3A_372 = tpu.vector_load %arg12[%get3A_370, %get3A_371] {strides = array<i32>} : memref<160x128xf32, #tpu.memory_space<vmem>>, vector<16xf32>,
        %get3A_373 = arith.index_cast %add3A_369 : i32 to index
        %get3A_374 = arith.constant 48 : index
        %get3A_375 = tpu.vector_load %arg12[%get3A_373, %get3A_374] {strides = array<i32>} : memref<160x128xf32, #tpu.memory_space<vmem>>, vector<16xf32>,
        %mul3A_376 = arith.mulf %get3A_122, %get3A_372 : vector<16xf32>
        %mul3A_377 = arith.mulf %get3A_125, %get3A_375 : vector<16xf32>
        %add3A_378 = arith.addf %mul3A_376, %mul3A_377 : vector<16xf32>
        %add3A_379 = arith.constant 1 : i32
        %add3A_380 = arith.addi %mul3A_120, %add3A_379 : i32
        %add3A_381 = arith.constant 11 : i32
        %add3A_382 = arith.addi %add3A_380, %add3A_381 : i32
        %broadcast_in_dim3A_383 = vector.broadcast %add3A_382 : i32 to vector<16xi32>
        %neg3A_384 = arith.constant 0.000000e+00 : f32
        %neg3A_385 = vector.broadcast %neg3A_384 : f32 to vector<16xf32>
        %neg3A_386 = arith.subf %neg3A_385, %add3A_378 : vector<16xf32>
        tpu.vector_store_idx %arg13[%broadcast_in_dim3A_383], %neg3A_386 {add = true} : memref<10752xf32, #tpu.memory_space<vmem>>[vector<16xi32>], vector<16xf32>,
        %mul3A_387 = arith.constant 20 : i32
        %mul3A_388 = arith.muli %scan3A_115, %mul3A_387 : i32
        %add3A_389 = arith.constant 12 : i32
        %add3A_390 = arith.addi %mul3A_388, %add3A_389 : i32
        %get3A_391 = arith.index_cast %add3A_390 : i32 to index
        %get3A_392 = arith.constant 32 : index
        %get3A_393 = tpu.vector_load %arg12[%get3A_391, %get3A_392] {strides = array<i32>} : memref<160x128xf32, #tpu.memory_space<vmem>>, vector<16xf32>,
        %get3A_394 = arith.index_cast %add3A_390 : i32 to index
        %get3A_395 = arith.constant 48 : index
        %get3A_396 = tpu.vector_load %arg12[%get3A_394, %get3A_395] {strides = array<i32>} : memref<160x128xf32, #tpu.memory_space<vmem>>, vector<16xf32>,
        %mul3A_397 = arith.mulf %get3A_122, %get3A_393 : vector<16xf32>
        %mul3A_398 = arith.mulf %get3A_125, %get3A_396 : vector<16xf32>
        %add3A_399 = arith.addf %mul3A_397, %mul3A_398 : vector<16xf32>
        %add3A_400 = arith.constant 1 : i32
        %add3A_401 = arith.addi %mul3A_120, %add3A_400 : i32
        %add3A_402 = arith.constant 12 : i32
        %add3A_403 = arith.addi %add3A_401, %add3A_402 : i32
        %broadcast_in_dim3A_404 = vector.broadcast %add3A_403 : i32 to vector<16xi32>
        %neg3A_405 = arith.constant 0.000000e+00 : f32
        %neg3A_406 = vector.broadcast %neg3A_405 : f32 to vector<16xf32>
        %neg3A_407 = arith.subf %neg3A_406, %add3A_399 : vector<16xf32>
        tpu.vector_store_idx %arg13[%broadcast_in_dim3A_404], %neg3A_407 {add = true} : memref<10752xf32, #tpu.memory_space<vmem>>[vector<16xi32>], vector<16xf32>,
        %mul3A_408 = arith.constant 20 : i32
        %mul3A_409 = arith.muli %scan3A_115, %mul3A_408 : i32
        %add3A_410 = arith.constant 13 : i32
        %add3A_411 = arith.addi %mul3A_409, %add3A_410 : i32
        %get3A_412 = arith.index_cast %add3A_411 : i32 to index
        %get3A_413 = arith.constant 32 : index
        %get3A_414 = tpu.vector_load %arg12[%get3A_412, %get3A_413] {strides = array<i32>} : memref<160x128xf32, #tpu.memory_space<vmem>>, vector<16xf32>,
        %get3A_415 = arith.index_cast %add3A_411 : i32 to index
        %get3A_416 = arith.constant 48 : index
        %get3A_417 = tpu.vector_load %arg12[%get3A_415, %get3A_416] {strides = array<i32>} : memref<160x128xf32, #tpu.memory_space<vmem>>, vector<16xf32>,
        %mul3A_418 = arith.mulf %get3A_122, %get3A_414 : vector<16xf32>
        %mul3A_419 = arith.mulf %get3A_125, %get3A_417 : vector<16xf32>
        %add3A_420 = arith.addf %mul3A_418, %mul3A_419 : vector<16xf32>
        %add3A_421 = arith.constant 1 : i32
        %add3A_422 = arith.addi %mul3A_120, %add3A_421 : i32
        %add3A_423 = arith.constant 13 : i32
        %add3A_424 = arith.addi %add3A_422, %add3A_423 : i32
        %broadcast_in_dim3A_425 = vector.broadcast %add3A_424 : i32 to vector<16xi32>
        %neg3A_426 = arith.constant 0.000000e+00 : f32
        %neg3A_427 = vector.broadcast %neg3A_426 : f32 to vector<16xf32>
        %neg3A_428 = arith.subf %neg3A_427, %add3A_420 : vector<16xf32>
        tpu.vector_store_idx %arg13[%broadcast_in_dim3A_425], %neg3A_428 {add = true} : memref<10752xf32, #tpu.memory_space<vmem>>[vector<16xi32>], vector<16xf32>,
        %mul3A_429 = arith.constant 20 : i32
        %mul3A_430 = arith.muli %scan3A_115, %mul3A_429 : i32
        %add3A_431 = arith.constant 14 : i32
        %add3A_432 = arith.addi %mul3A_430, %add3A_431 : i32
        %get3A_433 = arith.index_cast %add3A_432 : i32 to index
        %get3A_434 = arith.constant 32 : index
        %get3A_435 = tpu.vector_load %arg12[%get3A_433, %get3A_434] {strides = array<i32>} : memref<160x128xf32, #tpu.memory_space<vmem>>, vector<16xf32>,
        %get3A_436 = arith.index_cast %add3A_432 : i32 to index
        %get3A_437 = arith.constant 48 : index
        %get3A_438 = tpu.vector_load %arg12[%get3A_436, %get3A_437] {strides = array<i32>} : memref<160x128xf32, #tpu.memory_space<vmem>>, vector<16xf32>,
        %mul3A_439 = arith.mulf %get3A_122, %get3A_435 : vector<16xf32>
        %mul3A_440 = arith.mulf %get3A_125, %get3A_438 : vector<16xf32>
        %add3A_441 = arith.addf %mul3A_439, %mul3A_440 : vector<16xf32>
        %add3A_442 = arith.constant 1 : i32
        %add3A_443 = arith.addi %mul3A_120, %add3A_442 : i32
        %add3A_444 = arith.constant 14 : i32
        %add3A_445 = arith.addi %add3A_443, %add3A_444 : i32
        %broadcast_in_dim3A_446 = vector.broadcast %add3A_445 : i32 to vector<16xi32>
        %neg3A_447 = arith.constant 0.000000e+00 : f32
        %neg3A_448 = vector.broadcast %neg3A_447 : f32 to vector<16xf32>
        %neg3A_449 = arith.subf %neg3A_448, %add3A_441 : vector<16xf32>
        tpu.vector_store_idx %arg13[%broadcast_in_dim3A_446], %neg3A_449 {add = true} : memref<10752xf32, #tpu.memory_space<vmem>>[vector<16xi32>], vector<16xf32>,
        %mul3A_450 = arith.constant 20 : i32
        %mul3A_451 = arith.muli %scan3A_115, %mul3A_450 : i32
        %add3A_452 = arith.constant 15 : i32
        %add3A_453 = arith.addi %mul3A_451, %add3A_452 : i32
        %get3A_454 = arith.index_cast %add3A_453 : i32 to index
        %get3A_455 = arith.constant 32 : index
        %get3A_456 = tpu.vector_load %arg12[%get3A_454, %get3A_455] {strides = array<i32>} : memref<160x128xf32, #tpu.memory_space<vmem>>, vector<16xf32>,
        %get3A_457 = arith.index_cast %add3A_453 : i32 to index
        %get3A_458 = arith.constant 48 : index
        %get3A_459 = tpu.vector_load %arg12[%get3A_457, %get3A_458] {strides = array<i32>} : memref<160x128xf32, #tpu.memory_space<vmem>>, vector<16xf32>,
        %mul3A_460 = arith.mulf %get3A_122, %get3A_456 : vector<16xf32>
        %mul3A_461 = arith.mulf %get3A_125, %get3A_459 : vector<16xf32>
        %add3A_462 = arith.addf %mul3A_460, %mul3A_461 : vector<16xf32>
        %add3A_463 = arith.constant 1 : i32
        %add3A_464 = arith.addi %mul3A_120, %add3A_463 : i32
        %add3A_465 = arith.constant 15 : i32
        %add3A_466 = arith.addi %add3A_464, %add3A_465 : i32
        %broadcast_in_dim3A_467 = vector.broadcast %add3A_466 : i32 to vector<16xi32>
        %neg3A_468 = arith.constant 0.000000e+00 : f32
        %neg3A_469 = vector.broadcast %neg3A_468 : f32 to vector<16xf32>
        %neg3A_470 = arith.subf %neg3A_469, %add3A_462 : vector<16xf32>
        tpu.vector_store_idx %arg13[%broadcast_in_dim3A_467], %neg3A_470 {add = true} : memref<10752xf32, #tpu.memory_space<vmem>>[vector<16xi32>], vector<16xf32>,
        %mul3A_471 = arith.constant 20 : i32
        %mul3A_472 = arith.muli %scan3A_115, %mul3A_471 : i32
        %add3A_473 = arith.constant 16 : i32
        %add3A_474 = arith.addi %mul3A_472, %add3A_473 : i32
        %get3A_475 = arith.index_cast %add3A_474 : i32 to index
        %get3A_476 = arith.constant 32 : index
        %get3A_477 = tpu.vector_load %arg12[%get3A_475, %get3A_476] {strides = array<i32>} : memref<160x128xf32, #tpu.memory_space<vmem>>, vector<16xf32>,
        %get3A_478 = arith.index_cast %add3A_474 : i32 to index
        %get3A_479 = arith.constant 48 : index
        %get3A_480 = tpu.vector_load %arg12[%get3A_478, %get3A_479] {strides = array<i32>} : memref<160x128xf32, #tpu.memory_space<vmem>>, vector<16xf32>,
        %mul3A_481 = arith.mulf %get3A_122, %get3A_477 : vector<16xf32>
        %mul3A_482 = arith.mulf %get3A_125, %get3A_480 : vector<16xf32>
        %add3A_483 = arith.addf %mul3A_481, %mul3A_482 : vector<16xf32>
        %add3A_484 = arith.constant 1 : i32
        %add3A_485 = arith.addi %mul3A_120, %add3A_484 : i32
        %add3A_486 = arith.constant 16 : i32
        %add3A_487 = arith.addi %add3A_485, %add3A_486 : i32
        %broadcast_in_dim3A_488 = vector.broadcast %add3A_487 : i32 to vector<16xi32>
        %neg3A_489 = arith.constant 0.000000e+00 : f32
        %neg3A_490 = vector.broadcast %neg3A_489 : f32 to vector<16xf32>
        %neg3A_491 = arith.subf %neg3A_490, %add3A_483 : vector<16xf32>
        tpu.vector_store_idx %arg13[%broadcast_in_dim3A_488], %neg3A_491 {add = true} : memref<10752xf32, #tpu.memory_space<vmem>>[vector<16xi32>], vector<16xf32>,
        %mul3A_492 = arith.constant 20 : i32
        %mul3A_493 = arith.muli %scan3A_115, %mul3A_492 : i32
        %add3A_494 = arith.constant 17 : i32
        %add3A_495 = arith.addi %mul3A_493, %add3A_494 : i32
        %get3A_496 = arith.index_cast %add3A_495 : i32 to index
        %get3A_497 = arith.constant 32 : index
        %get3A_498 = tpu.vector_load %arg12[%get3A_496, %get3A_497] {strides = array<i32>} : memref<160x128xf32, #tpu.memory_space<vmem>>, vector<16xf32>,
        %get3A_499 = arith.index_cast %add3A_495 : i32 to index
        %get3A_500 = arith.constant 48 : index
        %get3A_501 = tpu.vector_load %arg12[%get3A_499, %get3A_500] {strides = array<i32>} : memref<160x128xf32, #tpu.memory_space<vmem>>, vector<16xf32>,
        %mul3A_502 = arith.mulf %get3A_122, %get3A_498 : vector<16xf32>
        %mul3A_503 = arith.mulf %get3A_125, %get3A_501 : vector<16xf32>
        %add3A_504 = arith.addf %mul3A_502, %mul3A_503 : vector<16xf32>
        %add3A_505 = arith.constant 1 : i32
        %add3A_506 = arith.addi %mul3A_120, %add3A_505 : i32
        %add3A_507 = arith.constant 17 : i32
        %add3A_508 = arith.addi %add3A_506, %add3A_507 : i32
        %broadcast_in_dim3A_509 = vector.broadcast %add3A_508 : i32 to vector<16xi32>
        %neg3A_510 = arith.constant 0.000000e+00 : f32
        %neg3A_511 = vector.broadcast %neg3A_510 : f32 to vector<16xf32>
        %neg3A_512 = arith.subf %neg3A_511, %add3A_504 : vector<16xf32>
        tpu.vector_store_idx %arg13[%broadcast_in_dim3A_509], %neg3A_512 {add = true} : memref<10752xf32, #tpu.memory_space<vmem>>[vector<16xi32>], vector<16xf32>,
        %mul3A_513 = arith.constant 20 : i32
        %mul3A_514 = arith.muli %scan3A_115, %mul3A_513 : i32
        %add3A_515 = arith.constant 18 : i32
        %add3A_516 = arith.addi %mul3A_514, %add3A_515 : i32
        %get3A_517 = arith.index_cast %add3A_516 : i32 to index
        %get3A_518 = arith.constant 32 : index
        %get3A_519 = tpu.vector_load %arg12[%get3A_517, %get3A_518] {strides = array<i32>} : memref<160x128xf32, #tpu.memory_space<vmem>>, vector<16xf32>,
        %get3A_520 = arith.index_cast %add3A_516 : i32 to index
        %get3A_521 = arith.constant 48 : index
        %get3A_522 = tpu.vector_load %arg12[%get3A_520, %get3A_521] {strides = array<i32>} : memref<160x128xf32, #tpu.memory_space<vmem>>, vector<16xf32>,
        %mul3A_523 = arith.mulf %get3A_122, %get3A_519 : vector<16xf32>
        %mul3A_524 = arith.mulf %get3A_125, %get3A_522 : vector<16xf32>
        %add3A_525 = arith.addf %mul3A_523, %mul3A_524 : vector<16xf32>
        %add3A_526 = arith.constant 1 : i32
        %add3A_527 = arith.addi %mul3A_120, %add3A_526 : i32
        %add3A_528 = arith.constant 18 : i32
        %add3A_529 = arith.addi %add3A_527, %add3A_528 : i32
        %broadcast_in_dim3A_530 = vector.broadcast %add3A_529 : i32 to vector<16xi32>
        %neg3A_531 = arith.constant 0.000000e+00 : f32
        %neg3A_532 = vector.broadcast %neg3A_531 : f32 to vector<16xf32>
        %neg3A_533 = arith.subf %neg3A_532, %add3A_525 : vector<16xf32>
        tpu.vector_store_idx %arg13[%broadcast_in_dim3A_530], %neg3A_533 {add = true} : memref<10752xf32, #tpu.memory_space<vmem>>[vector<16xi32>], vector<16xf32>,
        %mul3A_534 = arith.constant 20 : i32
        %mul3A_535 = arith.muli %scan3A_115, %mul3A_534 : i32
        %add3A_536 = arith.constant 19 : i32
        %add3A_537 = arith.addi %mul3A_535, %add3A_536 : i32
        %get3A_538 = arith.index_cast %add3A_537 : i32 to index
        %get3A_539 = arith.constant 32 : index
        %get3A_540 = tpu.vector_load %arg12[%get3A_538, %get3A_539] {strides = array<i32>} : memref<160x128xf32, #tpu.memory_space<vmem>>, vector<16xf32>,
        %get3A_541 = arith.index_cast %add3A_537 : i32 to index
        %get3A_542 = arith.constant 48 : index
        %get3A_543 = tpu.vector_load %arg12[%get3A_541, %get3A_542] {strides = array<i32>} : memref<160x128xf32, #tpu.memory_space<vmem>>, vector<16xf32>,
        %mul3A_544 = arith.mulf %get3A_122, %get3A_540 : vector<16xf32>
        %mul3A_545 = arith.mulf %get3A_125, %get3A_543 : vector<16xf32>
        %add3A_546 = arith.addf %mul3A_544, %mul3A_545 : vector<16xf32>
        %add3A_547 = arith.constant 1 : i32
        %add3A_548 = arith.addi %mul3A_120, %add3A_547 : i32
        %add3A_549 = arith.constant 19 : i32
        %add3A_550 = arith.addi %add3A_548, %add3A_549 : i32
        %broadcast_in_dim3A_551 = vector.broadcast %add3A_550 : i32 to vector<16xi32>
        %neg3A_552 = arith.constant 0.000000e+00 : f32
        %neg3A_553 = vector.broadcast %neg3A_552 : f32 to vector<16xf32>
        %neg3A_554 = arith.subf %neg3A_553, %add3A_546 : vector<16xf32>
        tpu.vector_store_idx %arg13[%broadcast_in_dim3A_551], %neg3A_554 {add = true} : memref<10752xf32, #tpu.memory_space<vmem>>[vector<16xi32>], vector<16xf32>,
      }
      %scan3A_114 = arith.constant 8 : i32
    }
    %scan3A_37 = arith.constant 32 : i32
    %mul3A_38 = arith.constant 21 : i32
    %mul3A_39 = arith.muli %mul3A_2, %mul3A_38 : i32
    "tpu.region"() ({
      %run_scoped3A = tpu.sem_alloc : memref<!tpu.dma_semaphore, #tpu.memory_space<semaphore_mem>>
      %dma_start3A_40 = tpu.memref_slice %arg6[%mul3A_39] : memref<344064xf32, #tpu.memory_space<hbm>> -> memref<10752xf32, #tpu.memory_space<hbm>>
      %dma_start3A_41 = tpu.memref_slice %arg6[%mul3A_39] : memref<344064xf32, #tpu.memory_space<hbm>> -> memref<10752xf32, #tpu.memory_space<hbm>>
      tpu.enqueue_dma source(%arg13 : memref<10752xf32, #tpu.memory_space<vmem>>) target(%dma_start3A_41 : memref<10752xf32, #tpu.memory_space<hbm>>) target_semaphore(%run_scoped3A : memref<!tpu.dma_semaphore, #tpu.memory_space<semaphore_mem>>)
      %dma_wait3A = tpu.memref_slice %arg6[%mul3A_39] : memref<344064xf32, #tpu.memory_space<hbm>> -> memref<10752xf32, #tpu.memory_space<hbm>>
      %dma_wait3A_42 = tpu.memref_slice %arg6[%mul3A_39] : memref<344064xf32, #tpu.memory_space<hbm>> -> memref<10752xf32, #tpu.memory_space<hbm>>
      tpu.wait_dma2 semaphore(%run_scoped3A : memref<!tpu.dma_semaphore, #tpu.memory_space<semaphore_mem>>) src(%arg13 : memref<10752xf32, #tpu.memory_space<vmem>>) dst(%dma_wait3A_42 : memref<10752xf32, #tpu.memory_space<hbm>>)
      tpu.yield
    }) : () -> ()
    return
  }
}

module attributes {stable_mosaic.version = 14 : i64} {
  func.func @body(%arg0: memref<2688x128xf32, #tpu.memory_space<vmem>>, %arg1: memref<1x1xf32, #tpu.memory_space<smem>>) attributes {dimension_semantics = [], scalar_prefetch = 0 : i64, scratch_operands = 0 : i64, tpu.core_type = #tpu.core_type<tc>} {
    %get3A = arith.constant 0 : index
    %get3A_0 = arith.constant 0 : index
    %get3A_1 = vector.load %arg0[%get3A, %get3A_0] : memref<2688x128xf32, #tpu.memory_space<vmem>>, vector<2688x128xf32>
    %neg3A = arith.constant 0.000000e+00 : f32
    %neg3A_2 = vector.broadcast %neg3A : f32 to vector<2688x128xf32>
    %neg3A_3 = arith.subf %neg3A_2, %get3A_1 : vector<2688x128xf32>
    %custom_jvp_call3A = arith.constant 0.000000e+00 : f32
    %max3A = vector.broadcast %custom_jvp_call3A : f32 to vector<2688x128xf32>
    %max3A_4 = arith.maximumf %neg3A_3, %max3A : vector<2688x128xf32>
    %sub3A = vector.broadcast %custom_jvp_call3A : f32 to vector<2688x128xf32>
    %sub3A_5 = arith.subf %neg3A_3, %sub3A : vector<2688x128xf32>
    %ne3A = arith.cmpf one, %sub3A_5, %sub3A_5 : vector<2688x128xf32>
    %add3A = vector.broadcast %custom_jvp_call3A : f32 to vector<2688x128xf32>
    %add3A_6 = arith.addf %neg3A_3, %add3A : vector<2688x128xf32>
    %abs3A = math.absf %sub3A_5 : vector<2688x128xf32>
    %neg3A_7 = arith.constant 0.000000e+00 : f32
    %neg3A_8 = vector.broadcast %neg3A_7 : f32 to vector<2688x128xf32>
    %neg3A_9 = arith.subf %neg3A_8, %abs3A : vector<2688x128xf32>
    %exp3A = math.exp %neg3A_9 : vector<2688x128xf32>
    %log1p3A = math.log1p %exp3A : vector<2688x128xf32>
    %add3A_10 = arith.addf %max3A_4, %log1p3A : vector<2688x128xf32>
    %select_n3A = arith.select %ne3A, %add3A_6, %add3A_10 : vector<2688x128xi1>, vector<2688x128xf32>
    %neg3A_11 = arith.constant 0.000000e+00 : f32
    %neg3A_12 = vector.broadcast %neg3A_11 : f32 to vector<2688x128xf32>
    %neg3A_13 = arith.subf %neg3A_12, %select_n3A : vector<2688x128xf32>
    %reduce_sum3A = vector.shape_cast %neg3A_13 : vector<2688x128xf32> to vector<1x2688x128xf32>
    %reduce_sum3A_14 = arith.constant dense<0.000000e+00> : vector<1xf32>
    %reduce_sum3A_15 = vector.multi_reduction <add>, %reduce_sum3A, %reduce_sum3A_14 [1, 2] : vector<1x2688x128xf32> to vector<1xf32>
    %reduce_sum3A_16 = vector.shape_cast %reduce_sum3A_15 : vector<1xf32> to vector<1x1x1xf32>
    %reduce_sum3A_17 = vector.extract %reduce_sum3A_16[0, 0, 0] : f32 from vector<1x1x1xf32>
    %neg3A_18 = arith.constant 0.000000e+00 : f32
    %neg3A_19 = arith.subf %neg3A_18, %reduce_sum3A_17 : f32
    %div3A = arith.constant 1.638400e+04 : f32
    %div3A_20 = arith.divf %neg3A_19, %div3A : f32
    %swap3A = arith.constant 0 : index
    %swap3A_21 = arith.constant 0 : index
    %swap3A_22 = memref.load %arg1[%swap3A, %swap3A_21] : memref<1x1xf32, #tpu.memory_space<smem>>
    memref.store %div3A_20, %arg1[%swap3A, %swap3A_21] : memref<1x1xf32, #tpu.memory_space<smem>>
    return
  }
}

</mosaic_0001>

<sc_bundles>
// kernel: branch_0_fun.3.cloned.1.call-start
scs
__scs_entry_jumppad:
0x0: {  	(pc) =	sbr.rel $0x88, $3  }
0x1: {  	(tag) =	ssettag $0x0;
	lr =	simm.s32 $0x1  }
0x2: {  	[smem:$0x3F9B] =	sst lr;
	_ =	strace $0xD0000000  }
0x3: {  	_ = 	snop  }
0x4: {  	_ = 	snop  }
0x5: {  	_ = 	snop  }
0x6: {  	_ = 	snop  }
0x7: {  	_ = 	snop  }
__scs_overlays_trampoline_lowered:
0x8: {  	[smem:$0x3FAA] =	sst s0  }
0x9: {  	[smem:$0x3FAB] =	sst s1  }
0xa: {  	[smem:$0x3FAC] =	sst s2  }
0xb: {  	[smem:$0x3FAD] =	sst s3  }
0xc: {  	[smem:$0x3FAE] =	sst s4  }
0xd: {  	[smem:$0x3FAF] =	sst s5  }
0xe: {  	[smem:$0x3FB0] =	sst s6  }
0xf: {  	[smem:$0x3FB1] =	sst s7  }
0x10: {  	[smem:$0x3FB2] =	sst s8  }
0x11: {  	[smem:$0x3FB3] =	sst s9;
	s0 =	simm.s32 @!p0 $0x0  }
0x12: {  	s1 =	sld [smem:$0x3F99];
	s0 =	simm.s32 @p0 $0x1  }
0x13: {  	[smem:$0x3FB4] =	sst s0;
	s0 =	simm.s32 @!p1 $0x0  }
0x14: {  	s2 =	sld [smem:$0x3F98];
	s0 =	simm.s32 @p1 $0x1  }
0x15: {  	[smem:$0x3FB5] =	sst s0;
	s0 =	simm.s32 @!p2 $0x0  }
0x16: {  	s3 =	sld [smem:$0x3FDB];
	s0 =	simm.s32 @p2 $0x1  }
0x17: {  	s4 =	simm.s32 $0x1BF5;
	[smem:$0x3FB7] =	sst s0  }
0x18: {  	s0 =	sld [smem:$0x3F9A];
	_ =	swait.ge [sflag:s4], $0x0  }
0x19: {  	s7 =	sld [smem:$0x3F9B]  }
0x1a: {  	s8 =	sadd.s32 $0xFFFFE003, lr  }
0x1b: {  	s9 =	sadd.s32 $0xFFFFFEF7, lr;
	s5 =	simm.s32 $0xFFFFFFFF;
	p2 =	slt.u32 s8, $0xFFFFF086  }
0x1c: {  	p1 =	slt.u32 s9, $0xF7A;
	s5 =	simm.s32 @!p2 $0x0  }
0x1d: {  	s5 =	simm.s32 @p1 $0x1;
	p0 =	seq.s32 s7, s2  }
0x1e: {  	s7 =	smul.u32 @!p0 $0xF7A, s2;
	p2 =	seq.s32 @!p0 s5, $0x0  }
0x1f: {  	s9 =	smul.u32 $0xF7A, s1;
	s8 =	simm.s32 @!p0 $0x1BF5;
	p2 =	por !p2, p0  }
0x20: {  	[sflag:s8] =	ssyncset.s32 @!p0 $0xFFFFF086;
	s6 =	sadd.s32 @!p0 s3, s7;
	s7 =	simm.s32 @!p0 $0x108  }
0x21: {  	s3 =	sadd.s32 s3, s9;
	s6 =	sadd.s32 @!p0 $0x88, s6;
	s7 =	simm.s32 @p2 $0x1082  }
0x22: {  	[simem:s7], [sflag:s8] =	dma.local @!p0 [hbm:s6], $0xF7A  }
0x23: {  	s9 =	sor.u32 $0xD0000000, s2;
	s6 =	simm.s32 $0x108;
	_ =	swait.ge @!p0 [sflag:s8], $0x0  }
0x24: {  	s3 =	sadd.s32 $0x88, s3;
	s6 =	simm.s32 @!p1 $0x1082;
	[sflag:s4] =	ssyncset.s32 $0xFFFFF086  }
0x25: {  	[simem:s6], [sflag:s4] =	dma.local [hbm:s3], $0xF7A  }
0x26: {  	[smem:$0x3F9B] =	sst s1;
	(tag) =	ssettag s2;
	_ =	strace s9  }
0x27: {  	s1 =	sld [smem:$0x3FAB]  }
0x28: {  	s2 =	sld [smem:$0x3FAC]  }
0x29: {  	s4 =	sld [smem:$0x3FAE]  }
0x2a: {  	p0 =	seq.s32 s5, $0x0;
	s5 =	sld [smem:$0x3FAF]  }
0x2b: {  	s6 =	sld [smem:$0x3FB0]  }
0x2c: {  	s7 =	sld [smem:$0x3FB1]  }
0x2d: {  	s3 =	simm.s32 $0x108;
	s8 =	sld [smem:$0x3FB2]  }
0x2e: {  	s3 =	simm.s32 @!p0 $0x1082;
	s9 =	sld [smem:$0x3FB3]  }
0x2f: {  	lr =	sadd.s32 s0, s3;
	s0 =	sld [smem:$0x3FAA]  }
0x30: {  	s3 =	sld [smem:$0x3FAD]  }
0x31: {  	[smem:$0x3FB6] =	sst s10  }
0x32: {  	s10 =	sld [smem:$0x3FB4];
	_ =	sdelay $0x3  }
0x33: {  	p0 =	seq.s32 s10, $0x1;
	s10 =	sld [smem:$0x3FB6];
	_ =	sdelay $0x3  }
0x34: {  	[smem:$0x3FB6] =	sst s10  }
0x35: {  	s10 =	sld [smem:$0x3FB5];
	_ =	sdelay $0x3  }
0x36: {  	p1 =	seq.s32 s10, $0x1;
	s10 =	sld [smem:$0x3FB6];
	_ =	sdelay $0x3  }
0x37: {  	[smem:$0x3FB6] =	sst s10  }
0x38: {  	s10 =	sld [smem:$0x3FB7]  }
0x39: {  	_ = 	snop;
	(pc) =	sbr.ind lr, $3  }
0x3a: {  	_ = 	snop  }
0x3b: {  	_ = 	snop  }
0x3c: {  	p2 =	seq.s32 s10, $0x1;
	s10 =	sld [smem:$0x3FB6]  }
0x3d: {  	_ =	shalt  }
0x3e: {  	_ =	shalt  }
0x3f: {  	_ =	shalt  }
0x40: {  	_ =	shalt  }
0x41: {  	_ =	shalt  }
0x42: {  	_ =	shalt  }
0x43: {  	_ =	shalt  }
0x44: {  	_ =	shalt  }
0x45: {  	_ =	shalt  }
0x46: {  	_ =	shalt  }
0x47: {  	_ =	shalt  }
0x48: {  	_ =	shalt  }
0x49: {  	_ =	shalt  }
0x4a: {  	_ =	shalt  }
0x4b: {  	_ =	shalt  }
0x4c: {  	_ =	shalt  }
0x4d: {  	_ =	shalt  }
0x4e: {  	_ =	shalt  }
0x4f: {  	_ =	shalt  }
0x50: {  	_ =	shalt  }
0x51: {  	_ =	shalt  }
0x52: {  	_ =	shalt  }
0x53: {  	_ =	shalt  }
0x54: {  	_ =	shalt  }
0x55: {  	_ =	shalt  }
0x56: {  	_ =	shalt  }
0x57: {  	_ =	shalt  }
0x58: {  	_ =	shalt  }
0x59: {  	_ =	shalt  }
0x5a: {  	_ =	shalt  }
0x5b: {  	_ =	shalt  }
0x5c: {  	_ =	shalt  }
0x5d: {  	_ =	shalt  }
0x5e: {  	_ =	shalt  }
0x5f: {  	_ =	shalt  }
0x60: {  	_ =	shalt  }
0x61: {  	_ =	shalt  }
0x62: {  	_ =	shalt  }
0x63: {  	_ =	shalt  }
0x64: {  	_ =	shalt  }
0x65: {  	_ =	shalt  }
0x66: {  	_ =	shalt  }
0x67: {  	_ =	shalt  }
0x68: {  	_ =	shalt  }
0x69: {  	_ =	shalt  }
0x6a: {  	_ =	shalt  }
0x6b: {  	_ =	shalt  }
0x6c: {  	_ =	shalt  }
0x6d: {  	_ =	shalt  }
0x6e: {  	_ =	shalt  }
0x6f: {  	_ =	shalt  }
0x70: {  	_ =	shalt  }
0x71: {  	_ =	shalt  }
0x72: {  	_ =	shalt  }
0x73: {  	_ =	shalt  }
0x74: {  	_ =	shalt  }
0x75: {  	_ =	shalt  }
0x76: {  	_ =	shalt  }
0x77: {  	_ =	shalt  }
0x78: {  	_ =	shalt  }
0x79: {  	_ =	shalt  }
0x7a: {  	_ =	shalt  }
0x7b: {  	_ =	shalt  }
0x7c: {  	_ =	shalt  }
0x7d: {  	_ =	shalt  }
0x7e: {  	_ =	shalt  }
0x7f: {  	_ =	shalt  }
0x80: {  	_ =	shalt  }
0x81: {  	_ =	shalt  }
0x82: {  	_ =	shalt  }
0x83: {  	_ =	shalt  }
0x84: {  	_ =	shalt  }
0x85: {  	_ =	shalt  }
0x86: {  	_ =	shalt  }
0x87: {  	_ =	shalt  }
.Lfunc_end0:
.L_simem_size_0:
called_computation_lowered:
.L_overlay_start_0:
0x88: {  	s2 =	sld [smem:$0x3FD9]  }
0x89: {  	s3 =	sld [smem:$0x3FFE];
	_ =	sdelay $0x1  }
0x8a: {  	s1 =	srdreg.scid  }
0x8b: {  	s0 =	sand.u32 $0x1, s1  }
0x8c: {  	s17 =	sshll.u32 s0, $0xA;
	s2 =	sadd.s32 s3, s2  }
0x8d: {  	s2 =	sadd.s32 s2, s17  }
0x8e: {  	[smem:$0x3FC2] =	sst s2  }
0x8f: {  	_ = 	snop  }
0x90: {  	s2 =	sld [smem:$0x3FC9]  }
0x91: {  	s18 =	sld [smem:$0x3FC8];
	(tm) =	ssettm $0x1  }
0x92: {  	s4 =	sld [smem:$0x3FFB];
	_ =	sdelay $0x3  }
0x93: {  	_ =	strace s4  }
0x94: {  	s4 =	sld [smem:$0x3FFC];
	_ =	sdelay $0x3  }
0x95: {  	_ =	strace s4  }
0x96: {  	s4 =	sld [smem:$0x3FFD];
	_ =	sdelay $0x3  }
0x97: {  	_ =	strace s4  }
0x98: {  	_ =	strace $0x8FFFFFFF  }
0x99: {  	s19 =	sld [smem:$0x3FDB];
	_ =	sdelay $0x1  }
0x9a: {  	s5 =	simm.s32 $_scs_section_size  }
0x9b: {  	s6 =	simm.s32 $_size__tile_overlayer_lowered;
	s7 =	simm.s32 $_tile_overlayer_lowered  }
0x9c: {  	s22 =	simm.s32 $0x1BFF;
	s21 =	sshll.u32 s7, $0x1;
	s4 =	sadd.s32 s5, s19  }
0x9d: {  	s8 =	simm.s32 $0x0;
	s20 =	sshll.u32 s6, $0x1;
	s6 =	sadd.s32 s21, s4  }
0x9e: {  	[timem:s8], [sflag:s22] =	dma.local [hbm:s6], s20  }
0x9f: {  	_ =	swait.ge [sflag:s22], s20  }
0xa0: {  	s5 =	ssub.s32 $0x0, s20;
	[sflag:s22] =	ssyncset.done $0x0  }
0xa1: {  	[sflag:s22] =	ssyncadd.s32 s5;
	_ =	sdelay $0x1  }
0xa2: {  	s23 =	simm.s32 $0x1B8B  }
0xa3: {  	_ =	swait.ge [sflag:s23], $0x1  }
0xa4: {  	[sflag:s23] =	ssyncset.done $0x0  }
0xa5: {  	s25 =	simm.s32 $0x1B8E;
	s24 =	sld [smem:$0x3FFE];
	[sflag:s23] =	ssyncadd.s32 $0xFFFFFFFF  }
0xa6: {  	s26 =	simm.s32 $execute0_lowered;
	[smem:$0x3FD2] =	sst s25  }
0xa7: {  	s6 =	sshll.u32 s26, $0x1;
	_ =	strace $0x80000046;
	[dreg:$0x1] =	wrdreg $0xFFFFFFFF  }
0xa8: {  	s28 =	simm.s32 $_size_execute0_lowered;
	s4 =	sadd.s32 s4, s6;
	[dreg:$0x0] =	wrdreg $0x0  }
0xa9: {  	s6 =	sshll.u32 s28, $0x1;
	[dreg:$0x2] =	wrdreg s4  }
0xaa: {  	[dreg:$0x3] =	wrdreg s6  }
0xab: {  	[dreg:$0x4] =	wrdreg $0xC0  }
0xac: {  	_ =	task [dreg:s8], $0x5FFFF  }
0xad: {  	[dreg:$0x1] =	wrdreg $0xFFFFFFFF  }
0xae: {  	[dreg:$0x0] =	wrdreg $0x60  }
0xaf: {  	[dreg:$0x2] =	wrdreg s2  }
0xb0: {  	[dreg:$0x3] =	wrdreg s18  }
0xb1: {  	[dreg:$0x4] =	wrdreg s24  }
0xb2: {  	[dreg:$0x5] =	wrdreg $0x9  }
0xb3: {  	_ =	task.clear_ibuf [dreg:s8], $0x6FFFF;
	_ =	strace $0x90000046  }
0xb4: {  	s29 =	simm.s32 $0x9;
	_ =	strace $0x80000048  }
0xb5: {  	_ =	swait.ge [sflag:s29], $0x1  }
0xb6: {  	[sflag:s29] =	ssyncadd.s32 $0xFFFFFFFF  }
0xb7: {  	_ =	strace $0x90000048  }
0xb8: {  	_ =	sfence  }
0xb9: {  	s30 =	sld [smem:$0x0];
	_ =	sdelay $0x2  }
0xba: {  	s31 =	sshll.u32 s1, $0xD;
	s1 =	sshrl.u32 s1, $0x2  }
0xbb: {  	s3 =	sand.u32 $0x4000, s31;
	s1 =	sadd.s32 s1, s30  }
0xbc: {  	s0 =	sor.u32 s3, s0;
	s1 =	sshll.u32 s1, $0x11  }
0xbd: {  	s0 =	sor.u32 s1, s0  }
0xbe: {  	s0 =	sadd.s32 $0x8F2B, s0  }
0xbf: {  	[sflag:s0] =	ssyncadd.remote.s32 $0x1  }
0xc0: {  	_ =	sfence.sel $0xFFFF  }
0xc1: {  	[dreg:$0x0] =	wrdreg $0xFFFFFFFF;
	(pc) =	sbr.abs _section_cstart, $3  }
0xc2: {  	[dreg:$0x1] =	wrdreg $0xFFFFFFFF  }
0xc3: {  	_ =	task.clear_ibuf [dreg:s8], $0x2FFFF;
	_ =	strace $0x9FFFFFFF  }
0xc4: {  	(tm) =	ssettm $0x7FFFFFFF  }
0xc5: {  	_ =	shalt  }
tec
execute0_lowered:
.L_overlay_start_1:
0x0: {  	(tag) =	ssettag $0x1  }
0x1: {  	s0 =	rddreg [dreg:$0x0]  }
0x2: {  	s1 =	rddreg [dreg:$0x1];
	s2 =	srdreg.scid  }
0x3: {  	s3 =	stileid.u32;
	s4 =	rddreg [dreg:$0x2];
	s6 =	simm.s32 $0x0  }
0x4: {  	s25 =	simm.s32 $0x1CC00;
	s2 =	sand.u32 $0x1, s2;
	s3 =	sshll.u32 s3, $0x1  }
0x5: {  	[smem:$0x7FF] =	sst s6;
	s6 =	simm.s32 $0x12C00;
	s5 =	sor.u32 s2, s3  }
0x6: {  	_ =	strace $0x80000047;
	s2 =	ssub.s32 $0x2, s2;
	s3 =	smul.u32 $0x500, s5  }
0x7: {  	s26 =	smul.u32 $0x540, s5;
	s8 =	sshrl.u32 s2, $0x1;
	s5 =	sshll.u32 s5, $0x6  }
0x8: {  	s2 =	ssub.s32 s2, s8;
	s0 =	sadd.s32 s0, s5;
	s28 =	sadd.s32 s1, s5  }
0x9: {  	s5 =	simm.s32 $0x400;
	s7 =	sadd.s32 s3, s4;
	[dreg:$0x4] =	wrdreg s0  }
0xa: {  	s3 =	sadd.s32 $0x1E8F600, s4;
	[dreg:$0x5] =	wrdreg s28;
	s31 =	smax.u32 s2, $0x1  }
0xb: {  	s4 =	sadd.s32 s26, s4;
	s29 =	sadd.s32 $0xE00, s7;
	[dreg:$0x8] =	wrdreg s31  }
0xc: {  	s1 =	simm.s32 $0x0;
	s30 =	sadd.s32 $0xAE00, s4;
	[dreg:$0x6] =	wrdreg s29  }
0xd: {  	v0 =	vimm.f32 $0.0e+00;
	s2 =	simm.s32 $0x3;
	s4 =	simm.s32 $0x200;
	[dreg:$0x7] =	wrdreg s30  }
.LBB2_1:
0xe: {  	[dreg:$0x9] =	wrdreg s1;
	s0 =	simm.s32 $0x40;
	s1 =	simm.s32 $0x0  }
.LBB2_2:
0xf: {  	p0 =	sne.s32 s0, $0xA7C0;
	[tilespmem:s1+$0x1CC00] =	vst v0;
	s1 =	smov.u32 s0;
	s0 =	sadd.s32 $0x40, s0  }
.Ltmp0:
0x10: {  	(pc) =	sbr.rel @p0 .LBB2_2-.Ltmp0, $2  }
0x11: {  	_ =	sdelay $0x2  }
0x12: {  	s1 =	sshra.s32 s1, $0x2  }
0x13: {  	[tilespmem:s1+$0x1CC00] =	vst v0;
	s0 =	simm.s32 $0x0;
	s26 =	rddreg [dreg:$0x4]  }
0x14: {  	[tilespmem:s0], [sflag:$0x3] =	stream.linear.gather [hbm4b:s26+s0], $0x200, $0x38;
	[tilespmem:$0x1F600] =	vst v63  }
0x15: {  	_ =	swait.ge [sflag:s2], $0x200  }
0x16: {  	[sflag:s2] =	ssyncset.done $0x0  }
0x17: {  	s28 =	rddreg [dreg:$0x5];
	[sflag:s2] =	ssyncadd.s32 $0xFFFFFE00  }
0x18: {  	[tilespmem:s4], [sflag:$0x3] =	stream.linear.gather [hbm4b:s28+s0], $0x200, $0x38;
	[tilespmem:$0x1F600] =	vst v63  }
0x19: {  	_ =	swait.ge [sflag:s2], $0x200  }
0x1a: {  	[sflag:s2] =	ssyncset.done $0x0  }
0x1b: {  	s29 =	rddreg [dreg:$0x6];
	[sflag:s2] =	ssyncadd.s32 $0xFFFFFE00  }
0x1c: {  	[tilespmem:s5], [sflag:$0x3] =	stream.linear.gather [hbm4b:s29+s0], $0x2800, $0x38;
	[tilespmem:$0x1F600] =	vst v63  }
0x1d: {  	_ =	swait.ge [sflag:s2], $0x2800  }
0x1e: {  	[sflag:s2] =	ssyncset.done $0x0  }
0x1f: {  	s30 =	simm.s32 $0x80;
	s31 =	simm.s32 $0x1;
	[sflag:s2] =	ssyncadd.s32 $0xFFFFD800  }
0x20: {  	[tilespmem:s6], [sflag:$0x1] =	stream.indirect.gather [hbm4b:s3+s30], $0x80, s0, s30, $0xb8;
	[tilespmem:$0x1F600] =	vst v63  }
0x21: {  	_ =	swait.ge [sflag:s31], $0x4000  }
0x22: {  	[sflag:s31] =	ssyncset.done $0x0  }
0x23: {  	s0 =	simm.s32 $0x0;
	[sflag:s31] =	ssyncadd.s32 $0xFFFFC000  }
0x24: {  	v1 =	vld [tilespmem:s0+$0x12C10]  }
0x25: {  	s1 =	simm.s32 $0x200;
	v2 =	vld [tilespmem:s0+$0x12C00]  }
.LBB2_4:
0x26: {  	p0 =	sne.s32 s1, $0xFE00  }
.Ltmp1:
0x27: {  	_ = 	snop;
	(pc) =	sbr.rel @p0 .LBB2_4-.Ltmp1, $4  }
0x28: {  	_ = 	snop  }
0x29: {  	s2 =	sshra.s32 s1, $0x2;
	s1 =	sadd.s32 $0x200, s1;
	[tilespmem:s0+$0x2C10] =	vst v1  }
0x2a: {  	v1 =	vld [tilespmem:s2+$0x12C10];
	[tilespmem:s0+$0x2C00] =	vst v2;
	s0 =	smov.u32 s2  }
0x2b: {  	v2 =	vld [tilespmem:s0+$0x12C00]  }
0x2c: {  	_ =	sdelay $0x2  }
0x2d: {  	[tilespmem:s0+$0x2C10] =	vst v1  }
0x2e: {  	s30 =	simm.s32 $0x80;
	s31 =	simm.s32 $0x1;
	[tilespmem:s0+$0x2C00] =	vst v2  }
0x2f: {  	[tilespmem:s6], [sflag:$0x1] =	stream.indirect.gather [hbm4b:s3+s30], $0x80, s4, s30, $0xb8;
	[tilespmem:$0x1F600] =	vst v63  }
0x30: {  	_ =	swait.ge [sflag:s31], $0x4000  }
0x31: {  	[sflag:s31] =	ssyncset.done $0x0  }
0x32: {  	s0 =	simm.s32 $0xFFFFC000;
	[sflag:s31] =	ssyncadd.s32 $0xFFFFC000  }
0x33: {  	v1 =	vld [tilespmem:s0+$0x16C30]  }
0x34: {  	s1 =	simm.s32 $0xFFFF0200;
	v2 =	vld [tilespmem:s0+$0x16C20]  }
.LBB2_6:
0x35: {  	p0 =	sne.s32 s1, $0xFFFFFE00  }
.Ltmp2:
0x36: {  	_ = 	snop;
	(pc) =	sbr.rel @p0 .LBB2_6-.Ltmp2, $4  }
0x37: {  	_ = 	snop  }
0x38: {  	s2 =	sshra.s32 s1, $0x2;
	s1 =	sadd.s32 $0x200, s1;
	[tilespmem:s0+$0x6C30] =	vst v1  }
0x39: {  	v1 =	vld [tilespmem:s2+$0x16C30];
	[tilespmem:s0+$0x6C20] =	vst v2;
	s0 =	smov.u32 s2  }
0x3a: {  	v2 =	vld [tilespmem:s0+$0x16C20]  }
0x3b: {  	_ =	sdelay $0x2  }
0x3c: {  	[tilespmem:s0+$0x6C30] =	vst v1  }
0x3d: {  	s30 =	simm.s32 $0x80;
	s31 =	simm.s32 $0x1;
	[tilespmem:s0+$0x6C20] =	vst v2  }
0x3e: {  	[tilespmem:s6], [sflag:$0x1] =	stream.indirect.gather [hbm4b:s3+s30], $0x80, s30, s30, $0xb8;
	[tilespmem:$0x1F600] =	vst v63  }
0x3f: {  	_ =	swait.ge [sflag:s31], $0x4000  }
0x40: {  	[sflag:s31] =	ssyncset.done $0x0  }
0x41: {  	s0 =	simm.s32 $0x0;
	[sflag:s31] =	ssyncadd.s32 $0xFFFFC000  }
0x42: {  	v1 =	vld [tilespmem:s0+$0x12C10]  }
0x43: {  	s1 =	simm.s32 $0x200;
	v2 =	vld [tilespmem:s0+$0x12C00]  }
.LBB2_8:
0x44: {  	p0 =	sne.s32 s1, $0xFE00  }
.Ltmp3:
0x45: {  	_ = 	snop;
	(pc) =	sbr.rel @p0 .LBB2_8-.Ltmp3, $4  }
0x46: {  	_ = 	snop  }
0x47: {  	s2 =	sshra.s32 s1, $0x2;
	s1 =	sadd.s32 $0x200, s1;
	[tilespmem:s0+$0x6C10] =	vst v1  }
0x48: {  	v1 =	vld [tilespmem:s2+$0x12C10];
	[tilespmem:s0+$0x6C00] =	vst v2;
	s0 =	smov.u32 s2  }
0x49: {  	v2 =	vld [tilespmem:s0+$0x12C00]  }
0x4a: {  	_ =	sdelay $0x2  }
0x4b: {  	[tilespmem:s0+$0x6C10] =	vst v1  }
0x4c: {  	s30 =	simm.s32 $0x80;
	s1 =	simm.s32 $0x280;
	s31 =	simm.s32 $0x1;
	[tilespmem:s0+$0x6C00] =	vst v2  }
0x4d: {  	[tilespmem:s6], [sflag:$0x1] =	stream.indirect.gather [hbm4b:s3+s30], $0x80, s1, s30, $0xb8;
	[tilespmem:$0x1F600] =	vst v63  }
0x4e: {  	_ =	swait.ge [sflag:s31], $0x4000  }
0x4f: {  	[sflag:s31] =	ssyncset.done $0x0  }
0x50: {  	s0 =	simm.s32 $0xFFFFC000;
	[sflag:s31] =	ssyncadd.s32 $0xFFFFC000  }
0x51: {  	v1 =	vld [tilespmem:s0+$0x16C30]  }
0x52: {  	s1 =	simm.s32 $0xFFFF0200;
	v2 =	vld [tilespmem:s0+$0x16C20]  }
.LBB2_10:
0x53: {  	p0 =	sne.s32 s1, $0xFFFFFE00  }
.Ltmp4:
0x54: {  	_ = 	snop;
	(pc) =	sbr.rel @p0 .LBB2_10-.Ltmp4, $4  }
0x55: {  	_ = 	snop  }
0x56: {  	s2 =	sshra.s32 s1, $0x2;
	s1 =	sadd.s32 $0x200, s1;
	[tilespmem:s0+$0xAC30] =	vst v1  }
0x57: {  	v1 =	vld [tilespmem:s2+$0x16C30];
	[tilespmem:s0+$0xAC20] =	vst v2;
	s0 =	smov.u32 s2  }
0x58: {  	v2 =	vld [tilespmem:s0+$0x16C20]  }
0x59: {  	_ =	sdelay $0x2  }
0x5a: {  	[tilespmem:s0+$0xAC30] =	vst v1  }
0x5b: {  	s30 =	simm.s32 $0x80;
	s1 =	simm.s32 $0x100;
	s31 =	simm.s32 $0x1;
	[tilespmem:s0+$0xAC20] =	vst v2  }
0x5c: {  	[tilespmem:s6], [sflag:$0x1] =	stream.indirect.gather [hbm4b:s3+s30], $0x80, s1, s30, $0xb8;
	[tilespmem:$0x1F600] =	vst v63  }
0x5d: {  	_ =	swait.ge [sflag:s31], $0x4000  }
0x5e: {  	[sflag:s31] =	ssyncset.done $0x0  }
0x5f: {  	s0 =	simm.s32 $0x0;
	[sflag:s31] =	ssyncadd.s32 $0xFFFFC000  }
0x60: {  	v1 =	vld [tilespmem:s0+$0x12C10]  }
0x61: {  	s1 =	simm.s32 $0x200;
	v2 =	vld [tilespmem:s0+$0x12C00]  }
.LBB2_12:
0x62: {  	p0 =	sne.s32 s1, $0xFE00  }
.Ltmp5:
0x63: {  	_ = 	snop;
	(pc) =	sbr.rel @p0 .LBB2_12-.Ltmp5, $4  }
0x64: {  	_ = 	snop  }
0x65: {  	s2 =	sshra.s32 s1, $0x2;
	s1 =	sadd.s32 $0x200, s1;
	[tilespmem:s0+$0xAC10] =	vst v1  }
0x66: {  	v1 =	vld [tilespmem:s2+$0x12C10];
	[tilespmem:s0+$0xAC00] =	vst v2;
	s0 =	smov.u32 s2  }
0x67: {  	v2 =	vld [tilespmem:s0+$0x12C00]  }
0x68: {  	_ =	sdelay $0x2  }
0x69: {  	[tilespmem:s0+$0xAC10] =	vst v1  }
0x6a: {  	s30 =	simm.s32 $0x80;
	s1 =	simm.s32 $0x300;
	s31 =	simm.s32 $0x1;
	[tilespmem:s0+$0xAC00] =	vst v2  }
0x6b: {  	[tilespmem:s6], [sflag:$0x1] =	stream.indirect.gather [hbm4b:s3+s30], $0x80, s1, s30, $0xb8;
	[tilespmem:$0x1F600] =	vst v63  }
0x6c: {  	_ =	swait.ge [sflag:s31], $0x4000  }
0x6d: {  	[sflag:s31] =	ssyncset.done $0x0  }
0x6e: {  	s0 =	simm.s32 $0xFFFFC000;
	[sflag:s31] =	ssyncadd.s32 $0xFFFFC000  }
0x6f: {  	v1 =	vld [tilespmem:s0+$0x16C30]  }
0x70: {  	s1 =	simm.s32 $0xFFFF0200;
	v2 =	vld [tilespmem:s0+$0x16C20]  }
.LBB2_14:
0x71: {  	p0 =	sne.s32 s1, $0xFFFFFE00  }
.Ltmp6:
0x72: {  	_ = 	snop;
	(pc) =	sbr.rel @p0 .LBB2_14-.Ltmp6, $4  }
0x73: {  	_ = 	snop  }
0x74: {  	s2 =	sshra.s32 s1, $0x2;
	s1 =	sadd.s32 $0x200, s1;
	[tilespmem:s0+$0xEC30] =	vst v1  }
0x75: {  	v1 =	vld [tilespmem:s2+$0x16C30];
	[tilespmem:s0+$0xEC20] =	vst v2;
	s0 =	smov.u32 s2  }
0x76: {  	v2 =	vld [tilespmem:s0+$0x16C20]  }
0x77: {  	_ =	sdelay $0x2  }
0x78: {  	[tilespmem:s0+$0xEC30] =	vst v1  }
0x79: {  	s30 =	simm.s32 $0x80;
	s1 =	simm.s32 $0x180;
	s31 =	simm.s32 $0x1;
	[tilespmem:s0+$0xEC20] =	vst v2  }
0x7a: {  	[tilespmem:s6], [sflag:$0x1] =	stream.indirect.gather [hbm4b:s3+s30], $0x80, s1, s30, $0xb8;
	[tilespmem:$0x1F600] =	vst v63  }
0x7b: {  	_ =	swait.ge [sflag:s31], $0x4000  }
0x7c: {  	[sflag:s31] =	ssyncset.done $0x0  }
0x7d: {  	s0 =	simm.s32 $0x0;
	[sflag:s31] =	ssyncadd.s32 $0xFFFFC000  }
0x7e: {  	v1 =	vld [tilespmem:s0+$0x12C10]  }
0x7f: {  	s1 =	simm.s32 $0x200;
	v2 =	vld [tilespmem:s0+$0x12C00]  }
.LBB2_16:
0x80: {  	p0 =	sne.s32 s1, $0xFE00  }
.Ltmp7:
0x81: {  	_ = 	snop;
	(pc) =	sbr.rel @p0 .LBB2_16-.Ltmp7, $4  }
0x82: {  	_ = 	snop  }
0x83: {  	s2 =	sshra.s32 s1, $0x2;
	s1 =	sadd.s32 $0x200, s1;
	[tilespmem:s0+$0xEC10] =	vst v1  }
0x84: {  	v1 =	vld [tilespmem:s2+$0x12C10];
	[tilespmem:s0+$0xEC00] =	vst v2;
	s0 =	smov.u32 s2  }
0x85: {  	v2 =	vld [tilespmem:s0+$0x12C00]  }
0x86: {  	_ =	sdelay $0x2  }
0x87: {  	[tilespmem:s0+$0xEC10] =	vst v1  }
0x88: {  	s30 =	simm.s32 $0x80;
	s1 =	simm.s32 $0x380;
	s31 =	simm.s32 $0x1;
	[tilespmem:s0+$0xEC00] =	vst v2  }
0x89: {  	[tilespmem:s6], [sflag:$0x1] =	stream.indirect.gather [hbm4b:s3+s30], $0x80, s1, s30, $0xb8;
	[tilespmem:$0x1F600] =	vst v63  }
0x8a: {  	_ =	swait.ge [sflag:s31], $0x4000  }
0x8b: {  	[sflag:s31] =	ssyncset.done $0x0  }
0x8c: {  	s0 =	simm.s32 $0xFFFFC000;
	[sflag:s31] =	ssyncadd.s32 $0xFFFFC000  }
0x8d: {  	v1 =	vld [tilespmem:s0+$0x16C30]  }
0x8e: {  	s1 =	simm.s32 $0xFFFF0200;
	v2 =	vld [tilespmem:s0+$0x16C20]  }
.LBB2_18:
0x8f: {  	p0 =	sne.s32 s1, $0xFFFFFE00  }
.Ltmp8:
0x90: {  	_ = 	snop;
	(pc) =	sbr.rel @p0 .LBB2_18-.Ltmp8, $4  }
0x91: {  	_ = 	snop  }
0x92: {  	s2 =	sshra.s32 s1, $0x2;
	s1 =	sadd.s32 $0x200, s1;
	[tilespmem:s0+$0x12C30] =	vst v1  }
0x93: {  	v1 =	vld [tilespmem:s2+$0x16C30];
	[tilespmem:s0+$0x12C20] =	vst v2;
	s0 =	smov.u32 s2  }
0x94: {  	v2 =	vld [tilespmem:s0+$0x16C20]  }
0x95: {  	_ =	sdelay $0x2  }
0x96: {  	[tilespmem:s0+$0x12C30] =	vst v1  }
0x97: {  	s28 =	simm.s32 $0x80;
	s31 =	simm.s32 $0x20;
	[tilespmem:s0+$0x12C20] =	vst v2  }
0x98: {  	[tilespmem:s6], [sflag:$0x1] =	stream.indirect.gather [hbm4b:s3+s28], $0x80, s5, s28, $0xb8;
	[tilespmem:$0x1F600] =	vst v63  }
0x99: {  	s1 =	simm.s32 $0x480;
	s2 =	simm.s32 $0x16C00;
	s29 =	simm.s32 $0x2C20  }
0x9a: {  	[tilespmem:s2], [sflag:$0x1] =	stream.indirect.gather [hbm4b:s3+s31], $0x80, s1, s31, $0xb8;
	[tilespmem:$0x1F600] =	vst v63  }
0x9b: {  	s30 =	simm.s32 $0x0;
	s17 =	simm.s32 $0x3030;
	s1 =	simm.s32 $0x0  }
.LBB2_20:
0x9c: {  	s0 =	sshllo.u32 s1, $0x1  }
0x9d: {  	s0 =	smul.u32 $0x280, s0;
	_ =	sdelay $0x1  }
0x9e: {  	s4 =	simm.s32 $0x80;
	s0 =	sshra.s32 s0, $0x2  }
0x9f: {  	s5 =	simm.s32 $0x17C00;
	s26 =	simm.s32 $0x20;
	s2 =	sadd.s32 $0x400, s0  }
0xa0: {  	[tilespmem:s5], [sflag:$0x2] =	stream.indirect.gather [hbm4b:s3+s4], $0x80, s2, s4, $0xb8;
	[tilespmem:$0x1F600] =	vst v63  }
0xa1: {  	s28 =	simm.s32 $0x1BC00;
	s0 =	sadd.s32 $0x480, s0;
	s5 =	simm.s32 $0x1  }
0xa2: {  	[tilespmem:s28], [sflag:$0x2] =	stream.indirect.gather [hbm4b:s3+s26], $0x80, s0, s26, $0xb8;
	[tilespmem:$0x1F600] =	vst v63  }
0xa3: {  	_ =	swait.ge [sflag:s5], $0x4000  }
0xa4: {  	[sflag:s5] =	ssyncset.done $0x0  }
0xa5: {  	[sflag:s5] =	ssyncadd.s32 $0xFFFFC000  }
0xa6: {  	_ =	swait.ge [sflag:s5], $0x1000  }
0xa7: {  	[sflag:s5] =	ssyncset.done $0x0  }
0xa8: {  	[sflag:s5] =	ssyncadd.s32 $0xFFFFF000  }
0xa9: {  	v3 =	vld [tilespmem:s29+$0x10]  }
0xaa: {  	v4 =	vld [tilespmem:s29+$0x0]  }
0xab: {  	v1 =	vld [tilespmem:s29+$0xFFFFFFF0]  }
0xac: {  	v2 =	vld [tilespmem:s29+$0xFFFFFFE0];
	_ =	sdelay $0x2  }
0xad: {  	s6 =	sadd.s32 $0x0, s30  }
0xae: {  	v5 =	vmov s6  }
0xaf: {  	v3 =	vmul.f32 v3, v1;
	v4 =	vmul.f32 v4, v2;
	_ =	sdelay $0x1  }
0xb0: {  	v3 =	vadd.f32 v3, v4;
	_ =	sdelay $0x1  }
0xb1: {  	s0 =	simm.s32 $0x13120;
	[tilespmem:v5+s25+$0x0] =	vst.idx.add.f32.msk $0xffff, v3  }
0xb2: {  	v3 =	vld [tilespmem:s0+$0xFFFFFB10]  }
0xb3: {  	v4 =	vld [tilespmem:s0+$0xFFFFFB00];
	_ =	sdelay $0x4  }
0xb4: {  	s7 =	sadd.s32 $0x1, s6;
	v3 =	vmul.f32 v3, v1;
	v4 =	vmul.f32 v4, v2  }
0xb5: {  	v5 =	vmov s7  }
0xb6: {  	v3 =	vadd.f32 v3, v4;
	_ =	sdelay $0x1  }
0xb7: {  	v3 =	vsub.f32 $0.0e+00, v3;
	_ =	sdelay $0x1  }
0xb8: {  	[tilespmem:v5+s25+$0x0] =	vst.idx.add.f32.msk $0xffff, v3  }
0xb9: {  	v3 =	vld [tilespmem:s0+$0xFFFFFB80]  }
0xba: {  	v4 =	vld [tilespmem:s0+$0xFFFFFB90];
	_ =	sdelay $0x4  }
0xbb: {  	s8 =	sadd.s32 $0x2, s6;
	v3 =	vmul.f32 v3, v2;
	v4 =	vmul.f32 v4, v1  }
0xbc: {  	v5 =	vmov s8  }
0xbd: {  	v3 =	vadd.f32 v4, v3;
	_ =	sdelay $0x1  }
0xbe: {  	v3 =	vsub.f32 $0.0e+00, v3;
	_ =	sdelay $0x1  }
0xbf: {  	[tilespmem:v5+s25+$0x0] =	vst.idx.add.f32.msk $0xffff, v3  }
0xc0: {  	v3 =	vld [tilespmem:s0+$0xFFFFFC00]  }
0xc1: {  	v4 =	vld [tilespmem:s0+$0xFFFFFC10];
	_ =	sdelay $0x4  }
0xc2: {  	s9 =	sadd.s32 $0x3, s6;
	v3 =	vmul.f32 v3, v2;
	v4 =	vmul.f32 v4, v1  }
0xc3: {  	v5 =	vmov s9  }
0xc4: {  	v3 =	vadd.f32 v4, v3;
	_ =	sdelay $0x1  }
0xc5: {  	v3 =	vsub.f32 $0.0e+00, v3;
	_ =	sdelay $0x1  }
0xc6: {  	[tilespmem:v5+s25+$0x0] =	vst.idx.add.f32.msk $0xffff, v3  }
0xc7: {  	v3 =	vld [tilespmem:s0+$0xFFFFFC80]  }
0xc8: {  	v4 =	vld [tilespmem:s0+$0xFFFFFC90];
	_ =	sdelay $0x4  }
0xc9: {  	s10 =	sadd.s32 $0x4, s6;
	v3 =	vmul.f32 v3, v2;
	v4 =	vmul.f32 v4, v1  }
0xca: {  	v5 =	vmov s10  }
0xcb: {  	v3 =	vadd.f32 v4, v3;
	_ =	sdelay $0x1  }
0xcc: {  	v3 =	vsub.f32 $0.0e+00, v3;
	_ =	sdelay $0x1  }
0xcd: {  	[tilespmem:v5+s25+$0x0] =	vst.idx.add.f32.msk $0xffff, v3  }
0xce: {  	v3 =	vld [tilespmem:s0+$0xFFFFFD00]  }
0xcf: {  	v4 =	vld [tilespmem:s0+$0xFFFFFD10];
	_ =	sdelay $0x4  }
0xd0: {  	s11 =	sadd.s32 $0x5, s6;
	v3 =	vmul.f32 v3, v2;
	v4 =	vmul.f32 v4, v1  }
0xd1: {  	v5 =	vmov s11  }
0xd2: {  	v3 =	vadd.f32 v4, v3;
	_ =	sdelay $0x1  }
0xd3: {  	v3 =	vsub.f32 $0.0e+00, v3;
	_ =	sdelay $0x1  }
0xd4: {  	[tilespmem:v5+s25+$0x0] =	vst.idx.add.f32.msk $0xffff, v3  }
0xd5: {  	v3 =	vld [tilespmem:s0+$0xFFFFFD80]  }
0xd6: {  	v4 =	vld [tilespmem:s0+$0xFFFFFD90];
	_ =	sdelay $0x4  }
0xd7: {  	s12 =	sadd.s32 $0x6, s6;
	v3 =	vmul.f32 v3, v2;
	v4 =	vmul.f32 v4, v1  }
0xd8: {  	v5 =	vmov s12  }
0xd9: {  	v3 =	vadd.f32 v4, v3;
	_ =	sdelay $0x1  }
0xda: {  	v3 =	vsub.f32 $0.0e+00, v3;
	_ =	sdelay $0x1  }
0xdb: {  	[tilespmem:v5+s25+$0x0] =	vst.idx.add.f32.msk $0xffff, v3  }
0xdc: {  	v3 =	vld [tilespmem:s0+$0xFFFFFE00]  }
0xdd: {  	v4 =	vld [tilespmem:s0+$0xFFFFFE10];
	_ =	sdelay $0x4  }
0xde: {  	s13 =	sadd.s32 $0x7, s6;
	v3 =	vmul.f32 v3, v2;
	v4 =	vmul.f32 v4, v1  }
0xdf: {  	v5 =	vmov s13  }
0xe0: {  	v3 =	vadd.f32 v4, v3;
	_ =	sdelay $0x1  }
0xe1: {  	v3 =	vsub.f32 $0.0e+00, v3;
	_ =	sdelay $0x1  }
0xe2: {  	[tilespmem:v5+s25+$0x0] =	vst.idx.add.f32.msk $0xffff, v3  }
0xe3: {  	v3 =	vld [tilespmem:s0+$0xFFFFFE80]  }
0xe4: {  	v4 =	vld [tilespmem:s0+$0xFFFFFE90];
	_ =	sdelay $0x4  }
0xe5: {  	s14 =	sadd.s32 $0x8, s6;
	v3 =	vmul.f32 v3, v2;
	v4 =	vmul.f32 v4, v1  }
0xe6: {  	v5 =	vmov s14  }
0xe7: {  	v3 =	vadd.f32 v4, v3;
	_ =	sdelay $0x1  }
0xe8: {  	v3 =	vsub.f32 $0.0e+00, v3;
	_ =	sdelay $0x1  }
0xe9: {  	[tilespmem:v5+s25+$0x0] =	vst.idx.add.f32.msk $0xffff, v3  }
0xea: {  	v3 =	vld [tilespmem:s0+$0xFFFFFF00]  }
0xeb: {  	v4 =	vld [tilespmem:s0+$0xFFFFFF10];
	_ =	sdelay $0x4  }
0xec: {  	s15 =	sadd.s32 $0x9, s6;
	v3 =	vmul.f32 v3, v2;
	v4 =	vmul.f32 v4, v1  }
0xed: {  	v5 =	vmov s15  }
0xee: {  	v3 =	vadd.f32 v4, v3;
	_ =	sdelay $0x1  }
0xef: {  	v3 =	vsub.f32 $0.0e+00, v3;
	_ =	sdelay $0x1  }
0xf0: {  	[tilespmem:v5+s25+$0x0] =	vst.idx.add.f32.msk $0xffff, v3  }
0xf1: {  	v3 =	vld [tilespmem:s0+$0xFFFFFF80]  }
0xf2: {  	v4 =	vld [tilespmem:s0+$0xFFFFFF90];
	_ =	sdelay $0x4  }
0xf3: {  	s16 =	sadd.s32 $0xA, s6;
	v3 =	vmul.f32 v3, v2;
	v4 =	vmul.f32 v4, v1  }
0xf4: {  	v5 =	vmov s16  }
0xf5: {  	v3 =	vadd.f32 v4, v3;
	_ =	sdelay $0x1  }
0xf6: {  	v3 =	vsub.f32 $0.0e+00, v3;
	_ =	sdelay $0x1  }
0xf7: {  	[tilespmem:v5+s25+$0x0] =	vst.idx.add.f32.msk $0xffff, v3  }
0xf8: {  	v3 =	vld [tilespmem:s0+$0x0]  }
0xf9: {  	v4 =	vld [tilespmem:s0+$0x10];
	_ =	sdelay $0x4  }
0xfa: {  	s18 =	sadd.s32 $0xB, s6;
	v3 =	vmul.f32 v3, v2;
	v4 =	vmul.f32 v4, v1  }
0xfb: {  	v5 =	vmov s18  }
0xfc: {  	v3 =	vadd.f32 v4, v3;
	_ =	sdelay $0x1  }
0xfd: {  	v3 =	vsub.f32 $0.0e+00, v3;
	_ =	sdelay $0x1  }
0xfe: {  	[tilespmem:v5+s25+$0x0] =	vst.idx.add.f32.msk $0xffff, v3  }
0xff: {  	v3 =	vld [tilespmem:s0+$0x80]  }
0x100: {  	v4 =	vld [tilespmem:s0+$0x90];
	_ =	sdelay $0x4  }
0x101: {  	s19 =	sadd.s32 $0xC, s6;
	v3 =	vmul.f32 v3, v2;
	v4 =	vmul.f32 v4, v1  }
0x102: {  	v5 =	vmov s19  }
0x103: {  	v3 =	vadd.f32 v4, v3;
	_ =	sdelay $0x1  }
0x104: {  	v3 =	vsub.f32 $0.0e+00, v3;
	_ =	sdelay $0x1  }
0x105: {  	[tilespmem:v5+s25+$0x0] =	vst.idx.add.f32.msk $0xffff, v3  }
0x106: {  	v3 =	vld [tilespmem:s0+$0x100]  }
0x107: {  	v4 =	vld [tilespmem:s0+$0x110];
	_ =	sdelay $0x4  }
0x108: {  	s20 =	sadd.s32 $0xD, s6;
	v3 =	vmul.f32 v3, v2;
	v4 =	vmul.f32 v4, v1  }
0x109: {  	v5 =	vmov s20  }
0x10a: {  	v3 =	vadd.f32 v4, v3;
	_ =	sdelay $0x1  }
0x10b: {  	v3 =	vsub.f32 $0.0e+00, v3;
	_ =	sdelay $0x1  }
0x10c: {  	[tilespmem:v5+s25+$0x0] =	vst.idx.add.f32.msk $0xffff, v3  }
0x10d: {  	v3 =	vld [tilespmem:s0+$0x180]  }
0x10e: {  	v4 =	vld [tilespmem:s0+$0x190];
	_ =	sdelay $0x4  }
0x10f: {  	s21 =	sadd.s32 $0xE, s6;
	v3 =	vmul.f32 v3, v2;
	v4 =	vmul.f32 v4, v1  }
0x110: {  	v5 =	vmov s21  }
0x111: {  	v3 =	vadd.f32 v4, v3;
	_ =	sdelay $0x1  }
0x112: {  	v3 =	vsub.f32 $0.0e+00, v3;
	_ =	sdelay $0x1  }
0x113: {  	[tilespmem:v5+s25+$0x0] =	vst.idx.add.f32.msk $0xffff, v3  }
0x114: {  	v3 =	vld [tilespmem:s0+$0x200]  }
0x115: {  	v4 =	vld [tilespmem:s0+$0x210];
	_ =	sdelay $0x4  }
0x116: {  	s22 =	sadd.s32 $0xF, s6;
	v3 =	vmul.f32 v3, v2;
	v4 =	vmul.f32 v4, v1  }
0x117: {  	v5 =	vmov s22  }
0x118: {  	v3 =	vadd.f32 v4, v3;
	_ =	sdelay $0x1  }
0x119: {  	v3 =	vsub.f32 $0.0e+00, v3;
	_ =	sdelay $0x1  }
0x11a: {  	[tilespmem:v5+s25+$0x0] =	vst.idx.add.f32.msk $0xffff, v3  }
0x11b: {  	v3 =	vld [tilespmem:s0+$0x280]  }
0x11c: {  	v4 =	vld [tilespmem:s0+$0x290];
	_ =	sdelay $0x4  }
0x11d: {  	s23 =	sadd.s32 $0x10, s6;
	v3 =	vmul.f32 v3, v2;
	v4 =	vmul.f32 v4, v1  }
0x11e: {  	v5 =	vmov s23  }
0x11f: {  	v3 =	vadd.f32 v4, v3;
	_ =	sdelay $0x1  }
0x120: {  	v3 =	vsub.f32 $0.0e+00, v3;
	_ =	sdelay $0x1  }
0x121: {  	[tilespmem:v5+s25+$0x0] =	vst.idx.add.f32.msk $0xffff, v3  }
0x122: {  	v3 =	vld [tilespmem:s0+$0x300]  }
0x123: {  	v4 =	vld [tilespmem:s0+$0x310];
	_ =	sdelay $0x4  }
0x124: {  	s24 =	sadd.s32 $0x11, s6;
	v3 =	vmul.f32 v3, v2;
	v4 =	vmul.f32 v4, v1  }
0x125: {  	v5 =	vmov s24  }
0x126: {  	v3 =	vadd.f32 v4, v3;
	_ =	sdelay $0x1  }
0x127: {  	v3 =	vsub.f32 $0.0e+00, v3;
	_ =	sdelay $0x1  }
0x128: {  	[tilespmem:v5+s25+$0x0] =	vst.idx.add.f32.msk $0xffff, v3  }
0x129: {  	v3 =	vld [tilespmem:s0+$0x380]  }
0x12a: {  	v4 =	vld [tilespmem:s0+$0x390];
	_ =	sdelay $0x4  }
0x12b: {  	s26 =	sadd.s32 $0x12, s6;
	v3 =	vmul.f32 v3, v2;
	v4 =	vmul.f32 v4, v1  }
0x12c: {  	v5 =	vmov s26  }
0x12d: {  	v3 =	vadd.f32 v4, v3;
	_ =	sdelay $0x1  }
0x12e: {  	v3 =	vsub.f32 $0.0e+00, v3;
	_ =	sdelay $0x1  }
0x12f: {  	[tilespmem:v5+s25+$0x0] =	vst.idx.add.f32.msk $0xffff, v3  }
0x130: {  	s2 =	sadd.s32 $0x14, s6;
	s28 =	sadd.s32 $0x13, s6;
	v5 =	vld [tilespmem:s0+$0x400]  }
0x131: {  	s31 =	smov.u32 s29;
	s15 =	simm.s32 $0x13120;
	s16 =	simm.s32 $0x15;
	v4 =	vmov s28;
	v3 =	vmov s2;
	v6 =	vld [tilespmem:s0+$0x410]  }
.LBB2_21:
0x132: {  	_ =	sdelay $0x2  }
0x133: {  	p0 =	sne.s32 s16, $0x93;
	s31 =	sadd.s32 $0x80, s31;
	s0 =	sadd.s32 $0xA00, s0;
	v5 =	vmul.f32 v5, v2  }
0x134: {  	s2 =	smov.u32 s16;
	s16 =	sadd.s32 $0x15, s16;
	v6 =	vmul.f32 v6, v1;
	_ =	sdelay $0x1  }
0x135: {  	v5 =	vadd.f32 v6, v5;
	_ =	sdelay $0x1  }
0x136: {  	v5 =	vsub.f32 $0.0e+00, v5;
	_ =	sdelay $0x1  }
0x137: {  	[tilespmem:v4+s25+$0x0] =	vst.idx.add.f32.msk $0xffff, v5  }
0x138: {  	v4 =	vld [tilespmem:s15+$0x480]  }
0x139: {  	v5 =	vld [tilespmem:s15+$0x490];
	s15 =	smov.u32 s0;
	_ =	sdelay $0x3  }
0x13a: {  	v2 =	vmul.f32 v4, v2  }
0x13b: {  	v1 =	vmul.f32 v5, v1;
	_ =	sdelay $0x1  }
0x13c: {  	v1 =	vadd.f32 v1, v2;
	_ =	sdelay $0x1  }
0x13d: {  	v1 =	vsub.f32 $0.0e+00, v1;
	_ =	sdelay $0x1  }
0x13e: {  	[tilespmem:v3+s25+$0x0] =	vst.idx.add.f32.msk $0xffff, v1  }
0x13f: {  	v3 =	vld [tilespmem:s31+$0x10]  }
0x140: {  	v4 =	vld [tilespmem:s31+$0x0]  }
0x141: {  	v1 =	vld [tilespmem:s31+$0xFFFFFFF0]  }
0x142: {  	v2 =	vld [tilespmem:s31+$0xFFFFFFE0];
	_ =	sdelay $0x2  }
0x143: {  	s18 =	sadd.s32 s2, s30  }
0x144: {  	s12 =	sadd.s32 $0x1, s18;
	s26 =	sadd.s32 $0x2, s18;
	s20 =	sadd.s32 $0x3, s18;
	v5 =	vmov s18;
	v3 =	vmul.f32 v3, v1  }
0x145: {  	s24 =	sadd.s32 $0x4, s18;
	s23 =	sadd.s32 $0x5, s18;
	s28 =	sadd.s32 $0x6, s18;
	v4 =	vmul.f32 v4, v2  }
0x146: {  	s9 =	sadd.s32 $0x7, s18;
	s13 =	sadd.s32 $0x8, s18;
	s8 =	sadd.s32 $0x9, s18  }
0x147: {  	s7 =	sadd.s32 $0xA, s18;
	s6 =	sadd.s32 $0xB, s18;
	s5 =	sadd.s32 $0xC, s18;
	v3 =	vadd.f32 v3, v4  }
0x148: {  	s4 =	sadd.s32 $0xD, s18;
	s11 =	sadd.s32 $0xE, s18;
	s10 =	sadd.s32 $0xF, s18  }
0x149: {  	s2 =	sadd.s32 $0x10, s18;
	s22 =	sadd.s32 $0x11, s18;
	s21 =	sadd.s32 $0x12, s18;
	[tilespmem:v5+s25+$0x0] =	vst.idx.add.f32.msk $0xffff, v3  }
0x14a: {  	s19 =	sadd.s32 $0x13, s18;
	s18 =	sadd.s32 $0x14, s18;
	v3 =	vld [tilespmem:s0+$0xFFFFFB10]  }
0x14b: {  	v4 =	vld [tilespmem:s0+$0xFFFFFB00];
	_ =	sdelay $0x3  }
0x14c: {  	v3 =	vmul.f32 v3, v1  }
0x14d: {  	v5 =	vmov s12;
	v4 =	vmul.f32 v4, v2;
	_ =	sdelay $0x1  }
0x14e: {  	v3 =	vadd.f32 v3, v4;
	_ =	sdelay $0x1  }
0x14f: {  	v3 =	vsub.f32 $0.0e+00, v3;
	_ =	sdelay $0x1  }
0x150: {  	[tilespmem:v5+s25+$0x0] =	vst.idx.add.f32.msk $0xffff, v3  }
0x151: {  	v3 =	vld [tilespmem:s0+$0xFFFFFB80]  }
0x152: {  	v4 =	vld [tilespmem:s0+$0xFFFFFB90];
	_ =	sdelay $0x3  }
0x153: {  	v5 =	vmov s26;
	v3 =	vmul.f32 v3, v2  }
0x154: {  	v4 =	vmul.f32 v4, v1;
	_ =	sdelay $0x1  }
0x155: {  	v3 =	vadd.f32 v4, v3;
	_ =	sdelay $0x1  }
0x156: {  	v3 =	vsub.f32 $0.0e+00, v3;
	_ =	sdelay $0x1  }
0x157: {  	[tilespmem:v5+s25+$0x0] =	vst.idx.add.f32.msk $0xffff, v3  }
0x158: {  	v3 =	vld [tilespmem:s0+$0xFFFFFC00]  }
0x159: {  	v4 =	vld [tilespmem:s0+$0xFFFFFC10];
	_ =	sdelay $0x2  }
0x15a: {  	v5 =	vmov s20  }
0x15b: {  	v3 =	vmul.f32 v3, v2  }
0x15c: {  	v4 =	vmul.f32 v4, v1;
	_ =	sdelay $0x1  }
0x15d: {  	v3 =	vadd.f32 v4, v3;
	_ =	sdelay $0x1  }
0x15e: {  	v3 =	vsub.f32 $0.0e+00, v3;
	_ =	sdelay $0x1  }
0x15f: {  	[tilespmem:v5+s25+$0x0] =	vst.idx.add.f32.msk $0xffff, v3  }
0x160: {  	v3 =	vld [tilespmem:s0+$0xFFFFFC80]  }
0x161: {  	v4 =	vld [tilespmem:s0+$0xFFFFFC90];
	_ =	sdelay $0x1  }
0x162: {  	v5 =	vmov s24;
	_ =	sdelay $0x1  }
0x163: {  	v3 =	vmul.f32 v3, v2  }
0x164: {  	v4 =	vmul.f32 v4, v1;
	_ =	sdelay $0x1  }
0x165: {  	v3 =	vadd.f32 v4, v3;
	_ =	sdelay $0x1  }
0x166: {  	v3 =	vsub.f32 $0.0e+00, v3;
	_ =	sdelay $0x1  }
0x167: {  	[tilespmem:v5+s25+$0x0] =	vst.idx.add.f32.msk $0xffff, v3  }
0x168: {  	v3 =	vld [tilespmem:s0+$0xFFFFFD00]  }
0x169: {  	v4 =	vld [tilespmem:s0+$0xFFFFFD10]  }
0x16a: {  	v5 =	vmov s23;
	_ =	sdelay $0x2  }
0x16b: {  	v3 =	vmul.f32 v3, v2  }
0x16c: {  	v4 =	vmul.f32 v4, v1;
	_ =	sdelay $0x1  }
0x16d: {  	v3 =	vadd.f32 v4, v3;
	_ =	sdelay $0x1  }
0x16e: {  	v3 =	vsub.f32 $0.0e+00, v3;
	_ =	sdelay $0x1  }
0x16f: {  	[tilespmem:v5+s25+$0x0] =	vst.idx.add.f32.msk $0xffff, v3  }
0x170: {  	v3 =	vld [tilespmem:s0+$0xFFFFFD80]  }
0x171: {  	v5 =	vmov s28;
	v4 =	vld [tilespmem:s0+$0xFFFFFD90];
	_ =	sdelay $0x3  }
0x172: {  	v3 =	vmul.f32 v3, v2  }
0x173: {  	v4 =	vmul.f32 v4, v1;
	_ =	sdelay $0x1  }
0x174: {  	v3 =	vadd.f32 v4, v3;
	_ =	sdelay $0x1  }
0x175: {  	v3 =	vsub.f32 $0.0e+00, v3;
	_ =	sdelay $0x1  }
0x176: {  	[tilespmem:v5+s25+$0x0] =	vst.idx.add.f32.msk $0xffff, v3  }
0x177: {  	v4 =	vmov s9;
	v3 =	vld [tilespmem:s0+$0xFFFFFE00]  }
0x178: {  	v5 =	vld [tilespmem:s0+$0xFFFFFE10];
	_ =	sdelay $0x3  }
0x179: {  	v3 =	vmul.f32 v3, v2  }
0x17a: {  	v5 =	vmul.f32 v5, v1;
	_ =	sdelay $0x1  }
0x17b: {  	v3 =	vadd.f32 v5, v3;
	_ =	sdelay $0x1  }
0x17c: {  	v3 =	vsub.f32 $0.0e+00, v3;
	_ =	sdelay $0x1  }
0x17d: {  	[tilespmem:v4+s25+$0x0] =	vst.idx.add.f32.msk $0xffff, v3;
	v3 =	vmov s13  }
0x17e: {  	v4 =	vld [tilespmem:s0+$0xFFFFFE80]  }
0x17f: {  	v5 =	vld [tilespmem:s0+$0xFFFFFE90];
	_ =	sdelay $0x3  }
0x180: {  	v4 =	vmul.f32 v4, v2  }
0x181: {  	v5 =	vmul.f32 v5, v1;
	_ =	sdelay $0x1  }
0x182: {  	v4 =	vadd.f32 v5, v4;
	_ =	sdelay $0x1  }
0x183: {  	v4 =	vsub.f32 $0.0e+00, v4  }
0x184: {  	v5 =	vmov s8  }
0x185: {  	[tilespmem:v3+s25+$0x0] =	vst.idx.add.f32.msk $0xffff, v4  }
0x186: {  	v3 =	vld [tilespmem:s0+$0xFFFFFF00]  }
0x187: {  	v4 =	vld [tilespmem:s0+$0xFFFFFF10];
	_ =	sdelay $0x3  }
0x188: {  	v3 =	vmul.f32 v3, v2  }
0x189: {  	v4 =	vmul.f32 v4, v1;
	_ =	sdelay $0x1  }
0x18a: {  	v3 =	vadd.f32 v4, v3;
	_ =	sdelay $0x1  }
0x18b: {  	v4 =	vmov s7;
	v3 =	vsub.f32 $0.0e+00, v3;
	_ =	sdelay $0x1  }
0x18c: {  	[tilespmem:v5+s25+$0x0] =	vst.idx.add.f32.msk $0xffff, v3  }
0x18d: {  	v3 =	vld [tilespmem:s0+$0xFFFFFF80]  }
0x18e: {  	v5 =	vld [tilespmem:s0+$0xFFFFFF90];
	_ =	sdelay $0x3  }
0x18f: {  	v3 =	vmul.f32 v3, v2  }
0x190: {  	v5 =	vmul.f32 v5, v1;
	_ =	sdelay $0x1  }
0x191: {  	v3 =	vadd.f32 v5, v3  }
0x192: {  	v5 =	vmov s6  }
0x193: {  	v3 =	vsub.f32 $0.0e+00, v3;
	_ =	sdelay $0x1  }
0x194: {  	[tilespmem:v4+s25+$0x0] =	vst.idx.add.f32.msk $0xffff, v3  }
0x195: {  	v3 =	vld [tilespmem:s0+$0x0]  }
0x196: {  	v4 =	vld [tilespmem:s0+$0x10];
	_ =	sdelay $0x3  }
0x197: {  	v3 =	vmul.f32 v3, v2  }
0x198: {  	v4 =	vmul.f32 v4, v1;
	_ =	sdelay $0x1  }
0x199: {  	v3 =	vadd.f32 v4, v3;
	v4 =	vmov s5;
	_ =	sdelay $0x1  }
0x19a: {  	v3 =	vsub.f32 $0.0e+00, v3;
	_ =	sdelay $0x1  }
0x19b: {  	[tilespmem:v5+s25+$0x0] =	vst.idx.add.f32.msk $0xffff, v3  }
0x19c: {  	v3 =	vld [tilespmem:s0+$0x80]  }
0x19d: {  	v5 =	vld [tilespmem:s0+$0x90];
	_ =	sdelay $0x3  }
0x19e: {  	v3 =	vmul.f32 v3, v2  }
0x19f: {  	v5 =	vmul.f32 v5, v1  }
0x1a0: {  	v6 =	vmov s4  }
0x1a1: {  	v3 =	vadd.f32 v5, v3;
	_ =	sdelay $0x1  }
0x1a2: {  	v3 =	vsub.f32 $0.0e+00, v3;
	_ =	sdelay $0x1  }
0x1a3: {  	[tilespmem:v4+s25+$0x0] =	vst.idx.add.f32.msk $0xffff, v3  }
0x1a4: {  	v3 =	vld [tilespmem:s0+$0x100]  }
0x1a5: {  	v4 =	vld [tilespmem:s0+$0x110];
	_ =	sdelay $0x3  }
0x1a6: {  	v3 =	vmul.f32 v3, v2  }
0x1a7: {  	v5 =	vmov s11;
	v4 =	vmul.f32 v4, v1;
	_ =	sdelay $0x1  }
0x1a8: {  	v3 =	vadd.f32 v4, v3;
	_ =	sdelay $0x1  }
0x1a9: {  	v3 =	vsub.f32 $0.0e+00, v3;
	_ =	sdelay $0x1  }
0x1aa: {  	[tilespmem:v6+s25+$0x0] =	vst.idx.add.f32.msk $0xffff, v3  }
0x1ab: {  	v3 =	vld [tilespmem:s0+$0x180]  }
0x1ac: {  	v4 =	vld [tilespmem:s0+$0x190];
	_ =	sdelay $0x3  }
0x1ad: {  	v6 =	vmov s10;
	v3 =	vmul.f32 v3, v2  }
0x1ae: {  	v4 =	vmul.f32 v4, v1;
	_ =	sdelay $0x1  }
0x1af: {  	v3 =	vadd.f32 v4, v3;
	_ =	sdelay $0x1  }
0x1b0: {  	v3 =	vsub.f32 $0.0e+00, v3;
	_ =	sdelay $0x1  }
0x1b1: {  	[tilespmem:v5+s25+$0x0] =	vst.idx.add.f32.msk $0xffff, v3  }
0x1b2: {  	v3 =	vld [tilespmem:s0+$0x200]  }
0x1b3: {  	v4 =	vld [tilespmem:s0+$0x210];
	_ =	sdelay $0x2  }
0x1b4: {  	v5 =	vmov s2  }
0x1b5: {  	v3 =	vmul.f32 v3, v2  }
0x1b6: {  	v4 =	vmul.f32 v4, v1;
	_ =	sdelay $0x1  }
0x1b7: {  	v3 =	vadd.f32 v4, v3;
	_ =	sdelay $0x1  }
0x1b8: {  	v3 =	vsub.f32 $0.0e+00, v3;
	_ =	sdelay $0x1  }
0x1b9: {  	[tilespmem:v6+s25+$0x0] =	vst.idx.add.f32.msk $0xffff, v3  }
0x1ba: {  	v3 =	vld [tilespmem:s0+$0x280]  }
0x1bb: {  	v4 =	vld [tilespmem:s0+$0x290];
	_ =	sdelay $0x1  }
0x1bc: {  	v6 =	vmov s22;
	_ =	sdelay $0x1  }
0x1bd: {  	v3 =	vmul.f32 v3, v2  }
0x1be: {  	v4 =	vmul.f32 v4, v1;
	_ =	sdelay $0x1  }
0x1bf: {  	v3 =	vadd.f32 v4, v3;
	_ =	sdelay $0x1  }
0x1c0: {  	v3 =	vsub.f32 $0.0e+00, v3;
	_ =	sdelay $0x1  }
0x1c1: {  	[tilespmem:v5+s25+$0x0] =	vst.idx.add.f32.msk $0xffff, v3  }
0x1c2: {  	v3 =	vld [tilespmem:s0+$0x300]  }
0x1c3: {  	v4 =	vld [tilespmem:s0+$0x310]  }
0x1c4: {  	v5 =	vmov s21;
	_ =	sdelay $0x2  }
0x1c5: {  	v3 =	vmul.f32 v3, v2  }
0x1c6: {  	v4 =	vmul.f32 v4, v1;
	_ =	sdelay $0x1  }
0x1c7: {  	v3 =	vadd.f32 v4, v3;
	_ =	sdelay $0x1  }
0x1c8: {  	v3 =	vsub.f32 $0.0e+00, v3;
	_ =	sdelay $0x1  }
0x1c9: {  	[tilespmem:v6+s25+$0x0] =	vst.idx.add.f32.msk $0xffff, v3  }
0x1ca: {  	v3 =	vld [tilespmem:s0+$0x380]  }
0x1cb: {  	v4 =	vmov s19;
	v6 =	vld [tilespmem:s0+$0x390];
	_ =	sdelay $0x3  }
0x1cc: {  	v3 =	vmul.f32 v3, v2  }
0x1cd: {  	v6 =	vmul.f32 v6, v1;
	_ =	sdelay $0x1  }
0x1ce: {  	v3 =	vadd.f32 v6, v3;
	_ =	sdelay $0x1  }
.Ltmp9:
0x1cf: {  	v3 =	vsub.f32 $0.0e+00, v3;
	(pc) =	sbr.rel @p0 .LBB2_21-.Ltmp9, $4  }
0x1d0: {  	_ = 	snop  }
0x1d1: {  	[tilespmem:v5+s25+$0x0] =	vst.idx.add.f32.msk $0xffff, v3  }
0x1d2: {  	v3 =	vmov s18;
	v5 =	vld [tilespmem:s0+$0x400]  }
0x1d3: {  	v6 =	vld [tilespmem:s0+$0x410]  }
0x1d4: {  	_ =	sdelay $0x3  }
0x1d5: {  	v5 =	vmul.f32 v5, v2;
	v6 =	vmul.f32 v6, v1;
	_ =	sdelay $0x1  }
0x1d6: {  	v5 =	vadd.f32 v6, v5;
	_ =	sdelay $0x1  }
0x1d7: {  	v5 =	vsub.f32 $0.0e+00, v5;
	_ =	sdelay $0x1  }
0x1d8: {  	[tilespmem:v4+s25+$0x0] =	vst.idx.add.f32.msk $0xffff, v5  }
0x1d9: {  	v4 =	vld [tilespmem:s15+$0x480]  }
0x1da: {  	v5 =	vld [tilespmem:s15+$0x490];
	_ =	sdelay $0x4  }
0x1db: {  	v2 =	vmul.f32 v4, v2;
	v1 =	vmul.f32 v5, v1;
	_ =	sdelay $0x1  }
0x1dc: {  	p0 =	seq.s32 s1, $0x1F;
	v1 =	vadd.f32 v1, v2  }
0x1dd: {  	s0 =	smul.u32 @!p0 $0x500, s1  }
0x1de: {  	v1 =	vsub.f32 $0.0e+00, v1  }
0x1df: {  	s0 =	sshra.s32 @!p0 s0, $0x2  }
0x1e0: {  	s4 =	simm.s32 @!p0 $0x80;
	s5 =	simm.s32 @!p0 $0x12C00;
	s2 =	sadd.s32 @!p0 $0x540, s0;
	[tilespmem:v3+s25+$0x0] =	vst.idx.add.f32.msk $0xffff, v1  }
0x1e1: {  	[tilespmem:s5], [sflag:$0x1] =	stream.indirect.gather @!p0 [hbm4b:s3+s4], $0x80, s2, s4, $0xb8;
	[tilespmem:$0x1F600] =	vst v63  }
0x1e2: {  	s0 =	sadd.s32 @!p0 $0x5C0, s0;
	s2 =	simm.s32 @!p0 $0x20;
	s4 =	simm.s32 @!p0 $0x16C00  }
0x1e3: {  	[tilespmem:s4], [sflag:$0x1] =	stream.indirect.gather @!p0 [hbm4b:s3+s2], $0x80, s0, s2, $0xb8;
	[tilespmem:$0x1F600] =	vst v63  }
0x1e4: {  	s4 =	simm.s32 $0x2  }
0x1e5: {  	_ =	swait.ge [sflag:s4], $0x4000  }
0x1e6: {  	[sflag:s4] =	ssyncset.done $0x0  }
0x1e7: {  	[sflag:s4] =	ssyncadd.s32 $0xFFFFC000  }
0x1e8: {  	_ =	swait.ge [sflag:s4], $0x1000  }
0x1e9: {  	[sflag:s4] =	ssyncset.done $0x0  }
0x1ea: {  	[sflag:s4] =	ssyncadd.s32 $0xFFFFF000  }
0x1eb: {  	v3 =	vld [tilespmem:s17+$0x0]  }
0x1ec: {  	v4 =	vld [tilespmem:s17+$0xFFFFFFF0]  }
0x1ed: {  	v1 =	vld [tilespmem:s17+$0xFFFFFFE0]  }
0x1ee: {  	v2 =	vld [tilespmem:s17+$0xFFFFFFD0];
	_ =	sdelay $0x1  }
0x1ef: {  	s5 =	sadd.s32 $0x0, s30  }
0x1f0: {  	s6 =	sadd.s32 $0xA8, s5  }
0x1f1: {  	v5 =	vmov s6  }
0x1f2: {  	v4 =	vmul.f32 v4, v2;
	v3 =	vmul.f32 v3, v1;
	_ =	sdelay $0x1  }
0x1f3: {  	v3 =	vadd.f32 v3, v4;
	_ =	sdelay $0x1  }
0x1f4: {  	s0 =	simm.s32 $0x18120;
	[tilespmem:v5+s25+$0x0] =	vst.idx.add.f32.msk $0xffff, v3  }
0x1f5: {  	v3 =	vld [tilespmem:s0+$0xFFFFFB00]  }
0x1f6: {  	v4 =	vld [tilespmem:s0+$0xFFFFFB10];
	_ =	sdelay $0x4  }
0x1f7: {  	s7 =	sadd.s32 $0xA9, s5;
	v3 =	vmul.f32 v3, v2;
	v4 =	vmul.f32 v4, v1  }
0x1f8: {  	v5 =	vmov s7  }
0x1f9: {  	v3 =	vadd.f32 v4, v3;
	_ =	sdelay $0x1  }
0x1fa: {  	v3 =	vsub.f32 $0.0e+00, v3;
	_ =	sdelay $0x1  }
0x1fb: {  	[tilespmem:v5+s25+$0x0] =	vst.idx.add.f32.msk $0xffff, v3  }
0x1fc: {  	v3 =	vld [tilespmem:s0+$0xFFFFFB80]  }
0x1fd: {  	v4 =	vld [tilespmem:s0+$0xFFFFFB90];
	_ =	sdelay $0x4  }
0x1fe: {  	s8 =	sadd.s32 $0xAA, s5;
	v3 =	vmul.f32 v3, v2;
	v4 =	vmul.f32 v4, v1  }
0x1ff: {  	v5 =	vmov s8  }
0x200: {  	v3 =	vadd.f32 v4, v3;
	_ =	sdelay $0x1  }
0x201: {  	v3 =	vsub.f32 $0.0e+00, v3;
	_ =	sdelay $0x1  }
0x202: {  	[tilespmem:v5+s25+$0x0] =	vst.idx.add.f32.msk $0xffff, v3  }
0x203: {  	v3 =	vld [tilespmem:s0+$0xFFFFFC00]  }
0x204: {  	v4 =	vld [tilespmem:s0+$0xFFFFFC10];
	_ =	sdelay $0x4  }
0x205: {  	s9 =	sadd.s32 $0xAB, s5;
	v3 =	vmul.f32 v3, v2;
	v4 =	vmul.f32 v4, v1  }
0x206: {  	v5 =	vmov s9  }
0x207: {  	v3 =	vadd.f32 v4, v3;
	_ =	sdelay $0x1  }
0x208: {  	v3 =	vsub.f32 $0.0e+00, v3;
	_ =	sdelay $0x1  }
0x209: {  	[tilespmem:v5+s25+$0x0] =	vst.idx.add.f32.msk $0xffff, v3  }
0x20a: {  	v3 =	vld [tilespmem:s0+$0xFFFFFC80]  }
0x20b: {  	v4 =	vld [tilespmem:s0+$0xFFFFFC90];
	_ =	sdelay $0x4  }
0x20c: {  	s10 =	sadd.s32 $0xAC, s5;
	v3 =	vmul.f32 v3, v2;
	v4 =	vmul.f32 v4, v1  }
0x20d: {  	v5 =	vmov s10  }
0x20e: {  	v3 =	vadd.f32 v4, v3;
	_ =	sdelay $0x1  }
0x20f: {  	v3 =	vsub.f32 $0.0e+00, v3;
	_ =	sdelay $0x1  }
0x210: {  	[tilespmem:v5+s25+$0x0] =	vst.idx.add.f32.msk $0xffff, v3  }
0x211: {  	v3 =	vld [tilespmem:s0+$0xFFFFFD00]  }
0x212: {  	v4 =	vld [tilespmem:s0+$0xFFFFFD10];
	_ =	sdelay $0x4  }
0x213: {  	s11 =	sadd.s32 $0xAD, s5;
	v3 =	vmul.f32 v3, v2;
	v4 =	vmul.f32 v4, v1  }
0x214: {  	v5 =	vmov s11  }
0x215: {  	v3 =	vadd.f32 v4, v3;
	_ =	sdelay $0x1  }
0x216: {  	v3 =	vsub.f32 $0.0e+00, v3;
	_ =	sdelay $0x1  }
0x217: {  	[tilespmem:v5+s25+$0x0] =	vst.idx.add.f32.msk $0xffff, v3  }
0x218: {  	v3 =	vld [tilespmem:s0+$0xFFFFFD80]  }
0x219: {  	v4 =	vld [tilespmem:s0+$0xFFFFFD90];
	_ =	sdelay $0x4  }
0x21a: {  	s12 =	sadd.s32 $0xAE, s5;
	v3 =	vmul.f32 v3, v2;
	v4 =	vmul.f32 v4, v1  }
0x21b: {  	v5 =	vmov s12  }
0x21c: {  	v3 =	vadd.f32 v4, v3;
	_ =	sdelay $0x1  }
0x21d: {  	v3 =	vsub.f32 $0.0e+00, v3;
	_ =	sdelay $0x1  }
0x21e: {  	[tilespmem:v5+s25+$0x0] =	vst.idx.add.f32.msk $0xffff, v3  }
0x21f: {  	v3 =	vld [tilespmem:s0+$0xFFFFFE00]  }
0x220: {  	v4 =	vld [tilespmem:s0+$0xFFFFFE10];
	_ =	sdelay $0x4  }
0x221: {  	s13 =	sadd.s32 $0xAF, s5;
	v3 =	vmul.f32 v3, v2;
	v4 =	vmul.f32 v4, v1  }
0x222: {  	v5 =	vmov s13  }
0x223: {  	v3 =	vadd.f32 v4, v3;
	_ =	sdelay $0x1  }
0x224: {  	v3 =	vsub.f32 $0.0e+00, v3;
	_ =	sdelay $0x1  }
0x225: {  	[tilespmem:v5+s25+$0x0] =	vst.idx.add.f32.msk $0xffff, v3  }
0x226: {  	v3 =	vld [tilespmem:s0+$0xFFFFFE80]  }
0x227: {  	v4 =	vld [tilespmem:s0+$0xFFFFFE90];
	_ =	sdelay $0x4  }
0x228: {  	s14 =	sadd.s32 $0xB0, s5;
	v3 =	vmul.f32 v3, v2;
	v4 =	vmul.f32 v4, v1  }
0x229: {  	v5 =	vmov s14  }
0x22a: {  	v3 =	vadd.f32 v4, v3;
	_ =	sdelay $0x1  }
0x22b: {  	v3 =	vsub.f32 $0.0e+00, v3;
	_ =	sdelay $0x1  }
0x22c: {  	[tilespmem:v5+s25+$0x0] =	vst.idx.add.f32.msk $0xffff, v3  }
0x22d: {  	v3 =	vld [tilespmem:s0+$0xFFFFFF00]  }
0x22e: {  	v4 =	vld [tilespmem:s0+$0xFFFFFF10];
	_ =	sdelay $0x4  }
0x22f: {  	s15 =	sadd.s32 $0xB1, s5;
	v3 =	vmul.f32 v3, v2;
	v4 =	vmul.f32 v4, v1  }
0x230: {  	v5 =	vmov s15  }
0x231: {  	v3 =	vadd.f32 v4, v3;
	_ =	sdelay $0x1  }
0x232: {  	v3 =	vsub.f32 $0.0e+00, v3;
	_ =	sdelay $0x1  }
0x233: {  	[tilespmem:v5+s25+$0x0] =	vst.idx.add.f32.msk $0xffff, v3  }
0x234: {  	v3 =	vld [tilespmem:s0+$0xFFFFFF80]  }
0x235: {  	v4 =	vld [tilespmem:s0+$0xFFFFFF90];
	_ =	sdelay $0x4  }
0x236: {  	s16 =	sadd.s32 $0xB2, s5;
	v3 =	vmul.f32 v3, v2;
	v4 =	vmul.f32 v4, v1  }
0x237: {  	v5 =	vmov s16  }
0x238: {  	v3 =	vadd.f32 v4, v3;
	_ =	sdelay $0x1  }
0x239: {  	v3 =	vsub.f32 $0.0e+00, v3;
	_ =	sdelay $0x1  }
0x23a: {  	[tilespmem:v5+s25+$0x0] =	vst.idx.add.f32.msk $0xffff, v3  }
0x23b: {  	v3 =	vld [tilespmem:s0+$0x0]  }
0x23c: {  	v4 =	vld [tilespmem:s0+$0x10];
	_ =	sdelay $0x4  }
0x23d: {  	s18 =	sadd.s32 $0xB3, s5;
	v3 =	vmul.f32 v3, v2;
	v4 =	vmul.f32 v4, v1  }
0x23e: {  	v5 =	vmov s18  }
0x23f: {  	v3 =	vadd.f32 v4, v3;
	_ =	sdelay $0x1  }
0x240: {  	v3 =	vsub.f32 $0.0e+00, v3;
	_ =	sdelay $0x1  }
0x241: {  	[tilespmem:v5+s25+$0x0] =	vst.idx.add.f32.msk $0xffff, v3  }
0x242: {  	v3 =	vld [tilespmem:s0+$0x80]  }
0x243: {  	v4 =	vld [tilespmem:s0+$0x90];
	_ =	sdelay $0x4  }
0x244: {  	s19 =	sadd.s32 $0xB4, s5;
	v3 =	vmul.f32 v3, v2;
	v4 =	vmul.f32 v4, v1  }
0x245: {  	v5 =	vmov s19  }
0x246: {  	v3 =	vadd.f32 v4, v3;
	_ =	sdelay $0x1  }
0x247: {  	v3 =	vsub.f32 $0.0e+00, v3;
	_ =	sdelay $0x1  }
0x248: {  	[tilespmem:v5+s25+$0x0] =	vst.idx.add.f32.msk $0xffff, v3  }
0x249: {  	v3 =	vld [tilespmem:s0+$0x100]  }
0x24a: {  	v4 =	vld [tilespmem:s0+$0x110];
	_ =	sdelay $0x4  }
0x24b: {  	s20 =	sadd.s32 $0xB5, s5;
	v3 =	vmul.f32 v3, v2;
	v4 =	vmul.f32 v4, v1  }
0x24c: {  	v5 =	vmov s20  }
0x24d: {  	v3 =	vadd.f32 v4, v3;
	_ =	sdelay $0x1  }
0x24e: {  	v3 =	vsub.f32 $0.0e+00, v3;
	_ =	sdelay $0x1  }
0x24f: {  	[tilespmem:v5+s25+$0x0] =	vst.idx.add.f32.msk $0xffff, v3  }
0x250: {  	v3 =	vld [tilespmem:s0+$0x180]  }
0x251: {  	v4 =	vld [tilespmem:s0+$0x190];
	_ =	sdelay $0x4  }
0x252: {  	s21 =	sadd.s32 $0xB6, s5;
	v3 =	vmul.f32 v3, v2;
	v4 =	vmul.f32 v4, v1  }
0x253: {  	v5 =	vmov s21  }
0x254: {  	v3 =	vadd.f32 v4, v3;
	_ =	sdelay $0x1  }
0x255: {  	v3 =	vsub.f32 $0.0e+00, v3;
	_ =	sdelay $0x1  }
0x256: {  	[tilespmem:v5+s25+$0x0] =	vst.idx.add.f32.msk $0xffff, v3  }
0x257: {  	v3 =	vld [tilespmem:s0+$0x200]  }
0x258: {  	v4 =	vld [tilespmem:s0+$0x210];
	_ =	sdelay $0x4  }
0x259: {  	s22 =	sadd.s32 $0xB7, s5;
	v3 =	vmul.f32 v3, v2;
	v4 =	vmul.f32 v4, v1  }
0x25a: {  	v5 =	vmov s22  }
0x25b: {  	v3 =	vadd.f32 v4, v3;
	_ =	sdelay $0x1  }
0x25c: {  	v3 =	vsub.f32 $0.0e+00, v3;
	_ =	sdelay $0x1  }
0x25d: {  	[tilespmem:v5+s25+$0x0] =	vst.idx.add.f32.msk $0xffff, v3  }
0x25e: {  	v3 =	vld [tilespmem:s0+$0x280]  }
0x25f: {  	v4 =	vld [tilespmem:s0+$0x290];
	_ =	sdelay $0x4  }
0x260: {  	s23 =	sadd.s32 $0xB8, s5;
	v3 =	vmul.f32 v3, v2;
	v4 =	vmul.f32 v4, v1  }
0x261: {  	v5 =	vmov s23  }
0x262: {  	v3 =	vadd.f32 v4, v3;
	_ =	sdelay $0x1  }
0x263: {  	v3 =	vsub.f32 $0.0e+00, v3;
	_ =	sdelay $0x1  }
0x264: {  	[tilespmem:v5+s25+$0x0] =	vst.idx.add.f32.msk $0xffff, v3  }
0x265: {  	v3 =	vld [tilespmem:s0+$0x300]  }
0x266: {  	v4 =	vld [tilespmem:s0+$0x310];
	_ =	sdelay $0x4  }
0x267: {  	s24 =	sadd.s32 $0xB9, s5;
	v3 =	vmul.f32 v3, v2;
	v4 =	vmul.f32 v4, v1  }
0x268: {  	v5 =	vmov s24  }
0x269: {  	v3 =	vadd.f32 v4, v3;
	_ =	sdelay $0x1  }
0x26a: {  	v3 =	vsub.f32 $0.0e+00, v3;
	_ =	sdelay $0x1  }
0x26b: {  	[tilespmem:v5+s25+$0x0] =	vst.idx.add.f32.msk $0xffff, v3  }
0x26c: {  	v3 =	vld [tilespmem:s0+$0x380]  }
0x26d: {  	v4 =	vld [tilespmem:s0+$0x390];
	_ =	sdelay $0x4  }
0x26e: {  	s26 =	sadd.s32 $0xBA, s5;
	v3 =	vmul.f32 v3, v2;
	v4 =	vmul.f32 v4, v1  }
0x26f: {  	v5 =	vmov s26  }
0x270: {  	v3 =	vadd.f32 v4, v3;
	_ =	sdelay $0x1  }
0x271: {  	v3 =	vsub.f32 $0.0e+00, v3;
	_ =	sdelay $0x1  }
0x272: {  	[tilespmem:v5+s25+$0x0] =	vst.idx.add.f32.msk $0xffff, v3  }
0x273: {  	s28 =	sadd.s32 $0xBB, s5;
	s2 =	sadd.s32 $0xBC, s5;
	v5 =	vld [tilespmem:s0+$0x400]  }
0x274: {  	s31 =	smov.u32 s17;
	s15 =	simm.s32 $0x18120;
	s16 =	simm.s32 $0x15;
	v4 =	vmov s28;
	v3 =	vmov s2;
	v6 =	vld [tilespmem:s0+$0x410]  }
.LBB2_23:
0x275: {  	_ =	sdelay $0x2  }
0x276: {  	p0 =	sne.s32 s16, $0x93;
	s31 =	sadd.s32 $0x80, s31;
	s0 =	sadd.s32 $0xA00, s0;
	v5 =	vmul.f32 v5, v2  }
0x277: {  	s2 =	smov.u32 s16;
	s16 =	sadd.s32 $0x15, s16;
	v6 =	vmul.f32 v6, v1;
	_ =	sdelay $0x1  }
0x278: {  	v5 =	vadd.f32 v6, v5;
	_ =	sdelay $0x1  }
0x279: {  	v5 =	vsub.f32 $0.0e+00, v5;
	_ =	sdelay $0x1  }
0x27a: {  	[tilespmem:v4+s25+$0x0] =	vst.idx.add.f32.msk $0xffff, v5  }
0x27b: {  	v4 =	vld [tilespmem:s15+$0x480]  }
0x27c: {  	v5 =	vld [tilespmem:s15+$0x490];
	s15 =	smov.u32 s0;
	_ =	sdelay $0x3  }
0x27d: {  	v2 =	vmul.f32 v4, v2  }
0x27e: {  	v1 =	vmul.f32 v5, v1;
	_ =	sdelay $0x1  }
0x27f: {  	v1 =	vadd.f32 v1, v2;
	_ =	sdelay $0x1  }
0x280: {  	v1 =	vsub.f32 $0.0e+00, v1;
	_ =	sdelay $0x1  }
0x281: {  	[tilespmem:v3+s25+$0x0] =	vst.idx.add.f32.msk $0xffff, v1  }
0x282: {  	v3 =	vld [tilespmem:s31+$0x0]  }
0x283: {  	v4 =	vld [tilespmem:s31+$0xFFFFFFF0]  }
0x284: {  	v1 =	vld [tilespmem:s31+$0xFFFFFFE0]  }
0x285: {  	v2 =	vld [tilespmem:s31+$0xFFFFFFD0];
	_ =	sdelay $0x1  }
0x286: {  	s12 =	sadd.s32 s2, s30  }
0x287: {  	s2 =	sadd.s32 $0xA8, s12;
	s26 =	sadd.s32 $0xA9, s12;
	s14 =	sadd.s32 $0xAA, s12  }
0x288: {  	s20 =	sadd.s32 $0xAB, s12;
	s24 =	sadd.s32 $0xAC, s12;
	s23 =	sadd.s32 $0xAD, s12;
	v5 =	vmov s2  }
0x289: {  	s28 =	sadd.s32 $0xAE, s12;
	s9 =	sadd.s32 $0xAF, s12;
	s13 =	sadd.s32 $0xB0, s12;
	v3 =	vmul.f32 v3, v1;
	v4 =	vmul.f32 v4, v2  }
0x28a: {  	s8 =	sadd.s32 $0xB1, s12;
	s7 =	sadd.s32 $0xB2, s12;
	s6 =	sadd.s32 $0xB3, s12  }
0x28b: {  	s5 =	sadd.s32 $0xB4, s12;
	s4 =	sadd.s32 $0xB5, s12;
	s11 =	sadd.s32 $0xB6, s12;
	v3 =	vadd.f32 v3, v4  }
0x28c: {  	s10 =	sadd.s32 $0xB7, s12;
	s22 =	sadd.s32 $0xB9, s12;
	s2 =	sadd.s32 $0xB8, s12  }
0x28d: {  	s21 =	sadd.s32 $0xBA, s12;
	s19 =	sadd.s32 $0xBB, s12;
	s18 =	sadd.s32 $0xBC, s12;
	[tilespmem:v5+s25+$0x0] =	vst.idx.add.f32.msk $0xffff, v3  }
0x28e: {  	v3 =	vld [tilespmem:s0+$0xFFFFFB00]  }
0x28f: {  	v4 =	vld [tilespmem:s0+$0xFFFFFB10];
	_ =	sdelay $0x3  }
0x290: {  	v3 =	vmul.f32 v3, v2  }
0x291: {  	v5 =	vmov s26;
	v4 =	vmul.f32 v4, v1;
	_ =	sdelay $0x1  }
0x292: {  	v3 =	vadd.f32 v4, v3;
	_ =	sdelay $0x1  }
0x293: {  	v3 =	vsub.f32 $0.0e+00, v3;
	_ =	sdelay $0x1  }
0x294: {  	[tilespmem:v5+s25+$0x0] =	vst.idx.add.f32.msk $0xffff, v3  }
0x295: {  	v3 =	vld [tilespmem:s0+$0xFFFFFB80]  }
0x296: {  	v4 =	vld [tilespmem:s0+$0xFFFFFB90];
	_ =	sdelay $0x3  }
0x297: {  	v5 =	vmov s14;
	v3 =	vmul.f32 v3, v2  }
0x298: {  	v4 =	vmul.f32 v4, v1;
	_ =	sdelay $0x1  }
0x299: {  	v3 =	vadd.f32 v4, v3;
	_ =	sdelay $0x1  }
0x29a: {  	v3 =	vsub.f32 $0.0e+00, v3;
	_ =	sdelay $0x1  }
0x29b: {  	[tilespmem:v5+s25+$0x0] =	vst.idx.add.f32.msk $0xffff, v3  }
0x29c: {  	v3 =	vld [tilespmem:s0+$0xFFFFFC00]  }
0x29d: {  	v4 =	vld [tilespmem:s0+$0xFFFFFC10];
	_ =	sdelay $0x2  }
0x29e: {  	v5 =	vmov s20  }
0x29f: {  	v3 =	vmul.f32 v3, v2  }
0x2a0: {  	v4 =	vmul.f32 v4, v1;
	_ =	sdelay $0x1  }
0x2a1: {  	v3 =	vadd.f32 v4, v3;
	_ =	sdelay $0x1  }
0x2a2: {  	v3 =	vsub.f32 $0.0e+00, v3;
	_ =	sdelay $0x1  }
0x2a3: {  	[tilespmem:v5+s25+$0x0] =	vst.idx.add.f32.msk $0xffff, v3  }
0x2a4: {  	v3 =	vld [tilespmem:s0+$0xFFFFFC80]  }
0x2a5: {  	v4 =	vld [tilespmem:s0+$0xFFFFFC90];
	_ =	sdelay $0x1  }
0x2a6: {  	v5 =	vmov s24;
	_ =	sdelay $0x1  }
0x2a7: {  	v3 =	vmul.f32 v3, v2  }
0x2a8: {  	v4 =	vmul.f32 v4, v1;
	_ =	sdelay $0x1  }
0x2a9: {  	v3 =	vadd.f32 v4, v3;
	_ =	sdelay $0x1  }
0x2aa: {  	v3 =	vsub.f32 $0.0e+00, v3;
	_ =	sdelay $0x1  }
0x2ab: {  	[tilespmem:v5+s25+$0x0] =	vst.idx.add.f32.msk $0xffff, v3  }
0x2ac: {  	v3 =	vld [tilespmem:s0+$0xFFFFFD00]  }
0x2ad: {  	v4 =	vld [tilespmem:s0+$0xFFFFFD10]  }
0x2ae: {  	v5 =	vmov s23;
	_ =	sdelay $0x2  }
0x2af: {  	v3 =	vmul.f32 v3, v2  }
0x2b0: {  	v4 =	vmul.f32 v4, v1;
	_ =	sdelay $0x1  }
0x2b1: {  	v3 =	vadd.f32 v4, v3;
	_ =	sdelay $0x1  }
0x2b2: {  	v3 =	vsub.f32 $0.0e+00, v3;
	_ =	sdelay $0x1  }
0x2b3: {  	[tilespmem:v5+s25+$0x0] =	vst.idx.add.f32.msk $0xffff, v3  }
0x2b4: {  	v3 =	vld [tilespmem:s0+$0xFFFFFD80]  }
0x2b5: {  	v5 =	vmov s28;
	v4 =	vld [tilespmem:s0+$0xFFFFFD90];
	_ =	sdelay $0x3  }
0x2b6: {  	v3 =	vmul.f32 v3, v2  }
0x2b7: {  	v4 =	vmul.f32 v4, v1;
	_ =	sdelay $0x1  }
0x2b8: {  	v3 =	vadd.f32 v4, v3;
	_ =	sdelay $0x1  }
0x2b9: {  	v3 =	vsub.f32 $0.0e+00, v3;
	_ =	sdelay $0x1  }
0x2ba: {  	[tilespmem:v5+s25+$0x0] =	vst.idx.add.f32.msk $0xffff, v3  }
0x2bb: {  	v4 =	vmov s9;
	v3 =	vld [tilespmem:s0+$0xFFFFFE00]  }
0x2bc: {  	v5 =	vld [tilespmem:s0+$0xFFFFFE10];
	_ =	sdelay $0x3  }
0x2bd: {  	v3 =	vmul.f32 v3, v2  }
0x2be: {  	v5 =	vmul.f32 v5, v1;
	_ =	sdelay $0x1  }
0x2bf: {  	v3 =	vadd.f32 v5, v3;
	_ =	sdelay $0x1  }
0x2c0: {  	v3 =	vsub.f32 $0.0e+00, v3;
	_ =	sdelay $0x1  }
0x2c1: {  	[tilespmem:v4+s25+$0x0] =	vst.idx.add.f32.msk $0xffff, v3;
	v3 =	vmov s13  }
0x2c2: {  	v4 =	vld [tilespmem:s0+$0xFFFFFE80]  }
0x2c3: {  	v5 =	vld [tilespmem:s0+$0xFFFFFE90];
	_ =	sdelay $0x3  }
0x2c4: {  	v4 =	vmul.f32 v4, v2  }
0x2c5: {  	v5 =	vmul.f32 v5, v1;
	_ =	sdelay $0x1  }
0x2c6: {  	v4 =	vadd.f32 v5, v4;
	_ =	sdelay $0x1  }
0x2c7: {  	v4 =	vsub.f32 $0.0e+00, v4  }
0x2c8: {  	v5 =	vmov s8  }
0x2c9: {  	[tilespmem:v3+s25+$0x0] =	vst.idx.add.f32.msk $0xffff, v4  }
0x2ca: {  	v3 =	vld [tilespmem:s0+$0xFFFFFF00]  }
0x2cb: {  	v4 =	vld [tilespmem:s0+$0xFFFFFF10];
	_ =	sdelay $0x3  }
0x2cc: {  	v3 =	vmul.f32 v3, v2  }
0x2cd: {  	v4 =	vmul.f32 v4, v1;
	_ =	sdelay $0x1  }
0x2ce: {  	v3 =	vadd.f32 v4, v3;
	_ =	sdelay $0x1  }
0x2cf: {  	v4 =	vmov s7;
	v3 =	vsub.f32 $0.0e+00, v3;
	_ =	sdelay $0x1  }
0x2d0: {  	[tilespmem:v5+s25+$0x0] =	vst.idx.add.f32.msk $0xffff, v3  }
0x2d1: {  	v3 =	vld [tilespmem:s0+$0xFFFFFF80]  }
0x2d2: {  	v5 =	vld [tilespmem:s0+$0xFFFFFF90];
	_ =	sdelay $0x3  }
0x2d3: {  	v3 =	vmul.f32 v3, v2  }
0x2d4: {  	v5 =	vmul.f32 v5, v1;
	_ =	sdelay $0x1  }
0x2d5: {  	v3 =	vadd.f32 v5, v3  }
0x2d6: {  	v5 =	vmov s6  }
0x2d7: {  	v3 =	vsub.f32 $0.0e+00, v3;
	_ =	sdelay $0x1  }
0x2d8: {  	[tilespmem:v4+s25+$0x0] =	vst.idx.add.f32.msk $0xffff, v3  }
0x2d9: {  	v3 =	vld [tilespmem:s0+$0x0]  }
0x2da: {  	v4 =	vld [tilespmem:s0+$0x10];
	_ =	sdelay $0x3  }
0x2db: {  	v3 =	vmul.f32 v3, v2  }
0x2dc: {  	v4 =	vmul.f32 v4, v1;
	_ =	sdelay $0x1  }
0x2dd: {  	v3 =	vadd.f32 v4, v3;
	v4 =	vmov s5;
	_ =	sdelay $0x1  }
0x2de: {  	v3 =	vsub.f32 $0.0e+00, v3;
	_ =	sdelay $0x1  }
0x2df: {  	[tilespmem:v5+s25+$0x0] =	vst.idx.add.f32.msk $0xffff, v3  }
0x2e0: {  	v3 =	vld [tilespmem:s0+$0x80]  }
0x2e1: {  	v5 =	vld [tilespmem:s0+$0x90];
	_ =	sdelay $0x3  }
0x2e2: {  	v3 =	vmul.f32 v3, v2  }
0x2e3: {  	v5 =	vmul.f32 v5, v1  }
0x2e4: {  	v6 =	vmov s4  }
0x2e5: {  	v3 =	vadd.f32 v5, v3;
	_ =	sdelay $0x1  }
0x2e6: {  	v3 =	vsub.f32 $0.0e+00, v3;
	_ =	sdelay $0x1  }
0x2e7: {  	[tilespmem:v4+s25+$0x0] =	vst.idx.add.f32.msk $0xffff, v3  }
0x2e8: {  	v3 =	vld [tilespmem:s0+$0x100]  }
0x2e9: {  	v4 =	vld [tilespmem:s0+$0x110];
	_ =	sdelay $0x3  }
0x2ea: {  	v3 =	vmul.f32 v3, v2  }
0x2eb: {  	v5 =	vmov s11;
	v4 =	vmul.f32 v4, v1;
	_ =	sdelay $0x1  }
0x2ec: {  	v3 =	vadd.f32 v4, v3;
	_ =	sdelay $0x1  }
0x2ed: {  	v3 =	vsub.f32 $0.0e+00, v3;
	_ =	sdelay $0x1  }
0x2ee: {  	[tilespmem:v6+s25+$0x0] =	vst.idx.add.f32.msk $0xffff, v3  }
0x2ef: {  	v3 =	vld [tilespmem:s0+$0x180]  }
0x2f0: {  	v4 =	vld [tilespmem:s0+$0x190];
	_ =	sdelay $0x3  }
0x2f1: {  	v6 =	vmov s10;
	v3 =	vmul.f32 v3, v2  }
0x2f2: {  	v4 =	vmul.f32 v4, v1;
	_ =	sdelay $0x1  }
0x2f3: {  	v3 =	vadd.f32 v4, v3;
	_ =	sdelay $0x1  }
0x2f4: {  	v3 =	vsub.f32 $0.0e+00, v3;
	_ =	sdelay $0x1  }
0x2f5: {  	[tilespmem:v5+s25+$0x0] =	vst.idx.add.f32.msk $0xffff, v3  }
0x2f6: {  	v3 =	vld [tilespmem:s0+$0x200]  }
0x2f7: {  	v4 =	vld [tilespmem:s0+$0x210];
	_ =	sdelay $0x2  }
0x2f8: {  	v5 =	vmov s2  }
0x2f9: {  	v3 =	vmul.f32 v3, v2  }
0x2fa: {  	v4 =	vmul.f32 v4, v1;
	_ =	sdelay $0x1  }
0x2fb: {  	v3 =	vadd.f32 v4, v3;
	_ =	sdelay $0x1  }
0x2fc: {  	v3 =	vsub.f32 $0.0e+00, v3;
	_ =	sdelay $0x1  }
0x2fd: {  	[tilespmem:v6+s25+$0x0] =	vst.idx.add.f32.msk $0xffff, v3  }
0x2fe: {  	v3 =	vld [tilespmem:s0+$0x280]  }
0x2ff: {  	v4 =	vld [tilespmem:s0+$0x290];
	_ =	sdelay $0x1  }
0x300: {  	v6 =	vmov s22;
	_ =	sdelay $0x1  }
0x301: {  	v3 =	vmul.f32 v3, v2  }
0x302: {  	v4 =	vmul.f32 v4, v1;
	_ =	sdelay $0x1  }
0x303: {  	v3 =	vadd.f32 v4, v3;
	_ =	sdelay $0x1  }
0x304: {  	v3 =	vsub.f32 $0.0e+00, v3;
	_ =	sdelay $0x1  }
0x305: {  	[tilespmem:v5+s25+$0x0] =	vst.idx.add.f32.msk $0xffff, v3  }
0x306: {  	v3 =	vld [tilespmem:s0+$0x300]  }
0x307: {  	v4 =	vld [tilespmem:s0+$0x310]  }
0x308: {  	v5 =	vmov s21;
	_ =	sdelay $0x2  }
0x309: {  	v3 =	vmul.f32 v3, v2  }
0x30a: {  	v4 =	vmul.f32 v4, v1;
	_ =	sdelay $0x1  }
0x30b: {  	v3 =	vadd.f32 v4, v3;
	_ =	sdelay $0x1  }
0x30c: {  	v3 =	vsub.f32 $0.0e+00, v3;
	_ =	sdelay $0x1  }
0x30d: {  	[tilespmem:v6+s25+$0x0] =	vst.idx.add.f32.msk $0xffff, v3  }
0x30e: {  	v3 =	vld [tilespmem:s0+$0x380]  }
0x30f: {  	v4 =	vmov s19;
	v6 =	vld [tilespmem:s0+$0x390];
	_ =	sdelay $0x3  }
0x310: {  	v3 =	vmul.f32 v3, v2  }
0x311: {  	v6 =	vmul.f32 v6, v1;
	_ =	sdelay $0x1  }
0x312: {  	v3 =	vadd.f32 v6, v3;
	_ =	sdelay $0x1  }
.Ltmp10:
0x313: {  	v3 =	vsub.f32 $0.0e+00, v3;
	(pc) =	sbr.rel @p0 .LBB2_23-.Ltmp10, $4  }
0x314: {  	_ = 	snop  }
0x315: {  	[tilespmem:v5+s25+$0x0] =	vst.idx.add.f32.msk $0xffff, v3  }
0x316: {  	v3 =	vmov s18;
	v5 =	vld [tilespmem:s0+$0x400]  }
0x317: {  	v6 =	vld [tilespmem:s0+$0x410]  }
0x318: {  	_ =	sdelay $0x3  }
0x319: {  	v5 =	vmul.f32 v5, v2;
	v6 =	vmul.f32 v6, v1;
	_ =	sdelay $0x1  }
0x31a: {  	v5 =	vadd.f32 v6, v5;
	_ =	sdelay $0x1  }
0x31b: {  	v5 =	vsub.f32 $0.0e+00, v5;
	_ =	sdelay $0x1  }
0x31c: {  	[tilespmem:v4+s25+$0x0] =	vst.idx.add.f32.msk $0xffff, v5  }
0x31d: {  	v4 =	vld [tilespmem:s15+$0x480]  }
0x31e: {  	v5 =	vld [tilespmem:s15+$0x490];
	_ =	sdelay $0x4  }
0x31f: {  	s1 =	sadd.s32 $0x1, s1;
	v2 =	vmul.f32 v4, v2;
	v1 =	vmul.f32 v5, v1  }
0x320: {  	p0 =	sne.s32 s1, $0x20  }
.Ltmp11:
0x321: {  	v1 =	vadd.f32 v1, v2;
	(pc) =	sbr.rel @p0 .LBB2_20-.Ltmp11, $3  }
0x322: {  	_ = 	snop  }
0x323: {  	v1 =	vsub.f32 $0.0e+00, v1;
	_ =	sdelay $0x1  }
0x324: {  	s29 =	sadd.s32 $0x800, s29;
	s30 =	sadd.s32 $0x150, s30;
	s17 =	sadd.s32 $0x800, s17;
	[tilespmem:v3+s25+$0x0] =	vst.idx.add.f32.msk $0xffff, v1  }
0x325: {  	s0 =	simm.s32 $0x0;
	s1 =	rddreg [dreg:$0x7];
	s2 =	simm.s32 $0x3  }
0x326: {  	[hbm4b:s1+s0] =	stream.linear.scatter [tilespmem:s25], [sflag:$0x3], $0x2A00, $0x38;
	[tilespmem:$0x1F600] =	vst v63  }
0x327: {  	_ =	swait.ge [sflag:s2], $0x2A00  }
0x328: {  	s30 =	rddreg [dreg:$0x9]  }
0x329: {  	s31 =	rddreg [dreg:$0x8];
	s1 =	sadd.s32 $0x1, s30  }
0x32a: {  	p0 =	sne.s32 s1, s31  }
.Ltmp12:
0x32b: {  	_ = 	snop;
	(pc) =	sbr.rel @p0 .LBB2_1-.Ltmp12, $3  }
0x32c: {  	_ =	sdelay $0x1  }
0x32d: {  	s4 =	simm.s32 $0x200;
	[sflag:s2] =	ssyncset.done $0x0  }
0x32e: {  	s5 =	simm.s32 $0x400;
	s6 =	simm.s32 $0x12C00;
	[sflag:s2] =	ssyncadd.s32 $0xFFFFD600  }
0x32f: {  	_ =	sfence.sel $0x180000  }
0x330: {  	[bflag:$0x0] =	sbarrier.arrive $0xFFFF  }
0x331: {  	_ =	strace $0x90000047  }
0x332: {  	s0 =	stileid.u32;
	[bflag:$0x2] =	sbarrier.arrive $0xFFFF  }
0x333: {  	p0 =	sne.s32 s0, $0x0;
	s0 =	rddreg [dreg:$0x3]  }
0x334: {  	s0 =	sadd.s32 @!p0 $0x100000, s0  }
0x335: {  	[sflag:s0] =	ssyncadd.tile.s32 @!p0 $0x1;
	_ =	shalt  }
.Lfunc_end2:
_tile_overlayer_lowered:
.L_overlay_start_2:
0x336: {  	(tag) =	ssettag $0x2  }
0x337: {  	s0 =	rddreg [dreg:$0x0];
	s2 =	stileid.u32  }
0x338: {  	s1 =	rddreg [dreg:$0x1];
	p0 =	sne.s32 s2, $0x0  }
0x339: {  	s3 =	rddreg [dreg:$0x2];
	[bflag:$0x3] =	sbarrier.arrive $0xFFFF;
	s2 =	simm.s32 @!p0 $0x1C03  }
0x33a: {  	[timem:s3], [sflag:s2] =	dma.local @!p0 [hbm:s0], s1  }
0x33b: {  	s0 =	simm.s32 @!p0 $0x3  }
0x33c: {  	_ =	swait.ge @!p0 [sflag:s0], s1  }
0x33d: {  	s1 =	ssub.s32 @!p0 $0x0, s1;
	[sflag:s0] =	ssyncset.done @!p0 $0x0  }
0x33e: {  	[sflag:s0] =	ssyncadd.s32 @!p0 s1  }
0x33f: {  	[bflag:$0x3] =	sbarrier.arrive $0xFFFF  }
0x340: {  	_ =	shalt  }

// kernel: branch_1_fun.3.cloned.1.call-start
scs
__scs_entry_jumppad:
0x0: {  	(pc) =	sbr.rel $0x88, $3  }
0x1: {  	(tag) =	ssettag $0x0;
	lr =	simm.s32 $0x1  }
0x2: {  	[smem:$0x3F9B] =	sst lr;
	_ =	strace $0xD0000000  }
0x3: {  	_ = 	snop  }
0x4: {  	_ = 	snop  }
0x5: {  	_ = 	snop  }
0x6: {  	_ = 	snop  }
0x7: {  	_ = 	snop  }
__scs_overlays_trampoline_lowered:
0x8: {  	[smem:$0x3FAA] =	sst s0  }
0x9: {  	[smem:$0x3FAB] =	sst s1  }
0xa: {  	[smem:$0x3FAC] =	sst s2  }
0xb: {  	[smem:$0x3FAD] =	sst s3  }
0xc: {  	[smem:$0x3FAE] =	sst s4  }
0xd: {  	[smem:$0x3FAF] =	sst s5  }
0xe: {  	[smem:$0x3FB0] =	sst s6  }
0xf: {  	[smem:$0x3FB1] =	sst s7  }
0x10: {  	[smem:$0x3FB2] =	sst s8  }
0x11: {  	[smem:$0x3FB3] =	sst s9;
	s0 =	simm.s32 @!p0 $0x0  }
0x12: {  	s1 =	sld [smem:$0x3F99];
	s0 =	simm.s32 @p0 $0x1  }
0x13: {  	[smem:$0x3FB4] =	sst s0;
	s0 =	simm.s32 @!p1 $0x0  }
0x14: {  	s2 =	sld [smem:$0x3F98];
	s0 =	simm.s32 @p1 $0x1  }
0x15: {  	[smem:$0x3FB5] =	sst s0;
	s0 =	simm.s32 @!p2 $0x0  }
0x16: {  	s3 =	sld [smem:$0x3FDB];
	s0 =	simm.s32 @p2 $0x1  }
0x17: {  	s4 =	simm.s32 $0x1BF5;
	[smem:$0x3FB7] =	sst s0  }
0x18: {  	s0 =	sld [smem:$0x3F9A];
	_ =	swait.ge [sflag:s4], $0x0  }
0x19: {  	s7 =	sld [smem:$0x3F9B]  }
0x1a: {  	s8 =	sadd.s32 $0xFFFFE003, lr  }
0x1b: {  	s9 =	sadd.s32 $0xFFFFFEF7, lr;
	s5 =	simm.s32 $0xFFFFFFFF;
	p2 =	slt.u32 s8, $0xFFFFF086  }
0x1c: {  	p1 =	slt.u32 s9, $0xF7A;
	s5 =	simm.s32 @!p2 $0x0  }
0x1d: {  	s5 =	simm.s32 @p1 $0x1;
	p0 =	seq.s32 s7, s2  }
0x1e: {  	s7 =	smul.u32 @!p0 $0xF7A, s2;
	p2 =	seq.s32 @!p0 s5, $0x0  }
0x1f: {  	s9 =	smul.u32 $0xF7A, s1;
	s8 =	simm.s32 @!p0 $0x1BF5;
	p2 =	por !p2, p0  }
0x20: {  	[sflag:s8] =	ssyncset.s32 @!p0 $0xFFFFF086;
	s6 =	sadd.s32 @!p0 s3, s7;
	s7 =	simm.s32 @!p0 $0x108  }
0x21: {  	s3 =	sadd.s32 s3, s9;
	s6 =	sadd.s32 @!p0 $0x88, s6;
	s7 =	simm.s32 @p2 $0x1082  }
0x22: {  	[simem:s7], [sflag:s8] =	dma.local @!p0 [hbm:s6], $0xF7A  }
0x23: {  	s9 =	sor.u32 $0xD0000000, s2;
	s6 =	simm.s32 $0x108;
	_ =	swait.ge @!p0 [sflag:s8], $0x0  }
0x24: {  	s3 =	sadd.s32 $0x88, s3;
	s6 =	simm.s32 @!p1 $0x1082;
	[sflag:s4] =	ssyncset.s32 $0xFFFFF086  }
0x25: {  	[simem:s6], [sflag:s4] =	dma.local [hbm:s3], $0xF7A  }
0x26: {  	[smem:$0x3F9B] =	sst s1;
	(tag) =	ssettag s2;
	_ =	strace s9  }
0x27: {  	s1 =	sld [smem:$0x3FAB]  }
0x28: {  	s2 =	sld [smem:$0x3FAC]  }
0x29: {  	s4 =	sld [smem:$0x3FAE]  }
0x2a: {  	p0 =	seq.s32 s5, $0x0;
	s5 =	sld [smem:$0x3FAF]  }
0x2b: {  	s6 =	sld [smem:$0x3FB0]  }
0x2c: {  	s7 =	sld [smem:$0x3FB1]  }
0x2d: {  	s3 =	simm.s32 $0x108;
	s8 =	sld [smem:$0x3FB2]  }
0x2e: {  	s3 =	simm.s32 @!p0 $0x1082;
	s9 =	sld [smem:$0x3FB3]  }
0x2f: {  	lr =	sadd.s32 s0, s3;
	s0 =	sld [smem:$0x3FAA]  }
0x30: {  	s3 =	sld [smem:$0x3FAD]  }
0x31: {  	[smem:$0x3FB6] =	sst s10  }
0x32: {  	s10 =	sld [smem:$0x3FB4];
	_ =	sdelay $0x3  }
0x33: {  	p0 =	seq.s32 s10, $0x1;
	s10 =	sld [smem:$0x3FB6];
	_ =	sdelay $0x3  }
0x34: {  	[smem:$0x3FB6] =	sst s10  }
0x35: {  	s10 =	sld [smem:$0x3FB5];
	_ =	sdelay $0x3  }
0x36: {  	p1 =	seq.s32 s10, $0x1;
	s10 =	sld [smem:$0x3FB6];
	_ =	sdelay $0x3  }
0x37: {  	[smem:$0x3FB6] =	sst s10  }
0x38: {  	s10 =	sld [smem:$0x3FB7]  }
0x39: {  	_ = 	snop;
	(pc) =	sbr.ind lr, $3  }
0x3a: {  	_ = 	snop  }
0x3b: {  	_ = 	snop  }
0x3c: {  	p2 =	seq.s32 s10, $0x1;
	s10 =	sld [smem:$0x3FB6]  }
0x3d: {  	_ =	shalt  }
0x3e: {  	_ =	shalt  }
0x3f: {  	_ =	shalt  }
0x40: {  	_ =	shalt  }
0x41: {  	_ =	shalt  }
0x42: {  	_ =	shalt  }
0x43: {  	_ =	shalt  }
0x44: {  	_ =	shalt  }
0x45: {  	_ =	shalt  }
0x46: {  	_ =	shalt  }
0x47: {  	_ =	shalt  }
0x48: {  	_ =	shalt  }
0x49: {  	_ =	shalt  }
0x4a: {  	_ =	shalt  }
0x4b: {  	_ =	shalt  }
0x4c: {  	_ =	shalt  }
0x4d: {  	_ =	shalt  }
0x4e: {  	_ =	shalt  }
0x4f: {  	_ =	shalt  }
0x50: {  	_ =	shalt  }
0x51: {  	_ =	shalt  }
0x52: {  	_ =	shalt  }
0x53: {  	_ =	shalt  }
0x54: {  	_ =	shalt  }
0x55: {  	_ =	shalt  }
0x56: {  	_ =	shalt  }
0x57: {  	_ =	shalt  }
0x58: {  	_ =	shalt  }
0x59: {  	_ =	shalt  }
0x5a: {  	_ =	shalt  }
0x5b: {  	_ =	shalt  }
0x5c: {  	_ =	shalt  }
0x5d: {  	_ =	shalt  }
0x5e: {  	_ =	shalt  }
0x5f: {  	_ =	shalt  }
0x60: {  	_ =	shalt  }
0x61: {  	_ =	shalt  }
0x62: {  	_ =	shalt  }
0x63: {  	_ =	shalt  }
0x64: {  	_ =	shalt  }
0x65: {  	_ =	shalt  }
0x66: {  	_ =	shalt  }
0x67: {  	_ =	shalt  }
0x68: {  	_ =	shalt  }
0x69: {  	_ =	shalt  }
0x6a: {  	_ =	shalt  }
0x6b: {  	_ =	shalt  }
0x6c: {  	_ =	shalt  }
0x6d: {  	_ =	shalt  }
0x6e: {  	_ =	shalt  }
0x6f: {  	_ =	shalt  }
0x70: {  	_ =	shalt  }
0x71: {  	_ =	shalt  }
0x72: {  	_ =	shalt  }
0x73: {  	_ =	shalt  }
0x74: {  	_ =	shalt  }
0x75: {  	_ =	shalt  }
0x76: {  	_ =	shalt  }
0x77: {  	_ =	shalt  }
0x78: {  	_ =	shalt  }
0x79: {  	_ =	shalt  }
0x7a: {  	_ =	shalt  }
0x7b: {  	_ =	shalt  }
0x7c: {  	_ =	shalt  }
0x7d: {  	_ =	shalt  }
0x7e: {  	_ =	shalt  }
0x7f: {  	_ =	shalt  }
0x80: {  	_ =	shalt  }
0x81: {  	_ =	shalt  }
0x82: {  	_ =	shalt  }
0x83: {  	_ =	shalt  }
0x84: {  	_ =	shalt  }
0x85: {  	_ =	shalt  }
0x86: {  	_ =	shalt  }
0x87: {  	_ =	shalt  }
.Lfunc_end0:
.L_simem_size_0:
called_computation.1_lowered:
.L_overlay_start_0:
0x88: {  	s2 =	sld [smem:$0x3FD9]  }
0x89: {  	s3 =	sld [smem:$0x3FFE];
	_ =	sdelay $0x1  }
0x8a: {  	s1 =	srdreg.scid  }
0x8b: {  	s0 =	sand.u32 $0x1, s1  }
0x8c: {  	s17 =	sshll.u32 s0, $0xA;
	s2 =	sadd.s32 s3, s2  }
0x8d: {  	s2 =	sadd.s32 s2, s17  }
0x8e: {  	[smem:$0x3FC2] =	sst s2  }
0x8f: {  	_ = 	snop  }
0x90: {  	s2 =	sld [smem:$0x3FC9]  }
0x91: {  	s18 =	sld [smem:$0x3FC8];
	(tm) =	ssettm $0x1  }
0x92: {  	s4 =	sld [smem:$0x3FFB];
	_ =	sdelay $0x3  }
0x93: {  	_ =	strace s4  }
0x94: {  	s4 =	sld [smem:$0x3FFC];
	_ =	sdelay $0x3  }
0x95: {  	_ =	strace s4  }
0x96: {  	s4 =	sld [smem:$0x3FFD];
	_ =	sdelay $0x3  }
0x97: {  	_ =	strace s4  }
0x98: {  	_ =	strace $0x8FFFFFFF  }
0x99: {  	s19 =	sld [smem:$0x3FDB];
	_ =	sdelay $0x1  }
0x9a: {  	s5 =	simm.s32 $_scs_section_size  }
0x9b: {  	s6 =	simm.s32 $_size__tile_overlayer_lowered;
	s7 =	simm.s32 $_tile_overlayer_lowered  }
0x9c: {  	s22 =	simm.s32 $0x1BFF;
	s21 =	sshll.u32 s7, $0x1;
	s4 =	sadd.s32 s5, s19  }
0x9d: {  	s8 =	simm.s32 $0x0;
	s20 =	sshll.u32 s6, $0x1;
	s6 =	sadd.s32 s21, s4  }
0x9e: {  	[timem:s8], [sflag:s22] =	dma.local [hbm:s6], s20  }
0x9f: {  	_ =	swait.ge [sflag:s22], s20  }
0xa0: {  	s5 =	ssub.s32 $0x0, s20;
	[sflag:s22] =	ssyncset.done $0x0  }
0xa1: {  	[sflag:s22] =	ssyncadd.s32 s5;
	_ =	sdelay $0x1  }
0xa2: {  	s23 =	simm.s32 $0x1B8B  }
0xa3: {  	_ =	swait.ge [sflag:s23], $0x1  }
0xa4: {  	[sflag:s23] =	ssyncset.done $0x0  }
0xa5: {  	s25 =	simm.s32 $0x1B8E;
	s24 =	sld [smem:$0x3FFE];
	[sflag:s23] =	ssyncadd.s32 $0xFFFFFFFF  }
0xa6: {  	s26 =	simm.s32 $execute0_lowered;
	[smem:$0x3FD2] =	sst s25  }
0xa7: {  	s6 =	sshll.u32 s26, $0x1;
	_ =	strace $0x80000049;
	[dreg:$0x1] =	wrdreg $0xFFFFFFFF  }
0xa8: {  	s28 =	simm.s32 $_size_execute0_lowered;
	s4 =	sadd.s32 s4, s6;
	[dreg:$0x0] =	wrdreg $0x0  }
0xa9: {  	s6 =	sshll.u32 s28, $0x1;
	[dreg:$0x2] =	wrdreg s4  }
0xaa: {  	[dreg:$0x3] =	wrdreg s6  }
0xab: {  	[dreg:$0x4] =	wrdreg $0xC0  }
0xac: {  	_ =	task [dreg:s8], $0x5FFFF  }
0xad: {  	[dreg:$0x1] =	wrdreg $0xFFFFFFFF  }
0xae: {  	[dreg:$0x0] =	wrdreg $0x60  }
0xaf: {  	[dreg:$0x2] =	wrdreg s2  }
0xb0: {  	[dreg:$0x3] =	wrdreg s18  }
0xb1: {  	[dreg:$0x4] =	wrdreg s24  }
0xb2: {  	[dreg:$0x5] =	wrdreg $0x9  }
0xb3: {  	_ =	task.clear_ibuf [dreg:s8], $0x6FFFF;
	_ =	strace $0x90000049  }
0xb4: {  	s29 =	simm.s32 $0x9;
	_ =	strace $0x8000004B  }
0xb5: {  	_ =	swait.ge [sflag:s29], $0x1  }
0xb6: {  	[sflag:s29] =	ssyncadd.s32 $0xFFFFFFFF  }
0xb7: {  	_ =	strace $0x9000004B  }
0xb8: {  	_ =	sfence  }
0xb9: {  	s30 =	sld [smem:$0x0];
	_ =	sdelay $0x2  }
0xba: {  	s31 =	sshll.u32 s1, $0xD;
	s1 =	sshrl.u32 s1, $0x2  }
0xbb: {  	s3 =	sand.u32 $0x4000, s31;
	s1 =	sadd.s32 s1, s30  }
0xbc: {  	s0 =	sor.u32 s3, s0;
	s1 =	sshll.u32 s1, $0x11  }
0xbd: {  	s0 =	sor.u32 s1, s0  }
0xbe: {  	s0 =	sadd.s32 $0x8F2B, s0  }
0xbf: {  	[sflag:s0] =	ssyncadd.remote.s32 $0x1  }
0xc0: {  	_ =	sfence.sel $0xFFFF  }
0xc1: {  	[dreg:$0x0] =	wrdreg $0xFFFFFFFF;
	(pc) =	sbr.abs _section_cstart, $3  }
0xc2: {  	[dreg:$0x1] =	wrdreg $0xFFFFFFFF  }
0xc3: {  	_ =	task.clear_ibuf [dreg:s8], $0x2FFFF;
	_ =	strace $0x9FFFFFFF  }
0xc4: {  	(tm) =	ssettm $0x7FFFFFFF  }
0xc5: {  	_ =	shalt  }
tec
execute0_lowered:
.L_overlay_start_1:
0x0: {  	(tag) =	ssettag $0x1  }
0x1: {  	s0 =	rddreg [dreg:$0x0]  }
0x2: {  	s1 =	rddreg [dreg:$0x1];
	s2 =	srdreg.scid  }
0x3: {  	s3 =	stileid.u32;
	s4 =	rddreg [dreg:$0x2];
	s6 =	simm.s32 $0x0  }
0x4: {  	s25 =	simm.s32 $0x1CC00;
	s2 =	sand.u32 $0x1, s2;
	s3 =	sshll.u32 s3, $0x1  }
0x5: {  	[smem:$0x7FF] =	sst s6;
	s6 =	simm.s32 $0x12C00;
	s5 =	sor.u32 s2, s3  }
0x6: {  	_ =	strace $0x8000004A;
	s2 =	ssub.s32 $0x2, s2;
	s3 =	smul.u32 $0x500, s5  }
0x7: {  	s26 =	smul.u32 $0x540, s5;
	s8 =	sshrl.u32 s2, $0x1;
	s5 =	sshll.u32 s5, $0x6  }
0x8: {  	s2 =	ssub.s32 s2, s8;
	s0 =	sadd.s32 s0, s5;
	s28 =	sadd.s32 s1, s5  }
0x9: {  	s5 =	simm.s32 $0x400;
	s7 =	sadd.s32 s3, s4;
	[dreg:$0x4] =	wrdreg s0  }
0xa: {  	s3 =	sadd.s32 $0xF57A00, s4;
	[dreg:$0x5] =	wrdreg s28;
	s31 =	smax.u32 s2, $0x1  }
0xb: {  	s4 =	sadd.s32 s26, s4;
	s29 =	sadd.s32 $0xE00, s7;
	[dreg:$0x8] =	wrdreg s31  }
0xc: {  	s1 =	simm.s32 $0x0;
	s30 =	sadd.s32 $0xAE00, s4;
	[dreg:$0x6] =	wrdreg s29  }
0xd: {  	v0 =	vimm.f32 $0.0e+00;
	s2 =	simm.s32 $0x3;
	s4 =	simm.s32 $0x200;
	[dreg:$0x7] =	wrdreg s30  }
.LBB2_1:
0xe: {  	[dreg:$0x9] =	wrdreg s1;
	s0 =	simm.s32 $0x40;
	s1 =	simm.s32 $0x0  }
.LBB2_2:
0xf: {  	p0 =	sne.s32 s0, $0xA7C0;
	[tilespmem:s1+$0x1CC00] =	vst v0;
	s1 =	smov.u32 s0;
	s0 =	sadd.s32 $0x40, s0  }
.Ltmp0:
0x10: {  	(pc) =	sbr.rel @p0 .LBB2_2-.Ltmp0, $2  }
0x11: {  	_ =	sdelay $0x2  }
0x12: {  	s1 =	sshra.s32 s1, $0x2  }
0x13: {  	[tilespmem:s1+$0x1CC00] =	vst v0;
	s0 =	simm.s32 $0x0;
	s26 =	rddreg [dreg:$0x4]  }
0x14: {  	[tilespmem:s0], [sflag:$0x3] =	stream.linear.gather [hbm4b:s26+s0], $0x200, $0x38;
	[tilespmem:$0x1F600] =	vst v63  }
0x15: {  	_ =	swait.ge [sflag:s2], $0x200  }
0x16: {  	[sflag:s2] =	ssyncset.done $0x0  }
0x17: {  	s28 =	rddreg [dreg:$0x5];
	[sflag:s2] =	ssyncadd.s32 $0xFFFFFE00  }
0x18: {  	[tilespmem:s4], [sflag:$0x3] =	stream.linear.gather [hbm4b:s28+s0], $0x200, $0x38;
	[tilespmem:$0x1F600] =	vst v63  }
0x19: {  	_ =	swait.ge [sflag:s2], $0x200  }
0x1a: {  	[sflag:s2] =	ssyncset.done $0x0  }
0x1b: {  	s29 =	rddreg [dreg:$0x6];
	[sflag:s2] =	ssyncadd.s32 $0xFFFFFE00  }
0x1c: {  	[tilespmem:s5], [sflag:$0x3] =	stream.linear.gather [hbm4b:s29+s0], $0x2800, $0x38;
	[tilespmem:$0x1F600] =	vst v63  }
0x1d: {  	_ =	swait.ge [sflag:s2], $0x2800  }
0x1e: {  	[sflag:s2] =	ssyncset.done $0x0  }
0x1f: {  	s30 =	simm.s32 $0x80;
	s31 =	simm.s32 $0x1;
	[sflag:s2] =	ssyncadd.s32 $0xFFFFD800  }
0x20: {  	[tilespmem:s6], [sflag:$0x1] =	stream.indirect.gather [hbm4b:s3+s30], $0x80, s0, s30, $0xb8;
	[tilespmem:$0x1F600] =	vst v63  }
0x21: {  	_ =	swait.ge [sflag:s31], $0x4000  }
0x22: {  	[sflag:s31] =	ssyncset.done $0x0  }
0x23: {  	s0 =	simm.s32 $0x0;
	[sflag:s31] =	ssyncadd.s32 $0xFFFFC000  }
0x24: {  	v1 =	vld [tilespmem:s0+$0x12C10]  }
0x25: {  	s1 =	simm.s32 $0x200;
	v2 =	vld [tilespmem:s0+$0x12C00]  }
.LBB2_4:
0x26: {  	p0 =	sne.s32 s1, $0xFE00  }
.Ltmp1:
0x27: {  	_ = 	snop;
	(pc) =	sbr.rel @p0 .LBB2_4-.Ltmp1, $4  }
0x28: {  	_ = 	snop  }
0x29: {  	s2 =	sshra.s32 s1, $0x2;
	s1 =	sadd.s32 $0x200, s1;
	[tilespmem:s0+$0x2C10] =	vst v1  }
0x2a: {  	v1 =	vld [tilespmem:s2+$0x12C10];
	[tilespmem:s0+$0x2C00] =	vst v2;
	s0 =	smov.u32 s2  }
0x2b: {  	v2 =	vld [tilespmem:s0+$0x12C00]  }
0x2c: {  	_ =	sdelay $0x2  }
0x2d: {  	[tilespmem:s0+$0x2C10] =	vst v1  }
0x2e: {  	s30 =	simm.s32 $0x80;
	s31 =	simm.s32 $0x1;
	[tilespmem:s0+$0x2C00] =	vst v2  }
0x2f: {  	[tilespmem:s6], [sflag:$0x1] =	stream.indirect.gather [hbm4b:s3+s30], $0x80, s4, s30, $0xb8;
	[tilespmem:$0x1F600] =	vst v63  }
0x30: {  	_ =	swait.ge [sflag:s31], $0x4000  }
0x31: {  	[sflag:s31] =	ssyncset.done $0x0  }
0x32: {  	s0 =	simm.s32 $0xFFFFC000;
	[sflag:s31] =	ssyncadd.s32 $0xFFFFC000  }
0x33: {  	v1 =	vld [tilespmem:s0+$0x16C30]  }
0x34: {  	s1 =	simm.s32 $0xFFFF0200;
	v2 =	vld [tilespmem:s0+$0x16C20]  }
.LBB2_6:
0x35: {  	p0 =	sne.s32 s1, $0xFFFFFE00  }
.Ltmp2:
0x36: {  	_ = 	snop;
	(pc) =	sbr.rel @p0 .LBB2_6-.Ltmp2, $4  }
0x37: {  	_ = 	snop  }
0x38: {  	s2 =	sshra.s32 s1, $0x2;
	s1 =	sadd.s32 $0x200, s1;
	[tilespmem:s0+$0x6C30] =	vst v1  }
0x39: {  	v1 =	vld [tilespmem:s2+$0x16C30];
	[tilespmem:s0+$0x6C20] =	vst v2;
	s0 =	smov.u32 s2  }
0x3a: {  	v2 =	vld [tilespmem:s0+$0x16C20]  }
0x3b: {  	_ =	sdelay $0x2  }
0x3c: {  	[tilespmem:s0+$0x6C30] =	vst v1  }
0x3d: {  	s30 =	simm.s32 $0x80;
	s31 =	simm.s32 $0x1;
	[tilespmem:s0+$0x6C20] =	vst v2  }
0x3e: {  	[tilespmem:s6], [sflag:$0x1] =	stream.indirect.gather [hbm4b:s3+s30], $0x80, s30, s30, $0xb8;
	[tilespmem:$0x1F600] =	vst v63  }
0x3f: {  	_ =	swait.ge [sflag:s31], $0x4000  }
0x40: {  	[sflag:s31] =	ssyncset.done $0x0  }
0x41: {  	s0 =	simm.s32 $0x0;
	[sflag:s31] =	ssyncadd.s32 $0xFFFFC000  }
0x42: {  	v1 =	vld [tilespmem:s0+$0x12C10]  }
0x43: {  	s1 =	simm.s32 $0x200;
	v2 =	vld [tilespmem:s0+$0x12C00]  }
.LBB2_8:
0x44: {  	p0 =	sne.s32 s1, $0xFE00  }
.Ltmp3:
0x45: {  	_ = 	snop;
	(pc) =	sbr.rel @p0 .LBB2_8-.Ltmp3, $4  }
0x46: {  	_ = 	snop  }
0x47: {  	s2 =	sshra.s32 s1, $0x2;
	s1 =	sadd.s32 $0x200, s1;
	[tilespmem:s0+$0x6C10] =	vst v1  }
0x48: {  	v1 =	vld [tilespmem:s2+$0x12C10];
	[tilespmem:s0+$0x6C00] =	vst v2;
	s0 =	smov.u32 s2  }
0x49: {  	v2 =	vld [tilespmem:s0+$0x12C00]  }
0x4a: {  	_ =	sdelay $0x2  }
0x4b: {  	[tilespmem:s0+$0x6C10] =	vst v1  }
0x4c: {  	s30 =	simm.s32 $0x80;
	s1 =	simm.s32 $0x280;
	s31 =	simm.s32 $0x1;
	[tilespmem:s0+$0x6C00] =	vst v2  }
0x4d: {  	[tilespmem:s6], [sflag:$0x1] =	stream.indirect.gather [hbm4b:s3+s30], $0x80, s1, s30, $0xb8;
	[tilespmem:$0x1F600] =	vst v63  }
0x4e: {  	_ =	swait.ge [sflag:s31], $0x4000  }
0x4f: {  	[sflag:s31] =	ssyncset.done $0x0  }
0x50: {  	s0 =	simm.s32 $0xFFFFC000;
	[sflag:s31] =	ssyncadd.s32 $0xFFFFC000  }
0x51: {  	v1 =	vld [tilespmem:s0+$0x16C30]  }
0x52: {  	s1 =	simm.s32 $0xFFFF0200;
	v2 =	vld [tilespmem:s0+$0x16C20]  }
.LBB2_10:
0x53: {  	p0 =	sne.s32 s1, $0xFFFFFE00  }
.Ltmp4:
0x54: {  	_ = 	snop;
	(pc) =	sbr.rel @p0 .LBB2_10-.Ltmp4, $4  }
0x55: {  	_ = 	snop  }
0x56: {  	s2 =	sshra.s32 s1, $0x2;
	s1 =	sadd.s32 $0x200, s1;
	[tilespmem:s0+$0xAC30] =	vst v1  }
0x57: {  	v1 =	vld [tilespmem:s2+$0x16C30];
	[tilespmem:s0+$0xAC20] =	vst v2;
	s0 =	smov.u32 s2  }
0x58: {  	v2 =	vld [tilespmem:s0+$0x16C20]  }
0x59: {  	_ =	sdelay $0x2  }
0x5a: {  	[tilespmem:s0+$0xAC30] =	vst v1  }
0x5b: {  	s30 =	simm.s32 $0x80;
	s1 =	simm.s32 $0x100;
	s31 =	simm.s32 $0x1;
	[tilespmem:s0+$0xAC20] =	vst v2  }
0x5c: {  	[tilespmem:s6], [sflag:$0x1] =	stream.indirect.gather [hbm4b:s3+s30], $0x80, s1, s30, $0xb8;
	[tilespmem:$0x1F600] =	vst v63  }
0x5d: {  	_ =	swait.ge [sflag:s31], $0x4000  }
0x5e: {  	[sflag:s31] =	ssyncset.done $0x0  }
0x5f: {  	s0 =	simm.s32 $0x0;
	[sflag:s31] =	ssyncadd.s32 $0xFFFFC000  }
0x60: {  	v1 =	vld [tilespmem:s0+$0x12C10]  }
0x61: {  	s1 =	simm.s32 $0x200;
	v2 =	vld [tilespmem:s0+$0x12C00]  }
.LBB2_12:
0x62: {  	p0 =	sne.s32 s1, $0xFE00  }
.Ltmp5:
0x63: {  	_ = 	snop;
	(pc) =	sbr.rel @p0 .LBB2_12-.Ltmp5, $4  }
0x64: {  	_ = 	snop  }
0x65: {  	s2 =	sshra.s32 s1, $0x2;
	s1 =	sadd.s32 $0x200, s1;
	[tilespmem:s0+$0xAC10] =	vst v1  }
0x66: {  	v1 =	vld [tilespmem:s2+$0x12C10];
	[tilespmem:s0+$0xAC00] =	vst v2;
	s0 =	smov.u32 s2  }
0x67: {  	v2 =	vld [tilespmem:s0+$0x12C00]  }
0x68: {  	_ =	sdelay $0x2  }
0x69: {  	[tilespmem:s0+$0xAC10] =	vst v1  }
0x6a: {  	s30 =	simm.s32 $0x80;
	s1 =	simm.s32 $0x300;
	s31 =	simm.s32 $0x1;
	[tilespmem:s0+$0xAC00] =	vst v2  }
0x6b: {  	[tilespmem:s6], [sflag:$0x1] =	stream.indirect.gather [hbm4b:s3+s30], $0x80, s1, s30, $0xb8;
	[tilespmem:$0x1F600] =	vst v63  }
0x6c: {  	_ =	swait.ge [sflag:s31], $0x4000  }
0x6d: {  	[sflag:s31] =	ssyncset.done $0x0  }
0x6e: {  	s0 =	simm.s32 $0xFFFFC000;
	[sflag:s31] =	ssyncadd.s32 $0xFFFFC000  }
0x6f: {  	v1 =	vld [tilespmem:s0+$0x16C30]  }
0x70: {  	s1 =	simm.s32 $0xFFFF0200;
	v2 =	vld [tilespmem:s0+$0x16C20]  }
.LBB2_14:
0x71: {  	p0 =	sne.s32 s1, $0xFFFFFE00  }
.Ltmp6:
0x72: {  	_ = 	snop;
	(pc) =	sbr.rel @p0 .LBB2_14-.Ltmp6, $4  }
0x73: {  	_ = 	snop  }
0x74: {  	s2 =	sshra.s32 s1, $0x2;
	s1 =	sadd.s32 $0x200, s1;
	[tilespmem:s0+$0xEC30] =	vst v1  }
0x75: {  	v1 =	vld [tilespmem:s2+$0x16C30];
	[tilespmem:s0+$0xEC20] =	vst v2;
	s0 =	smov.u32 s2  }
0x76: {  	v2 =	vld [tilespmem:s0+$0x16C20]  }
0x77: {  	_ =	sdelay $0x2  }
0x78: {  	[tilespmem:s0+$0xEC30] =	vst v1  }
0x79: {  	s30 =	simm.s32 $0x80;
	s1 =	simm.s32 $0x180;
	s31 =	simm.s32 $0x1;
	[tilespmem:s0+$0xEC20] =	vst v2  }
0x7a: {  	[tilespmem:s6], [sflag:$0x1] =	stream.indirect.gather [hbm4b:s3+s30], $0x80, s1, s30, $0xb8;
	[tilespmem:$0x1F600] =	vst v63  }
0x7b: {  	_ =	swait.ge [sflag:s31], $0x4000  }
0x7c: {  	[sflag:s31] =	ssyncset.done $0x0  }
0x7d: {  	s0 =	simm.s32 $0x0;
	[sflag:s31] =	ssyncadd.s32 $0xFFFFC000  }
0x7e: {  	v1 =	vld [tilespmem:s0+$0x12C10]  }
0x7f: {  	s1 =	simm.s32 $0x200;
	v2 =	vld [tilespmem:s0+$0x12C00]  }
.LBB2_16:
0x80: {  	p0 =	sne.s32 s1, $0xFE00  }
.Ltmp7:
0x81: {  	_ = 	snop;
	(pc) =	sbr.rel @p0 .LBB2_16-.Ltmp7, $4  }
0x82: {  	_ = 	snop  }
0x83: {  	s2 =	sshra.s32 s1, $0x2;
	s1 =	sadd.s32 $0x200, s1;
	[tilespmem:s0+$0xEC10] =	vst v1  }
0x84: {  	v1 =	vld [tilespmem:s2+$0x12C10];
	[tilespmem:s0+$0xEC00] =	vst v2;
	s0 =	smov.u32 s2  }
0x85: {  	v2 =	vld [tilespmem:s0+$0x12C00]  }
0x86: {  	_ =	sdelay $0x2  }
0x87: {  	[tilespmem:s0+$0xEC10] =	vst v1  }
0x88: {  	s30 =	simm.s32 $0x80;
	s1 =	simm.s32 $0x380;
	s31 =	simm.s32 $0x1;
	[tilespmem:s0+$0xEC00] =	vst v2  }
0x89: {  	[tilespmem:s6], [sflag:$0x1] =	stream.indirect.gather [hbm4b:s3+s30], $0x80, s1, s30, $0xb8;
	[tilespmem:$0x1F600] =	vst v63  }
0x8a: {  	_ =	swait.ge [sflag:s31], $0x4000  }
0x8b: {  	[sflag:s31] =	ssyncset.done $0x0  }
0x8c: {  	s0 =	simm.s32 $0xFFFFC000;
	[sflag:s31] =	ssyncadd.s32 $0xFFFFC000  }
0x8d: {  	v1 =	vld [tilespmem:s0+$0x16C30]  }
0x8e: {  	s1 =	simm.s32 $0xFFFF0200;
	v2 =	vld [tilespmem:s0+$0x16C20]  }
.LBB2_18:
0x8f: {  	p0 =	sne.s32 s1, $0xFFFFFE00  }
.Ltmp8:
0x90: {  	_ = 	snop;
	(pc) =	sbr.rel @p0 .LBB2_18-.Ltmp8, $4  }
0x91: {  	_ = 	snop  }
0x92: {  	s2 =	sshra.s32 s1, $0x2;
	s1 =	sadd.s32 $0x200, s1;
	[tilespmem:s0+$0x12C30] =	vst v1  }
0x93: {  	v1 =	vld [tilespmem:s2+$0x16C30];
	[tilespmem:s0+$0x12C20] =	vst v2;
	s0 =	smov.u32 s2  }
0x94: {  	v2 =	vld [tilespmem:s0+$0x16C20]  }
0x95: {  	_ =	sdelay $0x2  }
0x96: {  	[tilespmem:s0+$0x12C30] =	vst v1  }
0x97: {  	s28 =	simm.s32 $0x80;
	s31 =	simm.s32 $0x20;
	[tilespmem:s0+$0x12C20] =	vst v2  }
0x98: {  	[tilespmem:s6], [sflag:$0x1] =	stream.indirect.gather [hbm4b:s3+s28], $0x80, s5, s28, $0xb8;
	[tilespmem:$0x1F600] =	vst v63  }
0x99: {  	s1 =	simm.s32 $0x480;
	s2 =	simm.s32 $0x16C00;
	s29 =	simm.s32 $0x2C20  }
0x9a: {  	[tilespmem:s2], [sflag:$0x1] =	stream.indirect.gather [hbm4b:s3+s31], $0x80, s1, s31, $0xb8;
	[tilespmem:$0x1F600] =	vst v63  }
0x9b: {  	s30 =	simm.s32 $0x0;
	s17 =	simm.s32 $0x3030;
	s1 =	simm.s32 $0x0  }
.LBB2_20:
0x9c: {  	s0 =	sshllo.u32 s1, $0x1  }
0x9d: {  	s0 =	smul.u32 $0x280, s0;
	_ =	sdelay $0x1  }
0x9e: {  	s4 =	simm.s32 $0x80;
	s0 =	sshra.s32 s0, $0x2  }
0x9f: {  	s5 =	simm.s32 $0x17C00;
	s26 =	simm.s32 $0x20;
	s2 =	sadd.s32 $0x400, s0  }
0xa0: {  	[tilespmem:s5], [sflag:$0x2] =	stream.indirect.gather [hbm4b:s3+s4], $0x80, s2, s4, $0xb8;
	[tilespmem:$0x1F600] =	vst v63  }
0xa1: {  	s28 =	simm.s32 $0x1BC00;
	s0 =	sadd.s32 $0x480, s0;
	s5 =	simm.s32 $0x1  }
0xa2: {  	[tilespmem:s28], [sflag:$0x2] =	stream.indirect.gather [hbm4b:s3+s26], $0x80, s0, s26, $0xb8;
	[tilespmem:$0x1F600] =	vst v63  }
0xa3: {  	_ =	swait.ge [sflag:s5], $0x4000  }
0xa4: {  	[sflag:s5] =	ssyncset.done $0x0  }
0xa5: {  	[sflag:s5] =	ssyncadd.s32 $0xFFFFC000  }
0xa6: {  	_ =	swait.ge [sflag:s5], $0x1000  }
0xa7: {  	[sflag:s5] =	ssyncset.done $0x0  }
0xa8: {  	[sflag:s5] =	ssyncadd.s32 $0xFFFFF000  }
0xa9: {  	v3 =	vld [tilespmem:s29+$0x10]  }
0xaa: {  	v4 =	vld [tilespmem:s29+$0x0]  }
0xab: {  	v1 =	vld [tilespmem:s29+$0xFFFFFFF0]  }
0xac: {  	v2 =	vld [tilespmem:s29+$0xFFFFFFE0];
	_ =	sdelay $0x2  }
0xad: {  	s6 =	sadd.s32 $0x0, s30  }
0xae: {  	v5 =	vmov s6  }
0xaf: {  	v3 =	vmul.f32 v3, v1;
	v4 =	vmul.f32 v4, v2;
	_ =	sdelay $0x1  }
0xb0: {  	v3 =	vadd.f32 v3, v4;
	_ =	sdelay $0x1  }
0xb1: {  	s0 =	simm.s32 $0x13120;
	[tilespmem:v5+s25+$0x0] =	vst.idx.add.f32.msk $0xffff, v3  }
0xb2: {  	v3 =	vld [tilespmem:s0+$0xFFFFFB10]  }
0xb3: {  	v4 =	vld [tilespmem:s0+$0xFFFFFB00];
	_ =	sdelay $0x4  }
0xb4: {  	s7 =	sadd.s32 $0x1, s6;
	v3 =	vmul.f32 v3, v1;
	v4 =	vmul.f32 v4, v2  }
0xb5: {  	v5 =	vmov s7  }
0xb6: {  	v3 =	vadd.f32 v3, v4;
	_ =	sdelay $0x1  }
0xb7: {  	v3 =	vsub.f32 $0.0e+00, v3;
	_ =	sdelay $0x1  }
0xb8: {  	[tilespmem:v5+s25+$0x0] =	vst.idx.add.f32.msk $0xffff, v3  }
0xb9: {  	v3 =	vld [tilespmem:s0+$0xFFFFFB80]  }
0xba: {  	v4 =	vld [tilespmem:s0+$0xFFFFFB90];
	_ =	sdelay $0x4  }
0xbb: {  	s8 =	sadd.s32 $0x2, s6;
	v3 =	vmul.f32 v3, v2;
	v4 =	vmul.f32 v4, v1  }
0xbc: {  	v5 =	vmov s8  }
0xbd: {  	v3 =	vadd.f32 v4, v3;
	_ =	sdelay $0x1  }
0xbe: {  	v3 =	vsub.f32 $0.0e+00, v3;
	_ =	sdelay $0x1  }
0xbf: {  	[tilespmem:v5+s25+$0x0] =	vst.idx.add.f32.msk $0xffff, v3  }
0xc0: {  	v3 =	vld [tilespmem:s0+$0xFFFFFC00]  }
0xc1: {  	v4 =	vld [tilespmem:s0+$0xFFFFFC10];
	_ =	sdelay $0x4  }
0xc2: {  	s9 =	sadd.s32 $0x3, s6;
	v3 =	vmul.f32 v3, v2;
	v4 =	vmul.f32 v4, v1  }
0xc3: {  	v5 =	vmov s9  }
0xc4: {  	v3 =	vadd.f32 v4, v3;
	_ =	sdelay $0x1  }
0xc5: {  	v3 =	vsub.f32 $0.0e+00, v3;
	_ =	sdelay $0x1  }
0xc6: {  	[tilespmem:v5+s25+$0x0] =	vst.idx.add.f32.msk $0xffff, v3  }
0xc7: {  	v3 =	vld [tilespmem:s0+$0xFFFFFC80]  }
0xc8: {  	v4 =	vld [tilespmem:s0+$0xFFFFFC90];
	_ =	sdelay $0x4  }
0xc9: {  	s10 =	sadd.s32 $0x4, s6;
	v3 =	vmul.f32 v3, v2;
	v4 =	vmul.f32 v4, v1  }
0xca: {  	v5 =	vmov s10  }
0xcb: {  	v3 =	vadd.f32 v4, v3;
	_ =	sdelay $0x1  }
0xcc: {  	v3 =	vsub.f32 $0.0e+00, v3;
	_ =	sdelay $0x1  }
0xcd: {  	[tilespmem:v5+s25+$0x0] =	vst.idx.add.f32.msk $0xffff, v3  }
0xce: {  	v3 =	vld [tilespmem:s0+$0xFFFFFD00]  }
0xcf: {  	v4 =	vld [tilespmem:s0+$0xFFFFFD10];
	_ =	sdelay $0x4  }
0xd0: {  	s11 =	sadd.s32 $0x5, s6;
	v3 =	vmul.f32 v3, v2;
	v4 =	vmul.f32 v4, v1  }
0xd1: {  	v5 =	vmov s11  }
0xd2: {  	v3 =	vadd.f32 v4, v3;
	_ =	sdelay $0x1  }
0xd3: {  	v3 =	vsub.f32 $0.0e+00, v3;
	_ =	sdelay $0x1  }
0xd4: {  	[tilespmem:v5+s25+$0x0] =	vst.idx.add.f32.msk $0xffff, v3  }
0xd5: {  	v3 =	vld [tilespmem:s0+$0xFFFFFD80]  }
0xd6: {  	v4 =	vld [tilespmem:s0+$0xFFFFFD90];
	_ =	sdelay $0x4  }
0xd7: {  	s12 =	sadd.s32 $0x6, s6;
	v3 =	vmul.f32 v3, v2;
	v4 =	vmul.f32 v4, v1  }
0xd8: {  	v5 =	vmov s12  }
0xd9: {  	v3 =	vadd.f32 v4, v3;
	_ =	sdelay $0x1  }
0xda: {  	v3 =	vsub.f32 $0.0e+00, v3;
	_ =	sdelay $0x1  }
0xdb: {  	[tilespmem:v5+s25+$0x0] =	vst.idx.add.f32.msk $0xffff, v3  }
0xdc: {  	v3 =	vld [tilespmem:s0+$0xFFFFFE00]  }
0xdd: {  	v4 =	vld [tilespmem:s0+$0xFFFFFE10];
	_ =	sdelay $0x4  }
0xde: {  	s13 =	sadd.s32 $0x7, s6;
	v3 =	vmul.f32 v3, v2;
	v4 =	vmul.f32 v4, v1  }
0xdf: {  	v5 =	vmov s13  }
0xe0: {  	v3 =	vadd.f32 v4, v3;
	_ =	sdelay $0x1  }
0xe1: {  	v3 =	vsub.f32 $0.0e+00, v3;
	_ =	sdelay $0x1  }
0xe2: {  	[tilespmem:v5+s25+$0x0] =	vst.idx.add.f32.msk $0xffff, v3  }
0xe3: {  	v3 =	vld [tilespmem:s0+$0xFFFFFE80]  }
0xe4: {  	v4 =	vld [tilespmem:s0+$0xFFFFFE90];
	_ =	sdelay $0x4  }
0xe5: {  	s14 =	sadd.s32 $0x8, s6;
	v3 =	vmul.f32 v3, v2;
	v4 =	vmul.f32 v4, v1  }
0xe6: {  	v5 =	vmov s14  }
0xe7: {  	v3 =	vadd.f32 v4, v3;
	_ =	sdelay $0x1  }
0xe8: {  	v3 =	vsub.f32 $0.0e+00, v3;
	_ =	sdelay $0x1  }
0xe9: {  	[tilespmem:v5+s25+$0x0] =	vst.idx.add.f32.msk $0xffff, v3  }
0xea: {  	v3 =	vld [tilespmem:s0+$0xFFFFFF00]  }
0xeb: {  	v4 =	vld [tilespmem:s0+$0xFFFFFF10];
	_ =	sdelay $0x4  }
0xec: {  	s15 =	sadd.s32 $0x9, s6;
	v3 =	vmul.f32 v3, v2;
	v4 =	vmul.f32 v4, v1  }
0xed: {  	v5 =	vmov s15  }
0xee: {  	v3 =	vadd.f32 v4, v3;
	_ =	sdelay $0x1  }
0xef: {  	v3 =	vsub.f32 $0.0e+00, v3;
	_ =	sdelay $0x1  }
0xf0: {  	[tilespmem:v5+s25+$0x0] =	vst.idx.add.f32.msk $0xffff, v3  }
0xf1: {  	v3 =	vld [tilespmem:s0+$0xFFFFFF80]  }
0xf2: {  	v4 =	vld [tilespmem:s0+$0xFFFFFF90];
	_ =	sdelay $0x4  }
0xf3: {  	s16 =	sadd.s32 $0xA, s6;
	v3 =	vmul.f32 v3, v2;
	v4 =	vmul.f32 v4, v1  }
0xf4: {  	v5 =	vmov s16  }
0xf5: {  	v3 =	vadd.f32 v4, v3;
	_ =	sdelay $0x1  }
0xf6: {  	v3 =	vsub.f32 $0.0e+00, v3;
	_ =	sdelay $0x1  }
0xf7: {  	[tilespmem:v5+s25+$0x0] =	vst.idx.add.f32.msk $0xffff, v3  }
0xf8: {  	v3 =	vld [tilespmem:s0+$0x0]  }
0xf9: {  	v4 =	vld [tilespmem:s0+$0x10];
	_ =	sdelay $0x4  }
0xfa: {  	s18 =	sadd.s32 $0xB, s6;
	v3 =	vmul.f32 v3, v2;
	v4 =	vmul.f32 v4, v1  }
0xfb: {  	v5 =	vmov s18  }
0xfc: {  	v3 =	vadd.f32 v4, v3;
	_ =	sdelay $0x1  }
0xfd: {  	v3 =	vsub.f32 $0.0e+00, v3;
	_ =	sdelay $0x1  }
0xfe: {  	[tilespmem:v5+s25+$0x0] =	vst.idx.add.f32.msk $0xffff, v3  }
0xff: {  	v3 =	vld [tilespmem:s0+$0x80]  }
0x100: {  	v4 =	vld [tilespmem:s0+$0x90];
	_ =	sdelay $0x4  }
0x101: {  	s19 =	sadd.s32 $0xC, s6;
	v3 =	vmul.f32 v3, v2;
	v4 =	vmul.f32 v4, v1  }
0x102: {  	v5 =	vmov s19  }
0x103: {  	v3 =	vadd.f32 v4, v3;
	_ =	sdelay $0x1  }
0x104: {  	v3 =	vsub.f32 $0.0e+00, v3;
	_ =	sdelay $0x1  }
0x105: {  	[tilespmem:v5+s25+$0x0] =	vst.idx.add.f32.msk $0xffff, v3  }
0x106: {  	v3 =	vld [tilespmem:s0+$0x100]  }
0x107: {  	v4 =	vld [tilespmem:s0+$0x110];
	_ =	sdelay $0x4  }
0x108: {  	s20 =	sadd.s32 $0xD, s6;
	v3 =	vmul.f32 v3, v2;
	v4 =	vmul.f32 v4, v1  }
0x109: {  	v5 =	vmov s20  }
0x10a: {  	v3 =	vadd.f32 v4, v3;
	_ =	sdelay $0x1  }
0x10b: {  	v3 =	vsub.f32 $0.0e+00, v3;
	_ =	sdelay $0x1  }
0x10c: {  	[tilespmem:v5+s25+$0x0] =	vst.idx.add.f32.msk $0xffff, v3  }
0x10d: {  	v3 =	vld [tilespmem:s0+$0x180]  }
0x10e: {  	v4 =	vld [tilespmem:s0+$0x190];
	_ =	sdelay $0x4  }
0x10f: {  	s21 =	sadd.s32 $0xE, s6;
	v3 =	vmul.f32 v3, v2;
	v4 =	vmul.f32 v4, v1  }
0x110: {  	v5 =	vmov s21  }
0x111: {  	v3 =	vadd.f32 v4, v3;
	_ =	sdelay $0x1  }
0x112: {  	v3 =	vsub.f32 $0.0e+00, v3;
	_ =	sdelay $0x1  }
0x113: {  	[tilespmem:v5+s25+$0x0] =	vst.idx.add.f32.msk $0xffff, v3  }
0x114: {  	v3 =	vld [tilespmem:s0+$0x200]  }
0x115: {  	v4 =	vld [tilespmem:s0+$0x210];
	_ =	sdelay $0x4  }
0x116: {  	s22 =	sadd.s32 $0xF, s6;
	v3 =	vmul.f32 v3, v2;
	v4 =	vmul.f32 v4, v1  }
0x117: {  	v5 =	vmov s22  }
0x118: {  	v3 =	vadd.f32 v4, v3;
	_ =	sdelay $0x1  }
0x119: {  	v3 =	vsub.f32 $0.0e+00, v3;
	_ =	sdelay $0x1  }
0x11a: {  	[tilespmem:v5+s25+$0x0] =	vst.idx.add.f32.msk $0xffff, v3  }
0x11b: {  	v3 =	vld [tilespmem:s0+$0x280]  }
0x11c: {  	v4 =	vld [tilespmem:s0+$0x290];
	_ =	sdelay $0x4  }
0x11d: {  	s23 =	sadd.s32 $0x10, s6;
	v3 =	vmul.f32 v3, v2;
	v4 =	vmul.f32 v4, v1  }
0x11e: {  	v5 =	vmov s23  }
0x11f: {  	v3 =	vadd.f32 v4, v3;
	_ =	sdelay $0x1  }
0x120: {  	v3 =	vsub.f32 $0.0e+00, v3;
	_ =	sdelay $0x1  }
0x121: {  	[tilespmem:v5+s25+$0x0] =	vst.idx.add.f32.msk $0xffff, v3  }
0x122: {  	v3 =	vld [tilespmem:s0+$0x300]  }
0x123: {  	v4 =	vld [tilespmem:s0+$0x310];
	_ =	sdelay $0x4  }
0x124: {  	s24 =	sadd.s32 $0x11, s6;
	v3 =	vmul.f32 v3, v2;
	v4 =	vmul.f32 v4, v1  }
0x125: {  	v5 =	vmov s24  }
0x126: {  	v3 =	vadd.f32 v4, v3;
	_ =	sdelay $0x1  }
0x127: {  	v3 =	vsub.f32 $0.0e+00, v3;
	_ =	sdelay $0x1  }
0x128: {  	[tilespmem:v5+s25+$0x0] =	vst.idx.add.f32.msk $0xffff, v3  }
0x129: {  	v3 =	vld [tilespmem:s0+$0x380]  }
0x12a: {  	v4 =	vld [tilespmem:s0+$0x390];
	_ =	sdelay $0x4  }
0x12b: {  	s26 =	sadd.s32 $0x12, s6;
	v3 =	vmul.f32 v3, v2;
	v4 =	vmul.f32 v4, v1  }
0x12c: {  	v5 =	vmov s26  }
0x12d: {  	v3 =	vadd.f32 v4, v3;
	_ =	sdelay $0x1  }
0x12e: {  	v3 =	vsub.f32 $0.0e+00, v3;
	_ =	sdelay $0x1  }
0x12f: {  	[tilespmem:v5+s25+$0x0] =	vst.idx.add.f32.msk $0xffff, v3  }
0x130: {  	s2 =	sadd.s32 $0x14, s6;
	s28 =	sadd.s32 $0x13, s6;
	v5 =	vld [tilespmem:s0+$0x400]  }
0x131: {  	s31 =	smov.u32 s29;
	s15 =	simm.s32 $0x13120;
	s16 =	simm.s32 $0x15;
	v4 =	vmov s28;
	v3 =	vmov s2;
	v6 =	vld [tilespmem:s0+$0x410]  }
.LBB2_21:
0x132: {  	_ =	sdelay $0x2  }
0x133: {  	p0 =	sne.s32 s16, $0x93;
	s31 =	sadd.s32 $0x80, s31;
	s0 =	sadd.s32 $0xA00, s0;
	v5 =	vmul.f32 v5, v2  }
0x134: {  	s2 =	smov.u32 s16;
	s16 =	sadd.s32 $0x15, s16;
	v6 =	vmul.f32 v6, v1;
	_ =	sdelay $0x1  }
0x135: {  	v5 =	vadd.f32 v6, v5;
	_ =	sdelay $0x1  }
0x136: {  	v5 =	vsub.f32 $0.0e+00, v5;
	_ =	sdelay $0x1  }
0x137: {  	[tilespmem:v4+s25+$0x0] =	vst.idx.add.f32.msk $0xffff, v5  }
0x138: {  	v4 =	vld [tilespmem:s15+$0x480]  }
0x139: {  	v5 =	vld [tilespmem:s15+$0x490];
	s15 =	smov.u32 s0;
	_ =	sdelay $0x3  }
0x13a: {  	v2 =	vmul.f32 v4, v2  }
0x13b: {  	v1 =	vmul.f32 v5, v1;
	_ =	sdelay $0x1  }
0x13c: {  	v1 =	vadd.f32 v1, v2;
	_ =	sdelay $0x1  }
0x13d: {  	v1 =	vsub.f32 $0.0e+00, v1;
	_ =	sdelay $0x1  }
0x13e: {  	[tilespmem:v3+s25+$0x0] =	vst.idx.add.f32.msk $0xffff, v1  }
0x13f: {  	v3 =	vld [tilespmem:s31+$0x10]  }
0x140: {  	v4 =	vld [tilespmem:s31+$0x0]  }
0x141: {  	v1 =	vld [tilespmem:s31+$0xFFFFFFF0]  }
0x142: {  	v2 =	vld [tilespmem:s31+$0xFFFFFFE0];
	_ =	sdelay $0x2  }
0x143: {  	s18 =	sadd.s32 s2, s30  }
0x144: {  	s12 =	sadd.s32 $0x1, s18;
	s26 =	sadd.s32 $0x2, s18;
	s20 =	sadd.s32 $0x3, s18;
	v5 =	vmov s18;
	v3 =	vmul.f32 v3, v1  }
0x145: {  	s24 =	sadd.s32 $0x4, s18;
	s23 =	sadd.s32 $0x5, s18;
	s28 =	sadd.s32 $0x6, s18;
	v4 =	vmul.f32 v4, v2  }
0x146: {  	s9 =	sadd.s32 $0x7, s18;
	s13 =	sadd.s32 $0x8, s18;
	s8 =	sadd.s32 $0x9, s18  }
0x147: {  	s7 =	sadd.s32 $0xA, s18;
	s6 =	sadd.s32 $0xB, s18;
	s5 =	sadd.s32 $0xC, s18;
	v3 =	vadd.f32 v3, v4  }
0x148: {  	s4 =	sadd.s32 $0xD, s18;
	s11 =	sadd.s32 $0xE, s18;
	s10 =	sadd.s32 $0xF, s18  }
0x149: {  	s2 =	sadd.s32 $0x10, s18;
	s22 =	sadd.s32 $0x11, s18;
	s21 =	sadd.s32 $0x12, s18;
	[tilespmem:v5+s25+$0x0] =	vst.idx.add.f32.msk $0xffff, v3  }
0x14a: {  	s19 =	sadd.s32 $0x13, s18;
	s18 =	sadd.s32 $0x14, s18;
	v3 =	vld [tilespmem:s0+$0xFFFFFB10]  }
0x14b: {  	v4 =	vld [tilespmem:s0+$0xFFFFFB00];
	_ =	sdelay $0x3  }
0x14c: {  	v3 =	vmul.f32 v3, v1  }
0x14d: {  	v5 =	vmov s12;
	v4 =	vmul.f32 v4, v2;
	_ =	sdelay $0x1  }
0x14e: {  	v3 =	vadd.f32 v3, v4;
	_ =	sdelay $0x1  }
0x14f: {  	v3 =	vsub.f32 $0.0e+00, v3;
	_ =	sdelay $0x1  }
0x150: {  	[tilespmem:v5+s25+$0x0] =	vst.idx.add.f32.msk $0xffff, v3  }
0x151: {  	v3 =	vld [tilespmem:s0+$0xFFFFFB80]  }
0x152: {  	v4 =	vld [tilespmem:s0+$0xFFFFFB90];
	_ =	sdelay $0x3  }
0x153: {  	v5 =	vmov s26;
	v3 =	vmul.f32 v3, v2  }
0x154: {  	v4 =	vmul.f32 v4, v1;
	_ =	sdelay $0x1  }
0x155: {  	v3 =	vadd.f32 v4, v3;
	_ =	sdelay $0x1  }
0x156: {  	v3 =	vsub.f32 $0.0e+00, v3;
	_ =	sdelay $0x1  }
0x157: {  	[tilespmem:v5+s25+$0x0] =	vst.idx.add.f32.msk $0xffff, v3  }
0x158: {  	v3 =	vld [tilespmem:s0+$0xFFFFFC00]  }
0x159: {  	v4 =	vld [tilespmem:s0+$0xFFFFFC10];
	_ =	sdelay $0x2  }
0x15a: {  	v5 =	vmov s20  }
0x15b: {  	v3 =	vmul.f32 v3, v2  }
0x15c: {  	v4 =	vmul.f32 v4, v1;
	_ =	sdelay $0x1  }
0x15d: {  	v3 =	vadd.f32 v4, v3;
	_ =	sdelay $0x1  }
0x15e: {  	v3 =	vsub.f32 $0.0e+00, v3;
	_ =	sdelay $0x1  }
0x15f: {  	[tilespmem:v5+s25+$0x0] =	vst.idx.add.f32.msk $0xffff, v3  }
0x160: {  	v3 =	vld [tilespmem:s0+$0xFFFFFC80]  }
0x161: {  	v4 =	vld [tilespmem:s0+$0xFFFFFC90];
	_ =	sdelay $0x1  }
0x162: {  	v5 =	vmov s24;
	_ =	sdelay $0x1  }
0x163: {  	v3 =	vmul.f32 v3, v2  }
0x164: {  	v4 =	vmul.f32 v4, v1;
	_ =	sdelay $0x1  }
0x165: {  	v3 =	vadd.f32 v4, v3;
	_ =	sdelay $0x1  }
0x166: {  	v3 =	vsub.f32 $0.0e+00, v3;
	_ =	sdelay $0x1  }
0x167: {  	[tilespmem:v5+s25+$0x0] =	vst.idx.add.f32.msk $0xffff, v3  }
0x168: {  	v3 =	vld [tilespmem:s0+$0xFFFFFD00]  }
0x169: {  	v4 =	vld [tilespmem:s0+$0xFFFFFD10]  }
0x16a: {  	v5 =	vmov s23;
	_ =	sdelay $0x2  }
0x16b: {  	v3 =	vmul.f32 v3, v2  }
0x16c: {  	v4 =	vmul.f32 v4, v1;
	_ =	sdelay $0x1  }
0x16d: {  	v3 =	vadd.f32 v4, v3;
	_ =	sdelay $0x1  }
0x16e: {  	v3 =	vsub.f32 $0.0e+00, v3;
	_ =	sdelay $0x1  }
0x16f: {  	[tilespmem:v5+s25+$0x0] =	vst.idx.add.f32.msk $0xffff, v3  }
0x170: {  	v3 =	vld [tilespmem:s0+$0xFFFFFD80]  }
0x171: {  	v5 =	vmov s28;
	v4 =	vld [tilespmem:s0+$0xFFFFFD90];
	_ =	sdelay $0x3  }
0x172: {  	v3 =	vmul.f32 v3, v2  }
0x173: {  	v4 =	vmul.f32 v4, v1;
	_ =	sdelay $0x1  }
0x174: {  	v3 =	vadd.f32 v4, v3;
	_ =	sdelay $0x1  }
0x175: {  	v3 =	vsub.f32 $0.0e+00, v3;
	_ =	sdelay $0x1  }
0x176: {  	[tilespmem:v5+s25+$0x0] =	vst.idx.add.f32.msk $0xffff, v3  }
0x177: {  	v4 =	vmov s9;
	v3 =	vld [tilespmem:s0+$0xFFFFFE00]  }
0x178: {  	v5 =	vld [tilespmem:s0+$0xFFFFFE10];
	_ =	sdelay $0x3  }
0x179: {  	v3 =	vmul.f32 v3, v2  }
0x17a: {  	v5 =	vmul.f32 v5, v1;
	_ =	sdelay $0x1  }
0x17b: {  	v3 =	vadd.f32 v5, v3;
	_ =	sdelay $0x1  }
0x17c: {  	v3 =	vsub.f32 $0.0e+00, v3;
	_ =	sdelay $0x1  }
0x17d: {  	[tilespmem:v4+s25+$0x0] =	vst.idx.add.f32.msk $0xffff, v3;
	v3 =	vmov s13  }
0x17e: {  	v4 =	vld [tilespmem:s0+$0xFFFFFE80]  }
0x17f: {  	v5 =	vld [tilespmem:s0+$0xFFFFFE90];
	_ =	sdelay $0x3  }
0x180: {  	v4 =	vmul.f32 v4, v2  }
0x181: {  	v5 =	vmul.f32 v5, v1;
	_ =	sdelay $0x1  }
0x182: {  	v4 =	vadd.f32 v5, v4;
	_ =	sdelay $0x1  }
0x183: {  	v4 =	vsub.f32 $0.0e+00, v4  }
0x184: {  	v5 =	vmov s8  }
0x185: {  	[tilespmem:v3+s25+$0x0] =	vst.idx.add.f32.msk $0xffff, v4  }
0x186: {  	v3 =	vld [tilespmem:s0+$0xFFFFFF00]  }
0x187: {  	v4 =	vld [tilespmem:s0+$0xFFFFFF10];
	_ =	sdelay $0x3  }
0x188: {  	v3 =	vmul.f32 v3, v2  }
0x189: {  	v4 =	vmul.f32 v4, v1;
	_ =	sdelay $0x1  }
0x18a: {  	v3 =	vadd.f32 v4, v3;
	_ =	sdelay $0x1  }
0x18b: {  	v4 =	vmov s7;
	v3 =	vsub.f32 $0.0e+00, v3;
	_ =	sdelay $0x1  }
0x18c: {  	[tilespmem:v5+s25+$0x0] =	vst.idx.add.f32.msk $0xffff, v3  }
0x18d: {  	v3 =	vld [tilespmem:s0+$0xFFFFFF80]  }
0x18e: {  	v5 =	vld [tilespmem:s0+$0xFFFFFF90];
	_ =	sdelay $0x3  }
0x18f: {  	v3 =	vmul.f32 v3, v2  }
0x190: {  	v5 =	vmul.f32 v5, v1;
	_ =	sdelay $0x1  }
0x191: {  	v3 =	vadd.f32 v5, v3  }
0x192: {  	v5 =	vmov s6  }
0x193: {  	v3 =	vsub.f32 $0.0e+00, v3;
	_ =	sdelay $0x1  }
0x194: {  	[tilespmem:v4+s25+$0x0] =	vst.idx.add.f32.msk $0xffff, v3  }
0x195: {  	v3 =	vld [tilespmem:s0+$0x0]  }
0x196: {  	v4 =	vld [tilespmem:s0+$0x10];
	_ =	sdelay $0x3  }
0x197: {  	v3 =	vmul.f32 v3, v2  }
0x198: {  	v4 =	vmul.f32 v4, v1;
	_ =	sdelay $0x1  }
0x199: {  	v3 =	vadd.f32 v4, v3;
	v4 =	vmov s5;
	_ =	sdelay $0x1  }
0x19a: {  	v3 =	vsub.f32 $0.0e+00, v3;
	_ =	sdelay $0x1  }
0x19b: {  	[tilespmem:v5+s25+$0x0] =	vst.idx.add.f32.msk $0xffff, v3  }
0x19c: {  	v3 =	vld [tilespmem:s0+$0x80]  }
0x19d: {  	v5 =	vld [tilespmem:s0+$0x90];
	_ =	sdelay $0x3  }
0x19e: {  	v3 =	vmul.f32 v3, v2  }
0x19f: {  	v5 =	vmul.f32 v5, v1  }
0x1a0: {  	v6 =	vmov s4  }
0x1a1: {  	v3 =	vadd.f32 v5, v3;
	_ =	sdelay $0x1  }
0x1a2: {  	v3 =	vsub.f32 $0.0e+00, v3;
	_ =	sdelay $0x1  }
0x1a3: {  	[tilespmem:v4+s25+$0x0] =	vst.idx.add.f32.msk $0xffff, v3  }
0x1a4: {  	v3 =	vld [tilespmem:s0+$0x100]  }
0x1a5: {  	v4 =	vld [tilespmem:s0+$0x110];
	_ =	sdelay $0x3  }
0x1a6: {  	v3 =	vmul.f32 v3, v2  }
0x1a7: {  	v5 =	vmov s11;
	v4 =	vmul.f32 v4, v1;
	_ =	sdelay $0x1  }
0x1a8: {  	v3 =	vadd.f32 v4, v3;
	_ =	sdelay $0x1  }
0x1a9: {  	v3 =	vsub.f32 $0.0e+00, v3;
	_ =	sdelay $0x1  }
0x1aa: {  	[tilespmem:v6+s25+$0x0] =	vst.idx.add.f32.msk $0xffff, v3  }
0x1ab: {  	v3 =	vld [tilespmem:s0+$0x180]  }
0x1ac: {  	v4 =	vld [tilespmem:s0+$0x190];
	_ =	sdelay $0x3  }
0x1ad: {  	v6 =	vmov s10;
	v3 =	vmul.f32 v3, v2  }
0x1ae: {  	v4 =	vmul.f32 v4, v1;
	_ =	sdelay $0x1  }
0x1af: {  	v3 =	vadd.f32 v4, v3;
	_ =	sdelay $0x1  }
0x1b0: {  	v3 =	vsub.f32 $0.0e+00, v3;
	_ =	sdelay $0x1  }
0x1b1: {  	[tilespmem:v5+s25+$0x0] =	vst.idx.add.f32.msk $0xffff, v3  }
0x1b2: {  	v3 =	vld [tilespmem:s0+$0x200]  }
0x1b3: {  	v4 =	vld [tilespmem:s0+$0x210];
	_ =	sdelay $0x2  }
0x1b4: {  	v5 =	vmov s2  }
0x1b5: {  	v3 =	vmul.f32 v3, v2  }
0x1b6: {  	v4 =	vmul.f32 v4, v1;
	_ =	sdelay $0x1  }
0x1b7: {  	v3 =	vadd.f32 v4, v3;
	_ =	sdelay $0x1  }
0x1b8: {  	v3 =	vsub.f32 $0.0e+00, v3;
	_ =	sdelay $0x1  }
0x1b9: {  	[tilespmem:v6+s25+$0x0] =	vst.idx.add.f32.msk $0xffff, v3  }
0x1ba: {  	v3 =	vld [tilespmem:s0+$0x280]  }
0x1bb: {  	v4 =	vld [tilespmem:s0+$0x290];
	_ =	sdelay $0x1  }
0x1bc: {  	v6 =	vmov s22;
	_ =	sdelay $0x1  }
0x1bd: {  	v3 =	vmul.f32 v3, v2  }
0x1be: {  	v4 =	vmul.f32 v4, v1;
	_ =	sdelay $0x1  }
0x1bf: {  	v3 =	vadd.f32 v4, v3;
	_ =	sdelay $0x1  }
0x1c0: {  	v3 =	vsub.f32 $0.0e+00, v3;
	_ =	sdelay $0x1  }
0x1c1: {  	[tilespmem:v5+s25+$0x0] =	vst.idx.add.f32.msk $0xffff, v3  }
0x1c2: {  	v3 =	vld [tilespmem:s0+$0x300]  }
0x1c3: {  	v4 =	vld [tilespmem:s0+$0x310]  }
0x1c4: {  	v5 =	vmov s21;
	_ =	sdelay $0x2  }
0x1c5: {  	v3 =	vmul.f32 v3, v2  }
0x1c6: {  	v4 =	vmul.f32 v4, v1;
	_ =	sdelay $0x1  }
0x1c7: {  	v3 =	vadd.f32 v4, v3;
	_ =	sdelay $0x1  }
0x1c8: {  	v3 =	vsub.f32 $0.0e+00, v3;
	_ =	sdelay $0x1  }
0x1c9: {  	[tilespmem:v6+s25+$0x0] =	vst.idx.add.f32.msk $0xffff, v3  }
0x1ca: {  	v3 =	vld [tilespmem:s0+$0x380]  }
0x1cb: {  	v4 =	vmov s19;
	v6 =	vld [tilespmem:s0+$0x390];
	_ =	sdelay $0x3  }
0x1cc: {  	v3 =	vmul.f32 v3, v2  }
0x1cd: {  	v6 =	vmul.f32 v6, v1;
	_ =	sdelay $0x1  }
0x1ce: {  	v3 =	vadd.f32 v6, v3;
	_ =	sdelay $0x1  }
.Ltmp9:
0x1cf: {  	v3 =	vsub.f32 $0.0e+00, v3;
	(pc) =	sbr.rel @p0 .LBB2_21-.Ltmp9, $4  }
0x1d0: {  	_ = 	snop  }
0x1d1: {  	[tilespmem:v5+s25+$0x0] =	vst.idx.add.f32.msk $0xffff, v3  }
0x1d2: {  	v3 =	vmov s18;
	v5 =	vld [tilespmem:s0+$0x400]  }
0x1d3: {  	v6 =	vld [tilespmem:s0+$0x410]  }
0x1d4: {  	_ =	sdelay $0x3  }
0x1d5: {  	v5 =	vmul.f32 v5, v2;
	v6 =	vmul.f32 v6, v1;
	_ =	sdelay $0x1  }
0x1d6: {  	v5 =	vadd.f32 v6, v5;
	_ =	sdelay $0x1  }
0x1d7: {  	v5 =	vsub.f32 $0.0e+00, v5;
	_ =	sdelay $0x1  }
0x1d8: {  	[tilespmem:v4+s25+$0x0] =	vst.idx.add.f32.msk $0xffff, v5  }
0x1d9: {  	v4 =	vld [tilespmem:s15+$0x480]  }
0x1da: {  	v5 =	vld [tilespmem:s15+$0x490];
	_ =	sdelay $0x4  }
0x1db: {  	v2 =	vmul.f32 v4, v2;
	v1 =	vmul.f32 v5, v1;
	_ =	sdelay $0x1  }
0x1dc: {  	p0 =	seq.s32 s1, $0x1F;
	v1 =	vadd.f32 v1, v2  }
0x1dd: {  	s0 =	smul.u32 @!p0 $0x500, s1  }
0x1de: {  	v1 =	vsub.f32 $0.0e+00, v1  }
0x1df: {  	s0 =	sshra.s32 @!p0 s0, $0x2  }
0x1e0: {  	s4 =	simm.s32 @!p0 $0x80;
	s5 =	simm.s32 @!p0 $0x12C00;
	s2 =	sadd.s32 @!p0 $0x540, s0;
	[tilespmem:v3+s25+$0x0] =	vst.idx.add.f32.msk $0xffff, v1  }
0x1e1: {  	[tilespmem:s5], [sflag:$0x1] =	stream.indirect.gather @!p0 [hbm4b:s3+s4], $0x80, s2, s4, $0xb8;
	[tilespmem:$0x1F600] =	vst v63  }
0x1e2: {  	s0 =	sadd.s32 @!p0 $0x5C0, s0;
	s2 =	simm.s32 @!p0 $0x20;
	s4 =	simm.s32 @!p0 $0x16C00  }
0x1e3: {  	[tilespmem:s4], [sflag:$0x1] =	stream.indirect.gather @!p0 [hbm4b:s3+s2], $0x80, s0, s2, $0xb8;
	[tilespmem:$0x1F600] =	vst v63  }
0x1e4: {  	s4 =	simm.s32 $0x2  }
0x1e5: {  	_ =	swait.ge [sflag:s4], $0x4000  }
0x1e6: {  	[sflag:s4] =	ssyncset.done $0x0  }
0x1e7: {  	[sflag:s4] =	ssyncadd.s32 $0xFFFFC000  }
0x1e8: {  	_ =	swait.ge [sflag:s4], $0x1000  }
0x1e9: {  	[sflag:s4] =	ssyncset.done $0x0  }
0x1ea: {  	[sflag:s4] =	ssyncadd.s32 $0xFFFFF000  }
0x1eb: {  	v3 =	vld [tilespmem:s17+$0x0]  }
0x1ec: {  	v4 =	vld [tilespmem:s17+$0xFFFFFFF0]  }
0x1ed: {  	v1 =	vld [tilespmem:s17+$0xFFFFFFE0]  }
0x1ee: {  	v2 =	vld [tilespmem:s17+$0xFFFFFFD0];
	_ =	sdelay $0x1  }
0x1ef: {  	s5 =	sadd.s32 $0x0, s30  }
0x1f0: {  	s6 =	sadd.s32 $0xA8, s5  }
0x1f1: {  	v5 =	vmov s6  }
0x1f2: {  	v4 =	vmul.f32 v4, v2;
	v3 =	vmul.f32 v3, v1;
	_ =	sdelay $0x1  }
0x1f3: {  	v3 =	vadd.f32 v3, v4;
	_ =	sdelay $0x1  }
0x1f4: {  	s0 =	simm.s32 $0x18120;
	[tilespmem:v5+s25+$0x0] =	vst.idx.add.f32.msk $0xffff, v3  }
0x1f5: {  	v3 =	vld [tilespmem:s0+$0xFFFFFB00]  }
0x1f6: {  	v4 =	vld [tilespmem:s0+$0xFFFFFB10];
	_ =	sdelay $0x4  }
0x1f7: {  	s7 =	sadd.s32 $0xA9, s5;
	v3 =	vmul.f32 v3, v2;
	v4 =	vmul.f32 v4, v1  }
0x1f8: {  	v5 =	vmov s7  }
0x1f9: {  	v3 =	vadd.f32 v4, v3;
	_ =	sdelay $0x1  }
0x1fa: {  	v3 =	vsub.f32 $0.0e+00, v3;
	_ =	sdelay $0x1  }
0x1fb: {  	[tilespmem:v5+s25+$0x0] =	vst.idx.add.f32.msk $0xffff, v3  }
0x1fc: {  	v3 =	vld [tilespmem:s0+$0xFFFFFB80]  }
0x1fd: {  	v4 =	vld [tilespmem:s0+$0xFFFFFB90];
	_ =	sdelay $0x4  }
0x1fe: {  	s8 =	sadd.s32 $0xAA, s5;
	v3 =	vmul.f32 v3, v2;
	v4 =	vmul.f32 v4, v1  }
0x1ff: {  	v5 =	vmov s8  }
0x200: {  	v3 =	vadd.f32 v4, v3;
	_ =	sdelay $0x1  }
0x201: {  	v3 =	vsub.f32 $0.0e+00, v3;
	_ =	sdelay $0x1  }
0x202: {  	[tilespmem:v5+s25+$0x0] =	vst.idx.add.f32.msk $0xffff, v3  }
0x203: {  	v3 =	vld [tilespmem:s0+$0xFFFFFC00]  }
0x204: {  	v4 =	vld [tilespmem:s0+$0xFFFFFC10];
	_ =	sdelay $0x4  }
0x205: {  	s9 =	sadd.s32 $0xAB, s5;
	v3 =	vmul.f32 v3, v2;
	v4 =	vmul.f32 v4, v1  }
0x206: {  	v5 =	vmov s9  }
0x207: {  	v3 =	vadd.f32 v4, v3;
	_ =	sdelay $0x1  }
0x208: {  	v3 =	vsub.f32 $0.0e+00, v3;
	_ =	sdelay $0x1  }
0x209: {  	[tilespmem:v5+s25+$0x0] =	vst.idx.add.f32.msk $0xffff, v3  }
0x20a: {  	v3 =	vld [tilespmem:s0+$0xFFFFFC80]  }
0x20b: {  	v4 =	vld [tilespmem:s0+$0xFFFFFC90];
	_ =	sdelay $0x4  }
0x20c: {  	s10 =	sadd.s32 $0xAC, s5;
	v3 =	vmul.f32 v3, v2;
	v4 =	vmul.f32 v4, v1  }
0x20d: {  	v5 =	vmov s10  }
0x20e: {  	v3 =	vadd.f32 v4, v3;
	_ =	sdelay $0x1  }
0x20f: {  	v3 =	vsub.f32 $0.0e+00, v3;
	_ =	sdelay $0x1  }
0x210: {  	[tilespmem:v5+s25+$0x0] =	vst.idx.add.f32.msk $0xffff, v3  }
0x211: {  	v3 =	vld [tilespmem:s0+$0xFFFFFD00]  }
0x212: {  	v4 =	vld [tilespmem:s0+$0xFFFFFD10];
	_ =	sdelay $0x4  }
0x213: {  	s11 =	sadd.s32 $0xAD, s5;
	v3 =	vmul.f32 v3, v2;
	v4 =	vmul.f32 v4, v1  }
0x214: {  	v5 =	vmov s11  }
0x215: {  	v3 =	vadd.f32 v4, v3;
	_ =	sdelay $0x1  }
0x216: {  	v3 =	vsub.f32 $0.0e+00, v3;
	_ =	sdelay $0x1  }
0x217: {  	[tilespmem:v5+s25+$0x0] =	vst.idx.add.f32.msk $0xffff, v3  }
0x218: {  	v3 =	vld [tilespmem:s0+$0xFFFFFD80]  }
0x219: {  	v4 =	vld [tilespmem:s0+$0xFFFFFD90];
	_ =	sdelay $0x4  }
0x21a: {  	s12 =	sadd.s32 $0xAE, s5;
	v3 =	vmul.f32 v3, v2;
	v4 =	vmul.f32 v4, v1  }
0x21b: {  	v5 =	vmov s12  }
0x21c: {  	v3 =	vadd.f32 v4, v3;
	_ =	sdelay $0x1  }
0x21d: {  	v3 =	vsub.f32 $0.0e+00, v3;
	_ =	sdelay $0x1  }
0x21e: {  	[tilespmem:v5+s25+$0x0] =	vst.idx.add.f32.msk $0xffff, v3  }
0x21f: {  	v3 =	vld [tilespmem:s0+$0xFFFFFE00]  }
0x220: {  	v4 =	vld [tilespmem:s0+$0xFFFFFE10];
	_ =	sdelay $0x4  }
0x221: {  	s13 =	sadd.s32 $0xAF, s5;
	v3 =	vmul.f32 v3, v2;
	v4 =	vmul.f32 v4, v1  }
0x222: {  	v5 =	vmov s13  }
0x223: {  	v3 =	vadd.f32 v4, v3;
	_ =	sdelay $0x1  }
0x224: {  	v3 =	vsub.f32 $0.0e+00, v3;
	_ =	sdelay $0x1  }
0x225: {  	[tilespmem:v5+s25+$0x0] =	vst.idx.add.f32.msk $0xffff, v3  }
0x226: {  	v3 =	vld [tilespmem:s0+$0xFFFFFE80]  }
0x227: {  	v4 =	vld [tilespmem:s0+$0xFFFFFE90];
	_ =	sdelay $0x4  }
0x228: {  	s14 =	sadd.s32 $0xB0, s5;
	v3 =	vmul.f32 v3, v2;
	v4 =	vmul.f32 v4, v1  }
0x229: {  	v5 =	vmov s14  }
0x22a: {  	v3 =	vadd.f32 v4, v3;
	_ =	sdelay $0x1  }
0x22b: {  	v3 =	vsub.f32 $0.0e+00, v3;
	_ =	sdelay $0x1  }
0x22c: {  	[tilespmem:v5+s25+$0x0] =	vst.idx.add.f32.msk $0xffff, v3  }
0x22d: {  	v3 =	vld [tilespmem:s0+$0xFFFFFF00]  }
0x22e: {  	v4 =	vld [tilespmem:s0+$0xFFFFFF10];
	_ =	sdelay $0x4  }
0x22f: {  	s15 =	sadd.s32 $0xB1, s5;
	v3 =	vmul.f32 v3, v2;
	v4 =	vmul.f32 v4, v1  }
0x230: {  	v5 =	vmov s15  }
0x231: {  	v3 =	vadd.f32 v4, v3;
	_ =	sdelay $0x1  }
0x232: {  	v3 =	vsub.f32 $0.0e+00, v3;
	_ =	sdelay $0x1  }
0x233: {  	[tilespmem:v5+s25+$0x0] =	vst.idx.add.f32.msk $0xffff, v3  }
0x234: {  	v3 =	vld [tilespmem:s0+$0xFFFFFF80]  }
0x235: {  	v4 =	vld [tilespmem:s0+$0xFFFFFF90];
	_ =	sdelay $0x4  }
0x236: {  	s16 =	sadd.s32 $0xB2, s5;
	v3 =	vmul.f32 v3, v2;
	v4 =	vmul.f32 v4, v1  }
0x237: {  	v5 =	vmov s16  }
0x238: {  	v3 =	vadd.f32 v4, v3;
	_ =	sdelay $0x1  }
0x239: {  	v3 =	vsub.f32 $0.0e+00, v3;
	_ =	sdelay $0x1  }
0x23a: {  	[tilespmem:v5+s25+$0x0] =	vst.idx.add.f32.msk $0xffff, v3  }
0x23b: {  	v3 =	vld [tilespmem:s0+$0x0]  }
0x23c: {  	v4 =	vld [tilespmem:s0+$0x10];
	_ =	sdelay $0x4  }
0x23d: {  	s18 =	sadd.s32 $0xB3, s5;
	v3 =	vmul.f32 v3, v2;
	v4 =	vmul.f32 v4, v1  }
0x23e: {  	v5 =	vmov s18  }
0x23f: {  	v3 =	vadd.f32 v4, v3;
	_ =	sdelay $0x1  }
0x240: {  	v3 =	vsub.f32 $0.0e+00, v3;
	_ =	sdelay $0x1  }
0x241: {  	[tilespmem:v5+s25+$0x0] =	vst.idx.add.f32.msk $0xffff, v3  }
0x242: {  	v3 =	vld [tilespmem:s0+$0x80]  }
0x243: {  	v4 =	vld [tilespmem:s0+$0x90];
	_ =	sdelay $0x4  }
0x244: {  	s19 =	sadd.s32 $0xB4, s5;
	v3 =	vmul.f32 v3, v2;
	v4 =	vmul.f32 v4, v1  }
0x245: {  	v5 =	vmov s19  }
0x246: {  	v3 =	vadd.f32 v4, v3;
	_ =	sdelay $0x1  }
0x247: {  	v3 =	vsub.f32 $0.0e+00, v3;
	_ =	sdelay $0x1  }
0x248: {  	[tilespmem:v5+s25+$0x0] =	vst.idx.add.f32.msk $0xffff, v3  }
0x249: {  	v3 =	vld [tilespmem:s0+$0x100]  }
0x24a: {  	v4 =	vld [tilespmem:s0+$0x110];
	_ =	sdelay $0x4  }
0x24b: {  	s20 =	sadd.s32 $0xB5, s5;
	v3 =	vmul.f32 v3, v2;
	v4 =	vmul.f32 v4, v1  }
0x24c: {  	v5 =	vmov s20  }
0x24d: {  	v3 =	vadd.f32 v4, v3;
	_ =	sdelay $0x1  }
0x24e: {  	v3 =	vsub.f32 $0.0e+00, v3;
	_ =	sdelay $0x1  }
0x24f: {  	[tilespmem:v5+s25+$0x0] =	vst.idx.add.f32.msk $0xffff, v3  }
0x250: {  	v3 =	vld [tilespmem:s0+$0x180]  }
0x251: {  	v4 =	vld [tilespmem:s0+$0x190];
	_ =	sdelay $0x4  }
0x252: {  	s21 =	sadd.s32 $0xB6, s5;
	v3 =	vmul.f32 v3, v2;
	v4 =	vmul.f32 v4, v1  }
0x253: {  	v5 =	vmov s21  }
0x254: {  	v3 =	vadd.f32 v4, v3;
	_ =	sdelay $0x1  }
0x255: {  	v3 =	vsub.f32 $0.0e+00, v3;
	_ =	sdelay $0x1  }
0x256: {  	[tilespmem:v5+s25+$0x0] =	vst.idx.add.f32.msk $0xffff, v3  }
0x257: {  	v3 =	vld [tilespmem:s0+$0x200]  }
0x258: {  	v4 =	vld [tilespmem:s0+$0x210];
	_ =	sdelay $0x4  }
0x259: {  	s22 =	sadd.s32 $0xB7, s5;
	v3 =	vmul.f32 v3, v2;
	v4 =	vmul.f32 v4, v1  }
0x25a: {  	v5 =	vmov s22  }
0x25b: {  	v3 =	vadd.f32 v4, v3;
	_ =	sdelay $0x1  }
0x25c: {  	v3 =	vsub.f32 $0.0e+00, v3;
	_ =	sdelay $0x1  }
0x25d: {  	[tilespmem:v5+s25+$0x0] =	vst.idx.add.f32.msk $0xffff, v3  }
0x25e: {  	v3 =	vld [tilespmem:s0+$0x280]  }
0x25f: {  	v4 =	vld [tilespmem:s0+$0x290];
	_ =	sdelay $0x4  }
0x260: {  	s23 =	sadd.s32 $0xB8, s5;
	v3 =	vmul.f32 v3, v2;
	v4 =	vmul.f32 v4, v1  }
0x261: {  	v5 =	vmov s23  }
0x262: {  	v3 =	vadd.f32 v4, v3;
	_ =	sdelay $0x1  }
0x263: {  	v3 =	vsub.f32 $0.0e+00, v3;
	_ =	sdelay $0x1  }
0x264: {  	[tilespmem:v5+s25+$0x0] =	vst.idx.add.f32.msk $0xffff, v3  }
0x265: {  	v3 =	vld [tilespmem:s0+$0x300]  }
0x266: {  	v4 =	vld [tilespmem:s0+$0x310];
	_ =	sdelay $0x4  }
0x267: {  	s24 =	sadd.s32 $0xB9, s5;
	v3 =	vmul.f32 v3, v2;
	v4 =	vmul.f32 v4, v1  }
0x268: {  	v5 =	vmov s24  }
0x269: {  	v3 =	vadd.f32 v4, v3;
	_ =	sdelay $0x1  }
0x26a: {  	v3 =	vsub.f32 $0.0e+00, v3;
	_ =	sdelay $0x1  }
0x26b: {  	[tilespmem:v5+s25+$0x0] =	vst.idx.add.f32.msk $0xffff, v3  }
0x26c: {  	v3 =	vld [tilespmem:s0+$0x380]  }
0x26d: {  	v4 =	vld [tilespmem:s0+$0x390];
	_ =	sdelay $0x4  }
0x26e: {  	s26 =	sadd.s32 $0xBA, s5;
	v3 =	vmul.f32 v3, v2;
	v4 =	vmul.f32 v4, v1  }
0x26f: {  	v5 =	vmov s26  }
0x270: {  	v3 =	vadd.f32 v4, v3;
	_ =	sdelay $0x1  }
0x271: {  	v3 =	vsub.f32 $0.0e+00, v3;
	_ =	sdelay $0x1  }
0x272: {  	[tilespmem:v5+s25+$0x0] =	vst.idx.add.f32.msk $0xffff, v3  }
0x273: {  	s28 =	sadd.s32 $0xBB, s5;
	s2 =	sadd.s32 $0xBC, s5;
	v5 =	vld [tilespmem:s0+$0x400]  }
0x274: {  	s31 =	smov.u32 s17;
	s15 =	simm.s32 $0x18120;
	s16 =	simm.s32 $0x15;
	v4 =	vmov s28;
	v3 =	vmov s2;
	v6 =	vld [tilespmem:s0+$0x410]  }
.LBB2_23:
0x275: {  	_ =	sdelay $0x2  }
0x276: {  	p0 =	sne.s32 s16, $0x93;
	s31 =	sadd.s32 $0x80, s31;
	s0 =	sadd.s32 $0xA00, s0;
	v5 =	vmul.f32 v5, v2  }
0x277: {  	s2 =	smov.u32 s16;
	s16 =	sadd.s32 $0x15, s16;
	v6 =	vmul.f32 v6, v1;
	_ =	sdelay $0x1  }
0x278: {  	v5 =	vadd.f32 v6, v5;
	_ =	sdelay $0x1  }
0x279: {  	v5 =	vsub.f32 $0.0e+00, v5;
	_ =	sdelay $0x1  }
0x27a: {  	[tilespmem:v4+s25+$0x0] =	vst.idx.add.f32.msk $0xffff, v5  }
0x27b: {  	v4 =	vld [tilespmem:s15+$0x480]  }
0x27c: {  	v5 =	vld [tilespmem:s15+$0x490];
	s15 =	smov.u32 s0;
	_ =	sdelay $0x3  }
0x27d: {  	v2 =	vmul.f32 v4, v2  }
0x27e: {  	v1 =	vmul.f32 v5, v1;
	_ =	sdelay $0x1  }
0x27f: {  	v1 =	vadd.f32 v1, v2;
	_ =	sdelay $0x1  }
0x280: {  	v1 =	vsub.f32 $0.0e+00, v1;
	_ =	sdelay $0x1  }
0x281: {  	[tilespmem:v3+s25+$0x0] =	vst.idx.add.f32.msk $0xffff, v1  }
0x282: {  	v3 =	vld [tilespmem:s31+$0x0]  }
0x283: {  	v4 =	vld [tilespmem:s31+$0xFFFFFFF0]  }
0x284: {  	v1 =	vld [tilespmem:s31+$0xFFFFFFE0]  }
0x285: {  	v2 =	vld [tilespmem:s31+$0xFFFFFFD0];
	_ =	sdelay $0x1  }
0x286: {  	s12 =	sadd.s32 s2, s30  }
0x287: {  	s2 =	sadd.s32 $0xA8, s12;
	s26 =	sadd.s32 $0xA9, s12;
	s14 =	sadd.s32 $0xAA, s12  }
0x288: {  	s20 =	sadd.s32 $0xAB, s12;
	s24 =	sadd.s32 $0xAC, s12;
	s23 =	sadd.s32 $0xAD, s12;
	v5 =	vmov s2  }
0x289: {  	s28 =	sadd.s32 $0xAE, s12;
	s9 =	sadd.s32 $0xAF, s12;
	s13 =	sadd.s32 $0xB0, s12;
	v3 =	vmul.f32 v3, v1;
	v4 =	vmul.f32 v4, v2  }
0x28a: {  	s8 =	sadd.s32 $0xB1, s12;
	s7 =	sadd.s32 $0xB2, s12;
	s6 =	sadd.s32 $0xB3, s12  }
0x28b: {  	s5 =	sadd.s32 $0xB4, s12;
	s4 =	sadd.s32 $0xB5, s12;
	s11 =	sadd.s32 $0xB6, s12;
	v3 =	vadd.f32 v3, v4  }
0x28c: {  	s10 =	sadd.s32 $0xB7, s12;
	s22 =	sadd.s32 $0xB9, s12;
	s2 =	sadd.s32 $0xB8, s12  }
0x28d: {  	s21 =	sadd.s32 $0xBA, s12;
	s19 =	sadd.s32 $0xBB, s12;
	s18 =	sadd.s32 $0xBC, s12;
	[tilespmem:v5+s25+$0x0] =	vst.idx.add.f32.msk $0xffff, v3  }
0x28e: {  	v3 =	vld [tilespmem:s0+$0xFFFFFB00]  }
0x28f: {  	v4 =	vld [tilespmem:s0+$0xFFFFFB10];
	_ =	sdelay $0x3  }
0x290: {  	v3 =	vmul.f32 v3, v2  }
0x291: {  	v5 =	vmov s26;
	v4 =	vmul.f32 v4, v1;
	_ =	sdelay $0x1  }
0x292: {  	v3 =	vadd.f32 v4, v3;
	_ =	sdelay $0x1  }
0x293: {  	v3 =	vsub.f32 $0.0e+00, v3;
	_ =	sdelay $0x1  }
0x294: {  	[tilespmem:v5+s25+$0x0] =	vst.idx.add.f32.msk $0xffff, v3  }
0x295: {  	v3 =	vld [tilespmem:s0+$0xFFFFFB80]  }
0x296: {  	v4 =	vld [tilespmem:s0+$0xFFFFFB90];
	_ =	sdelay $0x3  }
0x297: {  	v5 =	vmov s14;
	v3 =	vmul.f32 v3, v2  }
0x298: {  	v4 =	vmul.f32 v4, v1;
	_ =	sdelay $0x1  }
0x299: {  	v3 =	vadd.f32 v4, v3;
	_ =	sdelay $0x1  }
0x29a: {  	v3 =	vsub.f32 $0.0e+00, v3;
	_ =	sdelay $0x1  }
0x29b: {  	[tilespmem:v5+s25+$0x0] =	vst.idx.add.f32.msk $0xffff, v3  }
0x29c: {  	v3 =	vld [tilespmem:s0+$0xFFFFFC00]  }
0x29d: {  	v4 =	vld [tilespmem:s0+$0xFFFFFC10];
	_ =	sdelay $0x2  }
0x29e: {  	v5 =	vmov s20  }
0x29f: {  	v3 =	vmul.f32 v3, v2  }
0x2a0: {  	v4 =	vmul.f32 v4, v1;
	_ =	sdelay $0x1  }
0x2a1: {  	v3 =	vadd.f32 v4, v3;
	_ =	sdelay $0x1  }
0x2a2: {  	v3 =	vsub.f32 $0.0e+00, v3;
	_ =	sdelay $0x1  }
0x2a3: {  	[tilespmem:v5+s25+$0x0] =	vst.idx.add.f32.msk $0xffff, v3  }
0x2a4: {  	v3 =	vld [tilespmem:s0+$0xFFFFFC80]  }
0x2a5: {  	v4 =	vld [tilespmem:s0+$0xFFFFFC90];
	_ =	sdelay $0x1  }
0x2a6: {  	v5 =	vmov s24;
	_ =	sdelay $0x1  }
0x2a7: {  	v3 =	vmul.f32 v3, v2  }
0x2a8: {  	v4 =	vmul.f32 v4, v1;
	_ =	sdelay $0x1  }
0x2a9: {  	v3 =	vadd.f32 v4, v3;
	_ =	sdelay $0x1  }
0x2aa: {  	v3 =	vsub.f32 $0.0e+00, v3;
	_ =	sdelay $0x1  }
0x2ab: {  	[tilespmem:v5+s25+$0x0] =	vst.idx.add.f32.msk $0xffff, v3  }
0x2ac: {  	v3 =	vld [tilespmem:s0+$0xFFFFFD00]  }
0x2ad: {  	v4 =	vld [tilespmem:s0+$0xFFFFFD10]  }
0x2ae: {  	v5 =	vmov s23;
	_ =	sdelay $0x2  }
0x2af: {  	v3 =	vmul.f32 v3, v2  }
0x2b0: {  	v4 =	vmul.f32 v4, v1;
	_ =	sdelay $0x1  }
0x2b1: {  	v3 =	vadd.f32 v4, v3;
	_ =	sdelay $0x1  }
0x2b2: {  	v3 =	vsub.f32 $0.0e+00, v3;
	_ =	sdelay $0x1  }
0x2b3: {  	[tilespmem:v5+s25+$0x0] =	vst.idx.add.f32.msk $0xffff, v3  }
0x2b4: {  	v3 =	vld [tilespmem:s0+$0xFFFFFD80]  }
0x2b5: {  	v5 =	vmov s28;
	v4 =	vld [tilespmem:s0+$0xFFFFFD90];
	_ =	sdelay $0x3  }
0x2b6: {  	v3 =	vmul.f32 v3, v2  }
0x2b7: {  	v4 =	vmul.f32 v4, v1;
	_ =	sdelay $0x1  }
0x2b8: {  	v3 =	vadd.f32 v4, v3;
	_ =	sdelay $0x1  }
0x2b9: {  	v3 =	vsub.f32 $0.0e+00, v3;
	_ =	sdelay $0x1  }
0x2ba: {  	[tilespmem:v5+s25+$0x0] =	vst.idx.add.f32.msk $0xffff, v3  }
0x2bb: {  	v4 =	vmov s9;
	v3 =	vld [tilespmem:s0+$0xFFFFFE00]  }
0x2bc: {  	v5 =	vld [tilespmem:s0+$0xFFFFFE10];
	_ =	sdelay $0x3  }
0x2bd: {  	v3 =	vmul.f32 v3, v2  }
0x2be: {  	v5 =	vmul.f32 v5, v1;
	_ =	sdelay $0x1  }
0x2bf: {  	v3 =	vadd.f32 v5, v3;
	_ =	sdelay $0x1  }
0x2c0: {  	v3 =	vsub.f32 $0.0e+00, v3;
	_ =	sdelay $0x1  }
0x2c1: {  	[tilespmem:v4+s25+$0x0] =	vst.idx.add.f32.msk $0xffff, v3;
	v3 =	vmov s13  }
0x2c2: {  	v4 =	vld [tilespmem:s0+$0xFFFFFE80]  }
0x2c3: {  	v5 =	vld [tilespmem:s0+$0xFFFFFE90];
	_ =	sdelay $0x3  }
0x2c4: {  	v4 =	vmul.f32 v4, v2  }
0x2c5: {  	v5 =	vmul.f32 v5, v1;
	_ =	sdelay $0x1  }
0x2c6: {  	v4 =	vadd.f32 v5, v4;
	_ =	sdelay $0x1  }
0x2c7: {  	v4 =	vsub.f32 $0.0e+00, v4  }
0x2c8: {  	v5 =	vmov s8  }
0x2c9: {  	[tilespmem:v3+s25+$0x0] =	vst.idx.add.f32.msk $0xffff, v4  }
0x2ca: {  	v3 =	vld [tilespmem:s0+$0xFFFFFF00]  }
0x2cb: {  	v4 =	vld [tilespmem:s0+$0xFFFFFF10];
	_ =	sdelay $0x3  }
0x2cc: {  	v3 =	vmul.f32 v3, v2  }
0x2cd: {  	v4 =	vmul.f32 v4, v1;
	_ =	sdelay $0x1  }
0x2ce: {  	v3 =	vadd.f32 v4, v3;
	_ =	sdelay $0x1  }
0x2cf: {  	v4 =	vmov s7;
	v3 =	vsub.f32 $0.0e+00, v3;
	_ =	sdelay $0x1  }
0x2d0: {  	[tilespmem:v5+s25+$0x0] =	vst.idx.add.f32.msk $0xffff, v3  }
0x2d1: {  	v3 =	vld [tilespmem:s0+$0xFFFFFF80]  }
0x2d2: {  	v5 =	vld [tilespmem:s0+$0xFFFFFF90];
	_ =	sdelay $0x3  }
0x2d3: {  	v3 =	vmul.f32 v3, v2  }
0x2d4: {  	v5 =	vmul.f32 v5, v1;
	_ =	sdelay $0x1  }
0x2d5: {  	v3 =	vadd.f32 v5, v3  }
0x2d6: {  	v5 =	vmov s6  }
0x2d7: {  	v3 =	vsub.f32 $0.0e+00, v3;
	_ =	sdelay $0x1  }
0x2d8: {  	[tilespmem:v4+s25+$0x0] =	vst.idx.add.f32.msk $0xffff, v3  }
0x2d9: {  	v3 =	vld [tilespmem:s0+$0x0]  }
0x2da: {  	v4 =	vld [tilespmem:s0+$0x10];
	_ =	sdelay $0x3  }
0x2db: {  	v3 =	vmul.f32 v3, v2  }
0x2dc: {  	v4 =	vmul.f32 v4, v1;
	_ =	sdelay $0x1  }
0x2dd: {  	v3 =	vadd.f32 v4, v3;
	v4 =	vmov s5;
	_ =	sdelay $0x1  }
0x2de: {  	v3 =	vsub.f32 $0.0e+00, v3;
	_ =	sdelay $0x1  }
0x2df: {  	[tilespmem:v5+s25+$0x0] =	vst.idx.add.f32.msk $0xffff, v3  }
0x2e0: {  	v3 =	vld [tilespmem:s0+$0x80]  }
0x2e1: {  	v5 =	vld [tilespmem:s0+$0x90];
	_ =	sdelay $0x3  }
0x2e2: {  	v3 =	vmul.f32 v3, v2  }
0x2e3: {  	v5 =	vmul.f32 v5, v1  }
0x2e4: {  	v6 =	vmov s4  }
0x2e5: {  	v3 =	vadd.f32 v5, v3;
	_ =	sdelay $0x1  }
0x2e6: {  	v3 =	vsub.f32 $0.0e+00, v3;
	_ =	sdelay $0x1  }
0x2e7: {  	[tilespmem:v4+s25+$0x0] =	vst.idx.add.f32.msk $0xffff, v3  }
0x2e8: {  	v3 =	vld [tilespmem:s0+$0x100]  }
0x2e9: {  	v4 =	vld [tilespmem:s0+$0x110];
	_ =	sdelay $0x3  }
0x2ea: {  	v3 =	vmul.f32 v3, v2  }
0x2eb: {  	v5 =	vmov s11;
	v4 =	vmul.f32 v4, v1;
	_ =	sdelay $0x1  }
0x2ec: {  	v3 =	vadd.f32 v4, v3;
	_ =	sdelay $0x1  }
0x2ed: {  	v3 =	vsub.f32 $0.0e+00, v3;
	_ =	sdelay $0x1  }
0x2ee: {  	[tilespmem:v6+s25+$0x0] =	vst.idx.add.f32.msk $0xffff, v3  }
0x2ef: {  	v3 =	vld [tilespmem:s0+$0x180]  }
0x2f0: {  	v4 =	vld [tilespmem:s0+$0x190];
	_ =	sdelay $0x3  }
0x2f1: {  	v6 =	vmov s10;
	v3 =	vmul.f32 v3, v2  }
0x2f2: {  	v4 =	vmul.f32 v4, v1;
	_ =	sdelay $0x1  }
0x2f3: {  	v3 =	vadd.f32 v4, v3;
	_ =	sdelay $0x1  }
0x2f4: {  	v3 =	vsub.f32 $0.0e+00, v3;
	_ =	sdelay $0x1  }
0x2f5: {  	[tilespmem:v5+s25+$0x0] =	vst.idx.add.f32.msk $0xffff, v3  }
0x2f6: {  	v3 =	vld [tilespmem:s0+$0x200]  }
0x2f7: {  	v4 =	vld [tilespmem:s0+$0x210];
	_ =	sdelay $0x2  }
0x2f8: {  	v5 =	vmov s2  }
0x2f9: {  	v3 =	vmul.f32 v3, v2  }
0x2fa: {  	v4 =	vmul.f32 v4, v1;
	_ =	sdelay $0x1  }
0x2fb: {  	v3 =	vadd.f32 v4, v3;
	_ =	sdelay $0x1  }
0x2fc: {  	v3 =	vsub.f32 $0.0e+00, v3;
	_ =	sdelay $0x1  }
0x2fd: {  	[tilespmem:v6+s25+$0x0] =	vst.idx.add.f32.msk $0xffff, v3  }
0x2fe: {  	v3 =	vld [tilespmem:s0+$0x280]  }
0x2ff: {  	v4 =	vld [tilespmem:s0+$0x290];
	_ =	sdelay $0x1  }
0x300: {  	v6 =	vmov s22;
	_ =	sdelay $0x1  }
0x301: {  	v3 =	vmul.f32 v3, v2  }
0x302: {  	v4 =	vmul.f32 v4, v1;
	_ =	sdelay $0x1  }
0x303: {  	v3 =	vadd.f32 v4, v3;
	_ =	sdelay $0x1  }
0x304: {  	v3 =	vsub.f32 $0.0e+00, v3;
	_ =	sdelay $0x1  }
0x305: {  	[tilespmem:v5+s25+$0x0] =	vst.idx.add.f32.msk $0xffff, v3  }
0x306: {  	v3 =	vld [tilespmem:s0+$0x300]  }
0x307: {  	v4 =	vld [tilespmem:s0+$0x310]  }
0x308: {  	v5 =	vmov s21;
	_ =	sdelay $0x2  }
0x309: {  	v3 =	vmul.f32 v3, v2  }
0x30a: {  	v4 =	vmul.f32 v4, v1;
	_ =	sdelay $0x1  }
0x30b: {  	v3 =	vadd.f32 v4, v3;
	_ =	sdelay $0x1  }
0x30c: {  	v3 =	vsub.f32 $0.0e+00, v3;
	_ =	sdelay $0x1  }
0x30d: {  	[tilespmem:v6+s25+$0x0] =	vst.idx.add.f32.msk $0xffff, v3  }
0x30e: {  	v3 =	vld [tilespmem:s0+$0x380]  }
0x30f: {  	v4 =	vmov s19;
	v6 =	vld [tilespmem:s0+$0x390];
	_ =	sdelay $0x3  }
0x310: {  	v3 =	vmul.f32 v3, v2  }
0x311: {  	v6 =	vmul.f32 v6, v1;
	_ =	sdelay $0x1  }
0x312: {  	v3 =	vadd.f32 v6, v3;
	_ =	sdelay $0x1  }
.Ltmp10:
0x313: {  	v3 =	vsub.f32 $0.0e+00, v3;
	(pc) =	sbr.rel @p0 .LBB2_23-.Ltmp10, $4  }
0x314: {  	_ = 	snop  }
0x315: {  	[tilespmem:v5+s25+$0x0] =	vst.idx.add.f32.msk $0xffff, v3  }
0x316: {  	v3 =	vmov s18;
	v5 =	vld [tilespmem:s0+$0x400]  }
0x317: {  	v6 =	vld [tilespmem:s0+$0x410]  }
0x318: {  	_ =	sdelay $0x3  }
0x319: {  	v5 =	vmul.f32 v5, v2;
	v6 =	vmul.f32 v6, v1;
	_ =	sdelay $0x1  }
0x31a: {  	v5 =	vadd.f32 v6, v5;
	_ =	sdelay $0x1  }
0x31b: {  	v5 =	vsub.f32 $0.0e+00, v5;
	_ =	sdelay $0x1  }
0x31c: {  	[tilespmem:v4+s25+$0x0] =	vst.idx.add.f32.msk $0xffff, v5  }
0x31d: {  	v4 =	vld [tilespmem:s15+$0x480]  }
0x31e: {  	v5 =	vld [tilespmem:s15+$0x490];
	_ =	sdelay $0x4  }
0x31f: {  	s1 =	sadd.s32 $0x1, s1;
	v2 =	vmul.f32 v4, v2;
	v1 =	vmul.f32 v5, v1  }
0x320: {  	p0 =	sne.s32 s1, $0x20  }
.Ltmp11:
0x321: {  	v1 =	vadd.f32 v1, v2;
	(pc) =	sbr.rel @p0 .LBB2_20-.Ltmp11, $3  }
0x322: {  	_ = 	snop  }
0x323: {  	v1 =	vsub.f32 $0.0e+00, v1;
	_ =	sdelay $0x1  }
0x324: {  	s29 =	sadd.s32 $0x800, s29;
	s30 =	sadd.s32 $0x150, s30;
	s17 =	sadd.s32 $0x800, s17;
	[tilespmem:v3+s25+$0x0] =	vst.idx.add.f32.msk $0xffff, v1  }
0x325: {  	s0 =	simm.s32 $0x0;
	s1 =	rddreg [dreg:$0x7];
	s2 =	simm.s32 $0x3  }
0x326: {  	[hbm4b:s1+s0] =	stream.linear.scatter [tilespmem:s25], [sflag:$0x3], $0x2A00, $0x38;
	[tilespmem:$0x1F600] =	vst v63  }
0x327: {  	_ =	swait.ge [sflag:s2], $0x2A00  }
0x328: {  	s30 =	rddreg [dreg:$0x9]  }
0x329: {  	s31 =	rddreg [dreg:$0x8];
	s1 =	sadd.s32 $0x1, s30  }
0x32a: {  	p0 =	sne.s32 s1, s31  }
.Ltmp12:
0x32b: {  	_ = 	snop;
	(pc) =	sbr.rel @p0 .LBB2_1-.Ltmp12, $3  }
0x32c: {  	_ =	sdelay $0x1  }
0x32d: {  	s4 =	simm.s32 $0x200;
	[sflag:s2] =	ssyncset.done $0x0  }
0x32e: {  	s5 =	simm.s32 $0x400;
	s6 =	simm.s32 $0x12C00;
	[sflag:s2] =	ssyncadd.s32 $0xFFFFD600  }
0x32f: {  	_ =	sfence.sel $0x180000  }
0x330: {  	[bflag:$0x0] =	sbarrier.arrive $0xFFFF  }
0x331: {  	_ =	strace $0x9000004A  }
0x332: {  	s0 =	stileid.u32;
	[bflag:$0x2] =	sbarrier.arrive $0xFFFF  }
0x333: {  	p0 =	sne.s32 s0, $0x0;
	s0 =	rddreg [dreg:$0x3]  }
0x334: {  	s0 =	sadd.s32 @!p0 $0x100000, s0  }
0x335: {  	[sflag:s0] =	ssyncadd.tile.s32 @!p0 $0x1;
	_ =	shalt  }
.Lfunc_end2:
_tile_overlayer_lowered:
.L_overlay_start_2:
0x336: {  	(tag) =	ssettag $0x2  }
0x337: {  	s0 =	rddreg [dreg:$0x0];
	s2 =	stileid.u32  }
0x338: {  	s1 =	rddreg [dreg:$0x1];
	p0 =	sne.s32 s2, $0x0  }
0x339: {  	s3 =	rddreg [dreg:$0x2];
	[bflag:$0x3] =	sbarrier.arrive $0xFFFF;
	s2 =	simm.s32 @!p0 $0x1C03  }
0x33a: {  	[timem:s3], [sflag:s2] =	dma.local @!p0 [hbm:s0], s1  }
0x33b: {  	s0 =	simm.s32 @!p0 $0x3  }
0x33c: {  	_ =	swait.ge @!p0 [sflag:s0], s1  }
0x33d: {  	s1 =	ssub.s32 @!p0 $0x0, s1;
	[sflag:s0] =	ssyncset.done @!p0 $0x0  }
0x33e: {  	[sflag:s0] =	ssyncadd.s32 @!p0 s1  }
0x33f: {  	[bflag:$0x3] =	sbarrier.arrive $0xFFFF  }
0x340: {  	_ =	shalt  }

</sc_bundles>
